<compile_context>
chip_gen: v7x
topology: tpu7x:2x2x1
jax: 0.10.2.dev20260603
libtpu: 0.0.44.dev20260713+nightly
codegen_flags: <defaults>
</compile_context>

<pallas_src>
import functools

import jax
import jax.numpy as jnp
from jax import lax
from jax.experimental import pallas as pl
from jax.experimental.pallas import tpu as pltpu
from jax.experimental.pallas import tpu_sc as plsc

N = 10000
E = 320000
D = 128
H = 128
C = 7
CP = 16

NC = 2
NS = 16
NW = NC * NS

NPAD = 10240
RPT = NPAD // NS

CHUNK = 128
NCHT = 80
EPT = NCHT * CHUNK
EPAD = NW * EPT
NCH2 = EPAD // CHUNK
WCH = 40
NWIN = NCHT // WCH
NBUF = 2


@functools.cache
def _mesh():
    return plsc.VectorSubcoreMesh(core_axis_name="c", subcore_axis_name="s",
                                  num_cores=NC, num_subcores=NS)


def _hist_body(dst2, out, acc, zbuf, ones_b, dst_all, hsem):
    c = lax.axis_index("c")
    s = lax.axis_index("s")
    w = s * NC + c
    zv = jnp.zeros((16,), jnp.float32)
    ov = jnp.ones((16,), jnp.float32)

    def _zero(i, carry):
        zbuf[pl.ds(i * 16, 16)] = zv
        return carry
    lax.fori_loop(0, RPT // 16, _zero, 0)
    for k in range(CHUNK // 16):
        ones_b[pl.ds(k * 16, 16)] = ov
    pltpu.sync_copy(zbuf, acc.at[pl.ds(s * RPT, RPT)])
    pltpu.sync_copy(dst2.at[pl.ds(w * NCHT, NCHT)], dst_all)
    plsc.subcore_barrier()

    def _chunk(g, carry):
        for b in range(8):
            pltpu.async_copy(ones_b, acc.at[dst_all.at[g * 8 + b]], hsem,
                             add=True)
        for b in range(8):
            pltpu.make_async_copy(ones_b, acc.at[dst_all.at[g * 8 + b]],
                                  hsem).wait()
        return carry
    lax.fori_loop(0, NCHT // 8, _chunk, 0)
    plsc.subcore_barrier()
    pltpu.sync_copy(acc.at[pl.ds(s * RPT, RPT)],
                    out.at[c, pl.ds(s * RPT, RPT)])


@functools.cache
def _hist_call():
    return pl.kernel(
        _hist_body,
        out_type=jax.ShapeDtypeStruct((NC, NPAD), jnp.float32),
        mesh=_mesh(),
        scratch_types=[
            pltpu.VMEM_SHARED((NPAD,), jnp.float32),
            pltpu.VMEM((RPT,), jnp.float32),
            pltpu.VMEM((CHUNK,), jnp.float32),
            pltpu.VMEM((NCHT, CHUNK), jnp.int32),
            pltpu.SemaphoreType.DMA,
        ],
    )


def _agg_body(y, src2, dst2, out, acc, zbuf, src_w, dst_w,
              rb0, rb1, gsem0, gsem1, ssem0, ssem1):
    c = lax.axis_index("c")
    s = lax.axis_index("s")
    w = s * NC + c
    zv = jnp.zeros((16,), jnp.float32)

    def _zero(r, carry):
        for k in range(H // 16):
            zbuf[r, pl.ds(k * 16, 16)] = zv
        return carry
    lax.fori_loop(0, 16, _zero, 0)
    for t in range(RPT // 16):
        pltpu.sync_copy(zbuf, acc.at[pl.ds(s * RPT + t * 16, 16)])
    plsc.subcore_barrier()

    base = w * NCHT
    rbs = (rb0, rb1)
    gsems = (gsem0, gsem1)
    ssems = (ssem0, ssem1)

    def _win(wi, carry):
        pltpu.sync_copy(src2.at[pl.ds(base + wi * WCH, WCH)], src_w)
        pltpu.sync_copy(dst2.at[pl.ds(base + wi * WCH, WCH)], dst_w)
        for b in range(NBUF):
            pltpu.async_copy(y.at[src_w.at[b]], rbs[b], gsems[b])

        def _inner(g, carry2):
            for b in range(NBUF):
                j = g * NBUF + b
                pltpu.make_async_copy(y.at[src_w.at[j]], rbs[b],
                                      gsems[b]).wait()
                pltpu.async_copy(rbs[b], acc.at[dst_w.at[j]], ssems[b],
                                 add=True)
            for b in range(NBUF):
                j = g * NBUF + b

                @pl.when(j + NBUF < WCH)
                def _refill():
                    pltpu.make_async_copy(rbs[b], acc.at[dst_w.at[j]],
                                          ssems[b]).wait()
                    pltpu.async_copy(y.at[src_w.at[j + NBUF]], rbs[b],
                                     gsems[b])
            return carry2
        lax.fori_loop(0, WCH // NBUF, _inner, 0)
        for b in range(NBUF):
            pltpu.make_async_copy(rbs[b], acc.at[dst_w.at[b]],
                                  ssems[b]).wait()
        return carry
    lax.fori_loop(0, NWIN, _win, 0)
    plsc.subcore_barrier()
    pltpu.sync_copy(acc.at[pl.ds(s * RPT, RPT)],
                    out.at[c, pl.ds(s * RPT, RPT)])


@functools.cache
def _agg_call():
    return pl.kernel(
        _agg_body,
        out_type=jax.ShapeDtypeStruct((NC, NPAD, H), jnp.float32),
        mesh=_mesh(),
        scratch_types=[
            pltpu.VMEM_SHARED((NPAD, H), jnp.float32),
            pltpu.VMEM((16, H), jnp.float32),
            pltpu.VMEM((WCH, CHUNK), jnp.int32),
            pltpu.VMEM((WCH, CHUNK), jnp.int32),
            pltpu.VMEM((CHUNK, H), jnp.float32),
            pltpu.VMEM((CHUNK, H), jnp.float32),
            pltpu.SemaphoreType.DMA,
            pltpu.SemaphoreType.DMA,
            pltpu.SemaphoreType.DMA,
            pltpu.SemaphoreType.DMA,
        ],
    )


BLKR = 256


def _tc1_body(x_ref, w1_ref, hist_ref, y_ref, dinv_ref):
    deg = hist_ref[0] + hist_ref[1] + 1.0
    dinv = lax.rsqrt(deg)
    y = jnp.dot(x_ref[...], w1_ref[...], preferred_element_type=jnp.float32)
    y_ref[...] = y * dinv
    dinv_ref[...] = dinv


_tc1_call = pl.pallas_call(
    _tc1_body,
    grid=(NPAD // BLKR,),
    in_specs=[
        pl.BlockSpec((BLKR, D), lambda i: (i, 0)),
        pl.BlockSpec((D, H), lambda i: (0, 0)),
        pl.BlockSpec((NC, BLKR, 1), lambda i: (0, i, 0)),
    ],
    out_specs=[
        pl.BlockSpec((BLKR, H), lambda i: (i, 0)),
        pl.BlockSpec((BLKR, 1), lambda i: (i, 0)),
    ],
    out_shape=[
        jax.ShapeDtypeStruct((NPAD, H), jnp.float32),
        jax.ShapeDtypeStruct((NPAD, 1), jnp.float32),
    ],
)


def _tc2_body(s_ref, y1_ref, dinv_ref, b1_ref, z_ref):
    dinv = dinv_ref[...]
    agg = (s_ref[0] + s_ref[1] + y1_ref[...]) * dinv
    z_ref[...] = jnp.maximum(agg + b1_ref[...], 0.0) * dinv


_tc2_call = pl.pallas_call(
    _tc2_body,
    grid=(NPAD // BLKR,),
    in_specs=[
        pl.BlockSpec((NC, BLKR, H), lambda i: (0, i, 0)),
        pl.BlockSpec((BLKR, H), lambda i: (i, 0)),
        pl.BlockSpec((BLKR, 1), lambda i: (i, 0)),
        pl.BlockSpec((1, H), lambda i: (0, 0)),
    ],
    out_specs=pl.BlockSpec((BLKR, H), lambda i: (i, 0)),
    out_shape=jax.ShapeDtypeStruct((NPAD, H), jnp.float32),
)


def _tc3_body(s_ref, z_ref, dinv_ref, w2_ref, b2_ref, o_ref):
    agg = (s_ref[0] + s_ref[1] + z_ref[...]) * dinv_ref[...]
    o_ref[...] = (jnp.dot(agg, w2_ref[...],
                          preferred_element_type=jnp.float32)
                  + b2_ref[...])


_tc3_call = pl.pallas_call(
    _tc3_body,
    grid=(NPAD // BLKR,),
    in_specs=[
        pl.BlockSpec((NC, BLKR, H), lambda i: (0, i, 0)),
        pl.BlockSpec((BLKR, H), lambda i: (i, 0)),
        pl.BlockSpec((BLKR, 1), lambda i: (i, 0)),
        pl.BlockSpec((H, CP), lambda i: (0, 0)),
        pl.BlockSpec((1, CP), lambda i: (0, 0)),
    ],
    out_specs=pl.BlockSpec((BLKR, CP), lambda i: (i, 0)),
    out_shape=jax.ShapeDtypeStruct((NPAD, CP), jnp.float32),
)


def kernel(x, edge_index, W1, b1, W2, b2):
    src = edge_index[0]
    dst = edge_index[1]
    pad_idx = (N + (jnp.arange(EPAD - E, dtype=jnp.int32) % (NPAD - N)))
    src_p = jnp.concatenate([src, pad_idx]).reshape(NCH2, CHUNK)
    dst_p = jnp.concatenate([dst, pad_idx]).reshape(NCH2, CHUNK)
    x_pad = jnp.pad(x, ((0, NPAD - N), (0, 0)))
    w2_p = jnp.pad(W2, ((0, 0), (0, CP - C)))
    b1_r = b1.reshape(1, H)
    b2_r = jnp.pad(b2, (0, CP - C)).reshape(1, CP)

    hist = _hist_call()(dst_p).reshape(NC, NPAD, 1)
    y1, dinv = _tc1_call(x_pad, W1, hist)
    s1 = _agg_call()(y1, src_p, dst_p)
    z = _tc2_call(s1, y1, dinv, b1_r)
    s2 = _agg_call()(z, src_p, dst_p)
    outp = _tc3_call(s2, z, dinv, w2_p, b2_r)
    return outp[:N, :C]

# --- scband reference (transcript-rebuilt; emitter-appended) ---
"""Pipeline reference for scband-gcn-5755256177063 (READ-ONLY COPY).

The authoritative reference and input builder live on the scoring server;
editing this copy changes nothing except your own understanding.
"""

import jax, jax.numpy as jnp
import numpy as np

N = 10000
E = 320000
D = 128
H = 128
C = 7

def setup_inputs(seed: int = 0) -> dict:
    key = jax.random.key(seed)
    k1, k2, k3, k4, k5, k6 = jax.random.split(key, 6)
    x = jax.random.normal(k1, (N, D), dtype=jnp.float32)
    edge_index = jax.random.randint(k2, (2, E), 0, N, dtype=jnp.int32)
    # GCNConv weights (glorot-style scale) and biases
    W1 = jax.random.normal(k3, (D, H), dtype=jnp.float32) * (1.0 / np.sqrt(D))
    b1 = jnp.zeros((H,), dtype=jnp.float32)
    W2 = jax.random.normal(k4, (H, C), dtype=jnp.float32) * (1.0 / np.sqrt(H))
    b2 = jnp.zeros((C,), dtype=jnp.float32)
    return {"x": x, "edge_index": edge_index, "W1": W1, "b1": b1, "W2": W2, "b2": b2}

def reference(x, edge_index, W1, b1, W2, b2):
    # GCNConv semantics (PyG): add self-loops, symmetric normalization,
    # out = scatter_add(norm * (x W)[src] -> dst) + bias
    src = edge_index[0]
    dst = edge_index[1]
    loop = jnp.arange(N, dtype=src.dtype)
    src = jnp.concatenate([src, loop])
    dst = jnp.concatenate([dst, loop])
    deg = jnp.zeros((N,), dtype=x.dtype).at[dst].add(1.0)
    deg_inv_sqrt = jnp.where(deg > 0, jax.lax.rsqrt(deg), 0.0)
    norm = deg_inv_sqrt[src] * deg_inv_sqrt[dst]

    def gcn_conv(h, W, b):
        h = h @ W
        msg = h[src] * norm[:, None]
        out = jnp.zeros((N, W.shape[1]), dtype=h.dtype).at[dst].add(msg)
        return out + b

    h = gcn_conv(x, W1, b1)
    h = jax.nn.relu(h)
    # dropout p=0.5 is identity in eval mode (training=False)
    out = gcn_conv(h, W2, b2)
    return out

if __name__ == "__main__":
    import jax
    _d = setup_inputs()
    print(jax.jit(kernel)(*tuple(_d.values())))

</pallas_src>

<mosaic_0001>
#map = affine_map<(d0, d1) -> (0, 0)>
module attributes {stable_mosaic.version = 14 : i64} {
  func.func @_hist_body(%arg0: i32, %arg1: i32, %arg2: memref<2560x128xi32, #tpu.memory_space<hbm>>, %arg3: memref<2x10240xf32, #tpu.memory_space<hbm>>, %arg4: memref<10240xf32, #tpu.memory_space<vmem_shared>>, %arg5: memref<640xf32, #tpu.memory_space<vmem>>, %arg6: memref<128xf32, #tpu.memory_space<vmem>>, %arg7: memref<80x128xi32, #tpu.memory_space<vmem>>, %arg8: memref<!tpu.dma_semaphore, #tpu.memory_space<semaphore_mem>>) attributes {dimension_semantics = [#tpu.dimension_semantics<core_parallel>, #tpu.dimension_semantics<subcore_parallel>], iteration_bounds = array<i64: 2, 16>, scalar_prefetch = 0 : i64, scratch_operands = 5 : i64, tpu.core_type = #tpu.core_type<sc_vector_subcore>, window_params = [{transform_indices = #map}, {transform_indices = #map}]} {
    %mul3A = arith.constant 2 : i32
    %mul3A_0 = arith.muli %arg1, %mul3A : i32
    %add3A = arith.addi %mul3A_0, %arg0 : i32
    %broadcast_in_dim3A = arith.constant 0.000000e+00 : f32
    %broadcast_in_dim3A_1 = vector.broadcast %broadcast_in_dim3A : f32 to vector<16xf32>
    %broadcast_in_dim3A_2 = arith.constant 1.000000e+00 : f32
    %broadcast_in_dim3A_3 = vector.broadcast %broadcast_in_dim3A_2 : f32 to vector<16xf32>
    %scan3A = arith.constant 0 : i32
    %scan3A_4 = arith.constant 0 : i32
    %scan3A_5 = arith.constant 40 : i32
    %scan3A_6 = arith.addi %scan3A_4, %scan3A_5 : i32
    %scan3A_7 = arith.constant 1 : i32
    scf.for %scan3A_55 = %scan3A_4 to %scan3A_6 step %scan3A_7  : i32 {
      %mul3A_56 = arith.constant 16 : i32
      %mul3A_57 = arith.muli %scan3A_55, %mul3A_56 : i32
      %swap3A_58 = arith.index_cast %mul3A_57 : i32 to index
      %swap3A_59 = tpu.vector_load %arg5[%swap3A_58] {strides = array<i32>} : memref<640xf32, #tpu.memory_space<vmem>>, vector<16xf32>,
      %swap3A_60 = vector.shape_cast %swap3A_59 : vector<16xf32> to vector<16xf32>
      %swap3A_61 = vector.shape_cast %broadcast_in_dim3A_1 : vector<16xf32> to vector<16xf32>
      tpu.vector_store %arg5[%swap3A_58], %swap3A_61 {strides = array<i32>} : memref<640xf32, #tpu.memory_space<vmem>>, vector<16xf32>,
    }
    %scan3A_8 = arith.constant 40 : i32
    %swap3A = arith.constant 0 : index
    %swap3A_9 = tpu.vector_load %arg6[%swap3A] {strides = array<i32>} : memref<128xf32, #tpu.memory_space<vmem>>, vector<16xf32>,
    %swap3A_10 = vector.shape_cast %swap3A_9 : vector<16xf32> to vector<16xf32>
    %swap3A_11 = vector.shape_cast %broadcast_in_dim3A_3 : vector<16xf32> to vector<16xf32>
    tpu.vector_store %arg6[%swap3A], %swap3A_11 {strides = array<i32>} : memref<128xf32, #tpu.memory_space<vmem>>, vector<16xf32>,
    %swap3A_12 = arith.constant 16 : index
    %swap3A_13 = tpu.vector_load %arg6[%swap3A_12] {strides = array<i32>} : memref<128xf32, #tpu.memory_space<vmem>>, vector<16xf32>,
    %swap3A_14 = vector.shape_cast %swap3A_13 : vector<16xf32> to vector<16xf32>
    %swap3A_15 = vector.shape_cast %broadcast_in_dim3A_3 : vector<16xf32> to vector<16xf32>
    tpu.vector_store %arg6[%swap3A_12], %swap3A_15 {strides = array<i32>} : memref<128xf32, #tpu.memory_space<vmem>>, vector<16xf32>,
    %swap3A_16 = arith.constant 32 : index
    %swap3A_17 = tpu.vector_load %arg6[%swap3A_16] {strides = array<i32>} : memref<128xf32, #tpu.memory_space<vmem>>, vector<16xf32>,
    %swap3A_18 = vector.shape_cast %swap3A_17 : vector<16xf32> to vector<16xf32>
    %swap3A_19 = vector.shape_cast %broadcast_in_dim3A_3 : vector<16xf32> to vector<16xf32>
    tpu.vector_store %arg6[%swap3A_16], %swap3A_19 {strides = array<i32>} : memref<128xf32, #tpu.memory_space<vmem>>, vector<16xf32>,
    %swap3A_20 = arith.constant 48 : index
    %swap3A_21 = tpu.vector_load %arg6[%swap3A_20] {strides = array<i32>} : memref<128xf32, #tpu.memory_space<vmem>>, vector<16xf32>,
    %swap3A_22 = vector.shape_cast %swap3A_21 : vector<16xf32> to vector<16xf32>
    %swap3A_23 = vector.shape_cast %broadcast_in_dim3A_3 : vector<16xf32> to vector<16xf32>
    tpu.vector_store %arg6[%swap3A_20], %swap3A_23 {strides = array<i32>} : memref<128xf32, #tpu.memory_space<vmem>>, vector<16xf32>,
    %swap3A_24 = arith.constant 64 : index
    %swap3A_25 = tpu.vector_load %arg6[%swap3A_24] {strides = array<i32>} : memref<128xf32, #tpu.memory_space<vmem>>, vector<16xf32>,
    %swap3A_26 = vector.shape_cast %swap3A_25 : vector<16xf32> to vector<16xf32>
    %swap3A_27 = vector.shape_cast %broadcast_in_dim3A_3 : vector<16xf32> to vector<16xf32>
    tpu.vector_store %arg6[%swap3A_24], %swap3A_27 {strides = array<i32>} : memref<128xf32, #tpu.memory_space<vmem>>, vector<16xf32>,
    %swap3A_28 = arith.constant 80 : index
    %swap3A_29 = tpu.vector_load %arg6[%swap3A_28] {strides = array<i32>} : memref<128xf32, #tpu.memory_space<vmem>>, vector<16xf32>,
    %swap3A_30 = vector.shape_cast %swap3A_29 : vector<16xf32> to vector<16xf32>
    %swap3A_31 = vector.shape_cast %broadcast_in_dim3A_3 : vector<16xf32> to vector<16xf32>
    tpu.vector_store %arg6[%swap3A_28], %swap3A_31 {strides = array<i32>} : memref<128xf32, #tpu.memory_space<vmem>>, vector<16xf32>,
    %swap3A_32 = arith.constant 96 : index
    %swap3A_33 = tpu.vector_load %arg6[%swap3A_32] {strides = array<i32>} : memref<128xf32, #tpu.memory_space<vmem>>, vector<16xf32>,
    %swap3A_34 = vector.shape_cast %swap3A_33 : vector<16xf32> to vector<16xf32>
    %swap3A_35 = vector.shape_cast %broadcast_in_dim3A_3 : vector<16xf32> to vector<16xf32>
    tpu.vector_store %arg6[%swap3A_32], %swap3A_35 {strides = array<i32>} : memref<128xf32, #tpu.memory_space<vmem>>, vector<16xf32>,
    %swap3A_36 = arith.constant 112 : index
    %swap3A_37 = tpu.vector_load %arg6[%swap3A_36] {strides = array<i32>} : memref<128xf32, #tpu.memory_space<vmem>>, vector<16xf32>,
    %swap3A_38 = vector.shape_cast %swap3A_37 : vector<16xf32> to vector<16xf32>
    %swap3A_39 = vector.shape_cast %broadcast_in_dim3A_3 : vector<16xf32> to vector<16xf32>
    tpu.vector_store %arg6[%swap3A_36], %swap3A_39 {strides = array<i32>} : memref<128xf32, #tpu.memory_space<vmem>>, vector<16xf32>,
    %mul3A_40 = arith.constant 640 : i32
    %mul3A_41 = arith.muli %arg1, %mul3A_40 : i32
    "tpu.region"() ({
      %run_scoped3A = tpu.sem_alloc : memref<!tpu.dma_semaphore, #tpu.memory_space<semaphore_mem>>
      %dma_start3A = tpu.memref_slice %arg4[%mul3A_41] : memref<10240xf32, #tpu.memory_space<vmem_shared>> -> memref<640xf32, #tpu.memory_space<vmem_shared>>
      %dma_start3A_55 = tpu.memref_slice %arg4[%mul3A_41] : memref<10240xf32, #tpu.memory_space<vmem_shared>> -> memref<640xf32, #tpu.memory_space<vmem_shared>>
      tpu.enqueue_dma source(%arg5 : memref<640xf32, #tpu.memory_space<vmem>>) target(%dma_start3A_55 : memref<640xf32, #tpu.memory_space<vmem_shared>>) target_semaphore(%run_scoped3A : memref<!tpu.dma_semaphore, #tpu.memory_space<semaphore_mem>>)
      %dma_wait3A = tpu.memref_slice %arg4[%mul3A_41] : memref<10240xf32, #tpu.memory_space<vmem_shared>> -> memref<640xf32, #tpu.memory_space<vmem_shared>>
      %dma_wait3A_56 = tpu.memref_slice %arg4[%mul3A_41] : memref<10240xf32, #tpu.memory_space<vmem_shared>> -> memref<640xf32, #tpu.memory_space<vmem_shared>>
      tpu.wait_dma2 semaphore(%run_scoped3A : memref<!tpu.dma_semaphore, #tpu.memory_space<semaphore_mem>>) src(%arg5 : memref<640xf32, #tpu.memory_space<vmem>>) dst(%dma_wait3A_56 : memref<640xf32, #tpu.memory_space<vmem_shared>>)
      tpu.yield
    }) : () -> ()
    %mul3A_42 = arith.constant 80 : i32
    %mul3A_43 = arith.muli %add3A, %mul3A_42 : i32
    "tpu.region"() ({
      %run_scoped3A = tpu.sem_alloc : memref<!tpu.dma_semaphore, #tpu.memory_space<semaphore_mem>>
      %dma_start3A = arith.constant 0 : i32
      %dma_start3A_55 = tpu.memref_slice %arg2[%mul3A_43, %dma_start3A] : memref<2560x128xi32, #tpu.memory_space<hbm>> -> memref<80x128xi32, #tpu.memory_space<hbm>>
      %dma_start3A_56 = arith.constant 0 : i32
      %dma_start3A_57 = tpu.memref_slice %arg2[%mul3A_43, %dma_start3A_56] : memref<2560x128xi32, #tpu.memory_space<hbm>> -> memref<80x128xi32, #tpu.memory_space<hbm>>
      tpu.enqueue_dma source(%dma_start3A_57 : memref<80x128xi32, #tpu.memory_space<hbm>>) target(%arg7 : memref<80x128xi32, #tpu.memory_space<vmem>>) target_semaphore(%run_scoped3A : memref<!tpu.dma_semaphore, #tpu.memory_space<semaphore_mem>>)
      %dma_wait3A = arith.constant 0 : i32
      %dma_wait3A_58 = tpu.memref_slice %arg2[%mul3A_43, %dma_wait3A] : memref<2560x128xi32, #tpu.memory_space<hbm>> -> memref<80x128xi32, #tpu.memory_space<hbm>>
      %dma_wait3A_59 = arith.constant 0 : i32
      %dma_wait3A_60 = tpu.memref_slice %arg2[%mul3A_43, %dma_wait3A_59] : memref<2560x128xi32, #tpu.memory_space<hbm>> -> memref<80x128xi32, #tpu.memory_space<hbm>>
      tpu.wait_dma2 semaphore(%run_scoped3A : memref<!tpu.dma_semaphore, #tpu.memory_space<semaphore_mem>>) src(%dma_wait3A_60 : memref<80x128xi32, #tpu.memory_space<hbm>>) dst(%arg7 : memref<80x128xi32, #tpu.memory_space<vmem>>)
      tpu.yield
    }) : () -> ()
    %barrier3A = arith.constant 0 : index
    tpu.barrier barrier_id(%barrier3A)
    %scan3A_44 = arith.constant 0 : i32
    %scan3A_45 = arith.constant 0 : i32
    %scan3A_46 = arith.constant 10 : i32
    %scan3A_47 = arith.addi %scan3A_45, %scan3A_46 : i32
    %scan3A_48 = arith.constant 1 : i32
    scf.for %scan3A_55 = %scan3A_45 to %scan3A_47 step %scan3A_48  : i32 {
      %mul3A_56 = arith.constant 8 : i32
      %mul3A_57 = arith.muli %scan3A_55, %mul3A_56 : i32
      %add3A_58 = arith.constant 0 : i32
      %add3A_59 = arith.addi %mul3A_57, %add3A_58 : i32
      %dma_start3A = arith.constant 0 : i32
      %dma_start3A_60 = tpu.memref_slice %arg7[%add3A_59, %dma_start3A] : memref<80x128xi32, #tpu.memory_space<vmem>> -> memref<1x128xi32, #tpu.memory_space<vmem>>
      %dma_start3A_61 = tpu.memref_squeeze %dma_start3A_60 : memref<1x128xi32, #tpu.memory_space<vmem>> -> memref<128xi32, #tpu.memory_space<vmem>>
      %dma_start3A_62 = arith.constant 0 : i32
      %dma_start3A_63 = tpu.memref_slice %arg4[%dma_start3A_62] : memref<10240xf32, #tpu.memory_space<vmem_shared>> -> memref<10240xf32, #tpu.memory_space<vmem_shared>>
      tpu.enqueue_indirect_dma source(%arg6 : memref<128xf32, #tpu.memory_space<vmem>>) target(%dma_start3A_63 : memref<10240xf32, #tpu.memory_space<vmem_shared>>) offsets(%dma_start3A_61 : memref<128xi32, #tpu.memory_space<vmem>>) semaphore(%arg8 : memref<!tpu.dma_semaphore, #tpu.memory_space<semaphore_mem>>) {add = true}
      %mul3A_64 = arith.constant 8 : i32
      %mul3A_65 = arith.muli %scan3A_55, %mul3A_64 : i32
      %add3A_66 = arith.constant 1 : i32
      %add3A_67 = arith.addi %mul3A_65, %add3A_66 : i32
      %dma_start3A_68 = arith.constant 0 : i32
      %dma_start3A_69 = tpu.memref_slice %arg7[%add3A_67, %dma_start3A_68] : memref<80x128xi32, #tpu.memory_space<vmem>> -> memref<1x128xi32, #tpu.memory_space<vmem>>
      %dma_start3A_70 = tpu.memref_squeeze %dma_start3A_69 : memref<1x128xi32, #tpu.memory_space<vmem>> -> memref<128xi32, #tpu.memory_space<vmem>>
      %dma_start3A_71 = arith.constant 0 : i32
      %dma_start3A_72 = tpu.memref_slice %arg4[%dma_start3A_71] : memref<10240xf32, #tpu.memory_space<vmem_shared>> -> memref<10240xf32, #tpu.memory_space<vmem_shared>>
      tpu.enqueue_indirect_dma source(%arg6 : memref<128xf32, #tpu.memory_space<vmem>>) target(%dma_start3A_72 : memref<10240xf32, #tpu.memory_space<vmem_shared>>) offsets(%dma_start3A_70 : memref<128xi32, #tpu.memory_space<vmem>>) semaphore(%arg8 : memref<!tpu.dma_semaphore, #tpu.memory_space<semaphore_mem>>) {add = true}
      %mul3A_73 = arith.constant 8 : i32
      %mul3A_74 = arith.muli %scan3A_55, %mul3A_73 : i32
      %add3A_75 = arith.constant 2 : i32
      %add3A_76 = arith.addi %mul3A_74, %add3A_75 : i32
      %dma_start3A_77 = arith.constant 0 : i32
      %dma_start3A_78 = tpu.memref_slice %arg7[%add3A_76, %dma_start3A_77] : memref<80x128xi32, #tpu.memory_space<vmem>> -> memref<1x128xi32, #tpu.memory_space<vmem>>
      %dma_start3A_79 = tpu.memref_squeeze %dma_start3A_78 : memref<1x128xi32, #tpu.memory_space<vmem>> -> memref<128xi32, #tpu.memory_space<vmem>>
      %dma_start3A_80 = arith.constant 0 : i32
      %dma_start3A_81 = tpu.memref_slice %arg4[%dma_start3A_80] : memref<10240xf32, #tpu.memory_space<vmem_shared>> -> memref<10240xf32, #tpu.memory_space<vmem_shared>>
      tpu.enqueue_indirect_dma source(%arg6 : memref<128xf32, #tpu.memory_space<vmem>>) target(%dma_start3A_81 : memref<10240xf32, #tpu.memory_space<vmem_shared>>) offsets(%dma_start3A_79 : memref<128xi32, #tpu.memory_space<vmem>>) semaphore(%arg8 : memref<!tpu.dma_semaphore, #tpu.memory_space<semaphore_mem>>) {add = true}
      %mul3A_82 = arith.constant 8 : i32
      %mul3A_83 = arith.muli %scan3A_55, %mul3A_82 : i32
      %add3A_84 = arith.constant 3 : i32
      %add3A_85 = arith.addi %mul3A_83, %add3A_84 : i32
      %dma_start3A_86 = arith.constant 0 : i32
      %dma_start3A_87 = tpu.memref_slice %arg7[%add3A_85, %dma_start3A_86] : memref<80x128xi32, #tpu.memory_space<vmem>> -> memref<1x128xi32, #tpu.memory_space<vmem>>
      %dma_start3A_88 = tpu.memref_squeeze %dma_start3A_87 : memref<1x128xi32, #tpu.memory_space<vmem>> -> memref<128xi32, #tpu.memory_space<vmem>>
      %dma_start3A_89 = arith.constant 0 : i32
      %dma_start3A_90 = tpu.memref_slice %arg4[%dma_start3A_89] : memref<10240xf32, #tpu.memory_space<vmem_shared>> -> memref<10240xf32, #tpu.memory_space<vmem_shared>>
      tpu.enqueue_indirect_dma source(%arg6 : memref<128xf32, #tpu.memory_space<vmem>>) target(%dma_start3A_90 : memref<10240xf32, #tpu.memory_space<vmem_shared>>) offsets(%dma_start3A_88 : memref<128xi32, #tpu.memory_space<vmem>>) semaphore(%arg8 : memref<!tpu.dma_semaphore, #tpu.memory_space<semaphore_mem>>) {add = true}
      %mul3A_91 = arith.constant 8 : i32
      %mul3A_92 = arith.muli %scan3A_55, %mul3A_91 : i32
      %add3A_93 = arith.constant 4 : i32
      %add3A_94 = arith.addi %mul3A_92, %add3A_93 : i32
      %dma_start3A_95 = arith.constant 0 : i32
      %dma_start3A_96 = tpu.memref_slice %arg7[%add3A_94, %dma_start3A_95] : memref<80x128xi32, #tpu.memory_space<vmem>> -> memref<1x128xi32, #tpu.memory_space<vmem>>
      %dma_start3A_97 = tpu.memref_squeeze %dma_start3A_96 : memref<1x128xi32, #tpu.memory_space<vmem>> -> memref<128xi32, #tpu.memory_space<vmem>>
      %dma_start3A_98 = arith.constant 0 : i32
      %dma_start3A_99 = tpu.memref_slice %arg4[%dma_start3A_98] : memref<10240xf32, #tpu.memory_space<vmem_shared>> -> memref<10240xf32, #tpu.memory_space<vmem_shared>>
      tpu.enqueue_indirect_dma source(%arg6 : memref<128xf32, #tpu.memory_space<vmem>>) target(%dma_start3A_99 : memref<10240xf32, #tpu.memory_space<vmem_shared>>) offsets(%dma_start3A_97 : memref<128xi32, #tpu.memory_space<vmem>>) semaphore(%arg8 : memref<!tpu.dma_semaphore, #tpu.memory_space<semaphore_mem>>) {add = true}
      %mul3A_100 = arith.constant 8 : i32
      %mul3A_101 = arith.muli %scan3A_55, %mul3A_100 : i32
      %add3A_102 = arith.constant 5 : i32
      %add3A_103 = arith.addi %mul3A_101, %add3A_102 : i32
      %dma_start3A_104 = arith.constant 0 : i32
      %dma_start3A_105 = tpu.memref_slice %arg7[%add3A_103, %dma_start3A_104] : memref<80x128xi32, #tpu.memory_space<vmem>> -> memref<1x128xi32, #tpu.memory_space<vmem>>
      %dma_start3A_106 = tpu.memref_squeeze %dma_start3A_105 : memref<1x128xi32, #tpu.memory_space<vmem>> -> memref<128xi32, #tpu.memory_space<vmem>>
      %dma_start3A_107 = arith.constant 0 : i32
      %dma_start3A_108 = tpu.memref_slice %arg4[%dma_start3A_107] : memref<10240xf32, #tpu.memory_space<vmem_shared>> -> memref<10240xf32, #tpu.memory_space<vmem_shared>>
      tpu.enqueue_indirect_dma source(%arg6 : memref<128xf32, #tpu.memory_space<vmem>>) target(%dma_start3A_108 : memref<10240xf32, #tpu.memory_space<vmem_shared>>) offsets(%dma_start3A_106 : memref<128xi32, #tpu.memory_space<vmem>>) semaphore(%arg8 : memref<!tpu.dma_semaphore, #tpu.memory_space<semaphore_mem>>) {add = true}
      %mul3A_109 = arith.constant 8 : i32
      %mul3A_110 = arith.muli %scan3A_55, %mul3A_109 : i32
      %add3A_111 = arith.constant 6 : i32
      %add3A_112 = arith.addi %mul3A_110, %add3A_111 : i32
      %dma_start3A_113 = arith.constant 0 : i32
      %dma_start3A_114 = tpu.memref_slice %arg7[%add3A_112, %dma_start3A_113] : memref<80x128xi32, #tpu.memory_space<vmem>> -> memref<1x128xi32, #tpu.memory_space<vmem>>
      %dma_start3A_115 = tpu.memref_squeeze %dma_start3A_114 : memref<1x128xi32, #tpu.memory_space<vmem>> -> memref<128xi32, #tpu.memory_space<vmem>>
      %dma_start3A_116 = arith.constant 0 : i32
      %dma_start3A_117 = tpu.memref_slice %arg4[%dma_start3A_116] : memref<10240xf32, #tpu.memory_space<vmem_shared>> -> memref<10240xf32, #tpu.memory_space<vmem_shared>>
      tpu.enqueue_indirect_dma source(%arg6 : memref<128xf32, #tpu.memory_space<vmem>>) target(%dma_start3A_117 : memref<10240xf32, #tpu.memory_space<vmem_shared>>) offsets(%dma_start3A_115 : memref<128xi32, #tpu.memory_space<vmem>>) semaphore(%arg8 : memref<!tpu.dma_semaphore, #tpu.memory_space<semaphore_mem>>) {add = true}
      %mul3A_118 = arith.constant 8 : i32
      %mul3A_119 = arith.muli %scan3A_55, %mul3A_118 : i32
      %add3A_120 = arith.constant 7 : i32
      %add3A_121 = arith.addi %mul3A_119, %add3A_120 : i32
      %dma_start3A_122 = arith.constant 0 : i32
      %dma_start3A_123 = tpu.memref_slice %arg7[%add3A_121, %dma_start3A_122] : memref<80x128xi32, #tpu.memory_space<vmem>> -> memref<1x128xi32, #tpu.memory_space<vmem>>
      %dma_start3A_124 = tpu.memref_squeeze %dma_start3A_123 : memref<1x128xi32, #tpu.memory_space<vmem>> -> memref<128xi32, #tpu.memory_space<vmem>>
      %dma_start3A_125 = arith.constant 0 : i32
      %dma_start3A_126 = tpu.memref_slice %arg4[%dma_start3A_125] : memref<10240xf32, #tpu.memory_space<vmem_shared>> -> memref<10240xf32, #tpu.memory_space<vmem_shared>>
      tpu.enqueue_indirect_dma source(%arg6 : memref<128xf32, #tpu.memory_space<vmem>>) target(%dma_start3A_126 : memref<10240xf32, #tpu.memory_space<vmem_shared>>) offsets(%dma_start3A_124 : memref<128xi32, #tpu.memory_space<vmem>>) semaphore(%arg8 : memref<!tpu.dma_semaphore, #tpu.memory_space<semaphore_mem>>) {add = true}
      %mul3A_127 = arith.constant 8 : i32
      %mul3A_128 = arith.muli %scan3A_55, %mul3A_127 : i32
      %add3A_129 = arith.constant 0 : i32
      %add3A_130 = arith.addi %mul3A_128, %add3A_129 : i32
      %dma_wait3A = arith.constant 0 : i32
      %dma_wait3A_131 = tpu.memref_slice %arg7[%add3A_130, %dma_wait3A] : memref<80x128xi32, #tpu.memory_space<vmem>> -> memref<1x128xi32, #tpu.memory_space<vmem>>
      %dma_wait3A_132 = tpu.memref_squeeze %dma_wait3A_131 : memref<1x128xi32, #tpu.memory_space<vmem>> -> memref<128xi32, #tpu.memory_space<vmem>>
      %dma_wait3A_133 = arith.constant 0 : i32
      %dma_wait3A_134 = tpu.memref_slice %arg4[%dma_wait3A_133] : memref<10240xf32, #tpu.memory_space<vmem_shared>> -> memref<10240xf32, #tpu.memory_space<vmem_shared>>
      tpu.wait_indirect_dma semaphore(%arg8 : memref<!tpu.dma_semaphore, #tpu.memory_space<semaphore_mem>>) src(%arg6 : memref<128xf32, #tpu.memory_space<vmem>>) dst(%dma_wait3A_134 : memref<10240xf32, #tpu.memory_space<vmem_shared>>)
      %mul3A_135 = arith.constant 8 : i32
      %mul3A_136 = arith.muli %scan3A_55, %mul3A_135 : i32
      %add3A_137 = arith.constant 1 : i32
      %add3A_138 = arith.addi %mul3A_136, %add3A_137 : i32
      %dma_wait3A_139 = arith.constant 0 : i32
      %dma_wait3A_140 = tpu.memref_slice %arg7[%add3A_138, %dma_wait3A_139] : memref<80x128xi32, #tpu.memory_space<vmem>> -> memref<1x128xi32, #tpu.memory_space<vmem>>
      %dma_wait3A_141 = tpu.memref_squeeze %dma_wait3A_140 : memref<1x128xi32, #tpu.memory_space<vmem>> -> memref<128xi32, #tpu.memory_space<vmem>>
      %dma_wait3A_142 = arith.constant 0 : i32
      %dma_wait3A_143 = tpu.memref_slice %arg4[%dma_wait3A_142] : memref<10240xf32, #tpu.memory_space<vmem_shared>> -> memref<10240xf32, #tpu.memory_space<vmem_shared>>
      tpu.wait_indirect_dma semaphore(%arg8 : memref<!tpu.dma_semaphore, #tpu.memory_space<semaphore_mem>>) src(%arg6 : memref<128xf32, #tpu.memory_space<vmem>>) dst(%dma_wait3A_143 : memref<10240xf32, #tpu.memory_space<vmem_shared>>)
      %mul3A_144 = arith.constant 8 : i32
      %mul3A_145 = arith.muli %scan3A_55, %mul3A_144 : i32
      %add3A_146 = arith.constant 2 : i32
      %add3A_147 = arith.addi %mul3A_145, %add3A_146 : i32
      %dma_wait3A_148 = arith.constant 0 : i32
      %dma_wait3A_149 = tpu.memref_slice %arg7[%add3A_147, %dma_wait3A_148] : memref<80x128xi32, #tpu.memory_space<vmem>> -> memref<1x128xi32, #tpu.memory_space<vmem>>
      %dma_wait3A_150 = tpu.memref_squeeze %dma_wait3A_149 : memref<1x128xi32, #tpu.memory_space<vmem>> -> memref<128xi32, #tpu.memory_space<vmem>>
      %dma_wait3A_151 = arith.constant 0 : i32
      %dma_wait3A_152 = tpu.memref_slice %arg4[%dma_wait3A_151] : memref<10240xf32, #tpu.memory_space<vmem_shared>> -> memref<10240xf32, #tpu.memory_space<vmem_shared>>
      tpu.wait_indirect_dma semaphore(%arg8 : memref<!tpu.dma_semaphore, #tpu.memory_space<semaphore_mem>>) src(%arg6 : memref<128xf32, #tpu.memory_space<vmem>>) dst(%dma_wait3A_152 : memref<10240xf32, #tpu.memory_space<vmem_shared>>)
      %mul3A_153 = arith.constant 8 : i32
      %mul3A_154 = arith.muli %scan3A_55, %mul3A_153 : i32
      %add3A_155 = arith.constant 3 : i32
      %add3A_156 = arith.addi %mul3A_154, %add3A_155 : i32
      %dma_wait3A_157 = arith.constant 0 : i32
      %dma_wait3A_158 = tpu.memref_slice %arg7[%add3A_156, %dma_wait3A_157] : memref<80x128xi32, #tpu.memory_space<vmem>> -> memref<1x128xi32, #tpu.memory_space<vmem>>
      %dma_wait3A_159 = tpu.memref_squeeze %dma_wait3A_158 : memref<1x128xi32, #tpu.memory_space<vmem>> -> memref<128xi32, #tpu.memory_space<vmem>>
      %dma_wait3A_160 = arith.constant 0 : i32
      %dma_wait3A_161 = tpu.memref_slice %arg4[%dma_wait3A_160] : memref<10240xf32, #tpu.memory_space<vmem_shared>> -> memref<10240xf32, #tpu.memory_space<vmem_shared>>
      tpu.wait_indirect_dma semaphore(%arg8 : memref<!tpu.dma_semaphore, #tpu.memory_space<semaphore_mem>>) src(%arg6 : memref<128xf32, #tpu.memory_space<vmem>>) dst(%dma_wait3A_161 : memref<10240xf32, #tpu.memory_space<vmem_shared>>)
      %mul3A_162 = arith.constant 8 : i32
      %mul3A_163 = arith.muli %scan3A_55, %mul3A_162 : i32
      %add3A_164 = arith.constant 4 : i32
      %add3A_165 = arith.addi %mul3A_163, %add3A_164 : i32
      %dma_wait3A_166 = arith.constant 0 : i32
      %dma_wait3A_167 = tpu.memref_slice %arg7[%add3A_165, %dma_wait3A_166] : memref<80x128xi32, #tpu.memory_space<vmem>> -> memref<1x128xi32, #tpu.memory_space<vmem>>
      %dma_wait3A_168 = tpu.memref_squeeze %dma_wait3A_167 : memref<1x128xi32, #tpu.memory_space<vmem>> -> memref<128xi32, #tpu.memory_space<vmem>>
      %dma_wait3A_169 = arith.constant 0 : i32
      %dma_wait3A_170 = tpu.memref_slice %arg4[%dma_wait3A_169] : memref<10240xf32, #tpu.memory_space<vmem_shared>> -> memref<10240xf32, #tpu.memory_space<vmem_shared>>
      tpu.wait_indirect_dma semaphore(%arg8 : memref<!tpu.dma_semaphore, #tpu.memory_space<semaphore_mem>>) src(%arg6 : memref<128xf32, #tpu.memory_space<vmem>>) dst(%dma_wait3A_170 : memref<10240xf32, #tpu.memory_space<vmem_shared>>)
      %mul3A_171 = arith.constant 8 : i32
      %mul3A_172 = arith.muli %scan3A_55, %mul3A_171 : i32
      %add3A_173 = arith.constant 5 : i32
      %add3A_174 = arith.addi %mul3A_172, %add3A_173 : i32
      %dma_wait3A_175 = arith.constant 0 : i32
      %dma_wait3A_176 = tpu.memref_slice %arg7[%add3A_174, %dma_wait3A_175] : memref<80x128xi32, #tpu.memory_space<vmem>> -> memref<1x128xi32, #tpu.memory_space<vmem>>
      %dma_wait3A_177 = tpu.memref_squeeze %dma_wait3A_176 : memref<1x128xi32, #tpu.memory_space<vmem>> -> memref<128xi32, #tpu.memory_space<vmem>>
      %dma_wait3A_178 = arith.constant 0 : i32
      %dma_wait3A_179 = tpu.memref_slice %arg4[%dma_wait3A_178] : memref<10240xf32, #tpu.memory_space<vmem_shared>> -> memref<10240xf32, #tpu.memory_space<vmem_shared>>
      tpu.wait_indirect_dma semaphore(%arg8 : memref<!tpu.dma_semaphore, #tpu.memory_space<semaphore_mem>>) src(%arg6 : memref<128xf32, #tpu.memory_space<vmem>>) dst(%dma_wait3A_179 : memref<10240xf32, #tpu.memory_space<vmem_shared>>)
      %mul3A_180 = arith.constant 8 : i32
      %mul3A_181 = arith.muli %scan3A_55, %mul3A_180 : i32
      %add3A_182 = arith.constant 6 : i32
      %add3A_183 = arith.addi %mul3A_181, %add3A_182 : i32
      %dma_wait3A_184 = arith.constant 0 : i32
      %dma_wait3A_185 = tpu.memref_slice %arg7[%add3A_183, %dma_wait3A_184] : memref<80x128xi32, #tpu.memory_space<vmem>> -> memref<1x128xi32, #tpu.memory_space<vmem>>
      %dma_wait3A_186 = tpu.memref_squeeze %dma_wait3A_185 : memref<1x128xi32, #tpu.memory_space<vmem>> -> memref<128xi32, #tpu.memory_space<vmem>>
      %dma_wait3A_187 = arith.constant 0 : i32
      %dma_wait3A_188 = tpu.memref_slice %arg4[%dma_wait3A_187] : memref<10240xf32, #tpu.memory_space<vmem_shared>> -> memref<10240xf32, #tpu.memory_space<vmem_shared>>
      tpu.wait_indirect_dma semaphore(%arg8 : memref<!tpu.dma_semaphore, #tpu.memory_space<semaphore_mem>>) src(%arg6 : memref<128xf32, #tpu.memory_space<vmem>>) dst(%dma_wait3A_188 : memref<10240xf32, #tpu.memory_space<vmem_shared>>)
      %mul3A_189 = arith.constant 8 : i32
      %mul3A_190 = arith.muli %scan3A_55, %mul3A_189 : i32
      %add3A_191 = arith.constant 7 : i32
      %add3A_192 = arith.addi %mul3A_190, %add3A_191 : i32
      %dma_wait3A_193 = arith.constant 0 : i32
      %dma_wait3A_194 = tpu.memref_slice %arg7[%add3A_192, %dma_wait3A_193] : memref<80x128xi32, #tpu.memory_space<vmem>> -> memref<1x128xi32, #tpu.memory_space<vmem>>
      %dma_wait3A_195 = tpu.memref_squeeze %dma_wait3A_194 : memref<1x128xi32, #tpu.memory_space<vmem>> -> memref<128xi32, #tpu.memory_space<vmem>>
      %dma_wait3A_196 = arith.constant 0 : i32
      %dma_wait3A_197 = tpu.memref_slice %arg4[%dma_wait3A_196] : memref<10240xf32, #tpu.memory_space<vmem_shared>> -> memref<10240xf32, #tpu.memory_space<vmem_shared>>
      tpu.wait_indirect_dma semaphore(%arg8 : memref<!tpu.dma_semaphore, #tpu.memory_space<semaphore_mem>>) src(%arg6 : memref<128xf32, #tpu.memory_space<vmem>>) dst(%dma_wait3A_197 : memref<10240xf32, #tpu.memory_space<vmem_shared>>)
    }
    %scan3A_49 = arith.constant 10 : i32
    %barrier3A_50 = arith.constant 0 : index
    tpu.barrier barrier_id(%barrier3A_50)
    %mul3A_51 = arith.constant 640 : i32
    %mul3A_52 = arith.muli %arg1, %mul3A_51 : i32
    %mul3A_53 = arith.constant 640 : i32
    %mul3A_54 = arith.muli %arg1, %mul3A_53 : i32
    "tpu.region"() ({
      %run_scoped3A = tpu.sem_alloc : memref<!tpu.dma_semaphore, #tpu.memory_space<semaphore_mem>>
      %dma_start3A = tpu.memref_slice %arg3[%arg0, %mul3A_54] : memref<2x10240xf32, #tpu.memory_space<hbm>> -> memref<1x640xf32, #tpu.memory_space<hbm>>
      %dma_start3A_55 = tpu.memref_squeeze %dma_start3A : memref<1x640xf32, #tpu.memory_space<hbm>> -> memref<640xf32, #tpu.memory_space<hbm>>
      %dma_start3A_56 = tpu.memref_slice %arg4[%mul3A_52] : memref<10240xf32, #tpu.memory_space<vmem_shared>> -> memref<640xf32, #tpu.memory_space<vmem_shared>>
      tpu.enqueue_dma source(%dma_start3A_56 : memref<640xf32, #tpu.memory_space<vmem_shared>>) target(%dma_start3A_55 : memref<640xf32, #tpu.memory_space<hbm>>) target_semaphore(%run_scoped3A : memref<!tpu.dma_semaphore, #tpu.memory_space<semaphore_mem>>)
      %dma_wait3A = tpu.memref_slice %arg3[%arg0, %mul3A_54] : memref<2x10240xf32, #tpu.memory_space<hbm>> -> memref<1x640xf32, #tpu.memory_space<hbm>>
      %dma_wait3A_57 = tpu.memref_squeeze %dma_wait3A : memref<1x640xf32, #tpu.memory_space<hbm>> -> memref<640xf32, #tpu.memory_space<hbm>>
      %dma_wait3A_58 = tpu.memref_slice %arg4[%mul3A_52] : memref<10240xf32, #tpu.memory_space<vmem_shared>> -> memref<640xf32, #tpu.memory_space<vmem_shared>>
      tpu.wait_dma2 semaphore(%run_scoped3A : memref<!tpu.dma_semaphore, #tpu.memory_space<semaphore_mem>>) src(%dma_wait3A_58 : memref<640xf32, #tpu.memory_space<vmem_shared>>) dst(%dma_wait3A_57 : memref<640xf32, #tpu.memory_space<hbm>>)
      tpu.yield
    }) : () -> ()
    return
  }
}

#map = affine_map<(d0, d1) -> (0, 0)>
#map1 = affine_map<(d0, d1) -> (0, 0, 0)>
module attributes {stable_mosaic.version = 14 : i64} {
  func.func @_agg_body(%arg0: i32, %arg1: i32, %arg2: memref<10240x128xf32, #tpu.memory_space<hbm>>, %arg3: memref<2560x128xi32, #tpu.memory_space<hbm>>, %arg4: memref<2560x128xi32, #tpu.memory_space<hbm>>, %arg5: memref<2x10240x128xf32, #tpu.memory_space<hbm>>, %arg6: memref<10240x128xf32, #tpu.memory_space<vmem_shared>>, %arg7: memref<16x128xf32, #tpu.memory_space<vmem>>, %arg8: memref<40x128xi32, #tpu.memory_space<vmem>>, %arg9: memref<40x128xi32, #tpu.memory_space<vmem>>, %arg10: memref<128x128xf32, #tpu.memory_space<vmem>>, %arg11: memref<128x128xf32, #tpu.memory_space<vmem>>, %arg12: memref<!tpu.dma_semaphore, #tpu.memory_space<semaphore_mem>>, %arg13: memref<!tpu.dma_semaphore, #tpu.memory_space<semaphore_mem>>, %arg14: memref<!tpu.dma_semaphore, #tpu.memory_space<semaphore_mem>>, %arg15: memref<!tpu.dma_semaphore, #tpu.memory_space<semaphore_mem>>) attributes {dimension_semantics = [#tpu.dimension_semantics<core_parallel>, #tpu.dimension_semantics<subcore_parallel>], iteration_bounds = array<i64: 2, 16>, scalar_prefetch = 0 : i64, scratch_operands = 10 : i64, tpu.core_type = #tpu.core_type<sc_vector_subcore>, window_params = [{transform_indices = #map}, {transform_indices = #map}, {transform_indices = #map}, {transform_indices = #map1}]} {
    %mul3A = arith.constant 2 : i32
    %mul3A_0 = arith.muli %arg1, %mul3A : i32
    %add3A = arith.addi %mul3A_0, %arg0 : i32
    %broadcast_in_dim3A = arith.constant 0.000000e+00 : f32
    %broadcast_in_dim3A_1 = vector.broadcast %broadcast_in_dim3A : f32 to vector<16xf32>
    %scan3A = arith.constant 0 : i32
    %scan3A_2 = arith.constant 0 : i32
    %scan3A_3 = arith.constant 16 : i32
    %scan3A_4 = arith.addi %scan3A_2, %scan3A_3 : i32
    %scan3A_5 = arith.constant 1 : i32
    scf.for %scan3A_180 = %scan3A_2 to %scan3A_4 step %scan3A_5  : i32 {
      %swap3A = arith.index_cast %scan3A_180 : i32 to index
      %swap3A_181 = arith.constant 0 : index
      %swap3A_182 = tpu.vector_load %arg7[%swap3A, %swap3A_181] {strides = array<i32>} : memref<16x128xf32, #tpu.memory_space<vmem>>, vector<1x16xf32>,
      %swap3A_183 = vector.shape_cast %swap3A_182 : vector<1x16xf32> to vector<16xf32>
      %swap3A_184 = vector.shape_cast %broadcast_in_dim3A_1 : vector<16xf32> to vector<1x16xf32>
      tpu.vector_store %arg7[%swap3A, %swap3A_181], %swap3A_184 {strides = array<i32>} : memref<16x128xf32, #tpu.memory_space<vmem>>, vector<1x16xf32>,
      %swap3A_185 = arith.index_cast %scan3A_180 : i32 to index
      %swap3A_186 = arith.constant 16 : index
      %swap3A_187 = tpu.vector_load %arg7[%swap3A_185, %swap3A_186] {strides = array<i32>} : memref<16x128xf32, #tpu.memory_space<vmem>>, vector<1x16xf32>,
      %swap3A_188 = vector.shape_cast %swap3A_187 : vector<1x16xf32> to vector<16xf32>
      %swap3A_189 = vector.shape_cast %broadcast_in_dim3A_1 : vector<16xf32> to vector<1x16xf32>
      tpu.vector_store %arg7[%swap3A_185, %swap3A_186], %swap3A_189 {strides = array<i32>} : memref<16x128xf32, #tpu.memory_space<vmem>>, vector<1x16xf32>,
      %swap3A_190 = arith.index_cast %scan3A_180 : i32 to index
      %swap3A_191 = arith.constant 32 : index
      %swap3A_192 = tpu.vector_load %arg7[%swap3A_190, %swap3A_191] {strides = array<i32>} : memref<16x128xf32, #tpu.memory_space<vmem>>, vector<1x16xf32>,
      %swap3A_193 = vector.shape_cast %swap3A_192 : vector<1x16xf32> to vector<16xf32>
      %swap3A_194 = vector.shape_cast %broadcast_in_dim3A_1 : vector<16xf32> to vector<1x16xf32>
      tpu.vector_store %arg7[%swap3A_190, %swap3A_191], %swap3A_194 {strides = array<i32>} : memref<16x128xf32, #tpu.memory_space<vmem>>, vector<1x16xf32>,
      %swap3A_195 = arith.index_cast %scan3A_180 : i32 to index
      %swap3A_196 = arith.constant 48 : index
      %swap3A_197 = tpu.vector_load %arg7[%swap3A_195, %swap3A_196] {strides = array<i32>} : memref<16x128xf32, #tpu.memory_space<vmem>>, vector<1x16xf32>,
      %swap3A_198 = vector.shape_cast %swap3A_197 : vector<1x16xf32> to vector<16xf32>
      %swap3A_199 = vector.shape_cast %broadcast_in_dim3A_1 : vector<16xf32> to vector<1x16xf32>
      tpu.vector_store %arg7[%swap3A_195, %swap3A_196], %swap3A_199 {strides = array<i32>} : memref<16x128xf32, #tpu.memory_space<vmem>>, vector<1x16xf32>,
      %swap3A_200 = arith.index_cast %scan3A_180 : i32 to index
      %swap3A_201 = arith.constant 64 : index
      %swap3A_202 = tpu.vector_load %arg7[%swap3A_200, %swap3A_201] {strides = array<i32>} : memref<16x128xf32, #tpu.memory_space<vmem>>, vector<1x16xf32>,
      %swap3A_203 = vector.shape_cast %swap3A_202 : vector<1x16xf32> to vector<16xf32>
      %swap3A_204 = vector.shape_cast %broadcast_in_dim3A_1 : vector<16xf32> to vector<1x16xf32>
      tpu.vector_store %arg7[%swap3A_200, %swap3A_201], %swap3A_204 {strides = array<i32>} : memref<16x128xf32, #tpu.memory_space<vmem>>, vector<1x16xf32>,
      %swap3A_205 = arith.index_cast %scan3A_180 : i32 to index
      %swap3A_206 = arith.constant 80 : index
      %swap3A_207 = tpu.vector_load %arg7[%swap3A_205, %swap3A_206] {strides = array<i32>} : memref<16x128xf32, #tpu.memory_space<vmem>>, vector<1x16xf32>,
      %swap3A_208 = vector.shape_cast %swap3A_207 : vector<1x16xf32> to vector<16xf32>
      %swap3A_209 = vector.shape_cast %broadcast_in_dim3A_1 : vector<16xf32> to vector<1x16xf32>
      tpu.vector_store %arg7[%swap3A_205, %swap3A_206], %swap3A_209 {strides = array<i32>} : memref<16x128xf32, #tpu.memory_space<vmem>>, vector<1x16xf32>,
      %swap3A_210 = arith.index_cast %scan3A_180 : i32 to index
      %swap3A_211 = arith.constant 96 : index
      %swap3A_212 = tpu.vector_load %arg7[%swap3A_210, %swap3A_211] {strides = array<i32>} : memref<16x128xf32, #tpu.memory_space<vmem>>, vector<1x16xf32>,
      %swap3A_213 = vector.shape_cast %swap3A_212 : vector<1x16xf32> to vector<16xf32>
      %swap3A_214 = vector.shape_cast %broadcast_in_dim3A_1 : vector<16xf32> to vector<1x16xf32>
      tpu.vector_store %arg7[%swap3A_210, %swap3A_211], %swap3A_214 {strides = array<i32>} : memref<16x128xf32, #tpu.memory_space<vmem>>, vector<1x16xf32>,
      %swap3A_215 = arith.index_cast %scan3A_180 : i32 to index
      %swap3A_216 = arith.constant 112 : index
      %swap3A_217 = tpu.vector_load %arg7[%swap3A_215, %swap3A_216] {strides = array<i32>} : memref<16x128xf32, #tpu.memory_space<vmem>>, vector<1x16xf32>,
      %swap3A_218 = vector.shape_cast %swap3A_217 : vector<1x16xf32> to vector<16xf32>
      %swap3A_219 = vector.shape_cast %broadcast_in_dim3A_1 : vector<16xf32> to vector<1x16xf32>
      tpu.vector_store %arg7[%swap3A_215, %swap3A_216], %swap3A_219 {strides = array<i32>} : memref<16x128xf32, #tpu.memory_space<vmem>>, vector<1x16xf32>,
    }
    %scan3A_6 = arith.constant 16 : i32
    %mul3A_7 = arith.constant 640 : i32
    %mul3A_8 = arith.muli %arg1, %mul3A_7 : i32
    %add3A_9 = arith.constant 0 : i32
    %add3A_10 = arith.addi %mul3A_8, %add3A_9 : i32
    "tpu.region"() ({
      %run_scoped3A = tpu.sem_alloc : memref<!tpu.dma_semaphore, #tpu.memory_space<semaphore_mem>>
      %dma_start3A = arith.constant 0 : i32
      %dma_start3A_180 = tpu.memref_slice %arg6[%add3A_10, %dma_start3A] : memref<10240x128xf32, #tpu.memory_space<vmem_shared>> -> memref<16x128xf32, #tpu.memory_space<vmem_shared>>
      %dma_start3A_181 = arith.constant 0 : i32
      %dma_start3A_182 = tpu.memref_slice %arg6[%add3A_10, %dma_start3A_181] : memref<10240x128xf32, #tpu.memory_space<vmem_shared>> -> memref<16x128xf32, #tpu.memory_space<vmem_shared>>
      tpu.enqueue_dma source(%arg7 : memref<16x128xf32, #tpu.memory_space<vmem>>) target(%dma_start3A_182 : memref<16x128xf32, #tpu.memory_space<vmem_shared>>) target_semaphore(%run_scoped3A : memref<!tpu.dma_semaphore, #tpu.memory_space<semaphore_mem>>)
      %dma_wait3A = arith.constant 0 : i32
      %dma_wait3A_183 = tpu.memref_slice %arg6[%add3A_10, %dma_wait3A] : memref<10240x128xf32, #tpu.memory_space<vmem_shared>> -> memref<16x128xf32, #tpu.memory_space<vmem_shared>>
      %dma_wait3A_184 = arith.constant 0 : i32
      %dma_wait3A_185 = tpu.memref_slice %arg6[%add3A_10, %dma_wait3A_184] : memref<10240x128xf32, #tpu.memory_space<vmem_shared>> -> memref<16x128xf32, #tpu.memory_space<vmem_shared>>
      tpu.wait_dma2 semaphore(%run_scoped3A : memref<!tpu.dma_semaphore, #tpu.memory_space<semaphore_mem>>) src(%arg7 : memref<16x128xf32, #tpu.memory_space<vmem>>) dst(%dma_wait3A_185 : memref<16x128xf32, #tpu.memory_space<vmem_shared>>)
      tpu.yield
    }) : () -> ()
    %mul3A_11 = arith.constant 640 : i32
    %mul3A_12 = arith.muli %arg1, %mul3A_11 : i32
    %add3A_13 = arith.constant 16 : i32
    %add3A_14 = arith.addi %mul3A_12, %add3A_13 : i32
    "tpu.region"() ({
      %run_scoped3A = tpu.sem_alloc : memref<!tpu.dma_semaphore, #tpu.memory_space<semaphore_mem>>
      %dma_start3A = arith.constant 0 : i32
      %dma_start3A_180 = tpu.memref_slice %arg6[%add3A_14, %dma_start3A] : memref<10240x128xf32, #tpu.memory_space<vmem_shared>> -> memref<16x128xf32, #tpu.memory_space<vmem_shared>>
      %dma_start3A_181 = arith.constant 0 : i32
      %dma_start3A_182 = tpu.memref_slice %arg6[%add3A_14, %dma_start3A_181] : memref<10240x128xf32, #tpu.memory_space<vmem_shared>> -> memref<16x128xf32, #tpu.memory_space<vmem_shared>>
      tpu.enqueue_dma source(%arg7 : memref<16x128xf32, #tpu.memory_space<vmem>>) target(%dma_start3A_182 : memref<16x128xf32, #tpu.memory_space<vmem_shared>>) target_semaphore(%run_scoped3A : memref<!tpu.dma_semaphore, #tpu.memory_space<semaphore_mem>>)
      %dma_wait3A = arith.constant 0 : i32
      %dma_wait3A_183 = tpu.memref_slice %arg6[%add3A_14, %dma_wait3A] : memref<10240x128xf32, #tpu.memory_space<vmem_shared>> -> memref<16x128xf32, #tpu.memory_space<vmem_shared>>
      %dma_wait3A_184 = arith.constant 0 : i32
      %dma_wait3A_185 = tpu.memref_slice %arg6[%add3A_14, %dma_wait3A_184] : memref<10240x128xf32, #tpu.memory_space<vmem_shared>> -> memref<16x128xf32, #tpu.memory_space<vmem_shared>>
      tpu.wait_dma2 semaphore(%run_scoped3A : memref<!tpu.dma_semaphore, #tpu.memory_space<semaphore_mem>>) src(%arg7 : memref<16x128xf32, #tpu.memory_space<vmem>>) dst(%dma_wait3A_185 : memref<16x128xf32, #tpu.memory_space<vmem_shared>>)
      tpu.yield
    }) : () -> ()
    %mul3A_15 = arith.constant 640 : i32
    %mul3A_16 = arith.muli %arg1, %mul3A_15 : i32
    %add3A_17 = arith.constant 32 : i32
    %add3A_18 = arith.addi %mul3A_16, %add3A_17 : i32
    "tpu.region"() ({
      %run_scoped3A = tpu.sem_alloc : memref<!tpu.dma_semaphore, #tpu.memory_space<semaphore_mem>>
      %dma_start3A = arith.constant 0 : i32
      %dma_start3A_180 = tpu.memref_slice %arg6[%add3A_18, %dma_start3A] : memref<10240x128xf32, #tpu.memory_space<vmem_shared>> -> memref<16x128xf32, #tpu.memory_space<vmem_shared>>
      %dma_start3A_181 = arith.constant 0 : i32
      %dma_start3A_182 = tpu.memref_slice %arg6[%add3A_18, %dma_start3A_181] : memref<10240x128xf32, #tpu.memory_space<vmem_shared>> -> memref<16x128xf32, #tpu.memory_space<vmem_shared>>
      tpu.enqueue_dma source(%arg7 : memref<16x128xf32, #tpu.memory_space<vmem>>) target(%dma_start3A_182 : memref<16x128xf32, #tpu.memory_space<vmem_shared>>) target_semaphore(%run_scoped3A : memref<!tpu.dma_semaphore, #tpu.memory_space<semaphore_mem>>)
      %dma_wait3A = arith.constant 0 : i32
      %dma_wait3A_183 = tpu.memref_slice %arg6[%add3A_18, %dma_wait3A] : memref<10240x128xf32, #tpu.memory_space<vmem_shared>> -> memref<16x128xf32, #tpu.memory_space<vmem_shared>>
      %dma_wait3A_184 = arith.constant 0 : i32
      %dma_wait3A_185 = tpu.memref_slice %arg6[%add3A_18, %dma_wait3A_184] : memref<10240x128xf32, #tpu.memory_space<vmem_shared>> -> memref<16x128xf32, #tpu.memory_space<vmem_shared>>
      tpu.wait_dma2 semaphore(%run_scoped3A : memref<!tpu.dma_semaphore, #tpu.memory_space<semaphore_mem>>) src(%arg7 : memref<16x128xf32, #tpu.memory_space<vmem>>) dst(%dma_wait3A_185 : memref<16x128xf32, #tpu.memory_space<vmem_shared>>)
      tpu.yield
    }) : () -> ()
    %mul3A_19 = arith.constant 640 : i32
    %mul3A_20 = arith.muli %arg1, %mul3A_19 : i32
    %add3A_21 = arith.constant 48 : i32
    %add3A_22 = arith.addi %mul3A_20, %add3A_21 : i32
    "tpu.region"() ({
      %run_scoped3A = tpu.sem_alloc : memref<!tpu.dma_semaphore, #tpu.memory_space<semaphore_mem>>
      %dma_start3A = arith.constant 0 : i32
      %dma_start3A_180 = tpu.memref_slice %arg6[%add3A_22, %dma_start3A] : memref<10240x128xf32, #tpu.memory_space<vmem_shared>> -> memref<16x128xf32, #tpu.memory_space<vmem_shared>>
      %dma_start3A_181 = arith.constant 0 : i32
      %dma_start3A_182 = tpu.memref_slice %arg6[%add3A_22, %dma_start3A_181] : memref<10240x128xf32, #tpu.memory_space<vmem_shared>> -> memref<16x128xf32, #tpu.memory_space<vmem_shared>>
      tpu.enqueue_dma source(%arg7 : memref<16x128xf32, #tpu.memory_space<vmem>>) target(%dma_start3A_182 : memref<16x128xf32, #tpu.memory_space<vmem_shared>>) target_semaphore(%run_scoped3A : memref<!tpu.dma_semaphore, #tpu.memory_space<semaphore_mem>>)
      %dma_wait3A = arith.constant 0 : i32
      %dma_wait3A_183 = tpu.memref_slice %arg6[%add3A_22, %dma_wait3A] : memref<10240x128xf32, #tpu.memory_space<vmem_shared>> -> memref<16x128xf32, #tpu.memory_space<vmem_shared>>
      %dma_wait3A_184 = arith.constant 0 : i32
      %dma_wait3A_185 = tpu.memref_slice %arg6[%add3A_22, %dma_wait3A_184] : memref<10240x128xf32, #tpu.memory_space<vmem_shared>> -> memref<16x128xf32, #tpu.memory_space<vmem_shared>>
      tpu.wait_dma2 semaphore(%run_scoped3A : memref<!tpu.dma_semaphore, #tpu.memory_space<semaphore_mem>>) src(%arg7 : memref<16x128xf32, #tpu.memory_space<vmem>>) dst(%dma_wait3A_185 : memref<16x128xf32, #tpu.memory_space<vmem_shared>>)
      tpu.yield
    }) : () -> ()
    %mul3A_23 = arith.constant 640 : i32
    %mul3A_24 = arith.muli %arg1, %mul3A_23 : i32
    %add3A_25 = arith.constant 64 : i32
    %add3A_26 = arith.addi %mul3A_24, %add3A_25 : i32
    "tpu.region"() ({
      %run_scoped3A = tpu.sem_alloc : memref<!tpu.dma_semaphore, #tpu.memory_space<semaphore_mem>>
      %dma_start3A = arith.constant 0 : i32
      %dma_start3A_180 = tpu.memref_slice %arg6[%add3A_26, %dma_start3A] : memref<10240x128xf32, #tpu.memory_space<vmem_shared>> -> memref<16x128xf32, #tpu.memory_space<vmem_shared>>
      %dma_start3A_181 = arith.constant 0 : i32
      %dma_start3A_182 = tpu.memref_slice %arg6[%add3A_26, %dma_start3A_181] : memref<10240x128xf32, #tpu.memory_space<vmem_shared>> -> memref<16x128xf32, #tpu.memory_space<vmem_shared>>
      tpu.enqueue_dma source(%arg7 : memref<16x128xf32, #tpu.memory_space<vmem>>) target(%dma_start3A_182 : memref<16x128xf32, #tpu.memory_space<vmem_shared>>) target_semaphore(%run_scoped3A : memref<!tpu.dma_semaphore, #tpu.memory_space<semaphore_mem>>)
      %dma_wait3A = arith.constant 0 : i32
      %dma_wait3A_183 = tpu.memref_slice %arg6[%add3A_26, %dma_wait3A] : memref<10240x128xf32, #tpu.memory_space<vmem_shared>> -> memref<16x128xf32, #tpu.memory_space<vmem_shared>>
      %dma_wait3A_184 = arith.constant 0 : i32
      %dma_wait3A_185 = tpu.memref_slice %arg6[%add3A_26, %dma_wait3A_184] : memref<10240x128xf32, #tpu.memory_space<vmem_shared>> -> memref<16x128xf32, #tpu.memory_space<vmem_shared>>
      tpu.wait_dma2 semaphore(%run_scoped3A : memref<!tpu.dma_semaphore, #tpu.memory_space<semaphore_mem>>) src(%arg7 : memref<16x128xf32, #tpu.memory_space<vmem>>) dst(%dma_wait3A_185 : memref<16x128xf32, #tpu.memory_space<vmem_shared>>)
      tpu.yield
    }) : () -> ()
    %mul3A_27 = arith.constant 640 : i32
    %mul3A_28 = arith.muli %arg1, %mul3A_27 : i32
    %add3A_29 = arith.constant 80 : i32
    %add3A_30 = arith.addi %mul3A_28, %add3A_29 : i32
    "tpu.region"() ({
      %run_scoped3A = tpu.sem_alloc : memref<!tpu.dma_semaphore, #tpu.memory_space<semaphore_mem>>
      %dma_start3A = arith.constant 0 : i32
      %dma_start3A_180 = tpu.memref_slice %arg6[%add3A_30, %dma_start3A] : memref<10240x128xf32, #tpu.memory_space<vmem_shared>> -> memref<16x128xf32, #tpu.memory_space<vmem_shared>>
      %dma_start3A_181 = arith.constant 0 : i32
      %dma_start3A_182 = tpu.memref_slice %arg6[%add3A_30, %dma_start3A_181] : memref<10240x128xf32, #tpu.memory_space<vmem_shared>> -> memref<16x128xf32, #tpu.memory_space<vmem_shared>>
      tpu.enqueue_dma source(%arg7 : memref<16x128xf32, #tpu.memory_space<vmem>>) target(%dma_start3A_182 : memref<16x128xf32, #tpu.memory_space<vmem_shared>>) target_semaphore(%run_scoped3A : memref<!tpu.dma_semaphore, #tpu.memory_space<semaphore_mem>>)
      %dma_wait3A = arith.constant 0 : i32
      %dma_wait3A_183 = tpu.memref_slice %arg6[%add3A_30, %dma_wait3A] : memref<10240x128xf32, #tpu.memory_space<vmem_shared>> -> memref<16x128xf32, #tpu.memory_space<vmem_shared>>
      %dma_wait3A_184 = arith.constant 0 : i32
      %dma_wait3A_185 = tpu.memref_slice %arg6[%add3A_30, %dma_wait3A_184] : memref<10240x128xf32, #tpu.memory_space<vmem_shared>> -> memref<16x128xf32, #tpu.memory_space<vmem_shared>>
      tpu.wait_dma2 semaphore(%run_scoped3A : memref<!tpu.dma_semaphore, #tpu.memory_space<semaphore_mem>>) src(%arg7 : memref<16x128xf32, #tpu.memory_space<vmem>>) dst(%dma_wait3A_185 : memref<16x128xf32, #tpu.memory_space<vmem_shared>>)
      tpu.yield
    }) : () -> ()
    %mul3A_31 = arith.constant 640 : i32
    %mul3A_32 = arith.muli %arg1, %mul3A_31 : i32
    %add3A_33 = arith.constant 96 : i32
    %add3A_34 = arith.addi %mul3A_32, %add3A_33 : i32
    "tpu.region"() ({
      %run_scoped3A = tpu.sem_alloc : memref<!tpu.dma_semaphore, #tpu.memory_space<semaphore_mem>>
      %dma_start3A = arith.constant 0 : i32
      %dma_start3A_180 = tpu.memref_slice %arg6[%add3A_34, %dma_start3A] : memref<10240x128xf32, #tpu.memory_space<vmem_shared>> -> memref<16x128xf32, #tpu.memory_space<vmem_shared>>
      %dma_start3A_181 = arith.constant 0 : i32
      %dma_start3A_182 = tpu.memref_slice %arg6[%add3A_34, %dma_start3A_181] : memref<10240x128xf32, #tpu.memory_space<vmem_shared>> -> memref<16x128xf32, #tpu.memory_space<vmem_shared>>
      tpu.enqueue_dma source(%arg7 : memref<16x128xf32, #tpu.memory_space<vmem>>) target(%dma_start3A_182 : memref<16x128xf32, #tpu.memory_space<vmem_shared>>) target_semaphore(%run_scoped3A : memref<!tpu.dma_semaphore, #tpu.memory_space<semaphore_mem>>)
      %dma_wait3A = arith.constant 0 : i32
      %dma_wait3A_183 = tpu.memref_slice %arg6[%add3A_34, %dma_wait3A] : memref<10240x128xf32, #tpu.memory_space<vmem_shared>> -> memref<16x128xf32, #tpu.memory_space<vmem_shared>>
      %dma_wait3A_184 = arith.constant 0 : i32
      %dma_wait3A_185 = tpu.memref_slice %arg6[%add3A_34, %dma_wait3A_184] : memref<10240x128xf32, #tpu.memory_space<vmem_shared>> -> memref<16x128xf32, #tpu.memory_space<vmem_shared>>
      tpu.wait_dma2 semaphore(%run_scoped3A : memref<!tpu.dma_semaphore, #tpu.memory_space<semaphore_mem>>) src(%arg7 : memref<16x128xf32, #tpu.memory_space<vmem>>) dst(%dma_wait3A_185 : memref<16x128xf32, #tpu.memory_space<vmem_shared>>)
      tpu.yield
    }) : () -> ()
    %mul3A_35 = arith.constant 640 : i32
    %mul3A_36 = arith.muli %arg1, %mul3A_35 : i32
    %add3A_37 = arith.constant 112 : i32
    %add3A_38 = arith.addi %mul3A_36, %add3A_37 : i32
    "tpu.region"() ({
      %run_scoped3A = tpu.sem_alloc : memref<!tpu.dma_semaphore, #tpu.memory_space<semaphore_mem>>
      %dma_start3A = arith.constant 0 : i32
      %dma_start3A_180 = tpu.memref_slice %arg6[%add3A_38, %dma_start3A] : memref<10240x128xf32, #tpu.memory_space<vmem_shared>> -> memref<16x128xf32, #tpu.memory_space<vmem_shared>>
      %dma_start3A_181 = arith.constant 0 : i32
      %dma_start3A_182 = tpu.memref_slice %arg6[%add3A_38, %dma_start3A_181] : memref<10240x128xf32, #tpu.memory_space<vmem_shared>> -> memref<16x128xf32, #tpu.memory_space<vmem_shared>>
      tpu.enqueue_dma source(%arg7 : memref<16x128xf32, #tpu.memory_space<vmem>>) target(%dma_start3A_182 : memref<16x128xf32, #tpu.memory_space<vmem_shared>>) target_semaphore(%run_scoped3A : memref<!tpu.dma_semaphore, #tpu.memory_space<semaphore_mem>>)
      %dma_wait3A = arith.constant 0 : i32
      %dma_wait3A_183 = tpu.memref_slice %arg6[%add3A_38, %dma_wait3A] : memref<10240x128xf32, #tpu.memory_space<vmem_shared>> -> memref<16x128xf32, #tpu.memory_space<vmem_shared>>
      %dma_wait3A_184 = arith.constant 0 : i32
      %dma_wait3A_185 = tpu.memref_slice %arg6[%add3A_38, %dma_wait3A_184] : memref<10240x128xf32, #tpu.memory_space<vmem_shared>> -> memref<16x128xf32, #tpu.memory_space<vmem_shared>>
      tpu.wait_dma2 semaphore(%run_scoped3A : memref<!tpu.dma_semaphore, #tpu.memory_space<semaphore_mem>>) src(%arg7 : memref<16x128xf32, #tpu.memory_space<vmem>>) dst(%dma_wait3A_185 : memref<16x128xf32, #tpu.memory_space<vmem_shared>>)
      tpu.yield
    }) : () -> ()
    %mul3A_39 = arith.constant 640 : i32
    %mul3A_40 = arith.muli %arg1, %mul3A_39 : i32
    %add3A_41 = arith.constant 128 : i32
    %add3A_42 = arith.addi %mul3A_40, %add3A_41 : i32
    "tpu.region"() ({
      %run_scoped3A = tpu.sem_alloc : memref<!tpu.dma_semaphore, #tpu.memory_space<semaphore_mem>>
      %dma_start3A = arith.constant 0 : i32
      %dma_start3A_180 = tpu.memref_slice %arg6[%add3A_42, %dma_start3A] : memref<10240x128xf32, #tpu.memory_space<vmem_shared>> -> memref<16x128xf32, #tpu.memory_space<vmem_shared>>
      %dma_start3A_181 = arith.constant 0 : i32
      %dma_start3A_182 = tpu.memref_slice %arg6[%add3A_42, %dma_start3A_181] : memref<10240x128xf32, #tpu.memory_space<vmem_shared>> -> memref<16x128xf32, #tpu.memory_space<vmem_shared>>
      tpu.enqueue_dma source(%arg7 : memref<16x128xf32, #tpu.memory_space<vmem>>) target(%dma_start3A_182 : memref<16x128xf32, #tpu.memory_space<vmem_shared>>) target_semaphore(%run_scoped3A : memref<!tpu.dma_semaphore, #tpu.memory_space<semaphore_mem>>)
      %dma_wait3A = arith.constant 0 : i32
      %dma_wait3A_183 = tpu.memref_slice %arg6[%add3A_42, %dma_wait3A] : memref<10240x128xf32, #tpu.memory_space<vmem_shared>> -> memref<16x128xf32, #tpu.memory_space<vmem_shared>>
      %dma_wait3A_184 = arith.constant 0 : i32
      %dma_wait3A_185 = tpu.memref_slice %arg6[%add3A_42, %dma_wait3A_184] : memref<10240x128xf32, #tpu.memory_space<vmem_shared>> -> memref<16x128xf32, #tpu.memory_space<vmem_shared>>
      tpu.wait_dma2 semaphore(%run_scoped3A : memref<!tpu.dma_semaphore, #tpu.memory_space<semaphore_mem>>) src(%arg7 : memref<16x128xf32, #tpu.memory_space<vmem>>) dst(%dma_wait3A_185 : memref<16x128xf32, #tpu.memory_space<vmem_shared>>)
      tpu.yield
    }) : () -> ()
    %mul3A_43 = arith.constant 640 : i32
    %mul3A_44 = arith.muli %arg1, %mul3A_43 : i32
    %add3A_45 = arith.constant 144 : i32
    %add3A_46 = arith.addi %mul3A_44, %add3A_45 : i32
    "tpu.region"() ({
      %run_scoped3A = tpu.sem_alloc : memref<!tpu.dma_semaphore, #tpu.memory_space<semaphore_mem>>
      %dma_start3A = arith.constant 0 : i32
      %dma_start3A_180 = tpu.memref_slice %arg6[%add3A_46, %dma_start3A] : memref<10240x128xf32, #tpu.memory_space<vmem_shared>> -> memref<16x128xf32, #tpu.memory_space<vmem_shared>>
      %dma_start3A_181 = arith.constant 0 : i32
      %dma_start3A_182 = tpu.memref_slice %arg6[%add3A_46, %dma_start3A_181] : memref<10240x128xf32, #tpu.memory_space<vmem_shared>> -> memref<16x128xf32, #tpu.memory_space<vmem_shared>>
      tpu.enqueue_dma source(%arg7 : memref<16x128xf32, #tpu.memory_space<vmem>>) target(%dma_start3A_182 : memref<16x128xf32, #tpu.memory_space<vmem_shared>>) target_semaphore(%run_scoped3A : memref<!tpu.dma_semaphore, #tpu.memory_space<semaphore_mem>>)
      %dma_wait3A = arith.constant 0 : i32
      %dma_wait3A_183 = tpu.memref_slice %arg6[%add3A_46, %dma_wait3A] : memref<10240x128xf32, #tpu.memory_space<vmem_shared>> -> memref<16x128xf32, #tpu.memory_space<vmem_shared>>
      %dma_wait3A_184 = arith.constant 0 : i32
      %dma_wait3A_185 = tpu.memref_slice %arg6[%add3A_46, %dma_wait3A_184] : memref<10240x128xf32, #tpu.memory_space<vmem_shared>> -> memref<16x128xf32, #tpu.memory_space<vmem_shared>>
      tpu.wait_dma2 semaphore(%run_scoped3A : memref<!tpu.dma_semaphore, #tpu.memory_space<semaphore_mem>>) src(%arg7 : memref<16x128xf32, #tpu.memory_space<vmem>>) dst(%dma_wait3A_185 : memref<16x128xf32, #tpu.memory_space<vmem_shared>>)
      tpu.yield
    }) : () -> ()
    %mul3A_47 = arith.constant 640 : i32
    %mul3A_48 = arith.muli %arg1, %mul3A_47 : i32
    %add3A_49 = arith.constant 160 : i32
    %add3A_50 = arith.addi %mul3A_48, %add3A_49 : i32
    "tpu.region"() ({
      %run_scoped3A = tpu.sem_alloc : memref<!tpu.dma_semaphore, #tpu.memory_space<semaphore_mem>>
      %dma_start3A = arith.constant 0 : i32
      %dma_start3A_180 = tpu.memref_slice %arg6[%add3A_50, %dma_start3A] : memref<10240x128xf32, #tpu.memory_space<vmem_shared>> -> memref<16x128xf32, #tpu.memory_space<vmem_shared>>
      %dma_start3A_181 = arith.constant 0 : i32
      %dma_start3A_182 = tpu.memref_slice %arg6[%add3A_50, %dma_start3A_181] : memref<10240x128xf32, #tpu.memory_space<vmem_shared>> -> memref<16x128xf32, #tpu.memory_space<vmem_shared>>
      tpu.enqueue_dma source(%arg7 : memref<16x128xf32, #tpu.memory_space<vmem>>) target(%dma_start3A_182 : memref<16x128xf32, #tpu.memory_space<vmem_shared>>) target_semaphore(%run_scoped3A : memref<!tpu.dma_semaphore, #tpu.memory_space<semaphore_mem>>)
      %dma_wait3A = arith.constant 0 : i32
      %dma_wait3A_183 = tpu.memref_slice %arg6[%add3A_50, %dma_wait3A] : memref<10240x128xf32, #tpu.memory_space<vmem_shared>> -> memref<16x128xf32, #tpu.memory_space<vmem_shared>>
      %dma_wait3A_184 = arith.constant 0 : i32
      %dma_wait3A_185 = tpu.memref_slice %arg6[%add3A_50, %dma_wait3A_184] : memref<10240x128xf32, #tpu.memory_space<vmem_shared>> -> memref<16x128xf32, #tpu.memory_space<vmem_shared>>
      tpu.wait_dma2 semaphore(%run_scoped3A : memref<!tpu.dma_semaphore, #tpu.memory_space<semaphore_mem>>) src(%arg7 : memref<16x128xf32, #tpu.memory_space<vmem>>) dst(%dma_wait3A_185 : memref<16x128xf32, #tpu.memory_space<vmem_shared>>)
      tpu.yield
    }) : () -> ()
    %mul3A_51 = arith.constant 640 : i32
    %mul3A_52 = arith.muli %arg1, %mul3A_51 : i32
    %add3A_53 = arith.constant 176 : i32
    %add3A_54 = arith.addi %mul3A_52, %add3A_53 : i32
    "tpu.region"() ({
      %run_scoped3A = tpu.sem_alloc : memref<!tpu.dma_semaphore, #tpu.memory_space<semaphore_mem>>
      %dma_start3A = arith.constant 0 : i32
      %dma_start3A_180 = tpu.memref_slice %arg6[%add3A_54, %dma_start3A] : memref<10240x128xf32, #tpu.memory_space<vmem_shared>> -> memref<16x128xf32, #tpu.memory_space<vmem_shared>>
      %dma_start3A_181 = arith.constant 0 : i32
      %dma_start3A_182 = tpu.memref_slice %arg6[%add3A_54, %dma_start3A_181] : memref<10240x128xf32, #tpu.memory_space<vmem_shared>> -> memref<16x128xf32, #tpu.memory_space<vmem_shared>>
      tpu.enqueue_dma source(%arg7 : memref<16x128xf32, #tpu.memory_space<vmem>>) target(%dma_start3A_182 : memref<16x128xf32, #tpu.memory_space<vmem_shared>>) target_semaphore(%run_scoped3A : memref<!tpu.dma_semaphore, #tpu.memory_space<semaphore_mem>>)
      %dma_wait3A = arith.constant 0 : i32
      %dma_wait3A_183 = tpu.memref_slice %arg6[%add3A_54, %dma_wait3A] : memref<10240x128xf32, #tpu.memory_space<vmem_shared>> -> memref<16x128xf32, #tpu.memory_space<vmem_shared>>
      %dma_wait3A_184 = arith.constant 0 : i32
      %dma_wait3A_185 = tpu.memref_slice %arg6[%add3A_54, %dma_wait3A_184] : memref<10240x128xf32, #tpu.memory_space<vmem_shared>> -> memref<16x128xf32, #tpu.memory_space<vmem_shared>>
      tpu.wait_dma2 semaphore(%run_scoped3A : memref<!tpu.dma_semaphore, #tpu.memory_space<semaphore_mem>>) src(%arg7 : memref<16x128xf32, #tpu.memory_space<vmem>>) dst(%dma_wait3A_185 : memref<16x128xf32, #tpu.memory_space<vmem_shared>>)
      tpu.yield
    }) : () -> ()
    %mul3A_55 = arith.constant 640 : i32
    %mul3A_56 = arith.muli %arg1, %mul3A_55 : i32
    %add3A_57 = arith.constant 192 : i32
    %add3A_58 = arith.addi %mul3A_56, %add3A_57 : i32
    "tpu.region"() ({
      %run_scoped3A = tpu.sem_alloc : memref<!tpu.dma_semaphore, #tpu.memory_space<semaphore_mem>>
      %dma_start3A = arith.constant 0 : i32
      %dma_start3A_180 = tpu.memref_slice %arg6[%add3A_58, %dma_start3A] : memref<10240x128xf32, #tpu.memory_space<vmem_shared>> -> memref<16x128xf32, #tpu.memory_space<vmem_shared>>
      %dma_start3A_181 = arith.constant 0 : i32
      %dma_start3A_182 = tpu.memref_slice %arg6[%add3A_58, %dma_start3A_181] : memref<10240x128xf32, #tpu.memory_space<vmem_shared>> -> memref<16x128xf32, #tpu.memory_space<vmem_shared>>
      tpu.enqueue_dma source(%arg7 : memref<16x128xf32, #tpu.memory_space<vmem>>) target(%dma_start3A_182 : memref<16x128xf32, #tpu.memory_space<vmem_shared>>) target_semaphore(%run_scoped3A : memref<!tpu.dma_semaphore, #tpu.memory_space<semaphore_mem>>)
      %dma_wait3A = arith.constant 0 : i32
      %dma_wait3A_183 = tpu.memref_slice %arg6[%add3A_58, %dma_wait3A] : memref<10240x128xf32, #tpu.memory_space<vmem_shared>> -> memref<16x128xf32, #tpu.memory_space<vmem_shared>>
      %dma_wait3A_184 = arith.constant 0 : i32
      %dma_wait3A_185 = tpu.memref_slice %arg6[%add3A_58, %dma_wait3A_184] : memref<10240x128xf32, #tpu.memory_space<vmem_shared>> -> memref<16x128xf32, #tpu.memory_space<vmem_shared>>
      tpu.wait_dma2 semaphore(%run_scoped3A : memref<!tpu.dma_semaphore, #tpu.memory_space<semaphore_mem>>) src(%arg7 : memref<16x128xf32, #tpu.memory_space<vmem>>) dst(%dma_wait3A_185 : memref<16x128xf32, #tpu.memory_space<vmem_shared>>)
      tpu.yield
    }) : () -> ()
    %mul3A_59 = arith.constant 640 : i32
    %mul3A_60 = arith.muli %arg1, %mul3A_59 : i32
    %add3A_61 = arith.constant 208 : i32
    %add3A_62 = arith.addi %mul3A_60, %add3A_61 : i32
    "tpu.region"() ({
      %run_scoped3A = tpu.sem_alloc : memref<!tpu.dma_semaphore, #tpu.memory_space<semaphore_mem>>
      %dma_start3A = arith.constant 0 : i32
      %dma_start3A_180 = tpu.memref_slice %arg6[%add3A_62, %dma_start3A] : memref<10240x128xf32, #tpu.memory_space<vmem_shared>> -> memref<16x128xf32, #tpu.memory_space<vmem_shared>>
      %dma_start3A_181 = arith.constant 0 : i32
      %dma_start3A_182 = tpu.memref_slice %arg6[%add3A_62, %dma_start3A_181] : memref<10240x128xf32, #tpu.memory_space<vmem_shared>> -> memref<16x128xf32, #tpu.memory_space<vmem_shared>>
      tpu.enqueue_dma source(%arg7 : memref<16x128xf32, #tpu.memory_space<vmem>>) target(%dma_start3A_182 : memref<16x128xf32, #tpu.memory_space<vmem_shared>>) target_semaphore(%run_scoped3A : memref<!tpu.dma_semaphore, #tpu.memory_space<semaphore_mem>>)
      %dma_wait3A = arith.constant 0 : i32
      %dma_wait3A_183 = tpu.memref_slice %arg6[%add3A_62, %dma_wait3A] : memref<10240x128xf32, #tpu.memory_space<vmem_shared>> -> memref<16x128xf32, #tpu.memory_space<vmem_shared>>
      %dma_wait3A_184 = arith.constant 0 : i32
      %dma_wait3A_185 = tpu.memref_slice %arg6[%add3A_62, %dma_wait3A_184] : memref<10240x128xf32, #tpu.memory_space<vmem_shared>> -> memref<16x128xf32, #tpu.memory_space<vmem_shared>>
      tpu.wait_dma2 semaphore(%run_scoped3A : memref<!tpu.dma_semaphore, #tpu.memory_space<semaphore_mem>>) src(%arg7 : memref<16x128xf32, #tpu.memory_space<vmem>>) dst(%dma_wait3A_185 : memref<16x128xf32, #tpu.memory_space<vmem_shared>>)
      tpu.yield
    }) : () -> ()
    %mul3A_63 = arith.constant 640 : i32
    %mul3A_64 = arith.muli %arg1, %mul3A_63 : i32
    %add3A_65 = arith.constant 224 : i32
    %add3A_66 = arith.addi %mul3A_64, %add3A_65 : i32
    "tpu.region"() ({
      %run_scoped3A = tpu.sem_alloc : memref<!tpu.dma_semaphore, #tpu.memory_space<semaphore_mem>>
      %dma_start3A = arith.constant 0 : i32
      %dma_start3A_180 = tpu.memref_slice %arg6[%add3A_66, %dma_start3A] : memref<10240x128xf32, #tpu.memory_space<vmem_shared>> -> memref<16x128xf32, #tpu.memory_space<vmem_shared>>
      %dma_start3A_181 = arith.constant 0 : i32
      %dma_start3A_182 = tpu.memref_slice %arg6[%add3A_66, %dma_start3A_181] : memref<10240x128xf32, #tpu.memory_space<vmem_shared>> -> memref<16x128xf32, #tpu.memory_space<vmem_shared>>
      tpu.enqueue_dma source(%arg7 : memref<16x128xf32, #tpu.memory_space<vmem>>) target(%dma_start3A_182 : memref<16x128xf32, #tpu.memory_space<vmem_shared>>) target_semaphore(%run_scoped3A : memref<!tpu.dma_semaphore, #tpu.memory_space<semaphore_mem>>)
      %dma_wait3A = arith.constant 0 : i32
      %dma_wait3A_183 = tpu.memref_slice %arg6[%add3A_66, %dma_wait3A] : memref<10240x128xf32, #tpu.memory_space<vmem_shared>> -> memref<16x128xf32, #tpu.memory_space<vmem_shared>>
      %dma_wait3A_184 = arith.constant 0 : i32
      %dma_wait3A_185 = tpu.memref_slice %arg6[%add3A_66, %dma_wait3A_184] : memref<10240x128xf32, #tpu.memory_space<vmem_shared>> -> memref<16x128xf32, #tpu.memory_space<vmem_shared>>
      tpu.wait_dma2 semaphore(%run_scoped3A : memref<!tpu.dma_semaphore, #tpu.memory_space<semaphore_mem>>) src(%arg7 : memref<16x128xf32, #tpu.memory_space<vmem>>) dst(%dma_wait3A_185 : memref<16x128xf32, #tpu.memory_space<vmem_shared>>)
      tpu.yield
    }) : () -> ()
    %mul3A_67 = arith.constant 640 : i32
    %mul3A_68 = arith.muli %arg1, %mul3A_67 : i32
    %add3A_69 = arith.constant 240 : i32
    %add3A_70 = arith.addi %mul3A_68, %add3A_69 : i32
    "tpu.region"() ({
      %run_scoped3A = tpu.sem_alloc : memref<!tpu.dma_semaphore, #tpu.memory_space<semaphore_mem>>
      %dma_start3A = arith.constant 0 : i32
      %dma_start3A_180 = tpu.memref_slice %arg6[%add3A_70, %dma_start3A] : memref<10240x128xf32, #tpu.memory_space<vmem_shared>> -> memref<16x128xf32, #tpu.memory_space<vmem_shared>>
      %dma_start3A_181 = arith.constant 0 : i32
      %dma_start3A_182 = tpu.memref_slice %arg6[%add3A_70, %dma_start3A_181] : memref<10240x128xf32, #tpu.memory_space<vmem_shared>> -> memref<16x128xf32, #tpu.memory_space<vmem_shared>>
      tpu.enqueue_dma source(%arg7 : memref<16x128xf32, #tpu.memory_space<vmem>>) target(%dma_start3A_182 : memref<16x128xf32, #tpu.memory_space<vmem_shared>>) target_semaphore(%run_scoped3A : memref<!tpu.dma_semaphore, #tpu.memory_space<semaphore_mem>>)
      %dma_wait3A = arith.constant 0 : i32
      %dma_wait3A_183 = tpu.memref_slice %arg6[%add3A_70, %dma_wait3A] : memref<10240x128xf32, #tpu.memory_space<vmem_shared>> -> memref<16x128xf32, #tpu.memory_space<vmem_shared>>
      %dma_wait3A_184 = arith.constant 0 : i32
      %dma_wait3A_185 = tpu.memref_slice %arg6[%add3A_70, %dma_wait3A_184] : memref<10240x128xf32, #tpu.memory_space<vmem_shared>> -> memref<16x128xf32, #tpu.memory_space<vmem_shared>>
      tpu.wait_dma2 semaphore(%run_scoped3A : memref<!tpu.dma_semaphore, #tpu.memory_space<semaphore_mem>>) src(%arg7 : memref<16x128xf32, #tpu.memory_space<vmem>>) dst(%dma_wait3A_185 : memref<16x128xf32, #tpu.memory_space<vmem_shared>>)
      tpu.yield
    }) : () -> ()
    %mul3A_71 = arith.constant 640 : i32
    %mul3A_72 = arith.muli %arg1, %mul3A_71 : i32
    %add3A_73 = arith.constant 256 : i32
    %add3A_74 = arith.addi %mul3A_72, %add3A_73 : i32
    "tpu.region"() ({
      %run_scoped3A = tpu.sem_alloc : memref<!tpu.dma_semaphore, #tpu.memory_space<semaphore_mem>>
      %dma_start3A = arith.constant 0 : i32
      %dma_start3A_180 = tpu.memref_slice %arg6[%add3A_74, %dma_start3A] : memref<10240x128xf32, #tpu.memory_space<vmem_shared>> -> memref<16x128xf32, #tpu.memory_space<vmem_shared>>
      %dma_start3A_181 = arith.constant 0 : i32
      %dma_start3A_182 = tpu.memref_slice %arg6[%add3A_74, %dma_start3A_181] : memref<10240x128xf32, #tpu.memory_space<vmem_shared>> -> memref<16x128xf32, #tpu.memory_space<vmem_shared>>
      tpu.enqueue_dma source(%arg7 : memref<16x128xf32, #tpu.memory_space<vmem>>) target(%dma_start3A_182 : memref<16x128xf32, #tpu.memory_space<vmem_shared>>) target_semaphore(%run_scoped3A : memref<!tpu.dma_semaphore, #tpu.memory_space<semaphore_mem>>)
      %dma_wait3A = arith.constant 0 : i32
      %dma_wait3A_183 = tpu.memref_slice %arg6[%add3A_74, %dma_wait3A] : memref<10240x128xf32, #tpu.memory_space<vmem_shared>> -> memref<16x128xf32, #tpu.memory_space<vmem_shared>>
      %dma_wait3A_184 = arith.constant 0 : i32
      %dma_wait3A_185 = tpu.memref_slice %arg6[%add3A_74, %dma_wait3A_184] : memref<10240x128xf32, #tpu.memory_space<vmem_shared>> -> memref<16x128xf32, #tpu.memory_space<vmem_shared>>
      tpu.wait_dma2 semaphore(%run_scoped3A : memref<!tpu.dma_semaphore, #tpu.memory_space<semaphore_mem>>) src(%arg7 : memref<16x128xf32, #tpu.memory_space<vmem>>) dst(%dma_wait3A_185 : memref<16x128xf32, #tpu.memory_space<vmem_shared>>)
      tpu.yield
    }) : () -> ()
    %mul3A_75 = arith.constant 640 : i32
    %mul3A_76 = arith.muli %arg1, %mul3A_75 : i32
    %add3A_77 = arith.constant 272 : i32
    %add3A_78 = arith.addi %mul3A_76, %add3A_77 : i32
    "tpu.region"() ({
      %run_scoped3A = tpu.sem_alloc : memref<!tpu.dma_semaphore, #tpu.memory_space<semaphore_mem>>
      %dma_start3A = arith.constant 0 : i32
      %dma_start3A_180 = tpu.memref_slice %arg6[%add3A_78, %dma_start3A] : memref<10240x128xf32, #tpu.memory_space<vmem_shared>> -> memref<16x128xf32, #tpu.memory_space<vmem_shared>>
      %dma_start3A_181 = arith.constant 0 : i32
      %dma_start3A_182 = tpu.memref_slice %arg6[%add3A_78, %dma_start3A_181] : memref<10240x128xf32, #tpu.memory_space<vmem_shared>> -> memref<16x128xf32, #tpu.memory_space<vmem_shared>>
      tpu.enqueue_dma source(%arg7 : memref<16x128xf32, #tpu.memory_space<vmem>>) target(%dma_start3A_182 : memref<16x128xf32, #tpu.memory_space<vmem_shared>>) target_semaphore(%run_scoped3A : memref<!tpu.dma_semaphore, #tpu.memory_space<semaphore_mem>>)
      %dma_wait3A = arith.constant 0 : i32
      %dma_wait3A_183 = tpu.memref_slice %arg6[%add3A_78, %dma_wait3A] : memref<10240x128xf32, #tpu.memory_space<vmem_shared>> -> memref<16x128xf32, #tpu.memory_space<vmem_shared>>
      %dma_wait3A_184 = arith.constant 0 : i32
      %dma_wait3A_185 = tpu.memref_slice %arg6[%add3A_78, %dma_wait3A_184] : memref<10240x128xf32, #tpu.memory_space<vmem_shared>> -> memref<16x128xf32, #tpu.memory_space<vmem_shared>>
      tpu.wait_dma2 semaphore(%run_scoped3A : memref<!tpu.dma_semaphore, #tpu.memory_space<semaphore_mem>>) src(%arg7 : memref<16x128xf32, #tpu.memory_space<vmem>>) dst(%dma_wait3A_185 : memref<16x128xf32, #tpu.memory_space<vmem_shared>>)
      tpu.yield
    }) : () -> ()
    %mul3A_79 = arith.constant 640 : i32
    %mul3A_80 = arith.muli %arg1, %mul3A_79 : i32
    %add3A_81 = arith.constant 288 : i32
    %add3A_82 = arith.addi %mul3A_80, %add3A_81 : i32
    "tpu.region"() ({
      %run_scoped3A = tpu.sem_alloc : memref<!tpu.dma_semaphore, #tpu.memory_space<semaphore_mem>>
      %dma_start3A = arith.constant 0 : i32
      %dma_start3A_180 = tpu.memref_slice %arg6[%add3A_82, %dma_start3A] : memref<10240x128xf32, #tpu.memory_space<vmem_shared>> -> memref<16x128xf32, #tpu.memory_space<vmem_shared>>
      %dma_start3A_181 = arith.constant 0 : i32
      %dma_start3A_182 = tpu.memref_slice %arg6[%add3A_82, %dma_start3A_181] : memref<10240x128xf32, #tpu.memory_space<vmem_shared>> -> memref<16x128xf32, #tpu.memory_space<vmem_shared>>
      tpu.enqueue_dma source(%arg7 : memref<16x128xf32, #tpu.memory_space<vmem>>) target(%dma_start3A_182 : memref<16x128xf32, #tpu.memory_space<vmem_shared>>) target_semaphore(%run_scoped3A : memref<!tpu.dma_semaphore, #tpu.memory_space<semaphore_mem>>)
      %dma_wait3A = arith.constant 0 : i32
      %dma_wait3A_183 = tpu.memref_slice %arg6[%add3A_82, %dma_wait3A] : memref<10240x128xf32, #tpu.memory_space<vmem_shared>> -> memref<16x128xf32, #tpu.memory_space<vmem_shared>>
      %dma_wait3A_184 = arith.constant 0 : i32
      %dma_wait3A_185 = tpu.memref_slice %arg6[%add3A_82, %dma_wait3A_184] : memref<10240x128xf32, #tpu.memory_space<vmem_shared>> -> memref<16x128xf32, #tpu.memory_space<vmem_shared>>
      tpu.wait_dma2 semaphore(%run_scoped3A : memref<!tpu.dma_semaphore, #tpu.memory_space<semaphore_mem>>) src(%arg7 : memref<16x128xf32, #tpu.memory_space<vmem>>) dst(%dma_wait3A_185 : memref<16x128xf32, #tpu.memory_space<vmem_shared>>)
      tpu.yield
    }) : () -> ()
    %mul3A_83 = arith.constant 640 : i32
    %mul3A_84 = arith.muli %arg1, %mul3A_83 : i32
    %add3A_85 = arith.constant 304 : i32
    %add3A_86 = arith.addi %mul3A_84, %add3A_85 : i32
    "tpu.region"() ({
      %run_scoped3A = tpu.sem_alloc : memref<!tpu.dma_semaphore, #tpu.memory_space<semaphore_mem>>
      %dma_start3A = arith.constant 0 : i32
      %dma_start3A_180 = tpu.memref_slice %arg6[%add3A_86, %dma_start3A] : memref<10240x128xf32, #tpu.memory_space<vmem_shared>> -> memref<16x128xf32, #tpu.memory_space<vmem_shared>>
      %dma_start3A_181 = arith.constant 0 : i32
      %dma_start3A_182 = tpu.memref_slice %arg6[%add3A_86, %dma_start3A_181] : memref<10240x128xf32, #tpu.memory_space<vmem_shared>> -> memref<16x128xf32, #tpu.memory_space<vmem_shared>>
      tpu.enqueue_dma source(%arg7 : memref<16x128xf32, #tpu.memory_space<vmem>>) target(%dma_start3A_182 : memref<16x128xf32, #tpu.memory_space<vmem_shared>>) target_semaphore(%run_scoped3A : memref<!tpu.dma_semaphore, #tpu.memory_space<semaphore_mem>>)
      %dma_wait3A = arith.constant 0 : i32
      %dma_wait3A_183 = tpu.memref_slice %arg6[%add3A_86, %dma_wait3A] : memref<10240x128xf32, #tpu.memory_space<vmem_shared>> -> memref<16x128xf32, #tpu.memory_space<vmem_shared>>
      %dma_wait3A_184 = arith.constant 0 : i32
      %dma_wait3A_185 = tpu.memref_slice %arg6[%add3A_86, %dma_wait3A_184] : memref<10240x128xf32, #tpu.memory_space<vmem_shared>> -> memref<16x128xf32, #tpu.memory_space<vmem_shared>>
      tpu.wait_dma2 semaphore(%run_scoped3A : memref<!tpu.dma_semaphore, #tpu.memory_space<semaphore_mem>>) src(%arg7 : memref<16x128xf32, #tpu.memory_space<vmem>>) dst(%dma_wait3A_185 : memref<16x128xf32, #tpu.memory_space<vmem_shared>>)
      tpu.yield
    }) : () -> ()
    %mul3A_87 = arith.constant 640 : i32
    %mul3A_88 = arith.muli %arg1, %mul3A_87 : i32
    %add3A_89 = arith.constant 320 : i32
    %add3A_90 = arith.addi %mul3A_88, %add3A_89 : i32
    "tpu.region"() ({
      %run_scoped3A = tpu.sem_alloc : memref<!tpu.dma_semaphore, #tpu.memory_space<semaphore_mem>>
      %dma_start3A = arith.constant 0 : i32
      %dma_start3A_180 = tpu.memref_slice %arg6[%add3A_90, %dma_start3A] : memref<10240x128xf32, #tpu.memory_space<vmem_shared>> -> memref<16x128xf32, #tpu.memory_space<vmem_shared>>
      %dma_start3A_181 = arith.constant 0 : i32
      %dma_start3A_182 = tpu.memref_slice %arg6[%add3A_90, %dma_start3A_181] : memref<10240x128xf32, #tpu.memory_space<vmem_shared>> -> memref<16x128xf32, #tpu.memory_space<vmem_shared>>
      tpu.enqueue_dma source(%arg7 : memref<16x128xf32, #tpu.memory_space<vmem>>) target(%dma_start3A_182 : memref<16x128xf32, #tpu.memory_space<vmem_shared>>) target_semaphore(%run_scoped3A : memref<!tpu.dma_semaphore, #tpu.memory_space<semaphore_mem>>)
      %dma_wait3A = arith.constant 0 : i32
      %dma_wait3A_183 = tpu.memref_slice %arg6[%add3A_90, %dma_wait3A] : memref<10240x128xf32, #tpu.memory_space<vmem_shared>> -> memref<16x128xf32, #tpu.memory_space<vmem_shared>>
      %dma_wait3A_184 = arith.constant 0 : i32
      %dma_wait3A_185 = tpu.memref_slice %arg6[%add3A_90, %dma_wait3A_184] : memref<10240x128xf32, #tpu.memory_space<vmem_shared>> -> memref<16x128xf32, #tpu.memory_space<vmem_shared>>
      tpu.wait_dma2 semaphore(%run_scoped3A : memref<!tpu.dma_semaphore, #tpu.memory_space<semaphore_mem>>) src(%arg7 : memref<16x128xf32, #tpu.memory_space<vmem>>) dst(%dma_wait3A_185 : memref<16x128xf32, #tpu.memory_space<vmem_shared>>)
      tpu.yield
    }) : () -> ()
    %mul3A_91 = arith.constant 640 : i32
    %mul3A_92 = arith.muli %arg1, %mul3A_91 : i32
    %add3A_93 = arith.constant 336 : i32
    %add3A_94 = arith.addi %mul3A_92, %add3A_93 : i32
    "tpu.region"() ({
      %run_scoped3A = tpu.sem_alloc : memref<!tpu.dma_semaphore, #tpu.memory_space<semaphore_mem>>
      %dma_start3A = arith.constant 0 : i32
      %dma_start3A_180 = tpu.memref_slice %arg6[%add3A_94, %dma_start3A] : memref<10240x128xf32, #tpu.memory_space<vmem_shared>> -> memref<16x128xf32, #tpu.memory_space<vmem_shared>>
      %dma_start3A_181 = arith.constant 0 : i32
      %dma_start3A_182 = tpu.memref_slice %arg6[%add3A_94, %dma_start3A_181] : memref<10240x128xf32, #tpu.memory_space<vmem_shared>> -> memref<16x128xf32, #tpu.memory_space<vmem_shared>>
      tpu.enqueue_dma source(%arg7 : memref<16x128xf32, #tpu.memory_space<vmem>>) target(%dma_start3A_182 : memref<16x128xf32, #tpu.memory_space<vmem_shared>>) target_semaphore(%run_scoped3A : memref<!tpu.dma_semaphore, #tpu.memory_space<semaphore_mem>>)
      %dma_wait3A = arith.constant 0 : i32
      %dma_wait3A_183 = tpu.memref_slice %arg6[%add3A_94, %dma_wait3A] : memref<10240x128xf32, #tpu.memory_space<vmem_shared>> -> memref<16x128xf32, #tpu.memory_space<vmem_shared>>
      %dma_wait3A_184 = arith.constant 0 : i32
      %dma_wait3A_185 = tpu.memref_slice %arg6[%add3A_94, %dma_wait3A_184] : memref<10240x128xf32, #tpu.memory_space<vmem_shared>> -> memref<16x128xf32, #tpu.memory_space<vmem_shared>>
      tpu.wait_dma2 semaphore(%run_scoped3A : memref<!tpu.dma_semaphore, #tpu.memory_space<semaphore_mem>>) src(%arg7 : memref<16x128xf32, #tpu.memory_space<vmem>>) dst(%dma_wait3A_185 : memref<16x128xf32, #tpu.memory_space<vmem_shared>>)
      tpu.yield
    }) : () -> ()
    %mul3A_95 = arith.constant 640 : i32
    %mul3A_96 = arith.muli %arg1, %mul3A_95 : i32
    %add3A_97 = arith.constant 352 : i32
    %add3A_98 = arith.addi %mul3A_96, %add3A_97 : i32
    "tpu.region"() ({
      %run_scoped3A = tpu.sem_alloc : memref<!tpu.dma_semaphore, #tpu.memory_space<semaphore_mem>>
      %dma_start3A = arith.constant 0 : i32
      %dma_start3A_180 = tpu.memref_slice %arg6[%add3A_98, %dma_start3A] : memref<10240x128xf32, #tpu.memory_space<vmem_shared>> -> memref<16x128xf32, #tpu.memory_space<vmem_shared>>
      %dma_start3A_181 = arith.constant 0 : i32
      %dma_start3A_182 = tpu.memref_slice %arg6[%add3A_98, %dma_start3A_181] : memref<10240x128xf32, #tpu.memory_space<vmem_shared>> -> memref<16x128xf32, #tpu.memory_space<vmem_shared>>
      tpu.enqueue_dma source(%arg7 : memref<16x128xf32, #tpu.memory_space<vmem>>) target(%dma_start3A_182 : memref<16x128xf32, #tpu.memory_space<vmem_shared>>) target_semaphore(%run_scoped3A : memref<!tpu.dma_semaphore, #tpu.memory_space<semaphore_mem>>)
      %dma_wait3A = arith.constant 0 : i32
      %dma_wait3A_183 = tpu.memref_slice %arg6[%add3A_98, %dma_wait3A] : memref<10240x128xf32, #tpu.memory_space<vmem_shared>> -> memref<16x128xf32, #tpu.memory_space<vmem_shared>>
      %dma_wait3A_184 = arith.constant 0 : i32
      %dma_wait3A_185 = tpu.memref_slice %arg6[%add3A_98, %dma_wait3A_184] : memref<10240x128xf32, #tpu.memory_space<vmem_shared>> -> memref<16x128xf32, #tpu.memory_space<vmem_shared>>
      tpu.wait_dma2 semaphore(%run_scoped3A : memref<!tpu.dma_semaphore, #tpu.memory_space<semaphore_mem>>) src(%arg7 : memref<16x128xf32, #tpu.memory_space<vmem>>) dst(%dma_wait3A_185 : memref<16x128xf32, #tpu.memory_space<vmem_shared>>)
      tpu.yield
    }) : () -> ()
    %mul3A_99 = arith.constant 640 : i32
    %mul3A_100 = arith.muli %arg1, %mul3A_99 : i32
    %add3A_101 = arith.constant 368 : i32
    %add3A_102 = arith.addi %mul3A_100, %add3A_101 : i32
    "tpu.region"() ({
      %run_scoped3A = tpu.sem_alloc : memref<!tpu.dma_semaphore, #tpu.memory_space<semaphore_mem>>
      %dma_start3A = arith.constant 0 : i32
      %dma_start3A_180 = tpu.memref_slice %arg6[%add3A_102, %dma_start3A] : memref<10240x128xf32, #tpu.memory_space<vmem_shared>> -> memref<16x128xf32, #tpu.memory_space<vmem_shared>>
      %dma_start3A_181 = arith.constant 0 : i32
      %dma_start3A_182 = tpu.memref_slice %arg6[%add3A_102, %dma_start3A_181] : memref<10240x128xf32, #tpu.memory_space<vmem_shared>> -> memref<16x128xf32, #tpu.memory_space<vmem_shared>>
      tpu.enqueue_dma source(%arg7 : memref<16x128xf32, #tpu.memory_space<vmem>>) target(%dma_start3A_182 : memref<16x128xf32, #tpu.memory_space<vmem_shared>>) target_semaphore(%run_scoped3A : memref<!tpu.dma_semaphore, #tpu.memory_space<semaphore_mem>>)
      %dma_wait3A = arith.constant 0 : i32
      %dma_wait3A_183 = tpu.memref_slice %arg6[%add3A_102, %dma_wait3A] : memref<10240x128xf32, #tpu.memory_space<vmem_shared>> -> memref<16x128xf32, #tpu.memory_space<vmem_shared>>
      %dma_wait3A_184 = arith.constant 0 : i32
      %dma_wait3A_185 = tpu.memref_slice %arg6[%add3A_102, %dma_wait3A_184] : memref<10240x128xf32, #tpu.memory_space<vmem_shared>> -> memref<16x128xf32, #tpu.memory_space<vmem_shared>>
      tpu.wait_dma2 semaphore(%run_scoped3A : memref<!tpu.dma_semaphore, #tpu.memory_space<semaphore_mem>>) src(%arg7 : memref<16x128xf32, #tpu.memory_space<vmem>>) dst(%dma_wait3A_185 : memref<16x128xf32, #tpu.memory_space<vmem_shared>>)
      tpu.yield
    }) : () -> ()
    %mul3A_103 = arith.constant 640 : i32
    %mul3A_104 = arith.muli %arg1, %mul3A_103 : i32
    %add3A_105 = arith.constant 384 : i32
    %add3A_106 = arith.addi %mul3A_104, %add3A_105 : i32
    "tpu.region"() ({
      %run_scoped3A = tpu.sem_alloc : memref<!tpu.dma_semaphore, #tpu.memory_space<semaphore_mem>>
      %dma_start3A = arith.constant 0 : i32
      %dma_start3A_180 = tpu.memref_slice %arg6[%add3A_106, %dma_start3A] : memref<10240x128xf32, #tpu.memory_space<vmem_shared>> -> memref<16x128xf32, #tpu.memory_space<vmem_shared>>
      %dma_start3A_181 = arith.constant 0 : i32
      %dma_start3A_182 = tpu.memref_slice %arg6[%add3A_106, %dma_start3A_181] : memref<10240x128xf32, #tpu.memory_space<vmem_shared>> -> memref<16x128xf32, #tpu.memory_space<vmem_shared>>
      tpu.enqueue_dma source(%arg7 : memref<16x128xf32, #tpu.memory_space<vmem>>) target(%dma_start3A_182 : memref<16x128xf32, #tpu.memory_space<vmem_shared>>) target_semaphore(%run_scoped3A : memref<!tpu.dma_semaphore, #tpu.memory_space<semaphore_mem>>)
      %dma_wait3A = arith.constant 0 : i32
      %dma_wait3A_183 = tpu.memref_slice %arg6[%add3A_106, %dma_wait3A] : memref<10240x128xf32, #tpu.memory_space<vmem_shared>> -> memref<16x128xf32, #tpu.memory_space<vmem_shared>>
      %dma_wait3A_184 = arith.constant 0 : i32
      %dma_wait3A_185 = tpu.memref_slice %arg6[%add3A_106, %dma_wait3A_184] : memref<10240x128xf32, #tpu.memory_space<vmem_shared>> -> memref<16x128xf32, #tpu.memory_space<vmem_shared>>
      tpu.wait_dma2 semaphore(%run_scoped3A : memref<!tpu.dma_semaphore, #tpu.memory_space<semaphore_mem>>) src(%arg7 : memref<16x128xf32, #tpu.memory_space<vmem>>) dst(%dma_wait3A_185 : memref<16x128xf32, #tpu.memory_space<vmem_shared>>)
      tpu.yield
    }) : () -> ()
    %mul3A_107 = arith.constant 640 : i32
    %mul3A_108 = arith.muli %arg1, %mul3A_107 : i32
    %add3A_109 = arith.constant 400 : i32
    %add3A_110 = arith.addi %mul3A_108, %add3A_109 : i32
    "tpu.region"() ({
      %run_scoped3A = tpu.sem_alloc : memref<!tpu.dma_semaphore, #tpu.memory_space<semaphore_mem>>
      %dma_start3A = arith.constant 0 : i32
      %dma_start3A_180 = tpu.memref_slice %arg6[%add3A_110, %dma_start3A] : memref<10240x128xf32, #tpu.memory_space<vmem_shared>> -> memref<16x128xf32, #tpu.memory_space<vmem_shared>>
      %dma_start3A_181 = arith.constant 0 : i32
      %dma_start3A_182 = tpu.memref_slice %arg6[%add3A_110, %dma_start3A_181] : memref<10240x128xf32, #tpu.memory_space<vmem_shared>> -> memref<16x128xf32, #tpu.memory_space<vmem_shared>>
      tpu.enqueue_dma source(%arg7 : memref<16x128xf32, #tpu.memory_space<vmem>>) target(%dma_start3A_182 : memref<16x128xf32, #tpu.memory_space<vmem_shared>>) target_semaphore(%run_scoped3A : memref<!tpu.dma_semaphore, #tpu.memory_space<semaphore_mem>>)
      %dma_wait3A = arith.constant 0 : i32
      %dma_wait3A_183 = tpu.memref_slice %arg6[%add3A_110, %dma_wait3A] : memref<10240x128xf32, #tpu.memory_space<vmem_shared>> -> memref<16x128xf32, #tpu.memory_space<vmem_shared>>
      %dma_wait3A_184 = arith.constant 0 : i32
      %dma_wait3A_185 = tpu.memref_slice %arg6[%add3A_110, %dma_wait3A_184] : memref<10240x128xf32, #tpu.memory_space<vmem_shared>> -> memref<16x128xf32, #tpu.memory_space<vmem_shared>>
      tpu.wait_dma2 semaphore(%run_scoped3A : memref<!tpu.dma_semaphore, #tpu.memory_space<semaphore_mem>>) src(%arg7 : memref<16x128xf32, #tpu.memory_space<vmem>>) dst(%dma_wait3A_185 : memref<16x128xf32, #tpu.memory_space<vmem_shared>>)
      tpu.yield
    }) : () -> ()
    %mul3A_111 = arith.constant 640 : i32
    %mul3A_112 = arith.muli %arg1, %mul3A_111 : i32
    %add3A_113 = arith.constant 416 : i32
    %add3A_114 = arith.addi %mul3A_112, %add3A_113 : i32
    "tpu.region"() ({
      %run_scoped3A = tpu.sem_alloc : memref<!tpu.dma_semaphore, #tpu.memory_space<semaphore_mem>>
      %dma_start3A = arith.constant 0 : i32
      %dma_start3A_180 = tpu.memref_slice %arg6[%add3A_114, %dma_start3A] : memref<10240x128xf32, #tpu.memory_space<vmem_shared>> -> memref<16x128xf32, #tpu.memory_space<vmem_shared>>
      %dma_start3A_181 = arith.constant 0 : i32
      %dma_start3A_182 = tpu.memref_slice %arg6[%add3A_114, %dma_start3A_181] : memref<10240x128xf32, #tpu.memory_space<vmem_shared>> -> memref<16x128xf32, #tpu.memory_space<vmem_shared>>
      tpu.enqueue_dma source(%arg7 : memref<16x128xf32, #tpu.memory_space<vmem>>) target(%dma_start3A_182 : memref<16x128xf32, #tpu.memory_space<vmem_shared>>) target_semaphore(%run_scoped3A : memref<!tpu.dma_semaphore, #tpu.memory_space<semaphore_mem>>)
      %dma_wait3A = arith.constant 0 : i32
      %dma_wait3A_183 = tpu.memref_slice %arg6[%add3A_114, %dma_wait3A] : memref<10240x128xf32, #tpu.memory_space<vmem_shared>> -> memref<16x128xf32, #tpu.memory_space<vmem_shared>>
      %dma_wait3A_184 = arith.constant 0 : i32
      %dma_wait3A_185 = tpu.memref_slice %arg6[%add3A_114, %dma_wait3A_184] : memref<10240x128xf32, #tpu.memory_space<vmem_shared>> -> memref<16x128xf32, #tpu.memory_space<vmem_shared>>
      tpu.wait_dma2 semaphore(%run_scoped3A : memref<!tpu.dma_semaphore, #tpu.memory_space<semaphore_mem>>) src(%arg7 : memref<16x128xf32, #tpu.memory_space<vmem>>) dst(%dma_wait3A_185 : memref<16x128xf32, #tpu.memory_space<vmem_shared>>)
      tpu.yield
    }) : () -> ()
    %mul3A_115 = arith.constant 640 : i32
    %mul3A_116 = arith.muli %arg1, %mul3A_115 : i32
    %add3A_117 = arith.constant 432 : i32
    %add3A_118 = arith.addi %mul3A_116, %add3A_117 : i32
    "tpu.region"() ({
      %run_scoped3A = tpu.sem_alloc : memref<!tpu.dma_semaphore, #tpu.memory_space<semaphore_mem>>
      %dma_start3A = arith.constant 0 : i32
      %dma_start3A_180 = tpu.memref_slice %arg6[%add3A_118, %dma_start3A] : memref<10240x128xf32, #tpu.memory_space<vmem_shared>> -> memref<16x128xf32, #tpu.memory_space<vmem_shared>>
      %dma_start3A_181 = arith.constant 0 : i32
      %dma_start3A_182 = tpu.memref_slice %arg6[%add3A_118, %dma_start3A_181] : memref<10240x128xf32, #tpu.memory_space<vmem_shared>> -> memref<16x128xf32, #tpu.memory_space<vmem_shared>>
      tpu.enqueue_dma source(%arg7 : memref<16x128xf32, #tpu.memory_space<vmem>>) target(%dma_start3A_182 : memref<16x128xf32, #tpu.memory_space<vmem_shared>>) target_semaphore(%run_scoped3A : memref<!tpu.dma_semaphore, #tpu.memory_space<semaphore_mem>>)
      %dma_wait3A = arith.constant 0 : i32
      %dma_wait3A_183 = tpu.memref_slice %arg6[%add3A_118, %dma_wait3A] : memref<10240x128xf32, #tpu.memory_space<vmem_shared>> -> memref<16x128xf32, #tpu.memory_space<vmem_shared>>
      %dma_wait3A_184 = arith.constant 0 : i32
      %dma_wait3A_185 = tpu.memref_slice %arg6[%add3A_118, %dma_wait3A_184] : memref<10240x128xf32, #tpu.memory_space<vmem_shared>> -> memref<16x128xf32, #tpu.memory_space<vmem_shared>>
      tpu.wait_dma2 semaphore(%run_scoped3A : memref<!tpu.dma_semaphore, #tpu.memory_space<semaphore_mem>>) src(%arg7 : memref<16x128xf32, #tpu.memory_space<vmem>>) dst(%dma_wait3A_185 : memref<16x128xf32, #tpu.memory_space<vmem_shared>>)
      tpu.yield
    }) : () -> ()
    %mul3A_119 = arith.constant 640 : i32
    %mul3A_120 = arith.muli %arg1, %mul3A_119 : i32
    %add3A_121 = arith.constant 448 : i32
    %add3A_122 = arith.addi %mul3A_120, %add3A_121 : i32
    "tpu.region"() ({
      %run_scoped3A = tpu.sem_alloc : memref<!tpu.dma_semaphore, #tpu.memory_space<semaphore_mem>>
      %dma_start3A = arith.constant 0 : i32
      %dma_start3A_180 = tpu.memref_slice %arg6[%add3A_122, %dma_start3A] : memref<10240x128xf32, #tpu.memory_space<vmem_shared>> -> memref<16x128xf32, #tpu.memory_space<vmem_shared>>
      %dma_start3A_181 = arith.constant 0 : i32
      %dma_start3A_182 = tpu.memref_slice %arg6[%add3A_122, %dma_start3A_181] : memref<10240x128xf32, #tpu.memory_space<vmem_shared>> -> memref<16x128xf32, #tpu.memory_space<vmem_shared>>
      tpu.enqueue_dma source(%arg7 : memref<16x128xf32, #tpu.memory_space<vmem>>) target(%dma_start3A_182 : memref<16x128xf32, #tpu.memory_space<vmem_shared>>) target_semaphore(%run_scoped3A : memref<!tpu.dma_semaphore, #tpu.memory_space<semaphore_mem>>)
      %dma_wait3A = arith.constant 0 : i32
      %dma_wait3A_183 = tpu.memref_slice %arg6[%add3A_122, %dma_wait3A] : memref<10240x128xf32, #tpu.memory_space<vmem_shared>> -> memref<16x128xf32, #tpu.memory_space<vmem_shared>>
      %dma_wait3A_184 = arith.constant 0 : i32
      %dma_wait3A_185 = tpu.memref_slice %arg6[%add3A_122, %dma_wait3A_184] : memref<10240x128xf32, #tpu.memory_space<vmem_shared>> -> memref<16x128xf32, #tpu.memory_space<vmem_shared>>
      tpu.wait_dma2 semaphore(%run_scoped3A : memref<!tpu.dma_semaphore, #tpu.memory_space<semaphore_mem>>) src(%arg7 : memref<16x128xf32, #tpu.memory_space<vmem>>) dst(%dma_wait3A_185 : memref<16x128xf32, #tpu.memory_space<vmem_shared>>)
      tpu.yield
    }) : () -> ()
    %mul3A_123 = arith.constant 640 : i32
    %mul3A_124 = arith.muli %arg1, %mul3A_123 : i32
    %add3A_125 = arith.constant 464 : i32
    %add3A_126 = arith.addi %mul3A_124, %add3A_125 : i32
    "tpu.region"() ({
      %run_scoped3A = tpu.sem_alloc : memref<!tpu.dma_semaphore, #tpu.memory_space<semaphore_mem>>
      %dma_start3A = arith.constant 0 : i32
      %dma_start3A_180 = tpu.memref_slice %arg6[%add3A_126, %dma_start3A] : memref<10240x128xf32, #tpu.memory_space<vmem_shared>> -> memref<16x128xf32, #tpu.memory_space<vmem_shared>>
      %dma_start3A_181 = arith.constant 0 : i32
      %dma_start3A_182 = tpu.memref_slice %arg6[%add3A_126, %dma_start3A_181] : memref<10240x128xf32, #tpu.memory_space<vmem_shared>> -> memref<16x128xf32, #tpu.memory_space<vmem_shared>>
      tpu.enqueue_dma source(%arg7 : memref<16x128xf32, #tpu.memory_space<vmem>>) target(%dma_start3A_182 : memref<16x128xf32, #tpu.memory_space<vmem_shared>>) target_semaphore(%run_scoped3A : memref<!tpu.dma_semaphore, #tpu.memory_space<semaphore_mem>>)
      %dma_wait3A = arith.constant 0 : i32
      %dma_wait3A_183 = tpu.memref_slice %arg6[%add3A_126, %dma_wait3A] : memref<10240x128xf32, #tpu.memory_space<vmem_shared>> -> memref<16x128xf32, #tpu.memory_space<vmem_shared>>
      %dma_wait3A_184 = arith.constant 0 : i32
      %dma_wait3A_185 = tpu.memref_slice %arg6[%add3A_126, %dma_wait3A_184] : memref<10240x128xf32, #tpu.memory_space<vmem_shared>> -> memref<16x128xf32, #tpu.memory_space<vmem_shared>>
      tpu.wait_dma2 semaphore(%run_scoped3A : memref<!tpu.dma_semaphore, #tpu.memory_space<semaphore_mem>>) src(%arg7 : memref<16x128xf32, #tpu.memory_space<vmem>>) dst(%dma_wait3A_185 : memref<16x128xf32, #tpu.memory_space<vmem_shared>>)
      tpu.yield
    }) : () -> ()
    %mul3A_127 = arith.constant 640 : i32
    %mul3A_128 = arith.muli %arg1, %mul3A_127 : i32
    %add3A_129 = arith.constant 480 : i32
    %add3A_130 = arith.addi %mul3A_128, %add3A_129 : i32
    "tpu.region"() ({
      %run_scoped3A = tpu.sem_alloc : memref<!tpu.dma_semaphore, #tpu.memory_space<semaphore_mem>>
      %dma_start3A = arith.constant 0 : i32
      %dma_start3A_180 = tpu.memref_slice %arg6[%add3A_130, %dma_start3A] : memref<10240x128xf32, #tpu.memory_space<vmem_shared>> -> memref<16x128xf32, #tpu.memory_space<vmem_shared>>
      %dma_start3A_181 = arith.constant 0 : i32
      %dma_start3A_182 = tpu.memref_slice %arg6[%add3A_130, %dma_start3A_181] : memref<10240x128xf32, #tpu.memory_space<vmem_shared>> -> memref<16x128xf32, #tpu.memory_space<vmem_shared>>
      tpu.enqueue_dma source(%arg7 : memref<16x128xf32, #tpu.memory_space<vmem>>) target(%dma_start3A_182 : memref<16x128xf32, #tpu.memory_space<vmem_shared>>) target_semaphore(%run_scoped3A : memref<!tpu.dma_semaphore, #tpu.memory_space<semaphore_mem>>)
      %dma_wait3A = arith.constant 0 : i32
      %dma_wait3A_183 = tpu.memref_slice %arg6[%add3A_130, %dma_wait3A] : memref<10240x128xf32, #tpu.memory_space<vmem_shared>> -> memref<16x128xf32, #tpu.memory_space<vmem_shared>>
      %dma_wait3A_184 = arith.constant 0 : i32
      %dma_wait3A_185 = tpu.memref_slice %arg6[%add3A_130, %dma_wait3A_184] : memref<10240x128xf32, #tpu.memory_space<vmem_shared>> -> memref<16x128xf32, #tpu.memory_space<vmem_shared>>
      tpu.wait_dma2 semaphore(%run_scoped3A : memref<!tpu.dma_semaphore, #tpu.memory_space<semaphore_mem>>) src(%arg7 : memref<16x128xf32, #tpu.memory_space<vmem>>) dst(%dma_wait3A_185 : memref<16x128xf32, #tpu.memory_space<vmem_shared>>)
      tpu.yield
    }) : () -> ()
    %mul3A_131 = arith.constant 640 : i32
    %mul3A_132 = arith.muli %arg1, %mul3A_131 : i32
    %add3A_133 = arith.constant 496 : i32
    %add3A_134 = arith.addi %mul3A_132, %add3A_133 : i32
    "tpu.region"() ({
      %run_scoped3A = tpu.sem_alloc : memref<!tpu.dma_semaphore, #tpu.memory_space<semaphore_mem>>
      %dma_start3A = arith.constant 0 : i32
      %dma_start3A_180 = tpu.memref_slice %arg6[%add3A_134, %dma_start3A] : memref<10240x128xf32, #tpu.memory_space<vmem_shared>> -> memref<16x128xf32, #tpu.memory_space<vmem_shared>>
      %dma_start3A_181 = arith.constant 0 : i32
      %dma_start3A_182 = tpu.memref_slice %arg6[%add3A_134, %dma_start3A_181] : memref<10240x128xf32, #tpu.memory_space<vmem_shared>> -> memref<16x128xf32, #tpu.memory_space<vmem_shared>>
      tpu.enqueue_dma source(%arg7 : memref<16x128xf32, #tpu.memory_space<vmem>>) target(%dma_start3A_182 : memref<16x128xf32, #tpu.memory_space<vmem_shared>>) target_semaphore(%run_scoped3A : memref<!tpu.dma_semaphore, #tpu.memory_space<semaphore_mem>>)
      %dma_wait3A = arith.constant 0 : i32
      %dma_wait3A_183 = tpu.memref_slice %arg6[%add3A_134, %dma_wait3A] : memref<10240x128xf32, #tpu.memory_space<vmem_shared>> -> memref<16x128xf32, #tpu.memory_space<vmem_shared>>
      %dma_wait3A_184 = arith.constant 0 : i32
      %dma_wait3A_185 = tpu.memref_slice %arg6[%add3A_134, %dma_wait3A_184] : memref<10240x128xf32, #tpu.memory_space<vmem_shared>> -> memref<16x128xf32, #tpu.memory_space<vmem_shared>>
      tpu.wait_dma2 semaphore(%run_scoped3A : memref<!tpu.dma_semaphore, #tpu.memory_space<semaphore_mem>>) src(%arg7 : memref<16x128xf32, #tpu.memory_space<vmem>>) dst(%dma_wait3A_185 : memref<16x128xf32, #tpu.memory_space<vmem_shared>>)
      tpu.yield
    }) : () -> ()
    %mul3A_135 = arith.constant 640 : i32
    %mul3A_136 = arith.muli %arg1, %mul3A_135 : i32
    %add3A_137 = arith.constant 512 : i32
    %add3A_138 = arith.addi %mul3A_136, %add3A_137 : i32
    "tpu.region"() ({
      %run_scoped3A = tpu.sem_alloc : memref<!tpu.dma_semaphore, #tpu.memory_space<semaphore_mem>>
      %dma_start3A = arith.constant 0 : i32
      %dma_start3A_180 = tpu.memref_slice %arg6[%add3A_138, %dma_start3A] : memref<10240x128xf32, #tpu.memory_space<vmem_shared>> -> memref<16x128xf32, #tpu.memory_space<vmem_shared>>
      %dma_start3A_181 = arith.constant 0 : i32
      %dma_start3A_182 = tpu.memref_slice %arg6[%add3A_138, %dma_start3A_181] : memref<10240x128xf32, #tpu.memory_space<vmem_shared>> -> memref<16x128xf32, #tpu.memory_space<vmem_shared>>
      tpu.enqueue_dma source(%arg7 : memref<16x128xf32, #tpu.memory_space<vmem>>) target(%dma_start3A_182 : memref<16x128xf32, #tpu.memory_space<vmem_shared>>) target_semaphore(%run_scoped3A : memref<!tpu.dma_semaphore, #tpu.memory_space<semaphore_mem>>)
      %dma_wait3A = arith.constant 0 : i32
      %dma_wait3A_183 = tpu.memref_slice %arg6[%add3A_138, %dma_wait3A] : memref<10240x128xf32, #tpu.memory_space<vmem_shared>> -> memref<16x128xf32, #tpu.memory_space<vmem_shared>>
      %dma_wait3A_184 = arith.constant 0 : i32
      %dma_wait3A_185 = tpu.memref_slice %arg6[%add3A_138, %dma_wait3A_184] : memref<10240x128xf32, #tpu.memory_space<vmem_shared>> -> memref<16x128xf32, #tpu.memory_space<vmem_shared>>
      tpu.wait_dma2 semaphore(%run_scoped3A : memref<!tpu.dma_semaphore, #tpu.memory_space<semaphore_mem>>) src(%arg7 : memref<16x128xf32, #tpu.memory_space<vmem>>) dst(%dma_wait3A_185 : memref<16x128xf32, #tpu.memory_space<vmem_shared>>)
      tpu.yield
    }) : () -> ()
    %mul3A_139 = arith.constant 640 : i32
    %mul3A_140 = arith.muli %arg1, %mul3A_139 : i32
    %add3A_141 = arith.constant 528 : i32
    %add3A_142 = arith.addi %mul3A_140, %add3A_141 : i32
    "tpu.region"() ({
      %run_scoped3A = tpu.sem_alloc : memref<!tpu.dma_semaphore, #tpu.memory_space<semaphore_mem>>
      %dma_start3A = arith.constant 0 : i32
      %dma_start3A_180 = tpu.memref_slice %arg6[%add3A_142, %dma_start3A] : memref<10240x128xf32, #tpu.memory_space<vmem_shared>> -> memref<16x128xf32, #tpu.memory_space<vmem_shared>>
      %dma_start3A_181 = arith.constant 0 : i32
      %dma_start3A_182 = tpu.memref_slice %arg6[%add3A_142, %dma_start3A_181] : memref<10240x128xf32, #tpu.memory_space<vmem_shared>> -> memref<16x128xf32, #tpu.memory_space<vmem_shared>>
      tpu.enqueue_dma source(%arg7 : memref<16x128xf32, #tpu.memory_space<vmem>>) target(%dma_start3A_182 : memref<16x128xf32, #tpu.memory_space<vmem_shared>>) target_semaphore(%run_scoped3A : memref<!tpu.dma_semaphore, #tpu.memory_space<semaphore_mem>>)
      %dma_wait3A = arith.constant 0 : i32
      %dma_wait3A_183 = tpu.memref_slice %arg6[%add3A_142, %dma_wait3A] : memref<10240x128xf32, #tpu.memory_space<vmem_shared>> -> memref<16x128xf32, #tpu.memory_space<vmem_shared>>
      %dma_wait3A_184 = arith.constant 0 : i32
      %dma_wait3A_185 = tpu.memref_slice %arg6[%add3A_142, %dma_wait3A_184] : memref<10240x128xf32, #tpu.memory_space<vmem_shared>> -> memref<16x128xf32, #tpu.memory_space<vmem_shared>>
      tpu.wait_dma2 semaphore(%run_scoped3A : memref<!tpu.dma_semaphore, #tpu.memory_space<semaphore_mem>>) src(%arg7 : memref<16x128xf32, #tpu.memory_space<vmem>>) dst(%dma_wait3A_185 : memref<16x128xf32, #tpu.memory_space<vmem_shared>>)
      tpu.yield
    }) : () -> ()
    %mul3A_143 = arith.constant 640 : i32
    %mul3A_144 = arith.muli %arg1, %mul3A_143 : i32
    %add3A_145 = arith.constant 544 : i32
    %add3A_146 = arith.addi %mul3A_144, %add3A_145 : i32
    "tpu.region"() ({
      %run_scoped3A = tpu.sem_alloc : memref<!tpu.dma_semaphore, #tpu.memory_space<semaphore_mem>>
      %dma_start3A = arith.constant 0 : i32
      %dma_start3A_180 = tpu.memref_slice %arg6[%add3A_146, %dma_start3A] : memref<10240x128xf32, #tpu.memory_space<vmem_shared>> -> memref<16x128xf32, #tpu.memory_space<vmem_shared>>
      %dma_start3A_181 = arith.constant 0 : i32
      %dma_start3A_182 = tpu.memref_slice %arg6[%add3A_146, %dma_start3A_181] : memref<10240x128xf32, #tpu.memory_space<vmem_shared>> -> memref<16x128xf32, #tpu.memory_space<vmem_shared>>
      tpu.enqueue_dma source(%arg7 : memref<16x128xf32, #tpu.memory_space<vmem>>) target(%dma_start3A_182 : memref<16x128xf32, #tpu.memory_space<vmem_shared>>) target_semaphore(%run_scoped3A : memref<!tpu.dma_semaphore, #tpu.memory_space<semaphore_mem>>)
      %dma_wait3A = arith.constant 0 : i32
      %dma_wait3A_183 = tpu.memref_slice %arg6[%add3A_146, %dma_wait3A] : memref<10240x128xf32, #tpu.memory_space<vmem_shared>> -> memref<16x128xf32, #tpu.memory_space<vmem_shared>>
      %dma_wait3A_184 = arith.constant 0 : i32
      %dma_wait3A_185 = tpu.memref_slice %arg6[%add3A_146, %dma_wait3A_184] : memref<10240x128xf32, #tpu.memory_space<vmem_shared>> -> memref<16x128xf32, #tpu.memory_space<vmem_shared>>
      tpu.wait_dma2 semaphore(%run_scoped3A : memref<!tpu.dma_semaphore, #tpu.memory_space<semaphore_mem>>) src(%arg7 : memref<16x128xf32, #tpu.memory_space<vmem>>) dst(%dma_wait3A_185 : memref<16x128xf32, #tpu.memory_space<vmem_shared>>)
      tpu.yield
    }) : () -> ()
    %mul3A_147 = arith.constant 640 : i32
    %mul3A_148 = arith.muli %arg1, %mul3A_147 : i32
    %add3A_149 = arith.constant 560 : i32
    %add3A_150 = arith.addi %mul3A_148, %add3A_149 : i32
    "tpu.region"() ({
      %run_scoped3A = tpu.sem_alloc : memref<!tpu.dma_semaphore, #tpu.memory_space<semaphore_mem>>
      %dma_start3A = arith.constant 0 : i32
      %dma_start3A_180 = tpu.memref_slice %arg6[%add3A_150, %dma_start3A] : memref<10240x128xf32, #tpu.memory_space<vmem_shared>> -> memref<16x128xf32, #tpu.memory_space<vmem_shared>>
      %dma_start3A_181 = arith.constant 0 : i32
      %dma_start3A_182 = tpu.memref_slice %arg6[%add3A_150, %dma_start3A_181] : memref<10240x128xf32, #tpu.memory_space<vmem_shared>> -> memref<16x128xf32, #tpu.memory_space<vmem_shared>>
      tpu.enqueue_dma source(%arg7 : memref<16x128xf32, #tpu.memory_space<vmem>>) target(%dma_start3A_182 : memref<16x128xf32, #tpu.memory_space<vmem_shared>>) target_semaphore(%run_scoped3A : memref<!tpu.dma_semaphore, #tpu.memory_space<semaphore_mem>>)
      %dma_wait3A = arith.constant 0 : i32
      %dma_wait3A_183 = tpu.memref_slice %arg6[%add3A_150, %dma_wait3A] : memref<10240x128xf32, #tpu.memory_space<vmem_shared>> -> memref<16x128xf32, #tpu.memory_space<vmem_shared>>
      %dma_wait3A_184 = arith.constant 0 : i32
      %dma_wait3A_185 = tpu.memref_slice %arg6[%add3A_150, %dma_wait3A_184] : memref<10240x128xf32, #tpu.memory_space<vmem_shared>> -> memref<16x128xf32, #tpu.memory_space<vmem_shared>>
      tpu.wait_dma2 semaphore(%run_scoped3A : memref<!tpu.dma_semaphore, #tpu.memory_space<semaphore_mem>>) src(%arg7 : memref<16x128xf32, #tpu.memory_space<vmem>>) dst(%dma_wait3A_185 : memref<16x128xf32, #tpu.memory_space<vmem_shared>>)
      tpu.yield
    }) : () -> ()
    %mul3A_151 = arith.constant 640 : i32
    %mul3A_152 = arith.muli %arg1, %mul3A_151 : i32
    %add3A_153 = arith.constant 576 : i32
    %add3A_154 = arith.addi %mul3A_152, %add3A_153 : i32
    "tpu.region"() ({
      %run_scoped3A = tpu.sem_alloc : memref<!tpu.dma_semaphore, #tpu.memory_space<semaphore_mem>>
      %dma_start3A = arith.constant 0 : i32
      %dma_start3A_180 = tpu.memref_slice %arg6[%add3A_154, %dma_start3A] : memref<10240x128xf32, #tpu.memory_space<vmem_shared>> -> memref<16x128xf32, #tpu.memory_space<vmem_shared>>
      %dma_start3A_181 = arith.constant 0 : i32
      %dma_start3A_182 = tpu.memref_slice %arg6[%add3A_154, %dma_start3A_181] : memref<10240x128xf32, #tpu.memory_space<vmem_shared>> -> memref<16x128xf32, #tpu.memory_space<vmem_shared>>
      tpu.enqueue_dma source(%arg7 : memref<16x128xf32, #tpu.memory_space<vmem>>) target(%dma_start3A_182 : memref<16x128xf32, #tpu.memory_space<vmem_shared>>) target_semaphore(%run_scoped3A : memref<!tpu.dma_semaphore, #tpu.memory_space<semaphore_mem>>)
      %dma_wait3A = arith.constant 0 : i32
      %dma_wait3A_183 = tpu.memref_slice %arg6[%add3A_154, %dma_wait3A] : memref<10240x128xf32, #tpu.memory_space<vmem_shared>> -> memref<16x128xf32, #tpu.memory_space<vmem_shared>>
      %dma_wait3A_184 = arith.constant 0 : i32
      %dma_wait3A_185 = tpu.memref_slice %arg6[%add3A_154, %dma_wait3A_184] : memref<10240x128xf32, #tpu.memory_space<vmem_shared>> -> memref<16x128xf32, #tpu.memory_space<vmem_shared>>
      tpu.wait_dma2 semaphore(%run_scoped3A : memref<!tpu.dma_semaphore, #tpu.memory_space<semaphore_mem>>) src(%arg7 : memref<16x128xf32, #tpu.memory_space<vmem>>) dst(%dma_wait3A_185 : memref<16x128xf32, #tpu.memory_space<vmem_shared>>)
      tpu.yield
    }) : () -> ()
    %mul3A_155 = arith.constant 640 : i32
    %mul3A_156 = arith.muli %arg1, %mul3A_155 : i32
    %add3A_157 = arith.constant 592 : i32
    %add3A_158 = arith.addi %mul3A_156, %add3A_157 : i32
    "tpu.region"() ({
      %run_scoped3A = tpu.sem_alloc : memref<!tpu.dma_semaphore, #tpu.memory_space<semaphore_mem>>
      %dma_start3A = arith.constant 0 : i32
      %dma_start3A_180 = tpu.memref_slice %arg6[%add3A_158, %dma_start3A] : memref<10240x128xf32, #tpu.memory_space<vmem_shared>> -> memref<16x128xf32, #tpu.memory_space<vmem_shared>>
      %dma_start3A_181 = arith.constant 0 : i32
      %dma_start3A_182 = tpu.memref_slice %arg6[%add3A_158, %dma_start3A_181] : memref<10240x128xf32, #tpu.memory_space<vmem_shared>> -> memref<16x128xf32, #tpu.memory_space<vmem_shared>>
      tpu.enqueue_dma source(%arg7 : memref<16x128xf32, #tpu.memory_space<vmem>>) target(%dma_start3A_182 : memref<16x128xf32, #tpu.memory_space<vmem_shared>>) target_semaphore(%run_scoped3A : memref<!tpu.dma_semaphore, #tpu.memory_space<semaphore_mem>>)
      %dma_wait3A = arith.constant 0 : i32
      %dma_wait3A_183 = tpu.memref_slice %arg6[%add3A_158, %dma_wait3A] : memref<10240x128xf32, #tpu.memory_space<vmem_shared>> -> memref<16x128xf32, #tpu.memory_space<vmem_shared>>
      %dma_wait3A_184 = arith.constant 0 : i32
      %dma_wait3A_185 = tpu.memref_slice %arg6[%add3A_158, %dma_wait3A_184] : memref<10240x128xf32, #tpu.memory_space<vmem_shared>> -> memref<16x128xf32, #tpu.memory_space<vmem_shared>>
      tpu.wait_dma2 semaphore(%run_scoped3A : memref<!tpu.dma_semaphore, #tpu.memory_space<semaphore_mem>>) src(%arg7 : memref<16x128xf32, #tpu.memory_space<vmem>>) dst(%dma_wait3A_185 : memref<16x128xf32, #tpu.memory_space<vmem_shared>>)
      tpu.yield
    }) : () -> ()
    %mul3A_159 = arith.constant 640 : i32
    %mul3A_160 = arith.muli %arg1, %mul3A_159 : i32
    %add3A_161 = arith.constant 608 : i32
    %add3A_162 = arith.addi %mul3A_160, %add3A_161 : i32
    "tpu.region"() ({
      %run_scoped3A = tpu.sem_alloc : memref<!tpu.dma_semaphore, #tpu.memory_space<semaphore_mem>>
      %dma_start3A = arith.constant 0 : i32
      %dma_start3A_180 = tpu.memref_slice %arg6[%add3A_162, %dma_start3A] : memref<10240x128xf32, #tpu.memory_space<vmem_shared>> -> memref<16x128xf32, #tpu.memory_space<vmem_shared>>
      %dma_start3A_181 = arith.constant 0 : i32
      %dma_start3A_182 = tpu.memref_slice %arg6[%add3A_162, %dma_start3A_181] : memref<10240x128xf32, #tpu.memory_space<vmem_shared>> -> memref<16x128xf32, #tpu.memory_space<vmem_shared>>
      tpu.enqueue_dma source(%arg7 : memref<16x128xf32, #tpu.memory_space<vmem>>) target(%dma_start3A_182 : memref<16x128xf32, #tpu.memory_space<vmem_shared>>) target_semaphore(%run_scoped3A : memref<!tpu.dma_semaphore, #tpu.memory_space<semaphore_mem>>)
      %dma_wait3A = arith.constant 0 : i32
      %dma_wait3A_183 = tpu.memref_slice %arg6[%add3A_162, %dma_wait3A] : memref<10240x128xf32, #tpu.memory_space<vmem_shared>> -> memref<16x128xf32, #tpu.memory_space<vmem_shared>>
      %dma_wait3A_184 = arith.constant 0 : i32
      %dma_wait3A_185 = tpu.memref_slice %arg6[%add3A_162, %dma_wait3A_184] : memref<10240x128xf32, #tpu.memory_space<vmem_shared>> -> memref<16x128xf32, #tpu.memory_space<vmem_shared>>
      tpu.wait_dma2 semaphore(%run_scoped3A : memref<!tpu.dma_semaphore, #tpu.memory_space<semaphore_mem>>) src(%arg7 : memref<16x128xf32, #tpu.memory_space<vmem>>) dst(%dma_wait3A_185 : memref<16x128xf32, #tpu.memory_space<vmem_shared>>)
      tpu.yield
    }) : () -> ()
    %mul3A_163 = arith.constant 640 : i32
    %mul3A_164 = arith.muli %arg1, %mul3A_163 : i32
    %add3A_165 = arith.constant 624 : i32
    %add3A_166 = arith.addi %mul3A_164, %add3A_165 : i32
    "tpu.region"() ({
      %run_scoped3A = tpu.sem_alloc : memref<!tpu.dma_semaphore, #tpu.memory_space<semaphore_mem>>
      %dma_start3A = arith.constant 0 : i32
      %dma_start3A_180 = tpu.memref_slice %arg6[%add3A_166, %dma_start3A] : memref<10240x128xf32, #tpu.memory_space<vmem_shared>> -> memref<16x128xf32, #tpu.memory_space<vmem_shared>>
      %dma_start3A_181 = arith.constant 0 : i32
      %dma_start3A_182 = tpu.memref_slice %arg6[%add3A_166, %dma_start3A_181] : memref<10240x128xf32, #tpu.memory_space<vmem_shared>> -> memref<16x128xf32, #tpu.memory_space<vmem_shared>>
      tpu.enqueue_dma source(%arg7 : memref<16x128xf32, #tpu.memory_space<vmem>>) target(%dma_start3A_182 : memref<16x128xf32, #tpu.memory_space<vmem_shared>>) target_semaphore(%run_scoped3A : memref<!tpu.dma_semaphore, #tpu.memory_space<semaphore_mem>>)
      %dma_wait3A = arith.constant 0 : i32
      %dma_wait3A_183 = tpu.memref_slice %arg6[%add3A_166, %dma_wait3A] : memref<10240x128xf32, #tpu.memory_space<vmem_shared>> -> memref<16x128xf32, #tpu.memory_space<vmem_shared>>
      %dma_wait3A_184 = arith.constant 0 : i32
      %dma_wait3A_185 = tpu.memref_slice %arg6[%add3A_166, %dma_wait3A_184] : memref<10240x128xf32, #tpu.memory_space<vmem_shared>> -> memref<16x128xf32, #tpu.memory_space<vmem_shared>>
      tpu.wait_dma2 semaphore(%run_scoped3A : memref<!tpu.dma_semaphore, #tpu.memory_space<semaphore_mem>>) src(%arg7 : memref<16x128xf32, #tpu.memory_space<vmem>>) dst(%dma_wait3A_185 : memref<16x128xf32, #tpu.memory_space<vmem_shared>>)
      tpu.yield
    }) : () -> ()
    %barrier3A = arith.constant 0 : index
    tpu.barrier barrier_id(%barrier3A)
    %mul3A_167 = arith.constant 80 : i32
    %mul3A_168 = arith.muli %add3A, %mul3A_167 : i32
    %scan3A_169 = arith.constant 0 : i32
    %scan3A_170 = arith.constant 0 : i32
    %scan3A_171 = arith.constant 2 : i32
    %scan3A_172 = arith.addi %scan3A_170, %scan3A_171 : i32
    %scan3A_173 = arith.constant 1 : i32
    scf.for %scan3A_180 = %scan3A_170 to %scan3A_172 step %scan3A_173  : i32 {
      %mul3A_181 = arith.constant 40 : i32
      %mul3A_182 = arith.muli %scan3A_180, %mul3A_181 : i32
      %add3A_183 = arith.addi %mul3A_168, %mul3A_182 : i32
      "tpu.region"() ({
        %run_scoped3A = tpu.sem_alloc : memref<!tpu.dma_semaphore, #tpu.memory_space<semaphore_mem>>
        %dma_start3A_219 = arith.constant 0 : i32
        %dma_start3A_220 = tpu.memref_slice %arg3[%add3A_183, %dma_start3A_219] : memref<2560x128xi32, #tpu.memory_space<hbm>> -> memref<40x128xi32, #tpu.memory_space<hbm>>
        %dma_start3A_221 = arith.constant 0 : i32
        %dma_start3A_222 = tpu.memref_slice %arg3[%add3A_183, %dma_start3A_221] : memref<2560x128xi32, #tpu.memory_space<hbm>> -> memref<40x128xi32, #tpu.memory_space<hbm>>
        tpu.enqueue_dma source(%dma_start3A_222 : memref<40x128xi32, #tpu.memory_space<hbm>>) target(%arg8 : memref<40x128xi32, #tpu.memory_space<vmem>>) target_semaphore(%run_scoped3A : memref<!tpu.dma_semaphore, #tpu.memory_space<semaphore_mem>>)
        %dma_wait3A_223 = arith.constant 0 : i32
        %dma_wait3A_224 = tpu.memref_slice %arg3[%add3A_183, %dma_wait3A_223] : memref<2560x128xi32, #tpu.memory_space<hbm>> -> memref<40x128xi32, #tpu.memory_space<hbm>>
        %dma_wait3A_225 = arith.constant 0 : i32
        %dma_wait3A_226 = tpu.memref_slice %arg3[%add3A_183, %dma_wait3A_225] : memref<2560x128xi32, #tpu.memory_space<hbm>> -> memref<40x128xi32, #tpu.memory_space<hbm>>
        tpu.wait_dma2 semaphore(%run_scoped3A : memref<!tpu.dma_semaphore, #tpu.memory_space<semaphore_mem>>) src(%dma_wait3A_226 : memref<40x128xi32, #tpu.memory_space<hbm>>) dst(%arg8 : memref<40x128xi32, #tpu.memory_space<vmem>>)
        tpu.yield
      }) : () -> ()
      %mul3A_184 = arith.constant 40 : i32
      %mul3A_185 = arith.muli %scan3A_180, %mul3A_184 : i32
      %add3A_186 = arith.addi %mul3A_168, %mul3A_185 : i32
      "tpu.region"() ({
        %run_scoped3A = tpu.sem_alloc : memref<!tpu.dma_semaphore, #tpu.memory_space<semaphore_mem>>
        %dma_start3A_219 = arith.constant 0 : i32
        %dma_start3A_220 = tpu.memref_slice %arg4[%add3A_186, %dma_start3A_219] : memref<2560x128xi32, #tpu.memory_space<hbm>> -> memref<40x128xi32, #tpu.memory_space<hbm>>
        %dma_start3A_221 = arith.constant 0 : i32
        %dma_start3A_222 = tpu.memref_slice %arg4[%add3A_186, %dma_start3A_221] : memref<2560x128xi32, #tpu.memory_space<hbm>> -> memref<40x128xi32, #tpu.memory_space<hbm>>
        tpu.enqueue_dma source(%dma_start3A_222 : memref<40x128xi32, #tpu.memory_space<hbm>>) target(%arg9 : memref<40x128xi32, #tpu.memory_space<vmem>>) target_semaphore(%run_scoped3A : memref<!tpu.dma_semaphore, #tpu.memory_space<semaphore_mem>>)
        %dma_wait3A_223 = arith.constant 0 : i32
        %dma_wait3A_224 = tpu.memref_slice %arg4[%add3A_186, %dma_wait3A_223] : memref<2560x128xi32, #tpu.memory_space<hbm>> -> memref<40x128xi32, #tpu.memory_space<hbm>>
        %dma_wait3A_225 = arith.constant 0 : i32
        %dma_wait3A_226 = tpu.memref_slice %arg4[%add3A_186, %dma_wait3A_225] : memref<2560x128xi32, #tpu.memory_space<hbm>> -> memref<40x128xi32, #tpu.memory_space<hbm>>
        tpu.wait_dma2 semaphore(%run_scoped3A : memref<!tpu.dma_semaphore, #tpu.memory_space<semaphore_mem>>) src(%dma_wait3A_226 : memref<40x128xi32, #tpu.memory_space<hbm>>) dst(%arg9 : memref<40x128xi32, #tpu.memory_space<vmem>>)
        tpu.yield
      }) : () -> ()
      %dma_start3A = arith.constant 0 : i32
      %dma_start3A_187 = arith.constant 0 : i32
      %dma_start3A_188 = tpu.memref_slice %arg8[%dma_start3A, %dma_start3A_187] : memref<40x128xi32, #tpu.memory_space<vmem>> -> memref<1x128xi32, #tpu.memory_space<vmem>>
      %dma_start3A_189 = tpu.memref_squeeze %dma_start3A_188 : memref<1x128xi32, #tpu.memory_space<vmem>> -> memref<128xi32, #tpu.memory_space<vmem>>
      %dma_start3A_190 = arith.constant 0 : i32
      %dma_start3A_191 = arith.constant 0 : i32
      %dma_start3A_192 = tpu.memref_slice %arg2[%dma_start3A_190, %dma_start3A_191] : memref<10240x128xf32, #tpu.memory_space<hbm>> -> memref<10240x128xf32, #tpu.memory_space<hbm>>
      tpu.enqueue_indirect_dma source(%dma_start3A_192 : memref<10240x128xf32, #tpu.memory_space<hbm>>) target(%arg10 : memref<128x128xf32, #tpu.memory_space<vmem>>) offsets(%dma_start3A_189 : memref<128xi32, #tpu.memory_space<vmem>>) semaphore(%arg12 : memref<!tpu.dma_semaphore, #tpu.memory_space<semaphore_mem>>)
      %dma_start3A_193 = arith.constant 1 : i32
      %dma_start3A_194 = arith.constant 0 : i32
      %dma_start3A_195 = tpu.memref_slice %arg8[%dma_start3A_193, %dma_start3A_194] : memref<40x128xi32, #tpu.memory_space<vmem>> -> memref<1x128xi32, #tpu.memory_space<vmem>>
      %dma_start3A_196 = tpu.memref_squeeze %dma_start3A_195 : memref<1x128xi32, #tpu.memory_space<vmem>> -> memref<128xi32, #tpu.memory_space<vmem>>
      %dma_start3A_197 = arith.constant 0 : i32
      %dma_start3A_198 = arith.constant 0 : i32
      %dma_start3A_199 = tpu.memref_slice %arg2[%dma_start3A_197, %dma_start3A_198] : memref<10240x128xf32, #tpu.memory_space<hbm>> -> memref<10240x128xf32, #tpu.memory_space<hbm>>
      tpu.enqueue_indirect_dma source(%dma_start3A_199 : memref<10240x128xf32, #tpu.memory_space<hbm>>) target(%arg11 : memref<128x128xf32, #tpu.memory_space<vmem>>) offsets(%dma_start3A_196 : memref<128xi32, #tpu.memory_space<vmem>>) semaphore(%arg13 : memref<!tpu.dma_semaphore, #tpu.memory_space<semaphore_mem>>)
      %scan3A_200 = arith.constant 0 : i32
      %scan3A_201 = arith.constant 0 : i32
      %scan3A_202 = arith.constant 20 : i32
      %scan3A_203 = arith.addi %scan3A_201, %scan3A_202 : i32
      %scan3A_204 = arith.constant 1 : i32
      scf.for %scan3A_219 = %scan3A_201 to %scan3A_203 step %scan3A_204  : i32 {
        %mul3A_220 = arith.constant 2 : i32
        %mul3A_221 = arith.muli %scan3A_219, %mul3A_220 : i32
        %add3A_222 = arith.constant 0 : i32
        %add3A_223 = arith.addi %mul3A_221, %add3A_222 : i32
        %dma_wait3A_224 = arith.constant 0 : i32
        %dma_wait3A_225 = tpu.memref_slice %arg8[%add3A_223, %dma_wait3A_224] : memref<40x128xi32, #tpu.memory_space<vmem>> -> memref<1x128xi32, #tpu.memory_space<vmem>>
        %dma_wait3A_226 = tpu.memref_squeeze %dma_wait3A_225 : memref<1x128xi32, #tpu.memory_space<vmem>> -> memref<128xi32, #tpu.memory_space<vmem>>
        %dma_wait3A_227 = arith.constant 0 : i32
        %dma_wait3A_228 = arith.constant 0 : i32
        %dma_wait3A_229 = tpu.memref_slice %arg2[%dma_wait3A_227, %dma_wait3A_228] : memref<10240x128xf32, #tpu.memory_space<hbm>> -> memref<10240x128xf32, #tpu.memory_space<hbm>>
        tpu.wait_indirect_dma semaphore(%arg12 : memref<!tpu.dma_semaphore, #tpu.memory_space<semaphore_mem>>) src(%dma_wait3A_229 : memref<10240x128xf32, #tpu.memory_space<hbm>>) dst(%arg10 : memref<128x128xf32, #tpu.memory_space<vmem>>)
        %dma_start3A_230 = arith.constant 0 : i32
        %dma_start3A_231 = tpu.memref_slice %arg9[%add3A_223, %dma_start3A_230] : memref<40x128xi32, #tpu.memory_space<vmem>> -> memref<1x128xi32, #tpu.memory_space<vmem>>
        %dma_start3A_232 = tpu.memref_squeeze %dma_start3A_231 : memref<1x128xi32, #tpu.memory_space<vmem>> -> memref<128xi32, #tpu.memory_space<vmem>>
        %dma_start3A_233 = arith.constant 0 : i32
        %dma_start3A_234 = arith.constant 0 : i32
        %dma_start3A_235 = tpu.memref_slice %arg6[%dma_start3A_233, %dma_start3A_234] : memref<10240x128xf32, #tpu.memory_space<vmem_shared>> -> memref<10240x128xf32, #tpu.memory_space<vmem_shared>>
        tpu.enqueue_indirect_dma source(%arg10 : memref<128x128xf32, #tpu.memory_space<vmem>>) target(%dma_start3A_235 : memref<10240x128xf32, #tpu.memory_space<vmem_shared>>) offsets(%dma_start3A_232 : memref<128xi32, #tpu.memory_space<vmem>>) semaphore(%arg14 : memref<!tpu.dma_semaphore, #tpu.memory_space<semaphore_mem>>) {add = true}
        %mul3A_236 = arith.constant 2 : i32
        %mul3A_237 = arith.muli %scan3A_219, %mul3A_236 : i32
        %add3A_238 = arith.constant 1 : i32
        %add3A_239 = arith.addi %mul3A_237, %add3A_238 : i32
        %dma_wait3A_240 = arith.constant 0 : i32
        %dma_wait3A_241 = tpu.memref_slice %arg8[%add3A_239, %dma_wait3A_240] : memref<40x128xi32, #tpu.memory_space<vmem>> -> memref<1x128xi32, #tpu.memory_space<vmem>>
        %dma_wait3A_242 = tpu.memref_squeeze %dma_wait3A_241 : memref<1x128xi32, #tpu.memory_space<vmem>> -> memref<128xi32, #tpu.memory_space<vmem>>
        %dma_wait3A_243 = arith.constant 0 : i32
        %dma_wait3A_244 = arith.constant 0 : i32
        %dma_wait3A_245 = tpu.memref_slice %arg2[%dma_wait3A_243, %dma_wait3A_244] : memref<10240x128xf32, #tpu.memory_space<hbm>> -> memref<10240x128xf32, #tpu.memory_space<hbm>>
        tpu.wait_indirect_dma semaphore(%arg13 : memref<!tpu.dma_semaphore, #tpu.memory_space<semaphore_mem>>) src(%dma_wait3A_245 : memref<10240x128xf32, #tpu.memory_space<hbm>>) dst(%arg11 : memref<128x128xf32, #tpu.memory_space<vmem>>)
        %dma_start3A_246 = arith.constant 0 : i32
        %dma_start3A_247 = tpu.memref_slice %arg9[%add3A_239, %dma_start3A_246] : memref<40x128xi32, #tpu.memory_space<vmem>> -> memref<1x128xi32, #tpu.memory_space<vmem>>
        %dma_start3A_248 = tpu.memref_squeeze %dma_start3A_247 : memref<1x128xi32, #tpu.memory_space<vmem>> -> memref<128xi32, #tpu.memory_space<vmem>>
        %dma_start3A_249 = arith.constant 0 : i32
        %dma_start3A_250 = arith.constant 0 : i32
        %dma_start3A_251 = tpu.memref_slice %arg6[%dma_start3A_249, %dma_start3A_250] : memref<10240x128xf32, #tpu.memory_space<vmem_shared>> -> memref<10240x128xf32, #tpu.memory_space<vmem_shared>>
        tpu.enqueue_indirect_dma source(%arg11 : memref<128x128xf32, #tpu.memory_space<vmem>>) target(%dma_start3A_251 : memref<10240x128xf32, #tpu.memory_space<vmem_shared>>) offsets(%dma_start3A_248 : memref<128xi32, #tpu.memory_space<vmem>>) semaphore(%arg15 : memref<!tpu.dma_semaphore, #tpu.memory_space<semaphore_mem>>) {add = true}
        %mul3A_252 = arith.constant 2 : i32
        %mul3A_253 = arith.muli %scan3A_219, %mul3A_252 : i32
        %add3A_254 = arith.constant 0 : i32
        %add3A_255 = arith.addi %mul3A_253, %add3A_254 : i32
        %add3A_256 = arith.constant 2 : i32
        %add3A_257 = arith.addi %add3A_255, %add3A_256 : i32
        %lt3A = arith.constant 40 : i32
        %lt3A_258 = arith.cmpi slt, %add3A_257, %lt3A : i32
        %convert_element_type3A = arith.extui %lt3A_258 : i1 to i32
        %cond3A = arith.constant 0 : i32
        %cond3A_259 = arith.cmpi ne, %convert_element_type3A, %cond3A : i32
        scf.if %cond3A_259 {
          %dma_wait3A_271 = arith.constant 0 : i32
          %dma_wait3A_272 = tpu.memref_slice %arg9[%add3A_255, %dma_wait3A_271] : memref<40x128xi32, #tpu.memory_space<vmem>> -> memref<1x128xi32, #tpu.memory_space<vmem>>
          %dma_wait3A_273 = tpu.memref_squeeze %dma_wait3A_272 : memref<1x128xi32, #tpu.memory_space<vmem>> -> memref<128xi32, #tpu.memory_space<vmem>>
          %dma_wait3A_274 = arith.constant 0 : i32
          %dma_wait3A_275 = arith.constant 0 : i32
          %dma_wait3A_276 = tpu.memref_slice %arg6[%dma_wait3A_274, %dma_wait3A_275] : memref<10240x128xf32, #tpu.memory_space<vmem_shared>> -> memref<10240x128xf32, #tpu.memory_space<vmem_shared>>
          tpu.wait_indirect_dma semaphore(%arg14 : memref<!tpu.dma_semaphore, #tpu.memory_space<semaphore_mem>>) src(%arg10 : memref<128x128xf32, #tpu.memory_space<vmem>>) dst(%dma_wait3A_276 : memref<10240x128xf32, #tpu.memory_space<vmem_shared>>)
          %add3A_277 = arith.constant 2 : i32
          %add3A_278 = arith.addi %add3A_255, %add3A_277 : i32
          %dma_start3A_279 = arith.constant 0 : i32
          %dma_start3A_280 = tpu.memref_slice %arg8[%add3A_278, %dma_start3A_279] : memref<40x128xi32, #tpu.memory_space<vmem>> -> memref<1x128xi32, #tpu.memory_space<vmem>>
          %dma_start3A_281 = tpu.memref_squeeze %dma_start3A_280 : memref<1x128xi32, #tpu.memory_space<vmem>> -> memref<128xi32, #tpu.memory_space<vmem>>
          %dma_start3A_282 = arith.constant 0 : i32
          %dma_start3A_283 = arith.constant 0 : i32
          %dma_start3A_284 = tpu.memref_slice %arg2[%dma_start3A_282, %dma_start3A_283] : memref<10240x128xf32, #tpu.memory_space<hbm>> -> memref<10240x128xf32, #tpu.memory_space<hbm>>
          tpu.enqueue_indirect_dma source(%dma_start3A_284 : memref<10240x128xf32, #tpu.memory_space<hbm>>) target(%arg10 : memref<128x128xf32, #tpu.memory_space<vmem>>) offsets(%dma_start3A_281 : memref<128xi32, #tpu.memory_space<vmem>>) semaphore(%arg12 : memref<!tpu.dma_semaphore, #tpu.memory_space<semaphore_mem>>)
        } else {
        }
        %mul3A_260 = arith.constant 2 : i32
        %mul3A_261 = arith.muli %scan3A_219, %mul3A_260 : i32
        %add3A_262 = arith.constant 1 : i32
        %add3A_263 = arith.addi %mul3A_261, %add3A_262 : i32
        %add3A_264 = arith.constant 2 : i32
        %add3A_265 = arith.addi %add3A_263, %add3A_264 : i32
        %lt3A_266 = arith.constant 40 : i32
        %lt3A_267 = arith.cmpi slt, %add3A_265, %lt3A_266 : i32
        %convert_element_type3A_268 = arith.extui %lt3A_267 : i1 to i32
        %cond3A_269 = arith.constant 0 : i32
        %cond3A_270 = arith.cmpi ne, %convert_element_type3A_268, %cond3A_269 : i32
        scf.if %cond3A_270 {
          %dma_wait3A_271 = arith.constant 0 : i32
          %dma_wait3A_272 = tpu.memref_slice %arg9[%add3A_263, %dma_wait3A_271] : memref<40x128xi32, #tpu.memory_space<vmem>> -> memref<1x128xi32, #tpu.memory_space<vmem>>
          %dma_wait3A_273 = tpu.memref_squeeze %dma_wait3A_272 : memref<1x128xi32, #tpu.memory_space<vmem>> -> memref<128xi32, #tpu.memory_space<vmem>>
          %dma_wait3A_274 = arith.constant 0 : i32
          %dma_wait3A_275 = arith.constant 0 : i32
          %dma_wait3A_276 = tpu.memref_slice %arg6[%dma_wait3A_274, %dma_wait3A_275] : memref<10240x128xf32, #tpu.memory_space<vmem_shared>> -> memref<10240x128xf32, #tpu.memory_space<vmem_shared>>
          tpu.wait_indirect_dma semaphore(%arg15 : memref<!tpu.dma_semaphore, #tpu.memory_space<semaphore_mem>>) src(%arg11 : memref<128x128xf32, #tpu.memory_space<vmem>>) dst(%dma_wait3A_276 : memref<10240x128xf32, #tpu.memory_space<vmem_shared>>)
          %add3A_277 = arith.constant 2 : i32
          %add3A_278 = arith.addi %add3A_263, %add3A_277 : i32
          %dma_start3A_279 = arith.constant 0 : i32
          %dma_start3A_280 = tpu.memref_slice %arg8[%add3A_278, %dma_start3A_279] : memref<40x128xi32, #tpu.memory_space<vmem>> -> memref<1x128xi32, #tpu.memory_space<vmem>>
          %dma_start3A_281 = tpu.memref_squeeze %dma_start3A_280 : memref<1x128xi32, #tpu.memory_space<vmem>> -> memref<128xi32, #tpu.memory_space<vmem>>
          %dma_start3A_282 = arith.constant 0 : i32
          %dma_start3A_283 = arith.constant 0 : i32
          %dma_start3A_284 = tpu.memref_slice %arg2[%dma_start3A_282, %dma_start3A_283] : memref<10240x128xf32, #tpu.memory_space<hbm>> -> memref<10240x128xf32, #tpu.memory_space<hbm>>
          tpu.enqueue_indirect_dma source(%dma_start3A_284 : memref<10240x128xf32, #tpu.memory_space<hbm>>) target(%arg11 : memref<128x128xf32, #tpu.memory_space<vmem>>) offsets(%dma_start3A_281 : memref<128xi32, #tpu.memory_space<vmem>>) semaphore(%arg13 : memref<!tpu.dma_semaphore, #tpu.memory_space<semaphore_mem>>)
        } else {
        }
      }
      %scan3A_205 = arith.constant 20 : i32
      %dma_wait3A = arith.constant 0 : i32
      %dma_wait3A_206 = arith.constant 0 : i32
      %dma_wait3A_207 = tpu.memref_slice %arg9[%dma_wait3A, %dma_wait3A_206] : memref<40x128xi32, #tpu.memory_space<vmem>> -> memref<1x128xi32, #tpu.memory_space<vmem>>
      %dma_wait3A_208 = tpu.memref_squeeze %dma_wait3A_207 : memref<1x128xi32, #tpu.memory_space<vmem>> -> memref<128xi32, #tpu.memory_space<vmem>>
      %dma_wait3A_209 = arith.constant 0 : i32
      %dma_wait3A_210 = arith.constant 0 : i32
      %dma_wait3A_211 = tpu.memref_slice %arg6[%dma_wait3A_209, %dma_wait3A_210] : memref<10240x128xf32, #tpu.memory_space<vmem_shared>> -> memref<10240x128xf32, #tpu.memory_space<vmem_shared>>
      tpu.wait_indirect_dma semaphore(%arg14 : memref<!tpu.dma_semaphore, #tpu.memory_space<semaphore_mem>>) src(%arg10 : memref<128x128xf32, #tpu.memory_space<vmem>>) dst(%dma_wait3A_211 : memref<10240x128xf32, #tpu.memory_space<vmem_shared>>)
      %dma_wait3A_212 = arith.constant 1 : i32
      %dma_wait3A_213 = arith.constant 0 : i32
      %dma_wait3A_214 = tpu.memref_slice %arg9[%dma_wait3A_212, %dma_wait3A_213] : memref<40x128xi32, #tpu.memory_space<vmem>> -> memref<1x128xi32, #tpu.memory_space<vmem>>
      %dma_wait3A_215 = tpu.memref_squeeze %dma_wait3A_214 : memref<1x128xi32, #tpu.memory_space<vmem>> -> memref<128xi32, #tpu.memory_space<vmem>>
      %dma_wait3A_216 = arith.constant 0 : i32
      %dma_wait3A_217 = arith.constant 0 : i32
      %dma_wait3A_218 = tpu.memref_slice %arg6[%dma_wait3A_216, %dma_wait3A_217] : memref<10240x128xf32, #tpu.memory_space<vmem_shared>> -> memref<10240x128xf32, #tpu.memory_space<vmem_shared>>
      tpu.wait_indirect_dma semaphore(%arg15 : memref<!tpu.dma_semaphore, #tpu.memory_space<semaphore_mem>>) src(%arg11 : memref<128x128xf32, #tpu.memory_space<vmem>>) dst(%dma_wait3A_218 : memref<10240x128xf32, #tpu.memory_space<vmem_shared>>)
    }
    %scan3A_174 = arith.constant 2 : i32
    %barrier3A_175 = arith.constant 0 : index
    tpu.barrier barrier_id(%barrier3A_175)
    %mul3A_176 = arith.constant 640 : i32
    %mul3A_177 = arith.muli %arg1, %mul3A_176 : i32
    %mul3A_178 = arith.constant 640 : i32
    %mul3A_179 = arith.muli %arg1, %mul3A_178 : i32
    "tpu.region"() ({
      %run_scoped3A = tpu.sem_alloc : memref<!tpu.dma_semaphore, #tpu.memory_space<semaphore_mem>>
      %dma_start3A = arith.constant 0 : i32
      %dma_start3A_180 = tpu.memref_slice %arg5[%arg0, %mul3A_179, %dma_start3A] : memref<2x10240x128xf32, #tpu.memory_space<hbm>> -> memref<1x640x128xf32, #tpu.memory_space<hbm>>
      %dma_start3A_181 = tpu.memref_squeeze %dma_start3A_180 : memref<1x640x128xf32, #tpu.memory_space<hbm>> -> memref<640x128xf32, #tpu.memory_space<hbm>>
      %dma_start3A_182 = arith.constant 0 : i32
      %dma_start3A_183 = tpu.memref_slice %arg6[%mul3A_177, %dma_start3A_182] : memref<10240x128xf32, #tpu.memory_space<vmem_shared>> -> memref<640x128xf32, #tpu.memory_space<vmem_shared>>
      tpu.enqueue_dma source(%dma_start3A_183 : memref<640x128xf32, #tpu.memory_space<vmem_shared>>) target(%dma_start3A_181 : memref<640x128xf32, #tpu.memory_space<hbm>>) target_semaphore(%run_scoped3A : memref<!tpu.dma_semaphore, #tpu.memory_space<semaphore_mem>>)
      %dma_wait3A = arith.constant 0 : i32
      %dma_wait3A_184 = tpu.memref_slice %arg5[%arg0, %mul3A_179, %dma_wait3A] : memref<2x10240x128xf32, #tpu.memory_space<hbm>> -> memref<1x640x128xf32, #tpu.memory_space<hbm>>
      %dma_wait3A_185 = tpu.memref_squeeze %dma_wait3A_184 : memref<1x640x128xf32, #tpu.memory_space<hbm>> -> memref<640x128xf32, #tpu.memory_space<hbm>>
      %dma_wait3A_186 = arith.constant 0 : i32
      %dma_wait3A_187 = tpu.memref_slice %arg6[%mul3A_177, %dma_wait3A_186] : memref<10240x128xf32, #tpu.memory_space<vmem_shared>> -> memref<640x128xf32, #tpu.memory_space<vmem_shared>>
      tpu.wait_dma2 semaphore(%run_scoped3A : memref<!tpu.dma_semaphore, #tpu.memory_space<semaphore_mem>>) src(%dma_wait3A_187 : memref<640x128xf32, #tpu.memory_space<vmem_shared>>) dst(%dma_wait3A_185 : memref<640x128xf32, #tpu.memory_space<hbm>>)
      tpu.yield
    }) : () -> ()
    return
  }
}

#map = affine_map<(d0, d1) -> (0, 0)>
#map1 = affine_map<(d0, d1) -> (0, 0, 0)>
module attributes {stable_mosaic.version = 14 : i64} {
  func.func @_agg_body(%arg0: i32, %arg1: i32, %arg2: memref<10240x128xf32, #tpu.memory_space<hbm>>, %arg3: memref<2560x128xi32, #tpu.memory_space<hbm>>, %arg4: memref<2560x128xi32, #tpu.memory_space<hbm>>, %arg5: memref<2x10240x128xf32, #tpu.memory_space<hbm>>, %arg6: memref<10240x128xf32, #tpu.memory_space<vmem_shared>>, %arg7: memref<16x128xf32, #tpu.memory_space<vmem>>, %arg8: memref<40x128xi32, #tpu.memory_space<vmem>>, %arg9: memref<40x128xi32, #tpu.memory_space<vmem>>, %arg10: memref<128x128xf32, #tpu.memory_space<vmem>>, %arg11: memref<128x128xf32, #tpu.memory_space<vmem>>, %arg12: memref<!tpu.dma_semaphore, #tpu.memory_space<semaphore_mem>>, %arg13: memref<!tpu.dma_semaphore, #tpu.memory_space<semaphore_mem>>, %arg14: memref<!tpu.dma_semaphore, #tpu.memory_space<semaphore_mem>>, %arg15: memref<!tpu.dma_semaphore, #tpu.memory_space<semaphore_mem>>) attributes {dimension_semantics = [#tpu.dimension_semantics<core_parallel>, #tpu.dimension_semantics<subcore_parallel>], iteration_bounds = array<i64: 2, 16>, scalar_prefetch = 0 : i64, scratch_operands = 10 : i64, tpu.core_type = #tpu.core_type<sc_vector_subcore>, window_params = [{transform_indices = #map}, {transform_indices = #map}, {transform_indices = #map}, {transform_indices = #map1}]} {
    %mul3A = arith.constant 2 : i32
    %mul3A_0 = arith.muli %arg1, %mul3A : i32
    %add3A = arith.addi %mul3A_0, %arg0 : i32
    %broadcast_in_dim3A = arith.constant 0.000000e+00 : f32
    %broadcast_in_dim3A_1 = vector.broadcast %broadcast_in_dim3A : f32 to vector<16xf32>
    %scan3A = arith.constant 0 : i32
    %scan3A_2 = arith.constant 0 : i32
    %scan3A_3 = arith.constant 16 : i32
    %scan3A_4 = arith.addi %scan3A_2, %scan3A_3 : i32
    %scan3A_5 = arith.constant 1 : i32
    scf.for %scan3A_180 = %scan3A_2 to %scan3A_4 step %scan3A_5  : i32 {
      %swap3A = arith.index_cast %scan3A_180 : i32 to index
      %swap3A_181 = arith.constant 0 : index
      %swap3A_182 = tpu.vector_load %arg7[%swap3A, %swap3A_181] {strides = array<i32>} : memref<16x128xf32, #tpu.memory_space<vmem>>, vector<1x16xf32>,
      %swap3A_183 = vector.shape_cast %swap3A_182 : vector<1x16xf32> to vector<16xf32>
      %swap3A_184 = vector.shape_cast %broadcast_in_dim3A_1 : vector<16xf32> to vector<1x16xf32>
      tpu.vector_store %arg7[%swap3A, %swap3A_181], %swap3A_184 {strides = array<i32>} : memref<16x128xf32, #tpu.memory_space<vmem>>, vector<1x16xf32>,
      %swap3A_185 = arith.index_cast %scan3A_180 : i32 to index
      %swap3A_186 = arith.constant 16 : index
      %swap3A_187 = tpu.vector_load %arg7[%swap3A_185, %swap3A_186] {strides = array<i32>} : memref<16x128xf32, #tpu.memory_space<vmem>>, vector<1x16xf32>,
      %swap3A_188 = vector.shape_cast %swap3A_187 : vector<1x16xf32> to vector<16xf32>
      %swap3A_189 = vector.shape_cast %broadcast_in_dim3A_1 : vector<16xf32> to vector<1x16xf32>
      tpu.vector_store %arg7[%swap3A_185, %swap3A_186], %swap3A_189 {strides = array<i32>} : memref<16x128xf32, #tpu.memory_space<vmem>>, vector<1x16xf32>,
      %swap3A_190 = arith.index_cast %scan3A_180 : i32 to index
      %swap3A_191 = arith.constant 32 : index
      %swap3A_192 = tpu.vector_load %arg7[%swap3A_190, %swap3A_191] {strides = array<i32>} : memref<16x128xf32, #tpu.memory_space<vmem>>, vector<1x16xf32>,
      %swap3A_193 = vector.shape_cast %swap3A_192 : vector<1x16xf32> to vector<16xf32>
      %swap3A_194 = vector.shape_cast %broadcast_in_dim3A_1 : vector<16xf32> to vector<1x16xf32>
      tpu.vector_store %arg7[%swap3A_190, %swap3A_191], %swap3A_194 {strides = array<i32>} : memref<16x128xf32, #tpu.memory_space<vmem>>, vector<1x16xf32>,
      %swap3A_195 = arith.index_cast %scan3A_180 : i32 to index
      %swap3A_196 = arith.constant 48 : index
      %swap3A_197 = tpu.vector_load %arg7[%swap3A_195, %swap3A_196] {strides = array<i32>} : memref<16x128xf32, #tpu.memory_space<vmem>>, vector<1x16xf32>,
      %swap3A_198 = vector.shape_cast %swap3A_197 : vector<1x16xf32> to vector<16xf32>
      %swap3A_199 = vector.shape_cast %broadcast_in_dim3A_1 : vector<16xf32> to vector<1x16xf32>
      tpu.vector_store %arg7[%swap3A_195, %swap3A_196], %swap3A_199 {strides = array<i32>} : memref<16x128xf32, #tpu.memory_space<vmem>>, vector<1x16xf32>,
      %swap3A_200 = arith.index_cast %scan3A_180 : i32 to index
      %swap3A_201 = arith.constant 64 : index
      %swap3A_202 = tpu.vector_load %arg7[%swap3A_200, %swap3A_201] {strides = array<i32>} : memref<16x128xf32, #tpu.memory_space<vmem>>, vector<1x16xf32>,
      %swap3A_203 = vector.shape_cast %swap3A_202 : vector<1x16xf32> to vector<16xf32>
      %swap3A_204 = vector.shape_cast %broadcast_in_dim3A_1 : vector<16xf32> to vector<1x16xf32>
      tpu.vector_store %arg7[%swap3A_200, %swap3A_201], %swap3A_204 {strides = array<i32>} : memref<16x128xf32, #tpu.memory_space<vmem>>, vector<1x16xf32>,
      %swap3A_205 = arith.index_cast %scan3A_180 : i32 to index
      %swap3A_206 = arith.constant 80 : index
      %swap3A_207 = tpu.vector_load %arg7[%swap3A_205, %swap3A_206] {strides = array<i32>} : memref<16x128xf32, #tpu.memory_space<vmem>>, vector<1x16xf32>,
      %swap3A_208 = vector.shape_cast %swap3A_207 : vector<1x16xf32> to vector<16xf32>
      %swap3A_209 = vector.shape_cast %broadcast_in_dim3A_1 : vector<16xf32> to vector<1x16xf32>
      tpu.vector_store %arg7[%swap3A_205, %swap3A_206], %swap3A_209 {strides = array<i32>} : memref<16x128xf32, #tpu.memory_space<vmem>>, vector<1x16xf32>,
      %swap3A_210 = arith.index_cast %scan3A_180 : i32 to index
      %swap3A_211 = arith.constant 96 : index
      %swap3A_212 = tpu.vector_load %arg7[%swap3A_210, %swap3A_211] {strides = array<i32>} : memref<16x128xf32, #tpu.memory_space<vmem>>, vector<1x16xf32>,
      %swap3A_213 = vector.shape_cast %swap3A_212 : vector<1x16xf32> to vector<16xf32>
      %swap3A_214 = vector.shape_cast %broadcast_in_dim3A_1 : vector<16xf32> to vector<1x16xf32>
      tpu.vector_store %arg7[%swap3A_210, %swap3A_211], %swap3A_214 {strides = array<i32>} : memref<16x128xf32, #tpu.memory_space<vmem>>, vector<1x16xf32>,
      %swap3A_215 = arith.index_cast %scan3A_180 : i32 to index
      %swap3A_216 = arith.constant 112 : index
      %swap3A_217 = tpu.vector_load %arg7[%swap3A_215, %swap3A_216] {strides = array<i32>} : memref<16x128xf32, #tpu.memory_space<vmem>>, vector<1x16xf32>,
      %swap3A_218 = vector.shape_cast %swap3A_217 : vector<1x16xf32> to vector<16xf32>
      %swap3A_219 = vector.shape_cast %broadcast_in_dim3A_1 : vector<16xf32> to vector<1x16xf32>
      tpu.vector_store %arg7[%swap3A_215, %swap3A_216], %swap3A_219 {strides = array<i32>} : memref<16x128xf32, #tpu.memory_space<vmem>>, vector<1x16xf32>,
    }
    %scan3A_6 = arith.constant 16 : i32
    %mul3A_7 = arith.constant 640 : i32
    %mul3A_8 = arith.muli %arg1, %mul3A_7 : i32
    %add3A_9 = arith.constant 0 : i32
    %add3A_10 = arith.addi %mul3A_8, %add3A_9 : i32
    "tpu.region"() ({
      %run_scoped3A = tpu.sem_alloc : memref<!tpu.dma_semaphore, #tpu.memory_space<semaphore_mem>>
      %dma_start3A = arith.constant 0 : i32
      %dma_start3A_180 = tpu.memref_slice %arg6[%add3A_10, %dma_start3A] : memref<10240x128xf32, #tpu.memory_space<vmem_shared>> -> memref<16x128xf32, #tpu.memory_space<vmem_shared>>
      %dma_start3A_181 = arith.constant 0 : i32
      %dma_start3A_182 = tpu.memref_slice %arg6[%add3A_10, %dma_start3A_181] : memref<10240x128xf32, #tpu.memory_space<vmem_shared>> -> memref<16x128xf32, #tpu.memory_space<vmem_shared>>
      tpu.enqueue_dma source(%arg7 : memref<16x128xf32, #tpu.memory_space<vmem>>) target(%dma_start3A_182 : memref<16x128xf32, #tpu.memory_space<vmem_shared>>) target_semaphore(%run_scoped3A : memref<!tpu.dma_semaphore, #tpu.memory_space<semaphore_mem>>)
      %dma_wait3A = arith.constant 0 : i32
      %dma_wait3A_183 = tpu.memref_slice %arg6[%add3A_10, %dma_wait3A] : memref<10240x128xf32, #tpu.memory_space<vmem_shared>> -> memref<16x128xf32, #tpu.memory_space<vmem_shared>>
      %dma_wait3A_184 = arith.constant 0 : i32
      %dma_wait3A_185 = tpu.memref_slice %arg6[%add3A_10, %dma_wait3A_184] : memref<10240x128xf32, #tpu.memory_space<vmem_shared>> -> memref<16x128xf32, #tpu.memory_space<vmem_shared>>
      tpu.wait_dma2 semaphore(%run_scoped3A : memref<!tpu.dma_semaphore, #tpu.memory_space<semaphore_mem>>) src(%arg7 : memref<16x128xf32, #tpu.memory_space<vmem>>) dst(%dma_wait3A_185 : memref<16x128xf32, #tpu.memory_space<vmem_shared>>)
      tpu.yield
    }) : () -> ()
    %mul3A_11 = arith.constant 640 : i32
    %mul3A_12 = arith.muli %arg1, %mul3A_11 : i32
    %add3A_13 = arith.constant 16 : i32
    %add3A_14 = arith.addi %mul3A_12, %add3A_13 : i32
    "tpu.region"() ({
      %run_scoped3A = tpu.sem_alloc : memref<!tpu.dma_semaphore, #tpu.memory_space<semaphore_mem>>
      %dma_start3A = arith.constant 0 : i32
      %dma_start3A_180 = tpu.memref_slice %arg6[%add3A_14, %dma_start3A] : memref<10240x128xf32, #tpu.memory_space<vmem_shared>> -> memref<16x128xf32, #tpu.memory_space<vmem_shared>>
      %dma_start3A_181 = arith.constant 0 : i32
      %dma_start3A_182 = tpu.memref_slice %arg6[%add3A_14, %dma_start3A_181] : memref<10240x128xf32, #tpu.memory_space<vmem_shared>> -> memref<16x128xf32, #tpu.memory_space<vmem_shared>>
      tpu.enqueue_dma source(%arg7 : memref<16x128xf32, #tpu.memory_space<vmem>>) target(%dma_start3A_182 : memref<16x128xf32, #tpu.memory_space<vmem_shared>>) target_semaphore(%run_scoped3A : memref<!tpu.dma_semaphore, #tpu.memory_space<semaphore_mem>>)
      %dma_wait3A = arith.constant 0 : i32
      %dma_wait3A_183 = tpu.memref_slice %arg6[%add3A_14, %dma_wait3A] : memref<10240x128xf32, #tpu.memory_space<vmem_shared>> -> memref<16x128xf32, #tpu.memory_space<vmem_shared>>
      %dma_wait3A_184 = arith.constant 0 : i32
      %dma_wait3A_185 = tpu.memref_slice %arg6[%add3A_14, %dma_wait3A_184] : memref<10240x128xf32, #tpu.memory_space<vmem_shared>> -> memref<16x128xf32, #tpu.memory_space<vmem_shared>>
      tpu.wait_dma2 semaphore(%run_scoped3A : memref<!tpu.dma_semaphore, #tpu.memory_space<semaphore_mem>>) src(%arg7 : memref<16x128xf32, #tpu.memory_space<vmem>>) dst(%dma_wait3A_185 : memref<16x128xf32, #tpu.memory_space<vmem_shared>>)
      tpu.yield
    }) : () -> ()
    %mul3A_15 = arith.constant 640 : i32
    %mul3A_16 = arith.muli %arg1, %mul3A_15 : i32
    %add3A_17 = arith.constant 32 : i32
    %add3A_18 = arith.addi %mul3A_16, %add3A_17 : i32
    "tpu.region"() ({
      %run_scoped3A = tpu.sem_alloc : memref<!tpu.dma_semaphore, #tpu.memory_space<semaphore_mem>>
      %dma_start3A = arith.constant 0 : i32
      %dma_start3A_180 = tpu.memref_slice %arg6[%add3A_18, %dma_start3A] : memref<10240x128xf32, #tpu.memory_space<vmem_shared>> -> memref<16x128xf32, #tpu.memory_space<vmem_shared>>
      %dma_start3A_181 = arith.constant 0 : i32
      %dma_start3A_182 = tpu.memref_slice %arg6[%add3A_18, %dma_start3A_181] : memref<10240x128xf32, #tpu.memory_space<vmem_shared>> -> memref<16x128xf32, #tpu.memory_space<vmem_shared>>
      tpu.enqueue_dma source(%arg7 : memref<16x128xf32, #tpu.memory_space<vmem>>) target(%dma_start3A_182 : memref<16x128xf32, #tpu.memory_space<vmem_shared>>) target_semaphore(%run_scoped3A : memref<!tpu.dma_semaphore, #tpu.memory_space<semaphore_mem>>)
      %dma_wait3A = arith.constant 0 : i32
      %dma_wait3A_183 = tpu.memref_slice %arg6[%add3A_18, %dma_wait3A] : memref<10240x128xf32, #tpu.memory_space<vmem_shared>> -> memref<16x128xf32, #tpu.memory_space<vmem_shared>>
      %dma_wait3A_184 = arith.constant 0 : i32
      %dma_wait3A_185 = tpu.memref_slice %arg6[%add3A_18, %dma_wait3A_184] : memref<10240x128xf32, #tpu.memory_space<vmem_shared>> -> memref<16x128xf32, #tpu.memory_space<vmem_shared>>
      tpu.wait_dma2 semaphore(%run_scoped3A : memref<!tpu.dma_semaphore, #tpu.memory_space<semaphore_mem>>) src(%arg7 : memref<16x128xf32, #tpu.memory_space<vmem>>) dst(%dma_wait3A_185 : memref<16x128xf32, #tpu.memory_space<vmem_shared>>)
      tpu.yield
    }) : () -> ()
    %mul3A_19 = arith.constant 640 : i32
    %mul3A_20 = arith.muli %arg1, %mul3A_19 : i32
    %add3A_21 = arith.constant 48 : i32
    %add3A_22 = arith.addi %mul3A_20, %add3A_21 : i32
    "tpu.region"() ({
      %run_scoped3A = tpu.sem_alloc : memref<!tpu.dma_semaphore, #tpu.memory_space<semaphore_mem>>
      %dma_start3A = arith.constant 0 : i32
      %dma_start3A_180 = tpu.memref_slice %arg6[%add3A_22, %dma_start3A] : memref<10240x128xf32, #tpu.memory_space<vmem_shared>> -> memref<16x128xf32, #tpu.memory_space<vmem_shared>>
      %dma_start3A_181 = arith.constant 0 : i32
      %dma_start3A_182 = tpu.memref_slice %arg6[%add3A_22, %dma_start3A_181] : memref<10240x128xf32, #tpu.memory_space<vmem_shared>> -> memref<16x128xf32, #tpu.memory_space<vmem_shared>>
      tpu.enqueue_dma source(%arg7 : memref<16x128xf32, #tpu.memory_space<vmem>>) target(%dma_start3A_182 : memref<16x128xf32, #tpu.memory_space<vmem_shared>>) target_semaphore(%run_scoped3A : memref<!tpu.dma_semaphore, #tpu.memory_space<semaphore_mem>>)
      %dma_wait3A = arith.constant 0 : i32
      %dma_wait3A_183 = tpu.memref_slice %arg6[%add3A_22, %dma_wait3A] : memref<10240x128xf32, #tpu.memory_space<vmem_shared>> -> memref<16x128xf32, #tpu.memory_space<vmem_shared>>
      %dma_wait3A_184 = arith.constant 0 : i32
      %dma_wait3A_185 = tpu.memref_slice %arg6[%add3A_22, %dma_wait3A_184] : memref<10240x128xf32, #tpu.memory_space<vmem_shared>> -> memref<16x128xf32, #tpu.memory_space<vmem_shared>>
      tpu.wait_dma2 semaphore(%run_scoped3A : memref<!tpu.dma_semaphore, #tpu.memory_space<semaphore_mem>>) src(%arg7 : memref<16x128xf32, #tpu.memory_space<vmem>>) dst(%dma_wait3A_185 : memref<16x128xf32, #tpu.memory_space<vmem_shared>>)
      tpu.yield
    }) : () -> ()
    %mul3A_23 = arith.constant 640 : i32
    %mul3A_24 = arith.muli %arg1, %mul3A_23 : i32
    %add3A_25 = arith.constant 64 : i32
    %add3A_26 = arith.addi %mul3A_24, %add3A_25 : i32
    "tpu.region"() ({
      %run_scoped3A = tpu.sem_alloc : memref<!tpu.dma_semaphore, #tpu.memory_space<semaphore_mem>>
      %dma_start3A = arith.constant 0 : i32
      %dma_start3A_180 = tpu.memref_slice %arg6[%add3A_26, %dma_start3A] : memref<10240x128xf32, #tpu.memory_space<vmem_shared>> -> memref<16x128xf32, #tpu.memory_space<vmem_shared>>
      %dma_start3A_181 = arith.constant 0 : i32
      %dma_start3A_182 = tpu.memref_slice %arg6[%add3A_26, %dma_start3A_181] : memref<10240x128xf32, #tpu.memory_space<vmem_shared>> -> memref<16x128xf32, #tpu.memory_space<vmem_shared>>
      tpu.enqueue_dma source(%arg7 : memref<16x128xf32, #tpu.memory_space<vmem>>) target(%dma_start3A_182 : memref<16x128xf32, #tpu.memory_space<vmem_shared>>) target_semaphore(%run_scoped3A : memref<!tpu.dma_semaphore, #tpu.memory_space<semaphore_mem>>)
      %dma_wait3A = arith.constant 0 : i32
      %dma_wait3A_183 = tpu.memref_slice %arg6[%add3A_26, %dma_wait3A] : memref<10240x128xf32, #tpu.memory_space<vmem_shared>> -> memref<16x128xf32, #tpu.memory_space<vmem_shared>>
      %dma_wait3A_184 = arith.constant 0 : i32
      %dma_wait3A_185 = tpu.memref_slice %arg6[%add3A_26, %dma_wait3A_184] : memref<10240x128xf32, #tpu.memory_space<vmem_shared>> -> memref<16x128xf32, #tpu.memory_space<vmem_shared>>
      tpu.wait_dma2 semaphore(%run_scoped3A : memref<!tpu.dma_semaphore, #tpu.memory_space<semaphore_mem>>) src(%arg7 : memref<16x128xf32, #tpu.memory_space<vmem>>) dst(%dma_wait3A_185 : memref<16x128xf32, #tpu.memory_space<vmem_shared>>)
      tpu.yield
    }) : () -> ()
    %mul3A_27 = arith.constant 640 : i32
    %mul3A_28 = arith.muli %arg1, %mul3A_27 : i32
    %add3A_29 = arith.constant 80 : i32
    %add3A_30 = arith.addi %mul3A_28, %add3A_29 : i32
    "tpu.region"() ({
      %run_scoped3A = tpu.sem_alloc : memref<!tpu.dma_semaphore, #tpu.memory_space<semaphore_mem>>
      %dma_start3A = arith.constant 0 : i32
      %dma_start3A_180 = tpu.memref_slice %arg6[%add3A_30, %dma_start3A] : memref<10240x128xf32, #tpu.memory_space<vmem_shared>> -> memref<16x128xf32, #tpu.memory_space<vmem_shared>>
      %dma_start3A_181 = arith.constant 0 : i32
      %dma_start3A_182 = tpu.memref_slice %arg6[%add3A_30, %dma_start3A_181] : memref<10240x128xf32, #tpu.memory_space<vmem_shared>> -> memref<16x128xf32, #tpu.memory_space<vmem_shared>>
      tpu.enqueue_dma source(%arg7 : memref<16x128xf32, #tpu.memory_space<vmem>>) target(%dma_start3A_182 : memref<16x128xf32, #tpu.memory_space<vmem_shared>>) target_semaphore(%run_scoped3A : memref<!tpu.dma_semaphore, #tpu.memory_space<semaphore_mem>>)
      %dma_wait3A = arith.constant 0 : i32
      %dma_wait3A_183 = tpu.memref_slice %arg6[%add3A_30, %dma_wait3A] : memref<10240x128xf32, #tpu.memory_space<vmem_shared>> -> memref<16x128xf32, #tpu.memory_space<vmem_shared>>
      %dma_wait3A_184 = arith.constant 0 : i32
      %dma_wait3A_185 = tpu.memref_slice %arg6[%add3A_30, %dma_wait3A_184] : memref<10240x128xf32, #tpu.memory_space<vmem_shared>> -> memref<16x128xf32, #tpu.memory_space<vmem_shared>>
      tpu.wait_dma2 semaphore(%run_scoped3A : memref<!tpu.dma_semaphore, #tpu.memory_space<semaphore_mem>>) src(%arg7 : memref<16x128xf32, #tpu.memory_space<vmem>>) dst(%dma_wait3A_185 : memref<16x128xf32, #tpu.memory_space<vmem_shared>>)
      tpu.yield
    }) : () -> ()
    %mul3A_31 = arith.constant 640 : i32
    %mul3A_32 = arith.muli %arg1, %mul3A_31 : i32
    %add3A_33 = arith.constant 96 : i32
    %add3A_34 = arith.addi %mul3A_32, %add3A_33 : i32
    "tpu.region"() ({
      %run_scoped3A = tpu.sem_alloc : memref<!tpu.dma_semaphore, #tpu.memory_space<semaphore_mem>>
      %dma_start3A = arith.constant 0 : i32
      %dma_start3A_180 = tpu.memref_slice %arg6[%add3A_34, %dma_start3A] : memref<10240x128xf32, #tpu.memory_space<vmem_shared>> -> memref<16x128xf32, #tpu.memory_space<vmem_shared>>
      %dma_start3A_181 = arith.constant 0 : i32
      %dma_start3A_182 = tpu.memref_slice %arg6[%add3A_34, %dma_start3A_181] : memref<10240x128xf32, #tpu.memory_space<vmem_shared>> -> memref<16x128xf32, #tpu.memory_space<vmem_shared>>
      tpu.enqueue_dma source(%arg7 : memref<16x128xf32, #tpu.memory_space<vmem>>) target(%dma_start3A_182 : memref<16x128xf32, #tpu.memory_space<vmem_shared>>) target_semaphore(%run_scoped3A : memref<!tpu.dma_semaphore, #tpu.memory_space<semaphore_mem>>)
      %dma_wait3A = arith.constant 0 : i32
      %dma_wait3A_183 = tpu.memref_slice %arg6[%add3A_34, %dma_wait3A] : memref<10240x128xf32, #tpu.memory_space<vmem_shared>> -> memref<16x128xf32, #tpu.memory_space<vmem_shared>>
      %dma_wait3A_184 = arith.constant 0 : i32
      %dma_wait3A_185 = tpu.memref_slice %arg6[%add3A_34, %dma_wait3A_184] : memref<10240x128xf32, #tpu.memory_space<vmem_shared>> -> memref<16x128xf32, #tpu.memory_space<vmem_shared>>
      tpu.wait_dma2 semaphore(%run_scoped3A : memref<!tpu.dma_semaphore, #tpu.memory_space<semaphore_mem>>) src(%arg7 : memref<16x128xf32, #tpu.memory_space<vmem>>) dst(%dma_wait3A_185 : memref<16x128xf32, #tpu.memory_space<vmem_shared>>)
      tpu.yield
    }) : () -> ()
    %mul3A_35 = arith.constant 640 : i32
    %mul3A_36 = arith.muli %arg1, %mul3A_35 : i32
    %add3A_37 = arith.constant 112 : i32
    %add3A_38 = arith.addi %mul3A_36, %add3A_37 : i32
    "tpu.region"() ({
      %run_scoped3A = tpu.sem_alloc : memref<!tpu.dma_semaphore, #tpu.memory_space<semaphore_mem>>
      %dma_start3A = arith.constant 0 : i32
      %dma_start3A_180 = tpu.memref_slice %arg6[%add3A_38, %dma_start3A] : memref<10240x128xf32, #tpu.memory_space<vmem_shared>> -> memref<16x128xf32, #tpu.memory_space<vmem_shared>>
      %dma_start3A_181 = arith.constant 0 : i32
      %dma_start3A_182 = tpu.memref_slice %arg6[%add3A_38, %dma_start3A_181] : memref<10240x128xf32, #tpu.memory_space<vmem_shared>> -> memref<16x128xf32, #tpu.memory_space<vmem_shared>>
      tpu.enqueue_dma source(%arg7 : memref<16x128xf32, #tpu.memory_space<vmem>>) target(%dma_start3A_182 : memref<16x128xf32, #tpu.memory_space<vmem_shared>>) target_semaphore(%run_scoped3A : memref<!tpu.dma_semaphore, #tpu.memory_space<semaphore_mem>>)
      %dma_wait3A = arith.constant 0 : i32
      %dma_wait3A_183 = tpu.memref_slice %arg6[%add3A_38, %dma_wait3A] : memref<10240x128xf32, #tpu.memory_space<vmem_shared>> -> memref<16x128xf32, #tpu.memory_space<vmem_shared>>
      %dma_wait3A_184 = arith.constant 0 : i32
      %dma_wait3A_185 = tpu.memref_slice %arg6[%add3A_38, %dma_wait3A_184] : memref<10240x128xf32, #tpu.memory_space<vmem_shared>> -> memref<16x128xf32, #tpu.memory_space<vmem_shared>>
      tpu.wait_dma2 semaphore(%run_scoped3A : memref<!tpu.dma_semaphore, #tpu.memory_space<semaphore_mem>>) src(%arg7 : memref<16x128xf32, #tpu.memory_space<vmem>>) dst(%dma_wait3A_185 : memref<16x128xf32, #tpu.memory_space<vmem_shared>>)
      tpu.yield
    }) : () -> ()
    %mul3A_39 = arith.constant 640 : i32
    %mul3A_40 = arith.muli %arg1, %mul3A_39 : i32
    %add3A_41 = arith.constant 128 : i32
    %add3A_42 = arith.addi %mul3A_40, %add3A_41 : i32
    "tpu.region"() ({
      %run_scoped3A = tpu.sem_alloc : memref<!tpu.dma_semaphore, #tpu.memory_space<semaphore_mem>>
      %dma_start3A = arith.constant 0 : i32
      %dma_start3A_180 = tpu.memref_slice %arg6[%add3A_42, %dma_start3A] : memref<10240x128xf32, #tpu.memory_space<vmem_shared>> -> memref<16x128xf32, #tpu.memory_space<vmem_shared>>
      %dma_start3A_181 = arith.constant 0 : i32
      %dma_start3A_182 = tpu.memref_slice %arg6[%add3A_42, %dma_start3A_181] : memref<10240x128xf32, #tpu.memory_space<vmem_shared>> -> memref<16x128xf32, #tpu.memory_space<vmem_shared>>
      tpu.enqueue_dma source(%arg7 : memref<16x128xf32, #tpu.memory_space<vmem>>) target(%dma_start3A_182 : memref<16x128xf32, #tpu.memory_space<vmem_shared>>) target_semaphore(%run_scoped3A : memref<!tpu.dma_semaphore, #tpu.memory_space<semaphore_mem>>)
      %dma_wait3A = arith.constant 0 : i32
      %dma_wait3A_183 = tpu.memref_slice %arg6[%add3A_42, %dma_wait3A] : memref<10240x128xf32, #tpu.memory_space<vmem_shared>> -> memref<16x128xf32, #tpu.memory_space<vmem_shared>>
      %dma_wait3A_184 = arith.constant 0 : i32
      %dma_wait3A_185 = tpu.memref_slice %arg6[%add3A_42, %dma_wait3A_184] : memref<10240x128xf32, #tpu.memory_space<vmem_shared>> -> memref<16x128xf32, #tpu.memory_space<vmem_shared>>
      tpu.wait_dma2 semaphore(%run_scoped3A : memref<!tpu.dma_semaphore, #tpu.memory_space<semaphore_mem>>) src(%arg7 : memref<16x128xf32, #tpu.memory_space<vmem>>) dst(%dma_wait3A_185 : memref<16x128xf32, #tpu.memory_space<vmem_shared>>)
      tpu.yield
    }) : () -> ()
    %mul3A_43 = arith.constant 640 : i32
    %mul3A_44 = arith.muli %arg1, %mul3A_43 : i32
    %add3A_45 = arith.constant 144 : i32
    %add3A_46 = arith.addi %mul3A_44, %add3A_45 : i32
    "tpu.region"() ({
      %run_scoped3A = tpu.sem_alloc : memref<!tpu.dma_semaphore, #tpu.memory_space<semaphore_mem>>
      %dma_start3A = arith.constant 0 : i32
      %dma_start3A_180 = tpu.memref_slice %arg6[%add3A_46, %dma_start3A] : memref<10240x128xf32, #tpu.memory_space<vmem_shared>> -> memref<16x128xf32, #tpu.memory_space<vmem_shared>>
      %dma_start3A_181 = arith.constant 0 : i32
      %dma_start3A_182 = tpu.memref_slice %arg6[%add3A_46, %dma_start3A_181] : memref<10240x128xf32, #tpu.memory_space<vmem_shared>> -> memref<16x128xf32, #tpu.memory_space<vmem_shared>>
      tpu.enqueue_dma source(%arg7 : memref<16x128xf32, #tpu.memory_space<vmem>>) target(%dma_start3A_182 : memref<16x128xf32, #tpu.memory_space<vmem_shared>>) target_semaphore(%run_scoped3A : memref<!tpu.dma_semaphore, #tpu.memory_space<semaphore_mem>>)
      %dma_wait3A = arith.constant 0 : i32
      %dma_wait3A_183 = tpu.memref_slice %arg6[%add3A_46, %dma_wait3A] : memref<10240x128xf32, #tpu.memory_space<vmem_shared>> -> memref<16x128xf32, #tpu.memory_space<vmem_shared>>
      %dma_wait3A_184 = arith.constant 0 : i32
      %dma_wait3A_185 = tpu.memref_slice %arg6[%add3A_46, %dma_wait3A_184] : memref<10240x128xf32, #tpu.memory_space<vmem_shared>> -> memref<16x128xf32, #tpu.memory_space<vmem_shared>>
      tpu.wait_dma2 semaphore(%run_scoped3A : memref<!tpu.dma_semaphore, #tpu.memory_space<semaphore_mem>>) src(%arg7 : memref<16x128xf32, #tpu.memory_space<vmem>>) dst(%dma_wait3A_185 : memref<16x128xf32, #tpu.memory_space<vmem_shared>>)
      tpu.yield
    }) : () -> ()
    %mul3A_47 = arith.constant 640 : i32
    %mul3A_48 = arith.muli %arg1, %mul3A_47 : i32
    %add3A_49 = arith.constant 160 : i32
    %add3A_50 = arith.addi %mul3A_48, %add3A_49 : i32
    "tpu.region"() ({
      %run_scoped3A = tpu.sem_alloc : memref<!tpu.dma_semaphore, #tpu.memory_space<semaphore_mem>>
      %dma_start3A = arith.constant 0 : i32
      %dma_start3A_180 = tpu.memref_slice %arg6[%add3A_50, %dma_start3A] : memref<10240x128xf32, #tpu.memory_space<vmem_shared>> -> memref<16x128xf32, #tpu.memory_space<vmem_shared>>
      %dma_start3A_181 = arith.constant 0 : i32
      %dma_start3A_182 = tpu.memref_slice %arg6[%add3A_50, %dma_start3A_181] : memref<10240x128xf32, #tpu.memory_space<vmem_shared>> -> memref<16x128xf32, #tpu.memory_space<vmem_shared>>
      tpu.enqueue_dma source(%arg7 : memref<16x128xf32, #tpu.memory_space<vmem>>) target(%dma_start3A_182 : memref<16x128xf32, #tpu.memory_space<vmem_shared>>) target_semaphore(%run_scoped3A : memref<!tpu.dma_semaphore, #tpu.memory_space<semaphore_mem>>)
      %dma_wait3A = arith.constant 0 : i32
      %dma_wait3A_183 = tpu.memref_slice %arg6[%add3A_50, %dma_wait3A] : memref<10240x128xf32, #tpu.memory_space<vmem_shared>> -> memref<16x128xf32, #tpu.memory_space<vmem_shared>>
      %dma_wait3A_184 = arith.constant 0 : i32
      %dma_wait3A_185 = tpu.memref_slice %arg6[%add3A_50, %dma_wait3A_184] : memref<10240x128xf32, #tpu.memory_space<vmem_shared>> -> memref<16x128xf32, #tpu.memory_space<vmem_shared>>
      tpu.wait_dma2 semaphore(%run_scoped3A : memref<!tpu.dma_semaphore, #tpu.memory_space<semaphore_mem>>) src(%arg7 : memref<16x128xf32, #tpu.memory_space<vmem>>) dst(%dma_wait3A_185 : memref<16x128xf32, #tpu.memory_space<vmem_shared>>)
      tpu.yield
    }) : () -> ()
    %mul3A_51 = arith.constant 640 : i32
    %mul3A_52 = arith.muli %arg1, %mul3A_51 : i32
    %add3A_53 = arith.constant 176 : i32
    %add3A_54 = arith.addi %mul3A_52, %add3A_53 : i32
    "tpu.region"() ({
      %run_scoped3A = tpu.sem_alloc : memref<!tpu.dma_semaphore, #tpu.memory_space<semaphore_mem>>
      %dma_start3A = arith.constant 0 : i32
      %dma_start3A_180 = tpu.memref_slice %arg6[%add3A_54, %dma_start3A] : memref<10240x128xf32, #tpu.memory_space<vmem_shared>> -> memref<16x128xf32, #tpu.memory_space<vmem_shared>>
      %dma_start3A_181 = arith.constant 0 : i32
      %dma_start3A_182 = tpu.memref_slice %arg6[%add3A_54, %dma_start3A_181] : memref<10240x128xf32, #tpu.memory_space<vmem_shared>> -> memref<16x128xf32, #tpu.memory_space<vmem_shared>>
      tpu.enqueue_dma source(%arg7 : memref<16x128xf32, #tpu.memory_space<vmem>>) target(%dma_start3A_182 : memref<16x128xf32, #tpu.memory_space<vmem_shared>>) target_semaphore(%run_scoped3A : memref<!tpu.dma_semaphore, #tpu.memory_space<semaphore_mem>>)
      %dma_wait3A = arith.constant 0 : i32
      %dma_wait3A_183 = tpu.memref_slice %arg6[%add3A_54, %dma_wait3A] : memref<10240x128xf32, #tpu.memory_space<vmem_shared>> -> memref<16x128xf32, #tpu.memory_space<vmem_shared>>
      %dma_wait3A_184 = arith.constant 0 : i32
      %dma_wait3A_185 = tpu.memref_slice %arg6[%add3A_54, %dma_wait3A_184] : memref<10240x128xf32, #tpu.memory_space<vmem_shared>> -> memref<16x128xf32, #tpu.memory_space<vmem_shared>>
      tpu.wait_dma2 semaphore(%run_scoped3A : memref<!tpu.dma_semaphore, #tpu.memory_space<semaphore_mem>>) src(%arg7 : memref<16x128xf32, #tpu.memory_space<vmem>>) dst(%dma_wait3A_185 : memref<16x128xf32, #tpu.memory_space<vmem_shared>>)
      tpu.yield
    }) : () -> ()
    %mul3A_55 = arith.constant 640 : i32
    %mul3A_56 = arith.muli %arg1, %mul3A_55 : i32
    %add3A_57 = arith.constant 192 : i32
    %add3A_58 = arith.addi %mul3A_56, %add3A_57 : i32
    "tpu.region"() ({
      %run_scoped3A = tpu.sem_alloc : memref<!tpu.dma_semaphore, #tpu.memory_space<semaphore_mem>>
      %dma_start3A = arith.constant 0 : i32
      %dma_start3A_180 = tpu.memref_slice %arg6[%add3A_58, %dma_start3A] : memref<10240x128xf32, #tpu.memory_space<vmem_shared>> -> memref<16x128xf32, #tpu.memory_space<vmem_shared>>
      %dma_start3A_181 = arith.constant 0 : i32
      %dma_start3A_182 = tpu.memref_slice %arg6[%add3A_58, %dma_start3A_181] : memref<10240x128xf32, #tpu.memory_space<vmem_shared>> -> memref<16x128xf32, #tpu.memory_space<vmem_shared>>
      tpu.enqueue_dma source(%arg7 : memref<16x128xf32, #tpu.memory_space<vmem>>) target(%dma_start3A_182 : memref<16x128xf32, #tpu.memory_space<vmem_shared>>) target_semaphore(%run_scoped3A : memref<!tpu.dma_semaphore, #tpu.memory_space<semaphore_mem>>)
      %dma_wait3A = arith.constant 0 : i32
      %dma_wait3A_183 = tpu.memref_slice %arg6[%add3A_58, %dma_wait3A] : memref<10240x128xf32, #tpu.memory_space<vmem_shared>> -> memref<16x128xf32, #tpu.memory_space<vmem_shared>>
      %dma_wait3A_184 = arith.constant 0 : i32
      %dma_wait3A_185 = tpu.memref_slice %arg6[%add3A_58, %dma_wait3A_184] : memref<10240x128xf32, #tpu.memory_space<vmem_shared>> -> memref<16x128xf32, #tpu.memory_space<vmem_shared>>
      tpu.wait_dma2 semaphore(%run_scoped3A : memref<!tpu.dma_semaphore, #tpu.memory_space<semaphore_mem>>) src(%arg7 : memref<16x128xf32, #tpu.memory_space<vmem>>) dst(%dma_wait3A_185 : memref<16x128xf32, #tpu.memory_space<vmem_shared>>)
      tpu.yield
    }) : () -> ()
    %mul3A_59 = arith.constant 640 : i32
    %mul3A_60 = arith.muli %arg1, %mul3A_59 : i32
    %add3A_61 = arith.constant 208 : i32
    %add3A_62 = arith.addi %mul3A_60, %add3A_61 : i32
    "tpu.region"() ({
      %run_scoped3A = tpu.sem_alloc : memref<!tpu.dma_semaphore, #tpu.memory_space<semaphore_mem>>
      %dma_start3A = arith.constant 0 : i32
      %dma_start3A_180 = tpu.memref_slice %arg6[%add3A_62, %dma_start3A] : memref<10240x128xf32, #tpu.memory_space<vmem_shared>> -> memref<16x128xf32, #tpu.memory_space<vmem_shared>>
      %dma_start3A_181 = arith.constant 0 : i32
      %dma_start3A_182 = tpu.memref_slice %arg6[%add3A_62, %dma_start3A_181] : memref<10240x128xf32, #tpu.memory_space<vmem_shared>> -> memref<16x128xf32, #tpu.memory_space<vmem_shared>>
      tpu.enqueue_dma source(%arg7 : memref<16x128xf32, #tpu.memory_space<vmem>>) target(%dma_start3A_182 : memref<16x128xf32, #tpu.memory_space<vmem_shared>>) target_semaphore(%run_scoped3A : memref<!tpu.dma_semaphore, #tpu.memory_space<semaphore_mem>>)
      %dma_wait3A = arith.constant 0 : i32
      %dma_wait3A_183 = tpu.memref_slice %arg6[%add3A_62, %dma_wait3A] : memref<10240x128xf32, #tpu.memory_space<vmem_shared>> -> memref<16x128xf32, #tpu.memory_space<vmem_shared>>
      %dma_wait3A_184 = arith.constant 0 : i32
      %dma_wait3A_185 = tpu.memref_slice %arg6[%add3A_62, %dma_wait3A_184] : memref<10240x128xf32, #tpu.memory_space<vmem_shared>> -> memref<16x128xf32, #tpu.memory_space<vmem_shared>>
      tpu.wait_dma2 semaphore(%run_scoped3A : memref<!tpu.dma_semaphore, #tpu.memory_space<semaphore_mem>>) src(%arg7 : memref<16x128xf32, #tpu.memory_space<vmem>>) dst(%dma_wait3A_185 : memref<16x128xf32, #tpu.memory_space<vmem_shared>>)
      tpu.yield
    }) : () -> ()
    %mul3A_63 = arith.constant 640 : i32
    %mul3A_64 = arith.muli %arg1, %mul3A_63 : i32
    %add3A_65 = arith.constant 224 : i32
    %add3A_66 = arith.addi %mul3A_64, %add3A_65 : i32
    "tpu.region"() ({
      %run_scoped3A = tpu.sem_alloc : memref<!tpu.dma_semaphore, #tpu.memory_space<semaphore_mem>>
      %dma_start3A = arith.constant 0 : i32
      %dma_start3A_180 = tpu.memref_slice %arg6[%add3A_66, %dma_start3A] : memref<10240x128xf32, #tpu.memory_space<vmem_shared>> -> memref<16x128xf32, #tpu.memory_space<vmem_shared>>
      %dma_start3A_181 = arith.constant 0 : i32
      %dma_start3A_182 = tpu.memref_slice %arg6[%add3A_66, %dma_start3A_181] : memref<10240x128xf32, #tpu.memory_space<vmem_shared>> -> memref<16x128xf32, #tpu.memory_space<vmem_shared>>
      tpu.enqueue_dma source(%arg7 : memref<16x128xf32, #tpu.memory_space<vmem>>) target(%dma_start3A_182 : memref<16x128xf32, #tpu.memory_space<vmem_shared>>) target_semaphore(%run_scoped3A : memref<!tpu.dma_semaphore, #tpu.memory_space<semaphore_mem>>)
      %dma_wait3A = arith.constant 0 : i32
      %dma_wait3A_183 = tpu.memref_slice %arg6[%add3A_66, %dma_wait3A] : memref<10240x128xf32, #tpu.memory_space<vmem_shared>> -> memref<16x128xf32, #tpu.memory_space<vmem_shared>>
      %dma_wait3A_184 = arith.constant 0 : i32
      %dma_wait3A_185 = tpu.memref_slice %arg6[%add3A_66, %dma_wait3A_184] : memref<10240x128xf32, #tpu.memory_space<vmem_shared>> -> memref<16x128xf32, #tpu.memory_space<vmem_shared>>
      tpu.wait_dma2 semaphore(%run_scoped3A : memref<!tpu.dma_semaphore, #tpu.memory_space<semaphore_mem>>) src(%arg7 : memref<16x128xf32, #tpu.memory_space<vmem>>) dst(%dma_wait3A_185 : memref<16x128xf32, #tpu.memory_space<vmem_shared>>)
      tpu.yield
    }) : () -> ()
    %mul3A_67 = arith.constant 640 : i32
    %mul3A_68 = arith.muli %arg1, %mul3A_67 : i32
    %add3A_69 = arith.constant 240 : i32
    %add3A_70 = arith.addi %mul3A_68, %add3A_69 : i32
    "tpu.region"() ({
      %run_scoped3A = tpu.sem_alloc : memref<!tpu.dma_semaphore, #tpu.memory_space<semaphore_mem>>
      %dma_start3A = arith.constant 0 : i32
      %dma_start3A_180 = tpu.memref_slice %arg6[%add3A_70, %dma_start3A] : memref<10240x128xf32, #tpu.memory_space<vmem_shared>> -> memref<16x128xf32, #tpu.memory_space<vmem_shared>>
      %dma_start3A_181 = arith.constant 0 : i32
      %dma_start3A_182 = tpu.memref_slice %arg6[%add3A_70, %dma_start3A_181] : memref<10240x128xf32, #tpu.memory_space<vmem_shared>> -> memref<16x128xf32, #tpu.memory_space<vmem_shared>>
      tpu.enqueue_dma source(%arg7 : memref<16x128xf32, #tpu.memory_space<vmem>>) target(%dma_start3A_182 : memref<16x128xf32, #tpu.memory_space<vmem_shared>>) target_semaphore(%run_scoped3A : memref<!tpu.dma_semaphore, #tpu.memory_space<semaphore_mem>>)
      %dma_wait3A = arith.constant 0 : i32
      %dma_wait3A_183 = tpu.memref_slice %arg6[%add3A_70, %dma_wait3A] : memref<10240x128xf32, #tpu.memory_space<vmem_shared>> -> memref<16x128xf32, #tpu.memory_space<vmem_shared>>
      %dma_wait3A_184 = arith.constant 0 : i32
      %dma_wait3A_185 = tpu.memref_slice %arg6[%add3A_70, %dma_wait3A_184] : memref<10240x128xf32, #tpu.memory_space<vmem_shared>> -> memref<16x128xf32, #tpu.memory_space<vmem_shared>>
      tpu.wait_dma2 semaphore(%run_scoped3A : memref<!tpu.dma_semaphore, #tpu.memory_space<semaphore_mem>>) src(%arg7 : memref<16x128xf32, #tpu.memory_space<vmem>>) dst(%dma_wait3A_185 : memref<16x128xf32, #tpu.memory_space<vmem_shared>>)
      tpu.yield
    }) : () -> ()
    %mul3A_71 = arith.constant 640 : i32
    %mul3A_72 = arith.muli %arg1, %mul3A_71 : i32
    %add3A_73 = arith.constant 256 : i32
    %add3A_74 = arith.addi %mul3A_72, %add3A_73 : i32
    "tpu.region"() ({
      %run_scoped3A = tpu.sem_alloc : memref<!tpu.dma_semaphore, #tpu.memory_space<semaphore_mem>>
      %dma_start3A = arith.constant 0 : i32
      %dma_start3A_180 = tpu.memref_slice %arg6[%add3A_74, %dma_start3A] : memref<10240x128xf32, #tpu.memory_space<vmem_shared>> -> memref<16x128xf32, #tpu.memory_space<vmem_shared>>
      %dma_start3A_181 = arith.constant 0 : i32
      %dma_start3A_182 = tpu.memref_slice %arg6[%add3A_74, %dma_start3A_181] : memref<10240x128xf32, #tpu.memory_space<vmem_shared>> -> memref<16x128xf32, #tpu.memory_space<vmem_shared>>
      tpu.enqueue_dma source(%arg7 : memref<16x128xf32, #tpu.memory_space<vmem>>) target(%dma_start3A_182 : memref<16x128xf32, #tpu.memory_space<vmem_shared>>) target_semaphore(%run_scoped3A : memref<!tpu.dma_semaphore, #tpu.memory_space<semaphore_mem>>)
      %dma_wait3A = arith.constant 0 : i32
      %dma_wait3A_183 = tpu.memref_slice %arg6[%add3A_74, %dma_wait3A] : memref<10240x128xf32, #tpu.memory_space<vmem_shared>> -> memref<16x128xf32, #tpu.memory_space<vmem_shared>>
      %dma_wait3A_184 = arith.constant 0 : i32
      %dma_wait3A_185 = tpu.memref_slice %arg6[%add3A_74, %dma_wait3A_184] : memref<10240x128xf32, #tpu.memory_space<vmem_shared>> -> memref<16x128xf32, #tpu.memory_space<vmem_shared>>
      tpu.wait_dma2 semaphore(%run_scoped3A : memref<!tpu.dma_semaphore, #tpu.memory_space<semaphore_mem>>) src(%arg7 : memref<16x128xf32, #tpu.memory_space<vmem>>) dst(%dma_wait3A_185 : memref<16x128xf32, #tpu.memory_space<vmem_shared>>)
      tpu.yield
    }) : () -> ()
    %mul3A_75 = arith.constant 640 : i32
    %mul3A_76 = arith.muli %arg1, %mul3A_75 : i32
    %add3A_77 = arith.constant 272 : i32
    %add3A_78 = arith.addi %mul3A_76, %add3A_77 : i32
    "tpu.region"() ({
      %run_scoped3A = tpu.sem_alloc : memref<!tpu.dma_semaphore, #tpu.memory_space<semaphore_mem>>
      %dma_start3A = arith.constant 0 : i32
      %dma_start3A_180 = tpu.memref_slice %arg6[%add3A_78, %dma_start3A] : memref<10240x128xf32, #tpu.memory_space<vmem_shared>> -> memref<16x128xf32, #tpu.memory_space<vmem_shared>>
      %dma_start3A_181 = arith.constant 0 : i32
      %dma_start3A_182 = tpu.memref_slice %arg6[%add3A_78, %dma_start3A_181] : memref<10240x128xf32, #tpu.memory_space<vmem_shared>> -> memref<16x128xf32, #tpu.memory_space<vmem_shared>>
      tpu.enqueue_dma source(%arg7 : memref<16x128xf32, #tpu.memory_space<vmem>>) target(%dma_start3A_182 : memref<16x128xf32, #tpu.memory_space<vmem_shared>>) target_semaphore(%run_scoped3A : memref<!tpu.dma_semaphore, #tpu.memory_space<semaphore_mem>>)
      %dma_wait3A = arith.constant 0 : i32
      %dma_wait3A_183 = tpu.memref_slice %arg6[%add3A_78, %dma_wait3A] : memref<10240x128xf32, #tpu.memory_space<vmem_shared>> -> memref<16x128xf32, #tpu.memory_space<vmem_shared>>
      %dma_wait3A_184 = arith.constant 0 : i32
      %dma_wait3A_185 = tpu.memref_slice %arg6[%add3A_78, %dma_wait3A_184] : memref<10240x128xf32, #tpu.memory_space<vmem_shared>> -> memref<16x128xf32, #tpu.memory_space<vmem_shared>>
      tpu.wait_dma2 semaphore(%run_scoped3A : memref<!tpu.dma_semaphore, #tpu.memory_space<semaphore_mem>>) src(%arg7 : memref<16x128xf32, #tpu.memory_space<vmem>>) dst(%dma_wait3A_185 : memref<16x128xf32, #tpu.memory_space<vmem_shared>>)
      tpu.yield
    }) : () -> ()
    %mul3A_79 = arith.constant 640 : i32
    %mul3A_80 = arith.muli %arg1, %mul3A_79 : i32
    %add3A_81 = arith.constant 288 : i32
    %add3A_82 = arith.addi %mul3A_80, %add3A_81 : i32
    "tpu.region"() ({
      %run_scoped3A = tpu.sem_alloc : memref<!tpu.dma_semaphore, #tpu.memory_space<semaphore_mem>>
      %dma_start3A = arith.constant 0 : i32
      %dma_start3A_180 = tpu.memref_slice %arg6[%add3A_82, %dma_start3A] : memref<10240x128xf32, #tpu.memory_space<vmem_shared>> -> memref<16x128xf32, #tpu.memory_space<vmem_shared>>
      %dma_start3A_181 = arith.constant 0 : i32
      %dma_start3A_182 = tpu.memref_slice %arg6[%add3A_82, %dma_start3A_181] : memref<10240x128xf32, #tpu.memory_space<vmem_shared>> -> memref<16x128xf32, #tpu.memory_space<vmem_shared>>
      tpu.enqueue_dma source(%arg7 : memref<16x128xf32, #tpu.memory_space<vmem>>) target(%dma_start3A_182 : memref<16x128xf32, #tpu.memory_space<vmem_shared>>) target_semaphore(%run_scoped3A : memref<!tpu.dma_semaphore, #tpu.memory_space<semaphore_mem>>)
      %dma_wait3A = arith.constant 0 : i32
      %dma_wait3A_183 = tpu.memref_slice %arg6[%add3A_82, %dma_wait3A] : memref<10240x128xf32, #tpu.memory_space<vmem_shared>> -> memref<16x128xf32, #tpu.memory_space<vmem_shared>>
      %dma_wait3A_184 = arith.constant 0 : i32
      %dma_wait3A_185 = tpu.memref_slice %arg6[%add3A_82, %dma_wait3A_184] : memref<10240x128xf32, #tpu.memory_space<vmem_shared>> -> memref<16x128xf32, #tpu.memory_space<vmem_shared>>
      tpu.wait_dma2 semaphore(%run_scoped3A : memref<!tpu.dma_semaphore, #tpu.memory_space<semaphore_mem>>) src(%arg7 : memref<16x128xf32, #tpu.memory_space<vmem>>) dst(%dma_wait3A_185 : memref<16x128xf32, #tpu.memory_space<vmem_shared>>)
      tpu.yield
    }) : () -> ()
    %mul3A_83 = arith.constant 640 : i32
    %mul3A_84 = arith.muli %arg1, %mul3A_83 : i32
    %add3A_85 = arith.constant 304 : i32
    %add3A_86 = arith.addi %mul3A_84, %add3A_85 : i32
    "tpu.region"() ({
      %run_scoped3A = tpu.sem_alloc : memref<!tpu.dma_semaphore, #tpu.memory_space<semaphore_mem>>
      %dma_start3A = arith.constant 0 : i32
      %dma_start3A_180 = tpu.memref_slice %arg6[%add3A_86, %dma_start3A] : memref<10240x128xf32, #tpu.memory_space<vmem_shared>> -> memref<16x128xf32, #tpu.memory_space<vmem_shared>>
      %dma_start3A_181 = arith.constant 0 : i32
      %dma_start3A_182 = tpu.memref_slice %arg6[%add3A_86, %dma_start3A_181] : memref<10240x128xf32, #tpu.memory_space<vmem_shared>> -> memref<16x128xf32, #tpu.memory_space<vmem_shared>>
      tpu.enqueue_dma source(%arg7 : memref<16x128xf32, #tpu.memory_space<vmem>>) target(%dma_start3A_182 : memref<16x128xf32, #tpu.memory_space<vmem_shared>>) target_semaphore(%run_scoped3A : memref<!tpu.dma_semaphore, #tpu.memory_space<semaphore_mem>>)
      %dma_wait3A = arith.constant 0 : i32
      %dma_wait3A_183 = tpu.memref_slice %arg6[%add3A_86, %dma_wait3A] : memref<10240x128xf32, #tpu.memory_space<vmem_shared>> -> memref<16x128xf32, #tpu.memory_space<vmem_shared>>
      %dma_wait3A_184 = arith.constant 0 : i32
      %dma_wait3A_185 = tpu.memref_slice %arg6[%add3A_86, %dma_wait3A_184] : memref<10240x128xf32, #tpu.memory_space<vmem_shared>> -> memref<16x128xf32, #tpu.memory_space<vmem_shared>>
      tpu.wait_dma2 semaphore(%run_scoped3A : memref<!tpu.dma_semaphore, #tpu.memory_space<semaphore_mem>>) src(%arg7 : memref<16x128xf32, #tpu.memory_space<vmem>>) dst(%dma_wait3A_185 : memref<16x128xf32, #tpu.memory_space<vmem_shared>>)
      tpu.yield
    }) : () -> ()
    %mul3A_87 = arith.constant 640 : i32
    %mul3A_88 = arith.muli %arg1, %mul3A_87 : i32
    %add3A_89 = arith.constant 320 : i32
    %add3A_90 = arith.addi %mul3A_88, %add3A_89 : i32
    "tpu.region"() ({
      %run_scoped3A = tpu.sem_alloc : memref<!tpu.dma_semaphore, #tpu.memory_space<semaphore_mem>>
      %dma_start3A = arith.constant 0 : i32
      %dma_start3A_180 = tpu.memref_slice %arg6[%add3A_90, %dma_start3A] : memref<10240x128xf32, #tpu.memory_space<vmem_shared>> -> memref<16x128xf32, #tpu.memory_space<vmem_shared>>
      %dma_start3A_181 = arith.constant 0 : i32
      %dma_start3A_182 = tpu.memref_slice %arg6[%add3A_90, %dma_start3A_181] : memref<10240x128xf32, #tpu.memory_space<vmem_shared>> -> memref<16x128xf32, #tpu.memory_space<vmem_shared>>
      tpu.enqueue_dma source(%arg7 : memref<16x128xf32, #tpu.memory_space<vmem>>) target(%dma_start3A_182 : memref<16x128xf32, #tpu.memory_space<vmem_shared>>) target_semaphore(%run_scoped3A : memref<!tpu.dma_semaphore, #tpu.memory_space<semaphore_mem>>)
      %dma_wait3A = arith.constant 0 : i32
      %dma_wait3A_183 = tpu.memref_slice %arg6[%add3A_90, %dma_wait3A] : memref<10240x128xf32, #tpu.memory_space<vmem_shared>> -> memref<16x128xf32, #tpu.memory_space<vmem_shared>>
      %dma_wait3A_184 = arith.constant 0 : i32
      %dma_wait3A_185 = tpu.memref_slice %arg6[%add3A_90, %dma_wait3A_184] : memref<10240x128xf32, #tpu.memory_space<vmem_shared>> -> memref<16x128xf32, #tpu.memory_space<vmem_shared>>
      tpu.wait_dma2 semaphore(%run_scoped3A : memref<!tpu.dma_semaphore, #tpu.memory_space<semaphore_mem>>) src(%arg7 : memref<16x128xf32, #tpu.memory_space<vmem>>) dst(%dma_wait3A_185 : memref<16x128xf32, #tpu.memory_space<vmem_shared>>)
      tpu.yield
    }) : () -> ()
    %mul3A_91 = arith.constant 640 : i32
    %mul3A_92 = arith.muli %arg1, %mul3A_91 : i32
    %add3A_93 = arith.constant 336 : i32
    %add3A_94 = arith.addi %mul3A_92, %add3A_93 : i32
    "tpu.region"() ({
      %run_scoped3A = tpu.sem_alloc : memref<!tpu.dma_semaphore, #tpu.memory_space<semaphore_mem>>
      %dma_start3A = arith.constant 0 : i32
      %dma_start3A_180 = tpu.memref_slice %arg6[%add3A_94, %dma_start3A] : memref<10240x128xf32, #tpu.memory_space<vmem_shared>> -> memref<16x128xf32, #tpu.memory_space<vmem_shared>>
      %dma_start3A_181 = arith.constant 0 : i32
      %dma_start3A_182 = tpu.memref_slice %arg6[%add3A_94, %dma_start3A_181] : memref<10240x128xf32, #tpu.memory_space<vmem_shared>> -> memref<16x128xf32, #tpu.memory_space<vmem_shared>>
      tpu.enqueue_dma source(%arg7 : memref<16x128xf32, #tpu.memory_space<vmem>>) target(%dma_start3A_182 : memref<16x128xf32, #tpu.memory_space<vmem_shared>>) target_semaphore(%run_scoped3A : memref<!tpu.dma_semaphore, #tpu.memory_space<semaphore_mem>>)
      %dma_wait3A = arith.constant 0 : i32
      %dma_wait3A_183 = tpu.memref_slice %arg6[%add3A_94, %dma_wait3A] : memref<10240x128xf32, #tpu.memory_space<vmem_shared>> -> memref<16x128xf32, #tpu.memory_space<vmem_shared>>
      %dma_wait3A_184 = arith.constant 0 : i32
      %dma_wait3A_185 = tpu.memref_slice %arg6[%add3A_94, %dma_wait3A_184] : memref<10240x128xf32, #tpu.memory_space<vmem_shared>> -> memref<16x128xf32, #tpu.memory_space<vmem_shared>>
      tpu.wait_dma2 semaphore(%run_scoped3A : memref<!tpu.dma_semaphore, #tpu.memory_space<semaphore_mem>>) src(%arg7 : memref<16x128xf32, #tpu.memory_space<vmem>>) dst(%dma_wait3A_185 : memref<16x128xf32, #tpu.memory_space<vmem_shared>>)
      tpu.yield
    }) : () -> ()
    %mul3A_95 = arith.constant 640 : i32
    %mul3A_96 = arith.muli %arg1, %mul3A_95 : i32
    %add3A_97 = arith.constant 352 : i32
    %add3A_98 = arith.addi %mul3A_96, %add3A_97 : i32
    "tpu.region"() ({
      %run_scoped3A = tpu.sem_alloc : memref<!tpu.dma_semaphore, #tpu.memory_space<semaphore_mem>>
      %dma_start3A = arith.constant 0 : i32
      %dma_start3A_180 = tpu.memref_slice %arg6[%add3A_98, %dma_start3A] : memref<10240x128xf32, #tpu.memory_space<vmem_shared>> -> memref<16x128xf32, #tpu.memory_space<vmem_shared>>
      %dma_start3A_181 = arith.constant 0 : i32
      %dma_start3A_182 = tpu.memref_slice %arg6[%add3A_98, %dma_start3A_181] : memref<10240x128xf32, #tpu.memory_space<vmem_shared>> -> memref<16x128xf32, #tpu.memory_space<vmem_shared>>
      tpu.enqueue_dma source(%arg7 : memref<16x128xf32, #tpu.memory_space<vmem>>) target(%dma_start3A_182 : memref<16x128xf32, #tpu.memory_space<vmem_shared>>) target_semaphore(%run_scoped3A : memref<!tpu.dma_semaphore, #tpu.memory_space<semaphore_mem>>)
      %dma_wait3A = arith.constant 0 : i32
      %dma_wait3A_183 = tpu.memref_slice %arg6[%add3A_98, %dma_wait3A] : memref<10240x128xf32, #tpu.memory_space<vmem_shared>> -> memref<16x128xf32, #tpu.memory_space<vmem_shared>>
      %dma_wait3A_184 = arith.constant 0 : i32
      %dma_wait3A_185 = tpu.memref_slice %arg6[%add3A_98, %dma_wait3A_184] : memref<10240x128xf32, #tpu.memory_space<vmem_shared>> -> memref<16x128xf32, #tpu.memory_space<vmem_shared>>
      tpu.wait_dma2 semaphore(%run_scoped3A : memref<!tpu.dma_semaphore, #tpu.memory_space<semaphore_mem>>) src(%arg7 : memref<16x128xf32, #tpu.memory_space<vmem>>) dst(%dma_wait3A_185 : memref<16x128xf32, #tpu.memory_space<vmem_shared>>)
      tpu.yield
    }) : () -> ()
    %mul3A_99 = arith.constant 640 : i32
    %mul3A_100 = arith.muli %arg1, %mul3A_99 : i32
    %add3A_101 = arith.constant 368 : i32
    %add3A_102 = arith.addi %mul3A_100, %add3A_101 : i32
    "tpu.region"() ({
      %run_scoped3A = tpu.sem_alloc : memref<!tpu.dma_semaphore, #tpu.memory_space<semaphore_mem>>
      %dma_start3A = arith.constant 0 : i32
      %dma_start3A_180 = tpu.memref_slice %arg6[%add3A_102, %dma_start3A] : memref<10240x128xf32, #tpu.memory_space<vmem_shared>> -> memref<16x128xf32, #tpu.memory_space<vmem_shared>>
      %dma_start3A_181 = arith.constant 0 : i32
      %dma_start3A_182 = tpu.memref_slice %arg6[%add3A_102, %dma_start3A_181] : memref<10240x128xf32, #tpu.memory_space<vmem_shared>> -> memref<16x128xf32, #tpu.memory_space<vmem_shared>>
      tpu.enqueue_dma source(%arg7 : memref<16x128xf32, #tpu.memory_space<vmem>>) target(%dma_start3A_182 : memref<16x128xf32, #tpu.memory_space<vmem_shared>>) target_semaphore(%run_scoped3A : memref<!tpu.dma_semaphore, #tpu.memory_space<semaphore_mem>>)
      %dma_wait3A = arith.constant 0 : i32
      %dma_wait3A_183 = tpu.memref_slice %arg6[%add3A_102, %dma_wait3A] : memref<10240x128xf32, #tpu.memory_space<vmem_shared>> -> memref<16x128xf32, #tpu.memory_space<vmem_shared>>
      %dma_wait3A_184 = arith.constant 0 : i32
      %dma_wait3A_185 = tpu.memref_slice %arg6[%add3A_102, %dma_wait3A_184] : memref<10240x128xf32, #tpu.memory_space<vmem_shared>> -> memref<16x128xf32, #tpu.memory_space<vmem_shared>>
      tpu.wait_dma2 semaphore(%run_scoped3A : memref<!tpu.dma_semaphore, #tpu.memory_space<semaphore_mem>>) src(%arg7 : memref<16x128xf32, #tpu.memory_space<vmem>>) dst(%dma_wait3A_185 : memref<16x128xf32, #tpu.memory_space<vmem_shared>>)
      tpu.yield
    }) : () -> ()
    %mul3A_103 = arith.constant 640 : i32
    %mul3A_104 = arith.muli %arg1, %mul3A_103 : i32
    %add3A_105 = arith.constant 384 : i32
    %add3A_106 = arith.addi %mul3A_104, %add3A_105 : i32
    "tpu.region"() ({
      %run_scoped3A = tpu.sem_alloc : memref<!tpu.dma_semaphore, #tpu.memory_space<semaphore_mem>>
      %dma_start3A = arith.constant 0 : i32
      %dma_start3A_180 = tpu.memref_slice %arg6[%add3A_106, %dma_start3A] : memref<10240x128xf32, #tpu.memory_space<vmem_shared>> -> memref<16x128xf32, #tpu.memory_space<vmem_shared>>
      %dma_start3A_181 = arith.constant 0 : i32
      %dma_start3A_182 = tpu.memref_slice %arg6[%add3A_106, %dma_start3A_181] : memref<10240x128xf32, #tpu.memory_space<vmem_shared>> -> memref<16x128xf32, #tpu.memory_space<vmem_shared>>
      tpu.enqueue_dma source(%arg7 : memref<16x128xf32, #tpu.memory_space<vmem>>) target(%dma_start3A_182 : memref<16x128xf32, #tpu.memory_space<vmem_shared>>) target_semaphore(%run_scoped3A : memref<!tpu.dma_semaphore, #tpu.memory_space<semaphore_mem>>)
      %dma_wait3A = arith.constant 0 : i32
      %dma_wait3A_183 = tpu.memref_slice %arg6[%add3A_106, %dma_wait3A] : memref<10240x128xf32, #tpu.memory_space<vmem_shared>> -> memref<16x128xf32, #tpu.memory_space<vmem_shared>>
      %dma_wait3A_184 = arith.constant 0 : i32
      %dma_wait3A_185 = tpu.memref_slice %arg6[%add3A_106, %dma_wait3A_184] : memref<10240x128xf32, #tpu.memory_space<vmem_shared>> -> memref<16x128xf32, #tpu.memory_space<vmem_shared>>
      tpu.wait_dma2 semaphore(%run_scoped3A : memref<!tpu.dma_semaphore, #tpu.memory_space<semaphore_mem>>) src(%arg7 : memref<16x128xf32, #tpu.memory_space<vmem>>) dst(%dma_wait3A_185 : memref<16x128xf32, #tpu.memory_space<vmem_shared>>)
      tpu.yield
    }) : () -> ()
    %mul3A_107 = arith.constant 640 : i32
    %mul3A_108 = arith.muli %arg1, %mul3A_107 : i32
    %add3A_109 = arith.constant 400 : i32
    %add3A_110 = arith.addi %mul3A_108, %add3A_109 : i32
    "tpu.region"() ({
      %run_scoped3A = tpu.sem_alloc : memref<!tpu.dma_semaphore, #tpu.memory_space<semaphore_mem>>
      %dma_start3A = arith.constant 0 : i32
      %dma_start3A_180 = tpu.memref_slice %arg6[%add3A_110, %dma_start3A] : memref<10240x128xf32, #tpu.memory_space<vmem_shared>> -> memref<16x128xf32, #tpu.memory_space<vmem_shared>>
      %dma_start3A_181 = arith.constant 0 : i32
      %dma_start3A_182 = tpu.memref_slice %arg6[%add3A_110, %dma_start3A_181] : memref<10240x128xf32, #tpu.memory_space<vmem_shared>> -> memref<16x128xf32, #tpu.memory_space<vmem_shared>>
      tpu.enqueue_dma source(%arg7 : memref<16x128xf32, #tpu.memory_space<vmem>>) target(%dma_start3A_182 : memref<16x128xf32, #tpu.memory_space<vmem_shared>>) target_semaphore(%run_scoped3A : memref<!tpu.dma_semaphore, #tpu.memory_space<semaphore_mem>>)
      %dma_wait3A = arith.constant 0 : i32
      %dma_wait3A_183 = tpu.memref_slice %arg6[%add3A_110, %dma_wait3A] : memref<10240x128xf32, #tpu.memory_space<vmem_shared>> -> memref<16x128xf32, #tpu.memory_space<vmem_shared>>
      %dma_wait3A_184 = arith.constant 0 : i32
      %dma_wait3A_185 = tpu.memref_slice %arg6[%add3A_110, %dma_wait3A_184] : memref<10240x128xf32, #tpu.memory_space<vmem_shared>> -> memref<16x128xf32, #tpu.memory_space<vmem_shared>>
      tpu.wait_dma2 semaphore(%run_scoped3A : memref<!tpu.dma_semaphore, #tpu.memory_space<semaphore_mem>>) src(%arg7 : memref<16x128xf32, #tpu.memory_space<vmem>>) dst(%dma_wait3A_185 : memref<16x128xf32, #tpu.memory_space<vmem_shared>>)
      tpu.yield
    }) : () -> ()
    %mul3A_111 = arith.constant 640 : i32
    %mul3A_112 = arith.muli %arg1, %mul3A_111 : i32
    %add3A_113 = arith.constant 416 : i32
    %add3A_114 = arith.addi %mul3A_112, %add3A_113 : i32
    "tpu.region"() ({
      %run_scoped3A = tpu.sem_alloc : memref<!tpu.dma_semaphore, #tpu.memory_space<semaphore_mem>>
      %dma_start3A = arith.constant 0 : i32
      %dma_start3A_180 = tpu.memref_slice %arg6[%add3A_114, %dma_start3A] : memref<10240x128xf32, #tpu.memory_space<vmem_shared>> -> memref<16x128xf32, #tpu.memory_space<vmem_shared>>
      %dma_start3A_181 = arith.constant 0 : i32
      %dma_start3A_182 = tpu.memref_slice %arg6[%add3A_114, %dma_start3A_181] : memref<10240x128xf32, #tpu.memory_space<vmem_shared>> -> memref<16x128xf32, #tpu.memory_space<vmem_shared>>
      tpu.enqueue_dma source(%arg7 : memref<16x128xf32, #tpu.memory_space<vmem>>) target(%dma_start3A_182 : memref<16x128xf32, #tpu.memory_space<vmem_shared>>) target_semaphore(%run_scoped3A : memref<!tpu.dma_semaphore, #tpu.memory_space<semaphore_mem>>)
      %dma_wait3A = arith.constant 0 : i32
      %dma_wait3A_183 = tpu.memref_slice %arg6[%add3A_114, %dma_wait3A] : memref<10240x128xf32, #tpu.memory_space<vmem_shared>> -> memref<16x128xf32, #tpu.memory_space<vmem_shared>>
      %dma_wait3A_184 = arith.constant 0 : i32
      %dma_wait3A_185 = tpu.memref_slice %arg6[%add3A_114, %dma_wait3A_184] : memref<10240x128xf32, #tpu.memory_space<vmem_shared>> -> memref<16x128xf32, #tpu.memory_space<vmem_shared>>
      tpu.wait_dma2 semaphore(%run_scoped3A : memref<!tpu.dma_semaphore, #tpu.memory_space<semaphore_mem>>) src(%arg7 : memref<16x128xf32, #tpu.memory_space<vmem>>) dst(%dma_wait3A_185 : memref<16x128xf32, #tpu.memory_space<vmem_shared>>)
      tpu.yield
    }) : () -> ()
    %mul3A_115 = arith.constant 640 : i32
    %mul3A_116 = arith.muli %arg1, %mul3A_115 : i32
    %add3A_117 = arith.constant 432 : i32
    %add3A_118 = arith.addi %mul3A_116, %add3A_117 : i32
    "tpu.region"() ({
      %run_scoped3A = tpu.sem_alloc : memref<!tpu.dma_semaphore, #tpu.memory_space<semaphore_mem>>
      %dma_start3A = arith.constant 0 : i32
      %dma_start3A_180 = tpu.memref_slice %arg6[%add3A_118, %dma_start3A] : memref<10240x128xf32, #tpu.memory_space<vmem_shared>> -> memref<16x128xf32, #tpu.memory_space<vmem_shared>>
      %dma_start3A_181 = arith.constant 0 : i32
      %dma_start3A_182 = tpu.memref_slice %arg6[%add3A_118, %dma_start3A_181] : memref<10240x128xf32, #tpu.memory_space<vmem_shared>> -> memref<16x128xf32, #tpu.memory_space<vmem_shared>>
      tpu.enqueue_dma source(%arg7 : memref<16x128xf32, #tpu.memory_space<vmem>>) target(%dma_start3A_182 : memref<16x128xf32, #tpu.memory_space<vmem_shared>>) target_semaphore(%run_scoped3A : memref<!tpu.dma_semaphore, #tpu.memory_space<semaphore_mem>>)
      %dma_wait3A = arith.constant 0 : i32
      %dma_wait3A_183 = tpu.memref_slice %arg6[%add3A_118, %dma_wait3A] : memref<10240x128xf32, #tpu.memory_space<vmem_shared>> -> memref<16x128xf32, #tpu.memory_space<vmem_shared>>
      %dma_wait3A_184 = arith.constant 0 : i32
      %dma_wait3A_185 = tpu.memref_slice %arg6[%add3A_118, %dma_wait3A_184] : memref<10240x128xf32, #tpu.memory_space<vmem_shared>> -> memref<16x128xf32, #tpu.memory_space<vmem_shared>>
      tpu.wait_dma2 semaphore(%run_scoped3A : memref<!tpu.dma_semaphore, #tpu.memory_space<semaphore_mem>>) src(%arg7 : memref<16x128xf32, #tpu.memory_space<vmem>>) dst(%dma_wait3A_185 : memref<16x128xf32, #tpu.memory_space<vmem_shared>>)
      tpu.yield
    }) : () -> ()
    %mul3A_119 = arith.constant 640 : i32
    %mul3A_120 = arith.muli %arg1, %mul3A_119 : i32
    %add3A_121 = arith.constant 448 : i32
    %add3A_122 = arith.addi %mul3A_120, %add3A_121 : i32
    "tpu.region"() ({
      %run_scoped3A = tpu.sem_alloc : memref<!tpu.dma_semaphore, #tpu.memory_space<semaphore_mem>>
      %dma_start3A = arith.constant 0 : i32
      %dma_start3A_180 = tpu.memref_slice %arg6[%add3A_122, %dma_start3A] : memref<10240x128xf32, #tpu.memory_space<vmem_shared>> -> memref<16x128xf32, #tpu.memory_space<vmem_shared>>
      %dma_start3A_181 = arith.constant 0 : i32
      %dma_start3A_182 = tpu.memref_slice %arg6[%add3A_122, %dma_start3A_181] : memref<10240x128xf32, #tpu.memory_space<vmem_shared>> -> memref<16x128xf32, #tpu.memory_space<vmem_shared>>
      tpu.enqueue_dma source(%arg7 : memref<16x128xf32, #tpu.memory_space<vmem>>) target(%dma_start3A_182 : memref<16x128xf32, #tpu.memory_space<vmem_shared>>) target_semaphore(%run_scoped3A : memref<!tpu.dma_semaphore, #tpu.memory_space<semaphore_mem>>)
      %dma_wait3A = arith.constant 0 : i32
      %dma_wait3A_183 = tpu.memref_slice %arg6[%add3A_122, %dma_wait3A] : memref<10240x128xf32, #tpu.memory_space<vmem_shared>> -> memref<16x128xf32, #tpu.memory_space<vmem_shared>>
      %dma_wait3A_184 = arith.constant 0 : i32
      %dma_wait3A_185 = tpu.memref_slice %arg6[%add3A_122, %dma_wait3A_184] : memref<10240x128xf32, #tpu.memory_space<vmem_shared>> -> memref<16x128xf32, #tpu.memory_space<vmem_shared>>
      tpu.wait_dma2 semaphore(%run_scoped3A : memref<!tpu.dma_semaphore, #tpu.memory_space<semaphore_mem>>) src(%arg7 : memref<16x128xf32, #tpu.memory_space<vmem>>) dst(%dma_wait3A_185 : memref<16x128xf32, #tpu.memory_space<vmem_shared>>)
      tpu.yield
    }) : () -> ()
    %mul3A_123 = arith.constant 640 : i32
    %mul3A_124 = arith.muli %arg1, %mul3A_123 : i32
    %add3A_125 = arith.constant 464 : i32
    %add3A_126 = arith.addi %mul3A_124, %add3A_125 : i32
    "tpu.region"() ({
      %run_scoped3A = tpu.sem_alloc : memref<!tpu.dma_semaphore, #tpu.memory_space<semaphore_mem>>
      %dma_start3A = arith.constant 0 : i32
      %dma_start3A_180 = tpu.memref_slice %arg6[%add3A_126, %dma_start3A] : memref<10240x128xf32, #tpu.memory_space<vmem_shared>> -> memref<16x128xf32, #tpu.memory_space<vmem_shared>>
      %dma_start3A_181 = arith.constant 0 : i32
      %dma_start3A_182 = tpu.memref_slice %arg6[%add3A_126, %dma_start3A_181] : memref<10240x128xf32, #tpu.memory_space<vmem_shared>> -> memref<16x128xf32, #tpu.memory_space<vmem_shared>>
      tpu.enqueue_dma source(%arg7 : memref<16x128xf32, #tpu.memory_space<vmem>>) target(%dma_start3A_182 : memref<16x128xf32, #tpu.memory_space<vmem_shared>>) target_semaphore(%run_scoped3A : memref<!tpu.dma_semaphore, #tpu.memory_space<semaphore_mem>>)
      %dma_wait3A = arith.constant 0 : i32
      %dma_wait3A_183 = tpu.memref_slice %arg6[%add3A_126, %dma_wait3A] : memref<10240x128xf32, #tpu.memory_space<vmem_shared>> -> memref<16x128xf32, #tpu.memory_space<vmem_shared>>
      %dma_wait3A_184 = arith.constant 0 : i32
      %dma_wait3A_185 = tpu.memref_slice %arg6[%add3A_126, %dma_wait3A_184] : memref<10240x128xf32, #tpu.memory_space<vmem_shared>> -> memref<16x128xf32, #tpu.memory_space<vmem_shared>>
      tpu.wait_dma2 semaphore(%run_scoped3A : memref<!tpu.dma_semaphore, #tpu.memory_space<semaphore_mem>>) src(%arg7 : memref<16x128xf32, #tpu.memory_space<vmem>>) dst(%dma_wait3A_185 : memref<16x128xf32, #tpu.memory_space<vmem_shared>>)
      tpu.yield
    }) : () -> ()
    %mul3A_127 = arith.constant 640 : i32
    %mul3A_128 = arith.muli %arg1, %mul3A_127 : i32
    %add3A_129 = arith.constant 480 : i32
    %add3A_130 = arith.addi %mul3A_128, %add3A_129 : i32
    "tpu.region"() ({
      %run_scoped3A = tpu.sem_alloc : memref<!tpu.dma_semaphore, #tpu.memory_space<semaphore_mem>>
      %dma_start3A = arith.constant 0 : i32
      %dma_start3A_180 = tpu.memref_slice %arg6[%add3A_130, %dma_start3A] : memref<10240x128xf32, #tpu.memory_space<vmem_shared>> -> memref<16x128xf32, #tpu.memory_space<vmem_shared>>
      %dma_start3A_181 = arith.constant 0 : i32
      %dma_start3A_182 = tpu.memref_slice %arg6[%add3A_130, %dma_start3A_181] : memref<10240x128xf32, #tpu.memory_space<vmem_shared>> -> memref<16x128xf32, #tpu.memory_space<vmem_shared>>
      tpu.enqueue_dma source(%arg7 : memref<16x128xf32, #tpu.memory_space<vmem>>) target(%dma_start3A_182 : memref<16x128xf32, #tpu.memory_space<vmem_shared>>) target_semaphore(%run_scoped3A : memref<!tpu.dma_semaphore, #tpu.memory_space<semaphore_mem>>)
      %dma_wait3A = arith.constant 0 : i32
      %dma_wait3A_183 = tpu.memref_slice %arg6[%add3A_130, %dma_wait3A] : memref<10240x128xf32, #tpu.memory_space<vmem_shared>> -> memref<16x128xf32, #tpu.memory_space<vmem_shared>>
      %dma_wait3A_184 = arith.constant 0 : i32
      %dma_wait3A_185 = tpu.memref_slice %arg6[%add3A_130, %dma_wait3A_184] : memref<10240x128xf32, #tpu.memory_space<vmem_shared>> -> memref<16x128xf32, #tpu.memory_space<vmem_shared>>
      tpu.wait_dma2 semaphore(%run_scoped3A : memref<!tpu.dma_semaphore, #tpu.memory_space<semaphore_mem>>) src(%arg7 : memref<16x128xf32, #tpu.memory_space<vmem>>) dst(%dma_wait3A_185 : memref<16x128xf32, #tpu.memory_space<vmem_shared>>)
      tpu.yield
    }) : () -> ()
    %mul3A_131 = arith.constant 640 : i32
    %mul3A_132 = arith.muli %arg1, %mul3A_131 : i32
    %add3A_133 = arith.constant 496 : i32
    %add3A_134 = arith.addi %mul3A_132, %add3A_133 : i32
    "tpu.region"() ({
      %run_scoped3A = tpu.sem_alloc : memref<!tpu.dma_semaphore, #tpu.memory_space<semaphore_mem>>
      %dma_start3A = arith.constant 0 : i32
      %dma_start3A_180 = tpu.memref_slice %arg6[%add3A_134, %dma_start3A] : memref<10240x128xf32, #tpu.memory_space<vmem_shared>> -> memref<16x128xf32, #tpu.memory_space<vmem_shared>>
      %dma_start3A_181 = arith.constant 0 : i32
      %dma_start3A_182 = tpu.memref_slice %arg6[%add3A_134, %dma_start3A_181] : memref<10240x128xf32, #tpu.memory_space<vmem_shared>> -> memref<16x128xf32, #tpu.memory_space<vmem_shared>>
      tpu.enqueue_dma source(%arg7 : memref<16x128xf32, #tpu.memory_space<vmem>>) target(%dma_start3A_182 : memref<16x128xf32, #tpu.memory_space<vmem_shared>>) target_semaphore(%run_scoped3A : memref<!tpu.dma_semaphore, #tpu.memory_space<semaphore_mem>>)
      %dma_wait3A = arith.constant 0 : i32
      %dma_wait3A_183 = tpu.memref_slice %arg6[%add3A_134, %dma_wait3A] : memref<10240x128xf32, #tpu.memory_space<vmem_shared>> -> memref<16x128xf32, #tpu.memory_space<vmem_shared>>
      %dma_wait3A_184 = arith.constant 0 : i32
      %dma_wait3A_185 = tpu.memref_slice %arg6[%add3A_134, %dma_wait3A_184] : memref<10240x128xf32, #tpu.memory_space<vmem_shared>> -> memref<16x128xf32, #tpu.memory_space<vmem_shared>>
      tpu.wait_dma2 semaphore(%run_scoped3A : memref<!tpu.dma_semaphore, #tpu.memory_space<semaphore_mem>>) src(%arg7 : memref<16x128xf32, #tpu.memory_space<vmem>>) dst(%dma_wait3A_185 : memref<16x128xf32, #tpu.memory_space<vmem_shared>>)
      tpu.yield
    }) : () -> ()
    %mul3A_135 = arith.constant 640 : i32
    %mul3A_136 = arith.muli %arg1, %mul3A_135 : i32
    %add3A_137 = arith.constant 512 : i32
    %add3A_138 = arith.addi %mul3A_136, %add3A_137 : i32
    "tpu.region"() ({
      %run_scoped3A = tpu.sem_alloc : memref<!tpu.dma_semaphore, #tpu.memory_space<semaphore_mem>>
      %dma_start3A = arith.constant 0 : i32
      %dma_start3A_180 = tpu.memref_slice %arg6[%add3A_138, %dma_start3A] : memref<10240x128xf32, #tpu.memory_space<vmem_shared>> -> memref<16x128xf32, #tpu.memory_space<vmem_shared>>
      %dma_start3A_181 = arith.constant 0 : i32
      %dma_start3A_182 = tpu.memref_slice %arg6[%add3A_138, %dma_start3A_181] : memref<10240x128xf32, #tpu.memory_space<vmem_shared>> -> memref<16x128xf32, #tpu.memory_space<vmem_shared>>
      tpu.enqueue_dma source(%arg7 : memref<16x128xf32, #tpu.memory_space<vmem>>) target(%dma_start3A_182 : memref<16x128xf32, #tpu.memory_space<vmem_shared>>) target_semaphore(%run_scoped3A : memref<!tpu.dma_semaphore, #tpu.memory_space<semaphore_mem>>)
      %dma_wait3A = arith.constant 0 : i32
      %dma_wait3A_183 = tpu.memref_slice %arg6[%add3A_138, %dma_wait3A] : memref<10240x128xf32, #tpu.memory_space<vmem_shared>> -> memref<16x128xf32, #tpu.memory_space<vmem_shared>>
      %dma_wait3A_184 = arith.constant 0 : i32
      %dma_wait3A_185 = tpu.memref_slice %arg6[%add3A_138, %dma_wait3A_184] : memref<10240x128xf32, #tpu.memory_space<vmem_shared>> -> memref<16x128xf32, #tpu.memory_space<vmem_shared>>
      tpu.wait_dma2 semaphore(%run_scoped3A : memref<!tpu.dma_semaphore, #tpu.memory_space<semaphore_mem>>) src(%arg7 : memref<16x128xf32, #tpu.memory_space<vmem>>) dst(%dma_wait3A_185 : memref<16x128xf32, #tpu.memory_space<vmem_shared>>)
      tpu.yield
    }) : () -> ()
    %mul3A_139 = arith.constant 640 : i32
    %mul3A_140 = arith.muli %arg1, %mul3A_139 : i32
    %add3A_141 = arith.constant 528 : i32
    %add3A_142 = arith.addi %mul3A_140, %add3A_141 : i32
    "tpu.region"() ({
      %run_scoped3A = tpu.sem_alloc : memref<!tpu.dma_semaphore, #tpu.memory_space<semaphore_mem>>
      %dma_start3A = arith.constant 0 : i32
      %dma_start3A_180 = tpu.memref_slice %arg6[%add3A_142, %dma_start3A] : memref<10240x128xf32, #tpu.memory_space<vmem_shared>> -> memref<16x128xf32, #tpu.memory_space<vmem_shared>>
      %dma_start3A_181 = arith.constant 0 : i32
      %dma_start3A_182 = tpu.memref_slice %arg6[%add3A_142, %dma_start3A_181] : memref<10240x128xf32, #tpu.memory_space<vmem_shared>> -> memref<16x128xf32, #tpu.memory_space<vmem_shared>>
      tpu.enqueue_dma source(%arg7 : memref<16x128xf32, #tpu.memory_space<vmem>>) target(%dma_start3A_182 : memref<16x128xf32, #tpu.memory_space<vmem_shared>>) target_semaphore(%run_scoped3A : memref<!tpu.dma_semaphore, #tpu.memory_space<semaphore_mem>>)
      %dma_wait3A = arith.constant 0 : i32
      %dma_wait3A_183 = tpu.memref_slice %arg6[%add3A_142, %dma_wait3A] : memref<10240x128xf32, #tpu.memory_space<vmem_shared>> -> memref<16x128xf32, #tpu.memory_space<vmem_shared>>
      %dma_wait3A_184 = arith.constant 0 : i32
      %dma_wait3A_185 = tpu.memref_slice %arg6[%add3A_142, %dma_wait3A_184] : memref<10240x128xf32, #tpu.memory_space<vmem_shared>> -> memref<16x128xf32, #tpu.memory_space<vmem_shared>>
      tpu.wait_dma2 semaphore(%run_scoped3A : memref<!tpu.dma_semaphore, #tpu.memory_space<semaphore_mem>>) src(%arg7 : memref<16x128xf32, #tpu.memory_space<vmem>>) dst(%dma_wait3A_185 : memref<16x128xf32, #tpu.memory_space<vmem_shared>>)
      tpu.yield
    }) : () -> ()
    %mul3A_143 = arith.constant 640 : i32
    %mul3A_144 = arith.muli %arg1, %mul3A_143 : i32
    %add3A_145 = arith.constant 544 : i32
    %add3A_146 = arith.addi %mul3A_144, %add3A_145 : i32
    "tpu.region"() ({
      %run_scoped3A = tpu.sem_alloc : memref<!tpu.dma_semaphore, #tpu.memory_space<semaphore_mem>>
      %dma_start3A = arith.constant 0 : i32
      %dma_start3A_180 = tpu.memref_slice %arg6[%add3A_146, %dma_start3A] : memref<10240x128xf32, #tpu.memory_space<vmem_shared>> -> memref<16x128xf32, #tpu.memory_space<vmem_shared>>
      %dma_start3A_181 = arith.constant 0 : i32
      %dma_start3A_182 = tpu.memref_slice %arg6[%add3A_146, %dma_start3A_181] : memref<10240x128xf32, #tpu.memory_space<vmem_shared>> -> memref<16x128xf32, #tpu.memory_space<vmem_shared>>
      tpu.enqueue_dma source(%arg7 : memref<16x128xf32, #tpu.memory_space<vmem>>) target(%dma_start3A_182 : memref<16x128xf32, #tpu.memory_space<vmem_shared>>) target_semaphore(%run_scoped3A : memref<!tpu.dma_semaphore, #tpu.memory_space<semaphore_mem>>)
      %dma_wait3A = arith.constant 0 : i32
      %dma_wait3A_183 = tpu.memref_slice %arg6[%add3A_146, %dma_wait3A] : memref<10240x128xf32, #tpu.memory_space<vmem_shared>> -> memref<16x128xf32, #tpu.memory_space<vmem_shared>>
      %dma_wait3A_184 = arith.constant 0 : i32
      %dma_wait3A_185 = tpu.memref_slice %arg6[%add3A_146, %dma_wait3A_184] : memref<10240x128xf32, #tpu.memory_space<vmem_shared>> -> memref<16x128xf32, #tpu.memory_space<vmem_shared>>
      tpu.wait_dma2 semaphore(%run_scoped3A : memref<!tpu.dma_semaphore, #tpu.memory_space<semaphore_mem>>) src(%arg7 : memref<16x128xf32, #tpu.memory_space<vmem>>) dst(%dma_wait3A_185 : memref<16x128xf32, #tpu.memory_space<vmem_shared>>)
      tpu.yield
    }) : () -> ()
    %mul3A_147 = arith.constant 640 : i32
    %mul3A_148 = arith.muli %arg1, %mul3A_147 : i32
    %add3A_149 = arith.constant 560 : i32
    %add3A_150 = arith.addi %mul3A_148, %add3A_149 : i32
    "tpu.region"() ({
      %run_scoped3A = tpu.sem_alloc : memref<!tpu.dma_semaphore, #tpu.memory_space<semaphore_mem>>
      %dma_start3A = arith.constant 0 : i32
      %dma_start3A_180 = tpu.memref_slice %arg6[%add3A_150, %dma_start3A] : memref<10240x128xf32, #tpu.memory_space<vmem_shared>> -> memref<16x128xf32, #tpu.memory_space<vmem_shared>>
      %dma_start3A_181 = arith.constant 0 : i32
      %dma_start3A_182 = tpu.memref_slice %arg6[%add3A_150, %dma_start3A_181] : memref<10240x128xf32, #tpu.memory_space<vmem_shared>> -> memref<16x128xf32, #tpu.memory_space<vmem_shared>>
      tpu.enqueue_dma source(%arg7 : memref<16x128xf32, #tpu.memory_space<vmem>>) target(%dma_start3A_182 : memref<16x128xf32, #tpu.memory_space<vmem_shared>>) target_semaphore(%run_scoped3A : memref<!tpu.dma_semaphore, #tpu.memory_space<semaphore_mem>>)
      %dma_wait3A = arith.constant 0 : i32
      %dma_wait3A_183 = tpu.memref_slice %arg6[%add3A_150, %dma_wait3A] : memref<10240x128xf32, #tpu.memory_space<vmem_shared>> -> memref<16x128xf32, #tpu.memory_space<vmem_shared>>
      %dma_wait3A_184 = arith.constant 0 : i32
      %dma_wait3A_185 = tpu.memref_slice %arg6[%add3A_150, %dma_wait3A_184] : memref<10240x128xf32, #tpu.memory_space<vmem_shared>> -> memref<16x128xf32, #tpu.memory_space<vmem_shared>>
      tpu.wait_dma2 semaphore(%run_scoped3A : memref<!tpu.dma_semaphore, #tpu.memory_space<semaphore_mem>>) src(%arg7 : memref<16x128xf32, #tpu.memory_space<vmem>>) dst(%dma_wait3A_185 : memref<16x128xf32, #tpu.memory_space<vmem_shared>>)
      tpu.yield
    }) : () -> ()
    %mul3A_151 = arith.constant 640 : i32
    %mul3A_152 = arith.muli %arg1, %mul3A_151 : i32
    %add3A_153 = arith.constant 576 : i32
    %add3A_154 = arith.addi %mul3A_152, %add3A_153 : i32
    "tpu.region"() ({
      %run_scoped3A = tpu.sem_alloc : memref<!tpu.dma_semaphore, #tpu.memory_space<semaphore_mem>>
      %dma_start3A = arith.constant 0 : i32
      %dma_start3A_180 = tpu.memref_slice %arg6[%add3A_154, %dma_start3A] : memref<10240x128xf32, #tpu.memory_space<vmem_shared>> -> memref<16x128xf32, #tpu.memory_space<vmem_shared>>
      %dma_start3A_181 = arith.constant 0 : i32
      %dma_start3A_182 = tpu.memref_slice %arg6[%add3A_154, %dma_start3A_181] : memref<10240x128xf32, #tpu.memory_space<vmem_shared>> -> memref<16x128xf32, #tpu.memory_space<vmem_shared>>
      tpu.enqueue_dma source(%arg7 : memref<16x128xf32, #tpu.memory_space<vmem>>) target(%dma_start3A_182 : memref<16x128xf32, #tpu.memory_space<vmem_shared>>) target_semaphore(%run_scoped3A : memref<!tpu.dma_semaphore, #tpu.memory_space<semaphore_mem>>)
      %dma_wait3A = arith.constant 0 : i32
      %dma_wait3A_183 = tpu.memref_slice %arg6[%add3A_154, %dma_wait3A] : memref<10240x128xf32, #tpu.memory_space<vmem_shared>> -> memref<16x128xf32, #tpu.memory_space<vmem_shared>>
      %dma_wait3A_184 = arith.constant 0 : i32
      %dma_wait3A_185 = tpu.memref_slice %arg6[%add3A_154, %dma_wait3A_184] : memref<10240x128xf32, #tpu.memory_space<vmem_shared>> -> memref<16x128xf32, #tpu.memory_space<vmem_shared>>
      tpu.wait_dma2 semaphore(%run_scoped3A : memref<!tpu.dma_semaphore, #tpu.memory_space<semaphore_mem>>) src(%arg7 : memref<16x128xf32, #tpu.memory_space<vmem>>) dst(%dma_wait3A_185 : memref<16x128xf32, #tpu.memory_space<vmem_shared>>)
      tpu.yield
    }) : () -> ()
    %mul3A_155 = arith.constant 640 : i32
    %mul3A_156 = arith.muli %arg1, %mul3A_155 : i32
    %add3A_157 = arith.constant 592 : i32
    %add3A_158 = arith.addi %mul3A_156, %add3A_157 : i32
    "tpu.region"() ({
      %run_scoped3A = tpu.sem_alloc : memref<!tpu.dma_semaphore, #tpu.memory_space<semaphore_mem>>
      %dma_start3A = arith.constant 0 : i32
      %dma_start3A_180 = tpu.memref_slice %arg6[%add3A_158, %dma_start3A] : memref<10240x128xf32, #tpu.memory_space<vmem_shared>> -> memref<16x128xf32, #tpu.memory_space<vmem_shared>>
      %dma_start3A_181 = arith.constant 0 : i32
      %dma_start3A_182 = tpu.memref_slice %arg6[%add3A_158, %dma_start3A_181] : memref<10240x128xf32, #tpu.memory_space<vmem_shared>> -> memref<16x128xf32, #tpu.memory_space<vmem_shared>>
      tpu.enqueue_dma source(%arg7 : memref<16x128xf32, #tpu.memory_space<vmem>>) target(%dma_start3A_182 : memref<16x128xf32, #tpu.memory_space<vmem_shared>>) target_semaphore(%run_scoped3A : memref<!tpu.dma_semaphore, #tpu.memory_space<semaphore_mem>>)
      %dma_wait3A = arith.constant 0 : i32
      %dma_wait3A_183 = tpu.memref_slice %arg6[%add3A_158, %dma_wait3A] : memref<10240x128xf32, #tpu.memory_space<vmem_shared>> -> memref<16x128xf32, #tpu.memory_space<vmem_shared>>
      %dma_wait3A_184 = arith.constant 0 : i32
      %dma_wait3A_185 = tpu.memref_slice %arg6[%add3A_158, %dma_wait3A_184] : memref<10240x128xf32, #tpu.memory_space<vmem_shared>> -> memref<16x128xf32, #tpu.memory_space<vmem_shared>>
      tpu.wait_dma2 semaphore(%run_scoped3A : memref<!tpu.dma_semaphore, #tpu.memory_space<semaphore_mem>>) src(%arg7 : memref<16x128xf32, #tpu.memory_space<vmem>>) dst(%dma_wait3A_185 : memref<16x128xf32, #tpu.memory_space<vmem_shared>>)
      tpu.yield
    }) : () -> ()
    %mul3A_159 = arith.constant 640 : i32
    %mul3A_160 = arith.muli %arg1, %mul3A_159 : i32
    %add3A_161 = arith.constant 608 : i32
    %add3A_162 = arith.addi %mul3A_160, %add3A_161 : i32
    "tpu.region"() ({
      %run_scoped3A = tpu.sem_alloc : memref<!tpu.dma_semaphore, #tpu.memory_space<semaphore_mem>>
      %dma_start3A = arith.constant 0 : i32
      %dma_start3A_180 = tpu.memref_slice %arg6[%add3A_162, %dma_start3A] : memref<10240x128xf32, #tpu.memory_space<vmem_shared>> -> memref<16x128xf32, #tpu.memory_space<vmem_shared>>
      %dma_start3A_181 = arith.constant 0 : i32
      %dma_start3A_182 = tpu.memref_slice %arg6[%add3A_162, %dma_start3A_181] : memref<10240x128xf32, #tpu.memory_space<vmem_shared>> -> memref<16x128xf32, #tpu.memory_space<vmem_shared>>
      tpu.enqueue_dma source(%arg7 : memref<16x128xf32, #tpu.memory_space<vmem>>) target(%dma_start3A_182 : memref<16x128xf32, #tpu.memory_space<vmem_shared>>) target_semaphore(%run_scoped3A : memref<!tpu.dma_semaphore, #tpu.memory_space<semaphore_mem>>)
      %dma_wait3A = arith.constant 0 : i32
      %dma_wait3A_183 = tpu.memref_slice %arg6[%add3A_162, %dma_wait3A] : memref<10240x128xf32, #tpu.memory_space<vmem_shared>> -> memref<16x128xf32, #tpu.memory_space<vmem_shared>>
      %dma_wait3A_184 = arith.constant 0 : i32
      %dma_wait3A_185 = tpu.memref_slice %arg6[%add3A_162, %dma_wait3A_184] : memref<10240x128xf32, #tpu.memory_space<vmem_shared>> -> memref<16x128xf32, #tpu.memory_space<vmem_shared>>
      tpu.wait_dma2 semaphore(%run_scoped3A : memref<!tpu.dma_semaphore, #tpu.memory_space<semaphore_mem>>) src(%arg7 : memref<16x128xf32, #tpu.memory_space<vmem>>) dst(%dma_wait3A_185 : memref<16x128xf32, #tpu.memory_space<vmem_shared>>)
      tpu.yield
    }) : () -> ()
    %mul3A_163 = arith.constant 640 : i32
    %mul3A_164 = arith.muli %arg1, %mul3A_163 : i32
    %add3A_165 = arith.constant 624 : i32
    %add3A_166 = arith.addi %mul3A_164, %add3A_165 : i32
    "tpu.region"() ({
      %run_scoped3A = tpu.sem_alloc : memref<!tpu.dma_semaphore, #tpu.memory_space<semaphore_mem>>
      %dma_start3A = arith.constant 0 : i32
      %dma_start3A_180 = tpu.memref_slice %arg6[%add3A_166, %dma_start3A] : memref<10240x128xf32, #tpu.memory_space<vmem_shared>> -> memref<16x128xf32, #tpu.memory_space<vmem_shared>>
      %dma_start3A_181 = arith.constant 0 : i32
      %dma_start3A_182 = tpu.memref_slice %arg6[%add3A_166, %dma_start3A_181] : memref<10240x128xf32, #tpu.memory_space<vmem_shared>> -> memref<16x128xf32, #tpu.memory_space<vmem_shared>>
      tpu.enqueue_dma source(%arg7 : memref<16x128xf32, #tpu.memory_space<vmem>>) target(%dma_start3A_182 : memref<16x128xf32, #tpu.memory_space<vmem_shared>>) target_semaphore(%run_scoped3A : memref<!tpu.dma_semaphore, #tpu.memory_space<semaphore_mem>>)
      %dma_wait3A = arith.constant 0 : i32
      %dma_wait3A_183 = tpu.memref_slice %arg6[%add3A_166, %dma_wait3A] : memref<10240x128xf32, #tpu.memory_space<vmem_shared>> -> memref<16x128xf32, #tpu.memory_space<vmem_shared>>
      %dma_wait3A_184 = arith.constant 0 : i32
      %dma_wait3A_185 = tpu.memref_slice %arg6[%add3A_166, %dma_wait3A_184] : memref<10240x128xf32, #tpu.memory_space<vmem_shared>> -> memref<16x128xf32, #tpu.memory_space<vmem_shared>>
      tpu.wait_dma2 semaphore(%run_scoped3A : memref<!tpu.dma_semaphore, #tpu.memory_space<semaphore_mem>>) src(%arg7 : memref<16x128xf32, #tpu.memory_space<vmem>>) dst(%dma_wait3A_185 : memref<16x128xf32, #tpu.memory_space<vmem_shared>>)
      tpu.yield
    }) : () -> ()
    %barrier3A = arith.constant 0 : index
    tpu.barrier barrier_id(%barrier3A)
    %mul3A_167 = arith.constant 80 : i32
    %mul3A_168 = arith.muli %add3A, %mul3A_167 : i32
    %scan3A_169 = arith.constant 0 : i32
    %scan3A_170 = arith.constant 0 : i32
    %scan3A_171 = arith.constant 2 : i32
    %scan3A_172 = arith.addi %scan3A_170, %scan3A_171 : i32
    %scan3A_173 = arith.constant 1 : i32
    scf.for %scan3A_180 = %scan3A_170 to %scan3A_172 step %scan3A_173  : i32 {
      %mul3A_181 = arith.constant 40 : i32
      %mul3A_182 = arith.muli %scan3A_180, %mul3A_181 : i32
      %add3A_183 = arith.addi %mul3A_168, %mul3A_182 : i32
      "tpu.region"() ({
        %run_scoped3A = tpu.sem_alloc : memref<!tpu.dma_semaphore, #tpu.memory_space<semaphore_mem>>
        %dma_start3A_219 = arith.constant 0 : i32
        %dma_start3A_220 = tpu.memref_slice %arg3[%add3A_183, %dma_start3A_219] : memref<2560x128xi32, #tpu.memory_space<hbm>> -> memref<40x128xi32, #tpu.memory_space<hbm>>
        %dma_start3A_221 = arith.constant 0 : i32
        %dma_start3A_222 = tpu.memref_slice %arg3[%add3A_183, %dma_start3A_221] : memref<2560x128xi32, #tpu.memory_space<hbm>> -> memref<40x128xi32, #tpu.memory_space<hbm>>
        tpu.enqueue_dma source(%dma_start3A_222 : memref<40x128xi32, #tpu.memory_space<hbm>>) target(%arg8 : memref<40x128xi32, #tpu.memory_space<vmem>>) target_semaphore(%run_scoped3A : memref<!tpu.dma_semaphore, #tpu.memory_space<semaphore_mem>>)
        %dma_wait3A_223 = arith.constant 0 : i32
        %dma_wait3A_224 = tpu.memref_slice %arg3[%add3A_183, %dma_wait3A_223] : memref<2560x128xi32, #tpu.memory_space<hbm>> -> memref<40x128xi32, #tpu.memory_space<hbm>>
        %dma_wait3A_225 = arith.constant 0 : i32
        %dma_wait3A_226 = tpu.memref_slice %arg3[%add3A_183, %dma_wait3A_225] : memref<2560x128xi32, #tpu.memory_space<hbm>> -> memref<40x128xi32, #tpu.memory_space<hbm>>
        tpu.wait_dma2 semaphore(%run_scoped3A : memref<!tpu.dma_semaphore, #tpu.memory_space<semaphore_mem>>) src(%dma_wait3A_226 : memref<40x128xi32, #tpu.memory_space<hbm>>) dst(%arg8 : memref<40x128xi32, #tpu.memory_space<vmem>>)
        tpu.yield
      }) : () -> ()
      %mul3A_184 = arith.constant 40 : i32
      %mul3A_185 = arith.muli %scan3A_180, %mul3A_184 : i32
      %add3A_186 = arith.addi %mul3A_168, %mul3A_185 : i32
      "tpu.region"() ({
        %run_scoped3A = tpu.sem_alloc : memref<!tpu.dma_semaphore, #tpu.memory_space<semaphore_mem>>
        %dma_start3A_219 = arith.constant 0 : i32
        %dma_start3A_220 = tpu.memref_slice %arg4[%add3A_186, %dma_start3A_219] : memref<2560x128xi32, #tpu.memory_space<hbm>> -> memref<40x128xi32, #tpu.memory_space<hbm>>
        %dma_start3A_221 = arith.constant 0 : i32
        %dma_start3A_222 = tpu.memref_slice %arg4[%add3A_186, %dma_start3A_221] : memref<2560x128xi32, #tpu.memory_space<hbm>> -> memref<40x128xi32, #tpu.memory_space<hbm>>
        tpu.enqueue_dma source(%dma_start3A_222 : memref<40x128xi32, #tpu.memory_space<hbm>>) target(%arg9 : memref<40x128xi32, #tpu.memory_space<vmem>>) target_semaphore(%run_scoped3A : memref<!tpu.dma_semaphore, #tpu.memory_space<semaphore_mem>>)
        %dma_wait3A_223 = arith.constant 0 : i32
        %dma_wait3A_224 = tpu.memref_slice %arg4[%add3A_186, %dma_wait3A_223] : memref<2560x128xi32, #tpu.memory_space<hbm>> -> memref<40x128xi32, #tpu.memory_space<hbm>>
        %dma_wait3A_225 = arith.constant 0 : i32
        %dma_wait3A_226 = tpu.memref_slice %arg4[%add3A_186, %dma_wait3A_225] : memref<2560x128xi32, #tpu.memory_space<hbm>> -> memref<40x128xi32, #tpu.memory_space<hbm>>
        tpu.wait_dma2 semaphore(%run_scoped3A : memref<!tpu.dma_semaphore, #tpu.memory_space<semaphore_mem>>) src(%dma_wait3A_226 : memref<40x128xi32, #tpu.memory_space<hbm>>) dst(%arg9 : memref<40x128xi32, #tpu.memory_space<vmem>>)
        tpu.yield
      }) : () -> ()
      %dma_start3A = arith.constant 0 : i32
      %dma_start3A_187 = arith.constant 0 : i32
      %dma_start3A_188 = tpu.memref_slice %arg8[%dma_start3A, %dma_start3A_187] : memref<40x128xi32, #tpu.memory_space<vmem>> -> memref<1x128xi32, #tpu.memory_space<vmem>>
      %dma_start3A_189 = tpu.memref_squeeze %dma_start3A_188 : memref<1x128xi32, #tpu.memory_space<vmem>> -> memref<128xi32, #tpu.memory_space<vmem>>
      %dma_start3A_190 = arith.constant 0 : i32
      %dma_start3A_191 = arith.constant 0 : i32
      %dma_start3A_192 = tpu.memref_slice %arg2[%dma_start3A_190, %dma_start3A_191] : memref<10240x128xf32, #tpu.memory_space<hbm>> -> memref<10240x128xf32, #tpu.memory_space<hbm>>
      tpu.enqueue_indirect_dma source(%dma_start3A_192 : memref<10240x128xf32, #tpu.memory_space<hbm>>) target(%arg10 : memref<128x128xf32, #tpu.memory_space<vmem>>) offsets(%dma_start3A_189 : memref<128xi32, #tpu.memory_space<vmem>>) semaphore(%arg12 : memref<!tpu.dma_semaphore, #tpu.memory_space<semaphore_mem>>)
      %dma_start3A_193 = arith.constant 1 : i32
      %dma_start3A_194 = arith.constant 0 : i32
      %dma_start3A_195 = tpu.memref_slice %arg8[%dma_start3A_193, %dma_start3A_194] : memref<40x128xi32, #tpu.memory_space<vmem>> -> memref<1x128xi32, #tpu.memory_space<vmem>>
      %dma_start3A_196 = tpu.memref_squeeze %dma_start3A_195 : memref<1x128xi32, #tpu.memory_space<vmem>> -> memref<128xi32, #tpu.memory_space<vmem>>
      %dma_start3A_197 = arith.constant 0 : i32
      %dma_start3A_198 = arith.constant 0 : i32
      %dma_start3A_199 = tpu.memref_slice %arg2[%dma_start3A_197, %dma_start3A_198] : memref<10240x128xf32, #tpu.memory_space<hbm>> -> memref<10240x128xf32, #tpu.memory_space<hbm>>
      tpu.enqueue_indirect_dma source(%dma_start3A_199 : memref<10240x128xf32, #tpu.memory_space<hbm>>) target(%arg11 : memref<128x128xf32, #tpu.memory_space<vmem>>) offsets(%dma_start3A_196 : memref<128xi32, #tpu.memory_space<vmem>>) semaphore(%arg13 : memref<!tpu.dma_semaphore, #tpu.memory_space<semaphore_mem>>)
      %scan3A_200 = arith.constant 0 : i32
      %scan3A_201 = arith.constant 0 : i32
      %scan3A_202 = arith.constant 20 : i32
      %scan3A_203 = arith.addi %scan3A_201, %scan3A_202 : i32
      %scan3A_204 = arith.constant 1 : i32
      scf.for %scan3A_219 = %scan3A_201 to %scan3A_203 step %scan3A_204  : i32 {
        %mul3A_220 = arith.constant 2 : i32
        %mul3A_221 = arith.muli %scan3A_219, %mul3A_220 : i32
        %add3A_222 = arith.constant 0 : i32
        %add3A_223 = arith.addi %mul3A_221, %add3A_222 : i32
        %dma_wait3A_224 = arith.constant 0 : i32
        %dma_wait3A_225 = tpu.memref_slice %arg8[%add3A_223, %dma_wait3A_224] : memref<40x128xi32, #tpu.memory_space<vmem>> -> memref<1x128xi32, #tpu.memory_space<vmem>>
        %dma_wait3A_226 = tpu.memref_squeeze %dma_wait3A_225 : memref<1x128xi32, #tpu.memory_space<vmem>> -> memref<128xi32, #tpu.memory_space<vmem>>
        %dma_wait3A_227 = arith.constant 0 : i32
        %dma_wait3A_228 = arith.constant 0 : i32
        %dma_wait3A_229 = tpu.memref_slice %arg2[%dma_wait3A_227, %dma_wait3A_228] : memref<10240x128xf32, #tpu.memory_space<hbm>> -> memref<10240x128xf32, #tpu.memory_space<hbm>>
        tpu.wait_indirect_dma semaphore(%arg12 : memref<!tpu.dma_semaphore, #tpu.memory_space<semaphore_mem>>) src(%dma_wait3A_229 : memref<10240x128xf32, #tpu.memory_space<hbm>>) dst(%arg10 : memref<128x128xf32, #tpu.memory_space<vmem>>)
        %dma_start3A_230 = arith.constant 0 : i32
        %dma_start3A_231 = tpu.memref_slice %arg9[%add3A_223, %dma_start3A_230] : memref<40x128xi32, #tpu.memory_space<vmem>> -> memref<1x128xi32, #tpu.memory_space<vmem>>
        %dma_start3A_232 = tpu.memref_squeeze %dma_start3A_231 : memref<1x128xi32, #tpu.memory_space<vmem>> -> memref<128xi32, #tpu.memory_space<vmem>>
        %dma_start3A_233 = arith.constant 0 : i32
        %dma_start3A_234 = arith.constant 0 : i32
        %dma_start3A_235 = tpu.memref_slice %arg6[%dma_start3A_233, %dma_start3A_234] : memref<10240x128xf32, #tpu.memory_space<vmem_shared>> -> memref<10240x128xf32, #tpu.memory_space<vmem_shared>>
        tpu.enqueue_indirect_dma source(%arg10 : memref<128x128xf32, #tpu.memory_space<vmem>>) target(%dma_start3A_235 : memref<10240x128xf32, #tpu.memory_space<vmem_shared>>) offsets(%dma_start3A_232 : memref<128xi32, #tpu.memory_space<vmem>>) semaphore(%arg14 : memref<!tpu.dma_semaphore, #tpu.memory_space<semaphore_mem>>) {add = true}
        %mul3A_236 = arith.constant 2 : i32
        %mul3A_237 = arith.muli %scan3A_219, %mul3A_236 : i32
        %add3A_238 = arith.constant 1 : i32
        %add3A_239 = arith.addi %mul3A_237, %add3A_238 : i32
        %dma_wait3A_240 = arith.constant 0 : i32
        %dma_wait3A_241 = tpu.memref_slice %arg8[%add3A_239, %dma_wait3A_240] : memref<40x128xi32, #tpu.memory_space<vmem>> -> memref<1x128xi32, #tpu.memory_space<vmem>>
        %dma_wait3A_242 = tpu.memref_squeeze %dma_wait3A_241 : memref<1x128xi32, #tpu.memory_space<vmem>> -> memref<128xi32, #tpu.memory_space<vmem>>
        %dma_wait3A_243 = arith.constant 0 : i32
        %dma_wait3A_244 = arith.constant 0 : i32
        %dma_wait3A_245 = tpu.memref_slice %arg2[%dma_wait3A_243, %dma_wait3A_244] : memref<10240x128xf32, #tpu.memory_space<hbm>> -> memref<10240x128xf32, #tpu.memory_space<hbm>>
        tpu.wait_indirect_dma semaphore(%arg13 : memref<!tpu.dma_semaphore, #tpu.memory_space<semaphore_mem>>) src(%dma_wait3A_245 : memref<10240x128xf32, #tpu.memory_space<hbm>>) dst(%arg11 : memref<128x128xf32, #tpu.memory_space<vmem>>)
        %dma_start3A_246 = arith.constant 0 : i32
        %dma_start3A_247 = tpu.memref_slice %arg9[%add3A_239, %dma_start3A_246] : memref<40x128xi32, #tpu.memory_space<vmem>> -> memref<1x128xi32, #tpu.memory_space<vmem>>
        %dma_start3A_248 = tpu.memref_squeeze %dma_start3A_247 : memref<1x128xi32, #tpu.memory_space<vmem>> -> memref<128xi32, #tpu.memory_space<vmem>>
        %dma_start3A_249 = arith.constant 0 : i32
        %dma_start3A_250 = arith.constant 0 : i32
        %dma_start3A_251 = tpu.memref_slice %arg6[%dma_start3A_249, %dma_start3A_250] : memref<10240x128xf32, #tpu.memory_space<vmem_shared>> -> memref<10240x128xf32, #tpu.memory_space<vmem_shared>>
        tpu.enqueue_indirect_dma source(%arg11 : memref<128x128xf32, #tpu.memory_space<vmem>>) target(%dma_start3A_251 : memref<10240x128xf32, #tpu.memory_space<vmem_shared>>) offsets(%dma_start3A_248 : memref<128xi32, #tpu.memory_space<vmem>>) semaphore(%arg15 : memref<!tpu.dma_semaphore, #tpu.memory_space<semaphore_mem>>) {add = true}
        %mul3A_252 = arith.constant 2 : i32
        %mul3A_253 = arith.muli %scan3A_219, %mul3A_252 : i32
        %add3A_254 = arith.constant 0 : i32
        %add3A_255 = arith.addi %mul3A_253, %add3A_254 : i32
        %add3A_256 = arith.constant 2 : i32
        %add3A_257 = arith.addi %add3A_255, %add3A_256 : i32
        %lt3A = arith.constant 40 : i32
        %lt3A_258 = arith.cmpi slt, %add3A_257, %lt3A : i32
        %convert_element_type3A = arith.extui %lt3A_258 : i1 to i32
        %cond3A = arith.constant 0 : i32
        %cond3A_259 = arith.cmpi ne, %convert_element_type3A, %cond3A : i32
        scf.if %cond3A_259 {
          %dma_wait3A_271 = arith.constant 0 : i32
          %dma_wait3A_272 = tpu.memref_slice %arg9[%add3A_255, %dma_wait3A_271] : memref<40x128xi32, #tpu.memory_space<vmem>> -> memref<1x128xi32, #tpu.memory_space<vmem>>
          %dma_wait3A_273 = tpu.memref_squeeze %dma_wait3A_272 : memref<1x128xi32, #tpu.memory_space<vmem>> -> memref<128xi32, #tpu.memory_space<vmem>>
          %dma_wait3A_274 = arith.constant 0 : i32
          %dma_wait3A_275 = arith.constant 0 : i32
          %dma_wait3A_276 = tpu.memref_slice %arg6[%dma_wait3A_274, %dma_wait3A_275] : memref<10240x128xf32, #tpu.memory_space<vmem_shared>> -> memref<10240x128xf32, #tpu.memory_space<vmem_shared>>
          tpu.wait_indirect_dma semaphore(%arg14 : memref<!tpu.dma_semaphore, #tpu.memory_space<semaphore_mem>>) src(%arg10 : memref<128x128xf32, #tpu.memory_space<vmem>>) dst(%dma_wait3A_276 : memref<10240x128xf32, #tpu.memory_space<vmem_shared>>)
          %add3A_277 = arith.constant 2 : i32
          %add3A_278 = arith.addi %add3A_255, %add3A_277 : i32
          %dma_start3A_279 = arith.constant 0 : i32
          %dma_start3A_280 = tpu.memref_slice %arg8[%add3A_278, %dma_start3A_279] : memref<40x128xi32, #tpu.memory_space<vmem>> -> memref<1x128xi32, #tpu.memory_space<vmem>>
          %dma_start3A_281 = tpu.memref_squeeze %dma_start3A_280 : memref<1x128xi32, #tpu.memory_space<vmem>> -> memref<128xi32, #tpu.memory_space<vmem>>
          %dma_start3A_282 = arith.constant 0 : i32
          %dma_start3A_283 = arith.constant 0 : i32
          %dma_start3A_284 = tpu.memref_slice %arg2[%dma_start3A_282, %dma_start3A_283] : memref<10240x128xf32, #tpu.memory_space<hbm>> -> memref<10240x128xf32, #tpu.memory_space<hbm>>
          tpu.enqueue_indirect_dma source(%dma_start3A_284 : memref<10240x128xf32, #tpu.memory_space<hbm>>) target(%arg10 : memref<128x128xf32, #tpu.memory_space<vmem>>) offsets(%dma_start3A_281 : memref<128xi32, #tpu.memory_space<vmem>>) semaphore(%arg12 : memref<!tpu.dma_semaphore, #tpu.memory_space<semaphore_mem>>)
        } else {
        }
        %mul3A_260 = arith.constant 2 : i32
        %mul3A_261 = arith.muli %scan3A_219, %mul3A_260 : i32
        %add3A_262 = arith.constant 1 : i32
        %add3A_263 = arith.addi %mul3A_261, %add3A_262 : i32
        %add3A_264 = arith.constant 2 : i32
        %add3A_265 = arith.addi %add3A_263, %add3A_264 : i32
        %lt3A_266 = arith.constant 40 : i32
        %lt3A_267 = arith.cmpi slt, %add3A_265, %lt3A_266 : i32
        %convert_element_type3A_268 = arith.extui %lt3A_267 : i1 to i32
        %cond3A_269 = arith.constant 0 : i32
        %cond3A_270 = arith.cmpi ne, %convert_element_type3A_268, %cond3A_269 : i32
        scf.if %cond3A_270 {
          %dma_wait3A_271 = arith.constant 0 : i32
          %dma_wait3A_272 = tpu.memref_slice %arg9[%add3A_263, %dma_wait3A_271] : memref<40x128xi32, #tpu.memory_space<vmem>> -> memref<1x128xi32, #tpu.memory_space<vmem>>
          %dma_wait3A_273 = tpu.memref_squeeze %dma_wait3A_272 : memref<1x128xi32, #tpu.memory_space<vmem>> -> memref<128xi32, #tpu.memory_space<vmem>>
          %dma_wait3A_274 = arith.constant 0 : i32
          %dma_wait3A_275 = arith.constant 0 : i32
          %dma_wait3A_276 = tpu.memref_slice %arg6[%dma_wait3A_274, %dma_wait3A_275] : memref<10240x128xf32, #tpu.memory_space<vmem_shared>> -> memref<10240x128xf32, #tpu.memory_space<vmem_shared>>
          tpu.wait_indirect_dma semaphore(%arg15 : memref<!tpu.dma_semaphore, #tpu.memory_space<semaphore_mem>>) src(%arg11 : memref<128x128xf32, #tpu.memory_space<vmem>>) dst(%dma_wait3A_276 : memref<10240x128xf32, #tpu.memory_space<vmem_shared>>)
          %add3A_277 = arith.constant 2 : i32
          %add3A_278 = arith.addi %add3A_263, %add3A_277 : i32
          %dma_start3A_279 = arith.constant 0 : i32
          %dma_start3A_280 = tpu.memref_slice %arg8[%add3A_278, %dma_start3A_279] : memref<40x128xi32, #tpu.memory_space<vmem>> -> memref<1x128xi32, #tpu.memory_space<vmem>>
          %dma_start3A_281 = tpu.memref_squeeze %dma_start3A_280 : memref<1x128xi32, #tpu.memory_space<vmem>> -> memref<128xi32, #tpu.memory_space<vmem>>
          %dma_start3A_282 = arith.constant 0 : i32
          %dma_start3A_283 = arith.constant 0 : i32
          %dma_start3A_284 = tpu.memref_slice %arg2[%dma_start3A_282, %dma_start3A_283] : memref<10240x128xf32, #tpu.memory_space<hbm>> -> memref<10240x128xf32, #tpu.memory_space<hbm>>
          tpu.enqueue_indirect_dma source(%dma_start3A_284 : memref<10240x128xf32, #tpu.memory_space<hbm>>) target(%arg11 : memref<128x128xf32, #tpu.memory_space<vmem>>) offsets(%dma_start3A_281 : memref<128xi32, #tpu.memory_space<vmem>>) semaphore(%arg13 : memref<!tpu.dma_semaphore, #tpu.memory_space<semaphore_mem>>)
        } else {
        }
      }
      %scan3A_205 = arith.constant 20 : i32
      %dma_wait3A = arith.constant 0 : i32
      %dma_wait3A_206 = arith.constant 0 : i32
      %dma_wait3A_207 = tpu.memref_slice %arg9[%dma_wait3A, %dma_wait3A_206] : memref<40x128xi32, #tpu.memory_space<vmem>> -> memref<1x128xi32, #tpu.memory_space<vmem>>
      %dma_wait3A_208 = tpu.memref_squeeze %dma_wait3A_207 : memref<1x128xi32, #tpu.memory_space<vmem>> -> memref<128xi32, #tpu.memory_space<vmem>>
      %dma_wait3A_209 = arith.constant 0 : i32
      %dma_wait3A_210 = arith.constant 0 : i32
      %dma_wait3A_211 = tpu.memref_slice %arg6[%dma_wait3A_209, %dma_wait3A_210] : memref<10240x128xf32, #tpu.memory_space<vmem_shared>> -> memref<10240x128xf32, #tpu.memory_space<vmem_shared>>
      tpu.wait_indirect_dma semaphore(%arg14 : memref<!tpu.dma_semaphore, #tpu.memory_space<semaphore_mem>>) src(%arg10 : memref<128x128xf32, #tpu.memory_space<vmem>>) dst(%dma_wait3A_211 : memref<10240x128xf32, #tpu.memory_space<vmem_shared>>)
      %dma_wait3A_212 = arith.constant 1 : i32
      %dma_wait3A_213 = arith.constant 0 : i32
      %dma_wait3A_214 = tpu.memref_slice %arg9[%dma_wait3A_212, %dma_wait3A_213] : memref<40x128xi32, #tpu.memory_space<vmem>> -> memref<1x128xi32, #tpu.memory_space<vmem>>
      %dma_wait3A_215 = tpu.memref_squeeze %dma_wait3A_214 : memref<1x128xi32, #tpu.memory_space<vmem>> -> memref<128xi32, #tpu.memory_space<vmem>>
      %dma_wait3A_216 = arith.constant 0 : i32
      %dma_wait3A_217 = arith.constant 0 : i32
      %dma_wait3A_218 = tpu.memref_slice %arg6[%dma_wait3A_216, %dma_wait3A_217] : memref<10240x128xf32, #tpu.memory_space<vmem_shared>> -> memref<10240x128xf32, #tpu.memory_space<vmem_shared>>
      tpu.wait_indirect_dma semaphore(%arg15 : memref<!tpu.dma_semaphore, #tpu.memory_space<semaphore_mem>>) src(%arg11 : memref<128x128xf32, #tpu.memory_space<vmem>>) dst(%dma_wait3A_218 : memref<10240x128xf32, #tpu.memory_space<vmem_shared>>)
    }
    %scan3A_174 = arith.constant 2 : i32
    %barrier3A_175 = arith.constant 0 : index
    tpu.barrier barrier_id(%barrier3A_175)
    %mul3A_176 = arith.constant 640 : i32
    %mul3A_177 = arith.muli %arg1, %mul3A_176 : i32
    %mul3A_178 = arith.constant 640 : i32
    %mul3A_179 = arith.muli %arg1, %mul3A_178 : i32
    "tpu.region"() ({
      %run_scoped3A = tpu.sem_alloc : memref<!tpu.dma_semaphore, #tpu.memory_space<semaphore_mem>>
      %dma_start3A = arith.constant 0 : i32
      %dma_start3A_180 = tpu.memref_slice %arg5[%arg0, %mul3A_179, %dma_start3A] : memref<2x10240x128xf32, #tpu.memory_space<hbm>> -> memref<1x640x128xf32, #tpu.memory_space<hbm>>
      %dma_start3A_181 = tpu.memref_squeeze %dma_start3A_180 : memref<1x640x128xf32, #tpu.memory_space<hbm>> -> memref<640x128xf32, #tpu.memory_space<hbm>>
      %dma_start3A_182 = arith.constant 0 : i32
      %dma_start3A_183 = tpu.memref_slice %arg6[%mul3A_177, %dma_start3A_182] : memref<10240x128xf32, #tpu.memory_space<vmem_shared>> -> memref<640x128xf32, #tpu.memory_space<vmem_shared>>
      tpu.enqueue_dma source(%dma_start3A_183 : memref<640x128xf32, #tpu.memory_space<vmem_shared>>) target(%dma_start3A_181 : memref<640x128xf32, #tpu.memory_space<hbm>>) target_semaphore(%run_scoped3A : memref<!tpu.dma_semaphore, #tpu.memory_space<semaphore_mem>>)
      %dma_wait3A = arith.constant 0 : i32
      %dma_wait3A_184 = tpu.memref_slice %arg5[%arg0, %mul3A_179, %dma_wait3A] : memref<2x10240x128xf32, #tpu.memory_space<hbm>> -> memref<1x640x128xf32, #tpu.memory_space<hbm>>
      %dma_wait3A_185 = tpu.memref_squeeze %dma_wait3A_184 : memref<1x640x128xf32, #tpu.memory_space<hbm>> -> memref<640x128xf32, #tpu.memory_space<hbm>>
      %dma_wait3A_186 = arith.constant 0 : i32
      %dma_wait3A_187 = tpu.memref_slice %arg6[%mul3A_177, %dma_wait3A_186] : memref<10240x128xf32, #tpu.memory_space<vmem_shared>> -> memref<640x128xf32, #tpu.memory_space<vmem_shared>>
      tpu.wait_dma2 semaphore(%run_scoped3A : memref<!tpu.dma_semaphore, #tpu.memory_space<semaphore_mem>>) src(%dma_wait3A_187 : memref<640x128xf32, #tpu.memory_space<vmem_shared>>) dst(%dma_wait3A_185 : memref<640x128xf32, #tpu.memory_space<hbm>>)
      tpu.yield
    }) : () -> ()
    return
  }
}

module attributes {stable_mosaic.version = 14 : i64} {
  func.func @_tc2_body(%arg0: i32, %arg1: memref<2x256x128xf32, #tpu.memory_space<vmem>>, %arg2: memref<256x128xf32, #tpu.memory_space<vmem>>, %arg3: memref<256x1xf32, #tpu.memory_space<vmem>>, %arg4: memref<1x128xf32, #tpu.memory_space<vmem>>, %arg5: memref<256x128xf32, #tpu.memory_space<vmem>>) attributes {dimension_semantics = [#tpu.dimension_semantics<arbitrary>], iteration_bounds = array<i64: 40>, scalar_prefetch = 0 : i64, scratch_operands = 0 : i64, tpu.core_type = #tpu.core_type<tc>, window_params = [{transform_indices = @transform_0, window_bounds = array<i64: 2, 256, 128>}, {transform_indices = @transform_1, window_bounds = array<i64: 256, 128>}, {transform_indices = @transform_2, window_bounds = array<i64: 256, 1>}, {pipeline_mode = #tpu.pipeline_mode<synchronous>, transform_indices = @transform_3, window_bounds = array<i64: 1, 128>}, {transform_indices = @transform_4, window_bounds = array<i64: 256, 128>}]} {
    %get3A = arith.constant 0 : index
    %get3A_0 = arith.constant 0 : index
    %get3A_1 = vector.load %arg3[%get3A, %get3A_0] : memref<256x1xf32, #tpu.memory_space<vmem>>, vector<256x1xf32>
    %get3A_2 = arith.constant 0 : index
    %get3A_3 = arith.constant 0 : index
    %get3A_4 = arith.constant 0 : index
    %get3A_5 = vector.load %arg1[%get3A_2, %get3A_3, %get3A_4] : memref<2x256x128xf32, #tpu.memory_space<vmem>>, vector<1x256x128xf32>
    %get3A_6 = vector.shape_cast %get3A_5 : vector<1x256x128xf32> to vector<256x128xf32>
    %get3A_7 = arith.constant 1 : index
    %get3A_8 = arith.constant 0 : index
    %get3A_9 = arith.constant 0 : index
    %get3A_10 = vector.load %arg1[%get3A_7, %get3A_8, %get3A_9] : memref<2x256x128xf32, #tpu.memory_space<vmem>>, vector<1x256x128xf32>
    %get3A_11 = vector.shape_cast %get3A_10 : vector<1x256x128xf32> to vector<256x128xf32>
    %add3A = arith.addf %get3A_6, %get3A_11 : vector<256x128xf32>
    %get3A_12 = arith.constant 0 : index
    %get3A_13 = arith.constant 0 : index
    %get3A_14 = vector.load %arg2[%get3A_12, %get3A_13] : memref<256x128xf32, #tpu.memory_space<vmem>>, vector<256x128xf32>
    %add3A_15 = arith.addf %add3A, %get3A_14 : vector<256x128xf32>
    %mul3A = vector.broadcast %get3A_1 : vector<256x1xf32> to vector<256x128xf32>
    %mul3A_16 = arith.mulf %add3A_15, %mul3A : vector<256x128xf32>
    %get3A_17 = arith.constant 0 : index
    %get3A_18 = arith.constant 0 : index
    %get3A_19 = vector.load %arg4[%get3A_17, %get3A_18] : memref<1x128xf32, #tpu.memory_space<vmem>>, vector<1x128xf32>
    %add3A_20 = vector.broadcast %get3A_19 : vector<1x128xf32> to vector<256x128xf32>
    %add3A_21 = arith.addf %mul3A_16, %add3A_20 : vector<256x128xf32>
    %max3A = arith.constant 0.000000e+00 : f32
    %max3A_22 = vector.broadcast %max3A : f32 to vector<256x128xf32>
    %max3A_23 = arith.maximumf %add3A_21, %max3A_22 : vector<256x128xf32>
    %mul3A_24 = vector.broadcast %get3A_1 : vector<256x1xf32> to vector<256x128xf32>
    %mul3A_25 = arith.mulf %max3A_23, %mul3A_24 : vector<256x128xf32>
    %swap3A = arith.constant 0 : index
    %swap3A_26 = arith.constant 0 : index
    %swap3A_27 = vector.load %arg5[%swap3A, %swap3A_26] : memref<256x128xf32, #tpu.memory_space<vmem>>, vector<256x128xf32>
    tpu.vector_store %arg5[%swap3A, %swap3A_26], %mul3A_25 {strides = array<i32>} : memref<256x128xf32, #tpu.memory_space<vmem>>, vector<256x128xf32>,
    return
  }
  func.func @transform_0(%arg0: i32) -> (i32, i32, i32) {
    %c0_i32 = arith.constant 0 : i32
    %c0_i32_0 = arith.constant 0 : i32
    %c0_i32_1 = arith.constant 0 : i32
    return %c0_i32, %arg0, %c0_i32_0 : i32, i32, i32
  }
  func.func @transform_1(%arg0: i32) -> (i32, i32) {
    %c0_i32 = arith.constant 0 : i32
    %c0_i32_0 = arith.constant 0 : i32
    return %arg0, %c0_i32 : i32, i32
  }
  func.func @transform_2(%arg0: i32) -> (i32, i32) {
    %c0_i32 = arith.constant 0 : i32
    %c0_i32_0 = arith.constant 0 : i32
    return %arg0, %c0_i32 : i32, i32
  }
  func.func @transform_3(%arg0: i32) -> (i32, i32) {
    %c0_i32 = arith.constant 0 : i32
    %c0_i32_0 = arith.constant 0 : i32
    %c0_i32_1 = arith.constant 0 : i32
    return %c0_i32, %c0_i32_0 : i32, i32
  }
  func.func @transform_4(%arg0: i32) -> (i32, i32) {
    %c0_i32 = arith.constant 0 : i32
    %c0_i32_0 = arith.constant 0 : i32
    return %arg0, %c0_i32 : i32, i32
  }
}

module attributes {stable_mosaic.version = 14 : i64} {
  func.func @_tc1_body(%arg0: i32, %arg1: memref<256x128xf32, #tpu.memory_space<vmem>>, %arg2: memref<128x128xf32, #tpu.memory_space<vmem>>, %arg3: memref<2x256x1xf32, #tpu.memory_space<vmem>>, %arg4: memref<256x128xf32, #tpu.memory_space<vmem>>, %arg5: memref<256x1xf32, #tpu.memory_space<vmem>>) attributes {dimension_semantics = [#tpu.dimension_semantics<arbitrary>], iteration_bounds = array<i64: 40>, scalar_prefetch = 0 : i64, scratch_operands = 0 : i64, tpu.core_type = #tpu.core_type<tc>, window_params = [{transform_indices = @transform_0, window_bounds = array<i64: 256, 128>}, {pipeline_mode = #tpu.pipeline_mode<synchronous>, transform_indices = @transform_1, window_bounds = array<i64: 128, 128>}, {transform_indices = @transform_2, window_bounds = array<i64: 2, 256, 1>}, {transform_indices = @transform_3, window_bounds = array<i64: 256, 128>}, {transform_indices = @transform_4, window_bounds = array<i64: 256, 1>}]} {
    %get3A = arith.constant 0 : index
    %get3A_0 = arith.constant 0 : index
    %get3A_1 = arith.constant 0 : index
    %get3A_2 = vector.load %arg3[%get3A, %get3A_0, %get3A_1] : memref<2x256x1xf32, #tpu.memory_space<vmem>>, vector<1x256x1xf32>
    %get3A_3 = vector.shape_cast %get3A_2 : vector<1x256x1xf32> to vector<256x1xf32>
    %get3A_4 = arith.constant 1 : index
    %get3A_5 = arith.constant 0 : index
    %get3A_6 = arith.constant 0 : index
    %get3A_7 = vector.load %arg3[%get3A_4, %get3A_5, %get3A_6] : memref<2x256x1xf32, #tpu.memory_space<vmem>>, vector<1x256x1xf32>
    %get3A_8 = vector.shape_cast %get3A_7 : vector<1x256x1xf32> to vector<256x1xf32>
    %add3A = arith.addf %get3A_3, %get3A_8 : vector<256x1xf32>
    %add3A_9 = arith.constant 1.000000e+00 : f32
    %add3A_10 = vector.broadcast %add3A_9 : f32 to vector<256x1xf32>
    %add3A_11 = arith.addf %add3A, %add3A_10 : vector<256x1xf32>
    %rsqrt3A = math.rsqrt %add3A_11 : vector<256x1xf32>
    %get3A_12 = arith.constant 0 : index
    %get3A_13 = arith.constant 0 : index
    %get3A_14 = vector.load %arg1[%get3A_12, %get3A_13] : memref<256x128xf32, #tpu.memory_space<vmem>>, vector<256x128xf32>
    %get3A_15 = arith.constant 0 : index
    %get3A_16 = arith.constant 0 : index
    %get3A_17 = vector.load %arg2[%get3A_15, %get3A_16] : memref<128x128xf32, #tpu.memory_space<vmem>>, vector<128x128xf32>
    %dot_general3A = arith.constant dense<0.000000e+00> : vector<256x128xf32>
    %dot_general3A_18 = tpu.matmul %get3A_14, %get3A_17, %dot_general3A {dimension_numbers = #tpu.dot_dimension_numbers<[1], [0], [0], [1], [0, 0, 1, 1], [], []>, transpose_lhs_hint = false} : vector<256x128xf32>, vector<128x128xf32>, vector<256x128xf32> -> vector<256x128xf32>
    %mul3A = vector.broadcast %rsqrt3A : vector<256x1xf32> to vector<256x128xf32>
    %mul3A_19 = arith.mulf %dot_general3A_18, %mul3A : vector<256x128xf32>
    %swap3A = arith.constant 0 : index
    %swap3A_20 = arith.constant 0 : index
    %swap3A_21 = vector.load %arg4[%swap3A, %swap3A_20] : memref<256x128xf32, #tpu.memory_space<vmem>>, vector<256x128xf32>
    tpu.vector_store %arg4[%swap3A, %swap3A_20], %mul3A_19 {strides = array<i32>} : memref<256x128xf32, #tpu.memory_space<vmem>>, vector<256x128xf32>,
    %swap3A_22 = arith.constant 0 : index
    %swap3A_23 = arith.constant 0 : index
    %swap3A_24 = vector.load %arg5[%swap3A_22, %swap3A_23] : memref<256x1xf32, #tpu.memory_space<vmem>>, vector<256x1xf32>
    tpu.vector_store %arg5[%swap3A_22, %swap3A_23], %rsqrt3A {strides = array<i32>} : memref<256x1xf32, #tpu.memory_space<vmem>>, vector<256x1xf32>,
    return
  }
  func.func @transform_0(%arg0: i32) -> (i32, i32) {
    %c0_i32 = arith.constant 0 : i32
    %c0_i32_0 = arith.constant 0 : i32
    return %arg0, %c0_i32 : i32, i32
  }
  func.func @transform_1(%arg0: i32) -> (i32, i32) {
    %c0_i32 = arith.constant 0 : i32
    %c0_i32_0 = arith.constant 0 : i32
    %c0_i32_1 = arith.constant 0 : i32
    return %c0_i32, %c0_i32_0 : i32, i32
  }
  func.func @transform_2(%arg0: i32) -> (i32, i32, i32) {
    %c0_i32 = arith.constant 0 : i32
    %c0_i32_0 = arith.constant 0 : i32
    %c0_i32_1 = arith.constant 0 : i32
    return %c0_i32, %arg0, %c0_i32_0 : i32, i32, i32
  }
  func.func @transform_3(%arg0: i32) -> (i32, i32) {
    %c0_i32 = arith.constant 0 : i32
    %c0_i32_0 = arith.constant 0 : i32
    return %arg0, %c0_i32 : i32, i32
  }
  func.func @transform_4(%arg0: i32) -> (i32, i32) {
    %c0_i32 = arith.constant 0 : i32
    %c0_i32_0 = arith.constant 0 : i32
    return %arg0, %c0_i32 : i32, i32
  }
}

module attributes {stable_mosaic.version = 14 : i64} {
  func.func @_tc3_body(%arg0: i32, %arg1: memref<2x256x128xf32, #tpu.memory_space<vmem>>, %arg2: memref<256x128xf32, #tpu.memory_space<vmem>>, %arg3: memref<256x1xf32, #tpu.memory_space<vmem>>, %arg4: memref<128x16xf32, #tpu.memory_space<vmem>>, %arg5: memref<1x16xf32, #tpu.memory_space<vmem>>, %arg6: memref<256x16xf32, #tpu.memory_space<vmem>>) attributes {dimension_semantics = [#tpu.dimension_semantics<arbitrary>], iteration_bounds = array<i64: 40>, scalar_prefetch = 0 : i64, scratch_operands = 0 : i64, tpu.core_type = #tpu.core_type<tc>, window_params = [{transform_indices = @transform_0, window_bounds = array<i64: 2, 256, 128>}, {transform_indices = @transform_1, window_bounds = array<i64: 256, 128>}, {transform_indices = @transform_2, window_bounds = array<i64: 256, 1>}, {pipeline_mode = #tpu.pipeline_mode<synchronous>, transform_indices = @transform_3, window_bounds = array<i64: 128, 16>}, {pipeline_mode = #tpu.pipeline_mode<synchronous>, transform_indices = @transform_4, window_bounds = array<i64: 1, 16>}, {transform_indices = @transform_5, window_bounds = array<i64: 256, 16>}]} {
    %get3A = arith.constant 0 : index
    %get3A_0 = arith.constant 0 : index
    %get3A_1 = arith.constant 0 : index
    %get3A_2 = vector.load %arg1[%get3A, %get3A_0, %get3A_1] : memref<2x256x128xf32, #tpu.memory_space<vmem>>, vector<1x256x128xf32>
    %get3A_3 = vector.shape_cast %get3A_2 : vector<1x256x128xf32> to vector<256x128xf32>
    %get3A_4 = arith.constant 1 : index
    %get3A_5 = arith.constant 0 : index
    %get3A_6 = arith.constant 0 : index
    %get3A_7 = vector.load %arg1[%get3A_4, %get3A_5, %get3A_6] : memref<2x256x128xf32, #tpu.memory_space<vmem>>, vector<1x256x128xf32>
    %get3A_8 = vector.shape_cast %get3A_7 : vector<1x256x128xf32> to vector<256x128xf32>
    %add3A = arith.addf %get3A_3, %get3A_8 : vector<256x128xf32>
    %get3A_9 = arith.constant 0 : index
    %get3A_10 = arith.constant 0 : index
    %get3A_11 = vector.load %arg2[%get3A_9, %get3A_10] : memref<256x128xf32, #tpu.memory_space<vmem>>, vector<256x128xf32>
    %add3A_12 = arith.addf %add3A, %get3A_11 : vector<256x128xf32>
    %get3A_13 = arith.constant 0 : index
    %get3A_14 = arith.constant 0 : index
    %get3A_15 = vector.load %arg3[%get3A_13, %get3A_14] : memref<256x1xf32, #tpu.memory_space<vmem>>, vector<256x1xf32>
    %mul3A = vector.broadcast %get3A_15 : vector<256x1xf32> to vector<256x128xf32>
    %mul3A_16 = arith.mulf %add3A_12, %mul3A : vector<256x128xf32>
    %get3A_17 = arith.constant 0 : index
    %get3A_18 = arith.constant 0 : index
    %get3A_19 = vector.load %arg4[%get3A_17, %get3A_18] : memref<128x16xf32, #tpu.memory_space<vmem>>, vector<128x16xf32>
    %dot_general3A = arith.constant dense<0.000000e+00> : vector<256x16xf32>
    %dot_general3A_20 = tpu.matmul %mul3A_16, %get3A_19, %dot_general3A {dimension_numbers = #tpu.dot_dimension_numbers<[1], [0], [0], [1], [0, 0, 1, 1], [], []>, transpose_lhs_hint = false} : vector<256x128xf32>, vector<128x16xf32>, vector<256x16xf32> -> vector<256x16xf32>
    %get3A_21 = arith.constant 0 : index
    %get3A_22 = arith.constant 0 : index
    %get3A_23 = vector.load %arg5[%get3A_21, %get3A_22] : memref<1x16xf32, #tpu.memory_space<vmem>>, vector<1x16xf32>
    %add3A_24 = vector.broadcast %get3A_23 : vector<1x16xf32> to vector<256x16xf32>
    %add3A_25 = arith.addf %dot_general3A_20, %add3A_24 : vector<256x16xf32>
    %swap3A = arith.constant 0 : index
    %swap3A_26 = arith.constant 0 : index
    %swap3A_27 = vector.load %arg6[%swap3A, %swap3A_26] : memref<256x16xf32, #tpu.memory_space<vmem>>, vector<256x16xf32>
    tpu.vector_store %arg6[%swap3A, %swap3A_26], %add3A_25 {strides = array<i32>} : memref<256x16xf32, #tpu.memory_space<vmem>>, vector<256x16xf32>,
    return
  }
  func.func @transform_0(%arg0: i32) -> (i32, i32, i32) {
    %c0_i32 = arith.constant 0 : i32
    %c0_i32_0 = arith.constant 0 : i32
    %c0_i32_1 = arith.constant 0 : i32
    return %c0_i32, %arg0, %c0_i32_0 : i32, i32, i32
  }
  func.func @transform_1(%arg0: i32) -> (i32, i32) {
    %c0_i32 = arith.constant 0 : i32
    %c0_i32_0 = arith.constant 0 : i32
    return %arg0, %c0_i32 : i32, i32
  }
  func.func @transform_2(%arg0: i32) -> (i32, i32) {
    %c0_i32 = arith.constant 0 : i32
    %c0_i32_0 = arith.constant 0 : i32
    return %arg0, %c0_i32 : i32, i32
  }
  func.func @transform_3(%arg0: i32) -> (i32, i32) {
    %c0_i32 = arith.constant 0 : i32
    %c0_i32_0 = arith.constant 0 : i32
    %c0_i32_1 = arith.constant 0 : i32
    return %c0_i32, %c0_i32_0 : i32, i32
  }
  func.func @transform_4(%arg0: i32) -> (i32, i32) {
    %c0_i32 = arith.constant 0 : i32
    %c0_i32_0 = arith.constant 0 : i32
    %c0_i32_1 = arith.constant 0 : i32
    return %c0_i32, %c0_i32_0 : i32, i32
  }
  func.func @transform_5(%arg0: i32) -> (i32, i32) {
    %c0_i32 = arith.constant 0 : i32
    %c0_i32_0 = arith.constant 0 : i32
    return %arg0, %c0_i32 : i32, i32
  }
}

</mosaic_0001>

<sc_bundles>
// kernel: kernel.11.cloned.1.call-start
scs
__scs_entry_jumppad:
0x0: {  	(pc) =	sbr.rel $0x88, $3  }
0x1: {  	(tag) =	ssettag $0x0;
	lr =	simm.s32 $0x1  }
0x2: {  	[smem:$0x3F9B] =	sst lr;
	_ =	strace $0xD0000000  }
0x3: {  	_ = 	snop  }
0x4: {  	_ = 	snop  }
0x5: {  	_ = 	snop  }
0x6: {  	_ = 	snop  }
0x7: {  	_ = 	snop  }
__scs_overlays_trampoline_lowered:
0x8: {  	[smem:$0x3FAA] =	sst s0  }
0x9: {  	[smem:$0x3FAB] =	sst s1  }
0xa: {  	[smem:$0x3FAC] =	sst s2  }
0xb: {  	[smem:$0x3FAD] =	sst s3  }
0xc: {  	[smem:$0x3FAE] =	sst s4  }
0xd: {  	[smem:$0x3FAF] =	sst s5  }
0xe: {  	[smem:$0x3FB0] =	sst s6  }
0xf: {  	[smem:$0x3FB1] =	sst s7  }
0x10: {  	[smem:$0x3FB2] =	sst s8  }
0x11: {  	[smem:$0x3FB3] =	sst s9;
	s0 =	simm.s32 @!p0 $0x0  }
0x12: {  	s1 =	sld [smem:$0x3F99];
	s0 =	simm.s32 @p0 $0x1  }
0x13: {  	[smem:$0x3FB4] =	sst s0;
	s0 =	simm.s32 @!p1 $0x0  }
0x14: {  	s2 =	sld [smem:$0x3F98];
	s0 =	simm.s32 @p1 $0x1  }
0x15: {  	[smem:$0x3FB5] =	sst s0;
	s0 =	simm.s32 @!p2 $0x0  }
0x16: {  	s3 =	sld [smem:$0x3FDB];
	s0 =	simm.s32 @p2 $0x1  }
0x17: {  	s4 =	simm.s32 $0x1BF5;
	[smem:$0x3FB7] =	sst s0  }
0x18: {  	s0 =	sld [smem:$0x3F9A];
	_ =	swait.ge [sflag:s4], $0x0  }
0x19: {  	s7 =	sld [smem:$0x3F9B]  }
0x1a: {  	s8 =	sadd.s32 $0xFFFFE003, lr  }
0x1b: {  	s9 =	sadd.s32 $0xFFFFFEF7, lr;
	s5 =	simm.s32 $0xFFFFFFFF;
	p2 =	slt.u32 s8, $0xFFFFF086  }
0x1c: {  	p1 =	slt.u32 s9, $0xF7A;
	s5 =	simm.s32 @!p2 $0x0  }
0x1d: {  	s5 =	simm.s32 @p1 $0x1;
	p0 =	seq.s32 s7, s2  }
0x1e: {  	s7 =	smul.u32 @!p0 $0xF7A, s2;
	p2 =	seq.s32 @!p0 s5, $0x0  }
0x1f: {  	s9 =	smul.u32 $0xF7A, s1;
	s8 =	simm.s32 @!p0 $0x1BF5;
	p2 =	por !p2, p0  }
0x20: {  	[sflag:s8] =	ssyncset.s32 @!p0 $0xFFFFF086;
	s6 =	sadd.s32 @!p0 s3, s7;
	s7 =	simm.s32 @!p0 $0x108  }
0x21: {  	s3 =	sadd.s32 s3, s9;
	s6 =	sadd.s32 @!p0 $0x88, s6;
	s7 =	simm.s32 @p2 $0x1082  }
0x22: {  	[simem:s7], [sflag:s8] =	dma.local @!p0 [hbm:s6], $0xF7A  }
0x23: {  	s9 =	sor.u32 $0xD0000000, s2;
	s6 =	simm.s32 $0x108;
	_ =	swait.ge @!p0 [sflag:s8], $0x0  }
0x24: {  	s3 =	sadd.s32 $0x88, s3;
	s6 =	simm.s32 @!p1 $0x1082;
	[sflag:s4] =	ssyncset.s32 $0xFFFFF086  }
0x25: {  	[simem:s6], [sflag:s4] =	dma.local [hbm:s3], $0xF7A  }
0x26: {  	[smem:$0x3F9B] =	sst s1;
	(tag) =	ssettag s2;
	_ =	strace s9  }
0x27: {  	s1 =	sld [smem:$0x3FAB]  }
0x28: {  	s2 =	sld [smem:$0x3FAC]  }
0x29: {  	s4 =	sld [smem:$0x3FAE]  }
0x2a: {  	p0 =	seq.s32 s5, $0x0;
	s5 =	sld [smem:$0x3FAF]  }
0x2b: {  	s6 =	sld [smem:$0x3FB0]  }
0x2c: {  	s7 =	sld [smem:$0x3FB1]  }
0x2d: {  	s3 =	simm.s32 $0x108;
	s8 =	sld [smem:$0x3FB2]  }
0x2e: {  	s3 =	simm.s32 @!p0 $0x1082;
	s9 =	sld [smem:$0x3FB3]  }
0x2f: {  	lr =	sadd.s32 s0, s3;
	s0 =	sld [smem:$0x3FAA]  }
0x30: {  	s3 =	sld [smem:$0x3FAD]  }
0x31: {  	[smem:$0x3FB6] =	sst s10  }
0x32: {  	s10 =	sld [smem:$0x3FB4];
	_ =	sdelay $0x3  }
0x33: {  	p0 =	seq.s32 s10, $0x1;
	s10 =	sld [smem:$0x3FB6];
	_ =	sdelay $0x3  }
0x34: {  	[smem:$0x3FB6] =	sst s10  }
0x35: {  	s10 =	sld [smem:$0x3FB5];
	_ =	sdelay $0x3  }
0x36: {  	p1 =	seq.s32 s10, $0x1;
	s10 =	sld [smem:$0x3FB6];
	_ =	sdelay $0x3  }
0x37: {  	[smem:$0x3FB6] =	sst s10  }
0x38: {  	s10 =	sld [smem:$0x3FB7]  }
0x39: {  	_ = 	snop;
	(pc) =	sbr.ind lr, $3  }
0x3a: {  	_ = 	snop  }
0x3b: {  	_ = 	snop  }
0x3c: {  	p2 =	seq.s32 s10, $0x1;
	s10 =	sld [smem:$0x3FB6]  }
0x3d: {  	_ =	shalt  }
0x3e: {  	_ =	shalt  }
0x3f: {  	_ =	shalt  }
0x40: {  	_ =	shalt  }
0x41: {  	_ =	shalt  }
0x42: {  	_ =	shalt  }
0x43: {  	_ =	shalt  }
0x44: {  	_ =	shalt  }
0x45: {  	_ =	shalt  }
0x46: {  	_ =	shalt  }
0x47: {  	_ =	shalt  }
0x48: {  	_ =	shalt  }
0x49: {  	_ =	shalt  }
0x4a: {  	_ =	shalt  }
0x4b: {  	_ =	shalt  }
0x4c: {  	_ =	shalt  }
0x4d: {  	_ =	shalt  }
0x4e: {  	_ =	shalt  }
0x4f: {  	_ =	shalt  }
0x50: {  	_ =	shalt  }
0x51: {  	_ =	shalt  }
0x52: {  	_ =	shalt  }
0x53: {  	_ =	shalt  }
0x54: {  	_ =	shalt  }
0x55: {  	_ =	shalt  }
0x56: {  	_ =	shalt  }
0x57: {  	_ =	shalt  }
0x58: {  	_ =	shalt  }
0x59: {  	_ =	shalt  }
0x5a: {  	_ =	shalt  }
0x5b: {  	_ =	shalt  }
0x5c: {  	_ =	shalt  }
0x5d: {  	_ =	shalt  }
0x5e: {  	_ =	shalt  }
0x5f: {  	_ =	shalt  }
0x60: {  	_ =	shalt  }
0x61: {  	_ =	shalt  }
0x62: {  	_ =	shalt  }
0x63: {  	_ =	shalt  }
0x64: {  	_ =	shalt  }
0x65: {  	_ =	shalt  }
0x66: {  	_ =	shalt  }
0x67: {  	_ =	shalt  }
0x68: {  	_ =	shalt  }
0x69: {  	_ =	shalt  }
0x6a: {  	_ =	shalt  }
0x6b: {  	_ =	shalt  }
0x6c: {  	_ =	shalt  }
0x6d: {  	_ =	shalt  }
0x6e: {  	_ =	shalt  }
0x6f: {  	_ =	shalt  }
0x70: {  	_ =	shalt  }
0x71: {  	_ =	shalt  }
0x72: {  	_ =	shalt  }
0x73: {  	_ =	shalt  }
0x74: {  	_ =	shalt  }
0x75: {  	_ =	shalt  }
0x76: {  	_ =	shalt  }
0x77: {  	_ =	shalt  }
0x78: {  	_ =	shalt  }
0x79: {  	_ =	shalt  }
0x7a: {  	_ =	shalt  }
0x7b: {  	_ =	shalt  }
0x7c: {  	_ =	shalt  }
0x7d: {  	_ =	shalt  }
0x7e: {  	_ =	shalt  }
0x7f: {  	_ =	shalt  }
0x80: {  	_ =	shalt  }
0x81: {  	_ =	shalt  }
0x82: {  	_ =	shalt  }
0x83: {  	_ =	shalt  }
0x84: {  	_ =	shalt  }
0x85: {  	_ =	shalt  }
0x86: {  	_ =	shalt  }
0x87: {  	_ =	shalt  }
.Lfunc_end0:
.L_simem_size_0:
called_computation.1_lowered:
.L_overlay_start_0:
0x88: {  	s2 =	sld [smem:$0x3FD9]  }
0x89: {  	s3 =	sld [smem:$0x3FFE];
	_ =	sdelay $0x1  }
0x8a: {  	s1 =	srdreg.scid  }
0x8b: {  	s0 =	sand.u32 $0x1, s1  }
0x8c: {  	s16 =	sshll.u32 s0, $0xA;
	s2 =	sadd.s32 s3, s2  }
0x8d: {  	s2 =	sadd.s32 s2, s16  }
0x8e: {  	[smem:$0x3FC2] =	sst s2  }
0x8f: {  	_ = 	snop  }
0x90: {  	(tm) =	ssettm $0x1  }
0x91: {  	s17 =	sld [smem:$0x3FFB];
	_ =	sdelay $0x3  }
0x92: {  	_ =	strace s17  }
0x93: {  	s2 =	sld [smem:$0x3FFC];
	_ =	sdelay $0x3  }
0x94: {  	_ =	strace s2  }
0x95: {  	s2 =	sld [smem:$0x3FFD];
	_ =	sdelay $0x3  }
0x96: {  	_ =	strace s2  }
0x97: {  	_ =	strace $0x8FFFFFFF  }
0x98: {  	s18 =	sld [smem:$0x3FDB];
	_ =	sdelay $0x1  }
0x99: {  	s19 =	simm.s32 $_scs_section_size  }
0x9a: {  	s4 =	simm.s32 $_size__tile_overlayer_lowered;
	s5 =	simm.s32 $_tile_overlayer_lowered  }
0x9b: {  	s22 =	simm.s32 $0x1BFF;
	s21 =	sshll.u32 s5, $0x1;
	s2 =	sadd.s32 s19, s18  }
0x9c: {  	s6 =	simm.s32 $0x0;
	s20 =	sshll.u32 s4, $0x1;
	s4 =	sadd.s32 s21, s2  }
0x9d: {  	[timem:s6], [sflag:s22] =	dma.local [hbm:s4], s20  }
0x9e: {  	_ =	swait.ge [sflag:s22], s20  }
0x9f: {  	s3 =	ssub.s32 $0x0, s20;
	[sflag:s22] =	ssyncset.done $0x0  }
0xa0: {  	[sflag:s22] =	ssyncadd.s32 s3;
	_ =	sdelay $0x1  }
0xa1: {  	s23 =	simm.s32 $0x1B8B  }
0xa2: {  	_ =	swait.ge [sflag:s23], $0x1  }
0xa3: {  	[sflag:s23] =	ssyncset.done $0x0  }
0xa4: {  	s25 =	simm.s32 $0x1B8E;
	s24 =	sld [smem:$0x3FFE];
	[sflag:s23] =	ssyncadd.s32 $0xFFFFFFFF  }
0xa5: {  	s26 =	simm.s32 $execute0_lowered;
	[smem:$0x3FD2] =	sst s25  }
0xa6: {  	s4 =	sshll.u32 s26, $0x1;
	_ =	strace $0x80000049;
	[dreg:$0x1] =	wrdreg $0xFFFFFFFF  }
0xa7: {  	s28 =	simm.s32 $_size_execute0_lowered;
	s2 =	sadd.s32 s2, s4;
	[dreg:$0x0] =	wrdreg $0x0  }
0xa8: {  	s4 =	sshll.u32 s28, $0x1;
	[dreg:$0x2] =	wrdreg s2  }
0xa9: {  	[dreg:$0x3] =	wrdreg s4  }
0xaa: {  	[dreg:$0x4] =	wrdreg $0xC0  }
0xab: {  	_ =	task [dreg:s6], $0x5FFFF  }
0xac: {  	[dreg:$0x1] =	wrdreg $0xFFFFFFFF  }
0xad: {  	[dreg:$0x0] =	wrdreg $0x60  }
0xae: {  	[dreg:$0x2] =	wrdreg s24  }
0xaf: {  	[dreg:$0x3] =	wrdreg $0x0  }
0xb0: {  	[dreg:$0x4] =	wrdreg $0x9  }
0xb1: {  	_ =	task.clear_ibuf [dreg:s6], $0x5FFFF;
	_ =	strace $0x90000049  }
0xb2: {  	s29 =	simm.s32 $0x9;
	_ =	strace $0x8000004B  }
0xb3: {  	_ =	swait.ge [sflag:s29], $0x1  }
0xb4: {  	[sflag:s29] =	ssyncadd.s32 $0xFFFFFFFF  }
0xb5: {  	_ =	strace $0x9000004B  }
0xb6: {  	_ =	sfence  }
0xb7: {  	s30 =	sld [smem:$0x0];
	_ =	sdelay $0x2  }
0xb8: {  	s31 =	sshll.u32 s1, $0xD;
	s1 =	sshrl.u32 s1, $0x2  }
0xb9: {  	s3 =	sand.u32 $0x4000, s31;
	s1 =	sadd.s32 s1, s30  }
0xba: {  	s0 =	sor.u32 s3, s0;
	s1 =	sshll.u32 s1, $0x11  }
0xbb: {  	s0 =	sor.u32 s1, s0  }
0xbc: {  	s0 =	sadd.s32 $0x8F2B, s0  }
0xbd: {  	[sflag:s0] =	ssyncadd.remote.s32 $0x1  }
0xbe: {  	_ =	sfence.sel $0xFFFF  }
0xbf: {  	[dreg:$0x0] =	wrdreg $0xFFFFFFFF;
	(pc) =	sbr.abs _section_cstart, $3  }
0xc0: {  	[dreg:$0x1] =	wrdreg $0xFFFFFFFF  }
0xc1: {  	_ =	task.clear_ibuf [dreg:s6], $0x2FFFF;
	_ =	strace $0x9FFFFFFF  }
0xc2: {  	(tm) =	ssettm $0x7FFFFFFF  }
0xc3: {  	_ =	shalt  }
tec
execute0_lowered:
.L_overlay_start_1:
0x0: {  	(tag) =	ssettag $0x1  }
0x1: {  	s0 =	rddreg [dreg:$0x0]  }
0x2: {  	s1 =	rddreg [dreg:$0x1];
	s2 =	srdreg.scid  }
0x3: {  	s3 =	simm.s32 $0x0;
	s10 =	stileid.u32;
	s2 =	sand.u32 $0x1, s2  }
0x4: {  	[smem:$0x7FF] =	sst s3;
	s6 =	smul.u32 $0x14000, s10;
	s4 =	sadd.s32 $0x16600, s0  }
0x5: {  	s26 =	smul.u32 $0x50000, s10;
	s7 =	sadd.s32 $0x2600, s0;
	s10 =	sshll.u32 s10, $0x1  }
0x6: {  	s5 =	smul.u32 $0x140000, s2;
	s9 =	ssub.s32 $0x2, s2;
	s2 =	sor.u32 s2, s10  }
0x7: {  	s8 =	sadd.s32 $0xC600, s0;
	_ =	strace $0x8000004A;
	s2 =	smul.u32 $0x500, s2  }
0x8: {  	s11 =	sshrl.u32 s9, $0x1;
	s5 =	sadd.s32 s6, s5;
	s6 =	sshrl.u32 s26, $0x2  }
0x9: {  	s5 =	sshrl.u32 s5, $0x3;
	s25 =	sadd.s32 s7, s2;
	s26 =	sadd.s32 $0x280, s2  }
0xa: {  	s2 =	sadd.s32 s8, s2;
	s0 =	sadd.s32 s5, s0;
	[dreg:$0x10] =	wrdreg s25  }
0xb: {  	s5 =	sadd.s32 s6, s1;
	[dreg:$0x11] =	wrdreg s2;
	s7 =	sadd.s32 s7, s26  }
0xc: {  	s6 =	ssub.s32 s9, s11;
	s9 =	sadd.s32 s8, s26;
	[dreg:$0x12] =	wrdreg s7  }
0xd: {  	s12 =	sadd.s32 $0x800, s5;
	[dreg:$0x13] =	wrdreg s9  }
0xe: {  	s13 =	sadd.s32 $0x1000, s5;
	[dreg:$0x3] =	wrdreg s12  }
0xf: {  	s14 =	sadd.s32 $0x1800, s5;
	[dreg:$0x4] =	wrdreg s13  }
0x10: {  	s15 =	sadd.s32 $0x2000, s5;
	[dreg:$0x5] =	wrdreg s14  }
0x11: {  	s16 =	sadd.s32 $0x2800, s5;
	[dreg:$0x6] =	wrdreg s15  }
0x12: {  	s17 =	sadd.s32 $0x3000, s5;
	[dreg:$0x7] =	wrdreg s16  }
0x13: {  	s18 =	sadd.s32 $0x3800, s5;
	[dreg:$0x8] =	wrdreg s17  }
0x14: {  	s19 =	sadd.s32 $0x4000, s5;
	[dreg:$0x9] =	wrdreg s18  }
0x15: {  	s20 =	sadd.s32 $0x4800, s5;
	[dreg:$0xa] =	wrdreg s19  }
0x16: {  	s21 =	sadd.s32 $0x5000, s5;
	[dreg:$0xb] =	wrdreg s20  }
0x17: {  	s22 =	sadd.s32 $0x5800, s5;
	[dreg:$0xc] =	wrdreg s21  }
0x18: {  	s23 =	sadd.s32 $0x6000, s5;
	[dreg:$0xd] =	wrdreg s22  }
0x19: {  	s24 =	sadd.s32 $0x6800, s5;
	[dreg:$0xe] =	wrdreg s23  }
0x1a: {  	s10 =	sadd.s32 $0x7000, s5;
	[dreg:$0xf] =	wrdreg s24  }
0x1b: {  	s0 =	sadd.s32 $0x3E600, s0;
	[dreg:$0x14] =	wrdreg s10  }
0x1c: {  	s11 =	smax.u32 s6, $0x1;
	[dreg:$0x15] =	wrdreg s0  }
0x1d: {  	s25 =	sadd.s32 $0xE000, s5;
	[dreg:$0x16] =	wrdreg s11  }
0x1e: {  	s26 =	sadd.s32 $0xE800, s5;
	[smem:$0x7FC] =	sst s25  }
0x1f: {  	s28 =	simm.s32 $0x15C00;
	s12 =	sadd.s32 $0x7800, s5;
	[smem:$0x7FD] =	sst s26  }
0x20: {  	s29 =	simm.s32 $0x80;
	s13 =	sadd.s32 $0x8000, s5;
	[dreg:$0x17] =	wrdreg s12  }
0x21: {  	s30 =	simm.s32 $0x17000;
	s14 =	sadd.s32 $0x8800, s5;
	[dreg:$0x18] =	wrdreg s13  }
0x22: {  	s31 =	simm.s32 $0x14880;
	s15 =	sadd.s32 $0x9000, s5;
	[dreg:$0x19] =	wrdreg s14  }
0x23: {  	s2 =	simm.s32 $0x1;
	s16 =	sadd.s32 $0x9800, s5;
	[dreg:$0x1a] =	wrdreg s15  }
0x24: {  	s8 =	simm.s32 $0x4;
	s17 =	sadd.s32 $0xA000, s5;
	[dreg:$0x1b] =	wrdreg s16  }
0x25: {  	s6 =	simm.s32 $0x2;
	s18 =	sadd.s32 $0xA800, s5;
	[dreg:$0x1c] =	wrdreg s17  }
0x26: {  	s7 =	simm.s32 $0x3;
	s19 =	sadd.s32 $0xB000, s5;
	[dreg:$0x1d] =	wrdreg s18  }
0x27: {  	s9 =	simm.s32 $0x16F00;
	s20 =	sadd.s32 $0xB800, s5;
	[dreg:$0x1e] =	wrdreg s19  }
0x28: {  	s21 =	sadd.s32 $0xC000, s5;
	s22 =	sadd.s32 $0xC800, s5;
	[dreg:$0x1f] =	wrdreg s20  }
0x29: {  	s23 =	sadd.s32 $0xD000, s5;
	s24 =	sadd.s32 $0xD800, s5;
	[smem:$0x7F8] =	sst s21  }
0x2a: {  	s25 =	simm.s32 $0x5;
	s26 =	simm.s32 $0x14800;
	[smem:$0x7F9] =	sst s22  }
0x2b: {  	s0 =	simm.s32 $0x1B000;
	s10 =	simm.s32 $0x16F80;
	[smem:$0x7FA] =	sst s23  }
0x2c: {  	[smem:$0x7FB] =	sst s24;
	s14 =	sadd.s32 $0xF000, s5;
	s15 =	sadd.s32 $0xF800, s5  }
0x2d: {  	s16 =	sadd.s32 $0x10000, s5;
	s17 =	sadd.s32 $0x10800, s5;
	s18 =	sadd.s32 $0x11000, s5  }
0x2e: {  	s19 =	sadd.s32 $0x11800, s5;
	s20 =	sadd.s32 $0x12000, s5;
	s21 =	sadd.s32 $0x12800, s5  }
0x2f: {  	v0 =	vimm.f32 $0.0e+00;
	s22 =	sadd.s32 $0x13000, s5;
	s23 =	sadd.s32 $0x13800, s5;
	s24 =	simm.s32 $0x14000  }
.LBB2_1:
0x30: {  	s11 =	simm.s32 $0x0;
	s12 =	simm.s32 $0x200  }
.LBB2_2:
0x31: {  	p0 =	sne.s32 s12, $0x1E00;
	[tilespmem:s11+$0x14070] =	vst v0  }
0x32: {  	[tilespmem:s11+$0x14000] =	vst v0  }
0x33: {  	[tilespmem:s11+$0x14010] =	vst v0  }
.Ltmp0:
0x34: {  	[tilespmem:s11+$0x14020] =	vst v0;
	(pc) =	sbr.rel @p0 .LBB2_2-.Ltmp0, $4  }
0x35: {  	[tilespmem:s11+$0x14030] =	vst v0  }
0x36: {  	[tilespmem:s11+$0x14040] =	vst v0  }
0x37: {  	[tilespmem:s11+$0x14050] =	vst v0  }
0x38: {  	[tilespmem:s11+$0x14060] =	vst v0;
	s11 =	sshra.s32 s12, $0x2;
	s12 =	sadd.s32 $0x200, s12  }
0x39: {  	[tilespmem:s11+$0x14070] =	vst v0  }
0x3a: {  	[tilespmem:s11+$0x14000] =	vst v0  }
0x3b: {  	[tilespmem:s11+$0x14010] =	vst v0  }
0x3c: {  	[tilespmem:s11+$0x14020] =	vst v0  }
0x3d: {  	[tilespmem:s11+$0x14030] =	vst v0  }
0x3e: {  	[tilespmem:s11+$0x14040] =	vst v0  }
0x3f: {  	[tilespmem:s11+$0x14050] =	vst v0  }
0x40: {  	[tilespmem:s11+$0x14060] =	vst v0  }
0x41: {  	[spmem:s5] =	stream.linear.scatter [tilespmem:s24], [sflag:$0x5], $0x800, $0x38;
	[tilespmem:$0x1F000] =	vst v63  }
0x42: {  	_ =	swait.ge [sflag:s25], $0x800  }
0x43: {  	[sflag:s25] =	ssyncset.done $0x0  }
0x44: {  	s12 =	rddreg [dreg:$0x3];
	[sflag:s25] =	ssyncadd.s32 $0xFFFFF800  }
0x45: {  	[spmem:s12] =	stream.linear.scatter [tilespmem:s24], [sflag:$0x5], $0x800, $0x38;
	[tilespmem:$0x1F000] =	vst v63  }
0x46: {  	_ =	swait.ge [sflag:s25], $0x800  }
0x47: {  	[sflag:s25] =	ssyncset.done $0x0  }
0x48: {  	s13 =	rddreg [dreg:$0x4];
	[sflag:s25] =	ssyncadd.s32 $0xFFFFF800  }
0x49: {  	[spmem:s13] =	stream.linear.scatter [tilespmem:s24], [sflag:$0x5], $0x800, $0x38;
	[tilespmem:$0x1F000] =	vst v63  }
0x4a: {  	_ =	swait.ge [sflag:s25], $0x800  }
0x4b: {  	[sflag:s25] =	ssyncset.done $0x0  }
0x4c: {  	s12 =	rddreg [dreg:$0x5];
	[sflag:s25] =	ssyncadd.s32 $0xFFFFF800  }
0x4d: {  	[spmem:s12] =	stream.linear.scatter [tilespmem:s24], [sflag:$0x5], $0x800, $0x38;
	[tilespmem:$0x1F000] =	vst v63  }
0x4e: {  	_ =	swait.ge [sflag:s25], $0x800  }
0x4f: {  	[sflag:s25] =	ssyncset.done $0x0  }
0x50: {  	s13 =	rddreg [dreg:$0x6];
	[sflag:s25] =	ssyncadd.s32 $0xFFFFF800  }
0x51: {  	[spmem:s13] =	stream.linear.scatter [tilespmem:s24], [sflag:$0x5], $0x800, $0x38;
	[tilespmem:$0x1F000] =	vst v63  }
0x52: {  	_ =	swait.ge [sflag:s25], $0x800  }
0x53: {  	[sflag:s25] =	ssyncset.done $0x0  }
0x54: {  	s12 =	rddreg [dreg:$0x7];
	[sflag:s25] =	ssyncadd.s32 $0xFFFFF800  }
0x55: {  	[spmem:s12] =	stream.linear.scatter [tilespmem:s24], [sflag:$0x5], $0x800, $0x38;
	[tilespmem:$0x1F000] =	vst v63  }
0x56: {  	_ =	swait.ge [sflag:s25], $0x800  }
0x57: {  	[sflag:s25] =	ssyncset.done $0x0  }
0x58: {  	s13 =	rddreg [dreg:$0x8];
	[sflag:s25] =	ssyncadd.s32 $0xFFFFF800  }
0x59: {  	[spmem:s13] =	stream.linear.scatter [tilespmem:s24], [sflag:$0x5], $0x800, $0x38;
	[tilespmem:$0x1F000] =	vst v63  }
0x5a: {  	_ =	swait.ge [sflag:s25], $0x800  }
0x5b: {  	[sflag:s25] =	ssyncset.done $0x0  }
0x5c: {  	s12 =	rddreg [dreg:$0x9];
	[sflag:s25] =	ssyncadd.s32 $0xFFFFF800  }
0x5d: {  	[spmem:s12] =	stream.linear.scatter [tilespmem:s24], [sflag:$0x5], $0x800, $0x38;
	[tilespmem:$0x1F000] =	vst v63  }
0x5e: {  	_ =	swait.ge [sflag:s25], $0x800  }
0x5f: {  	[sflag:s25] =	ssyncset.done $0x0  }
0x60: {  	s13 =	rddreg [dreg:$0xa];
	[sflag:s25] =	ssyncadd.s32 $0xFFFFF800  }
0x61: {  	[spmem:s13] =	stream.linear.scatter [tilespmem:s24], [sflag:$0x5], $0x800, $0x38;
	[tilespmem:$0x1F000] =	vst v63  }
0x62: {  	_ =	swait.ge [sflag:s25], $0x800  }
0x63: {  	[sflag:s25] =	ssyncset.done $0x0  }
0x64: {  	s12 =	rddreg [dreg:$0xb];
	[sflag:s25] =	ssyncadd.s32 $0xFFFFF800  }
0x65: {  	[spmem:s12] =	stream.linear.scatter [tilespmem:s24], [sflag:$0x5], $0x800, $0x38;
	[tilespmem:$0x1F000] =	vst v63  }
0x66: {  	_ =	swait.ge [sflag:s25], $0x800  }
0x67: {  	[sflag:s25] =	ssyncset.done $0x0  }
0x68: {  	s13 =	rddreg [dreg:$0xc];
	[sflag:s25] =	ssyncadd.s32 $0xFFFFF800  }
0x69: {  	[spmem:s13] =	stream.linear.scatter [tilespmem:s24], [sflag:$0x5], $0x800, $0x38;
	[tilespmem:$0x1F000] =	vst v63  }
0x6a: {  	_ =	swait.ge [sflag:s25], $0x800  }
0x6b: {  	[sflag:s25] =	ssyncset.done $0x0  }
0x6c: {  	s12 =	rddreg [dreg:$0xd];
	[sflag:s25] =	ssyncadd.s32 $0xFFFFF800  }
0x6d: {  	[spmem:s12] =	stream.linear.scatter [tilespmem:s24], [sflag:$0x5], $0x800, $0x38;
	[tilespmem:$0x1F000] =	vst v63  }
0x6e: {  	_ =	swait.ge [sflag:s25], $0x800  }
0x6f: {  	[sflag:s25] =	ssyncset.done $0x0  }
0x70: {  	s13 =	rddreg [dreg:$0xe];
	[sflag:s25] =	ssyncadd.s32 $0xFFFFF800  }
0x71: {  	[spmem:s13] =	stream.linear.scatter [tilespmem:s24], [sflag:$0x5], $0x800, $0x38;
	[tilespmem:$0x1F000] =	vst v63  }
0x72: {  	_ =	swait.ge [sflag:s25], $0x800  }
0x73: {  	[sflag:s25] =	ssyncset.done $0x0  }
0x74: {  	s12 =	rddreg [dreg:$0xf];
	[sflag:s25] =	ssyncadd.s32 $0xFFFFF800  }
0x75: {  	[spmem:s12] =	stream.linear.scatter [tilespmem:s24], [sflag:$0x5], $0x800, $0x38;
	[tilespmem:$0x1F000] =	vst v63  }
0x76: {  	_ =	swait.ge [sflag:s25], $0x800  }
0x77: {  	[sflag:s25] =	ssyncset.done $0x0  }
0x78: {  	s13 =	rddreg [dreg:$0x14];
	[sflag:s25] =	ssyncadd.s32 $0xFFFFF800  }
0x79: {  	[spmem:s13] =	stream.linear.scatter [tilespmem:s24], [sflag:$0x5], $0x800, $0x38;
	[tilespmem:$0x1F000] =	vst v63  }
0x7a: {  	_ =	swait.ge [sflag:s25], $0x800  }
0x7b: {  	[sflag:s25] =	ssyncset.done $0x0  }
0x7c: {  	s12 =	rddreg [dreg:$0x17];
	[sflag:s25] =	ssyncadd.s32 $0xFFFFF800  }
0x7d: {  	[spmem:s12] =	stream.linear.scatter [tilespmem:s24], [sflag:$0x5], $0x800, $0x38;
	[tilespmem:$0x1F000] =	vst v63  }
0x7e: {  	_ =	swait.ge [sflag:s25], $0x800  }
0x7f: {  	[sflag:s25] =	ssyncset.done $0x0  }
0x80: {  	s13 =	rddreg [dreg:$0x18];
	[sflag:s25] =	ssyncadd.s32 $0xFFFFF800  }
0x81: {  	[spmem:s13] =	stream.linear.scatter [tilespmem:s24], [sflag:$0x5], $0x800, $0x38;
	[tilespmem:$0x1F000] =	vst v63  }
0x82: {  	_ =	swait.ge [sflag:s25], $0x800  }
0x83: {  	[sflag:s25] =	ssyncset.done $0x0  }
0x84: {  	s12 =	rddreg [dreg:$0x19];
	[sflag:s25] =	ssyncadd.s32 $0xFFFFF800  }
0x85: {  	[spmem:s12] =	stream.linear.scatter [tilespmem:s24], [sflag:$0x5], $0x800, $0x38;
	[tilespmem:$0x1F000] =	vst v63  }
0x86: {  	_ =	swait.ge [sflag:s25], $0x800  }
0x87: {  	[sflag:s25] =	ssyncset.done $0x0  }
0x88: {  	s13 =	rddreg [dreg:$0x1a];
	[sflag:s25] =	ssyncadd.s32 $0xFFFFF800  }
0x89: {  	[spmem:s13] =	stream.linear.scatter [tilespmem:s24], [sflag:$0x5], $0x800, $0x38;
	[tilespmem:$0x1F000] =	vst v63  }
0x8a: {  	_ =	swait.ge [sflag:s25], $0x800  }
0x8b: {  	[sflag:s25] =	ssyncset.done $0x0  }
0x8c: {  	s12 =	rddreg [dreg:$0x1b];
	[sflag:s25] =	ssyncadd.s32 $0xFFFFF800  }
0x8d: {  	[spmem:s12] =	stream.linear.scatter [tilespmem:s24], [sflag:$0x5], $0x800, $0x38;
	[tilespmem:$0x1F000] =	vst v63  }
0x8e: {  	_ =	swait.ge [sflag:s25], $0x800  }
0x8f: {  	[sflag:s25] =	ssyncset.done $0x0  }
0x90: {  	s13 =	rddreg [dreg:$0x1c];
	[sflag:s25] =	ssyncadd.s32 $0xFFFFF800  }
0x91: {  	[spmem:s13] =	stream.linear.scatter [tilespmem:s24], [sflag:$0x5], $0x800, $0x38;
	[tilespmem:$0x1F000] =	vst v63  }
0x92: {  	_ =	swait.ge [sflag:s25], $0x800  }
0x93: {  	[sflag:s25] =	ssyncset.done $0x0  }
0x94: {  	s12 =	rddreg [dreg:$0x1d];
	[sflag:s25] =	ssyncadd.s32 $0xFFFFF800  }
0x95: {  	[spmem:s12] =	stream.linear.scatter [tilespmem:s24], [sflag:$0x5], $0x800, $0x38;
	[tilespmem:$0x1F000] =	vst v63  }
0x96: {  	_ =	swait.ge [sflag:s25], $0x800  }
0x97: {  	[sflag:s25] =	ssyncset.done $0x0  }
0x98: {  	s13 =	rddreg [dreg:$0x1e];
	[sflag:s25] =	ssyncadd.s32 $0xFFFFF800  }
0x99: {  	[spmem:s13] =	stream.linear.scatter [tilespmem:s24], [sflag:$0x5], $0x800, $0x38;
	[tilespmem:$0x1F000] =	vst v63  }
0x9a: {  	_ =	swait.ge [sflag:s25], $0x800  }
0x9b: {  	[sflag:s25] =	ssyncset.done $0x0  }
0x9c: {  	s12 =	rddreg [dreg:$0x1f];
	[sflag:s25] =	ssyncadd.s32 $0xFFFFF800  }
0x9d: {  	[spmem:s12] =	stream.linear.scatter [tilespmem:s24], [sflag:$0x5], $0x800, $0x38;
	[tilespmem:$0x1F000] =	vst v63  }
0x9e: {  	_ =	swait.ge [sflag:s25], $0x800  }
0x9f: {  	s13 =	sld [smem:$0x7F8]  }
0xa0: {  	[sflag:s25] =	ssyncset.done $0x0  }
0xa1: {  	[sflag:s25] =	ssyncadd.s32 $0xFFFFF800  }
0xa2: {  	[spmem:s13] =	stream.linear.scatter [tilespmem:s24], [sflag:$0x5], $0x800, $0x38;
	[tilespmem:$0x1F000] =	vst v63  }
0xa3: {  	_ =	swait.ge [sflag:s25], $0x800  }
0xa4: {  	s12 =	sld [smem:$0x7F9]  }
0xa5: {  	[sflag:s25] =	ssyncset.done $0x0  }
0xa6: {  	[sflag:s25] =	ssyncadd.s32 $0xFFFFF800  }
0xa7: {  	[spmem:s12] =	stream.linear.scatter [tilespmem:s24], [sflag:$0x5], $0x800, $0x38;
	[tilespmem:$0x1F000] =	vst v63  }
0xa8: {  	_ =	swait.ge [sflag:s25], $0x800  }
0xa9: {  	s13 =	sld [smem:$0x7FA]  }
0xaa: {  	[sflag:s25] =	ssyncset.done $0x0  }
0xab: {  	[sflag:s25] =	ssyncadd.s32 $0xFFFFF800  }
0xac: {  	[spmem:s13] =	stream.linear.scatter [tilespmem:s24], [sflag:$0x5], $0x800, $0x38;
	[tilespmem:$0x1F000] =	vst v63  }
0xad: {  	_ =	swait.ge [sflag:s25], $0x800  }
0xae: {  	s12 =	sld [smem:$0x7FB]  }
0xaf: {  	[sflag:s25] =	ssyncset.done $0x0  }
0xb0: {  	[sflag:s25] =	ssyncadd.s32 $0xFFFFF800  }
0xb1: {  	[spmem:s12] =	stream.linear.scatter [tilespmem:s24], [sflag:$0x5], $0x800, $0x38;
	[tilespmem:$0x1F000] =	vst v63  }
0xb2: {  	_ =	swait.ge [sflag:s25], $0x800  }
0xb3: {  	s13 =	sld [smem:$0x7FC]  }
0xb4: {  	[sflag:s25] =	ssyncset.done $0x0  }
0xb5: {  	[sflag:s25] =	ssyncadd.s32 $0xFFFFF800  }
0xb6: {  	[spmem:s13] =	stream.linear.scatter [tilespmem:s24], [sflag:$0x5], $0x800, $0x38;
	[tilespmem:$0x1F000] =	vst v63  }
0xb7: {  	_ =	swait.ge [sflag:s25], $0x800  }
0xb8: {  	s12 =	sld [smem:$0x7FD]  }
0xb9: {  	[sflag:s25] =	ssyncset.done $0x0  }
0xba: {  	[sflag:s25] =	ssyncadd.s32 $0xFFFFF800  }
0xbb: {  	[spmem:s12] =	stream.linear.scatter [tilespmem:s24], [sflag:$0x5], $0x800, $0x38;
	[tilespmem:$0x1F000] =	vst v63  }
0xbc: {  	_ =	swait.ge [sflag:s25], $0x800  }
0xbd: {  	[sflag:s25] =	ssyncset.done $0x0  }
0xbe: {  	[sflag:s25] =	ssyncadd.s32 $0xFFFFF800  }
0xbf: {  	[spmem:s14] =	stream.linear.scatter [tilespmem:s24], [sflag:$0x5], $0x800, $0x38;
	[tilespmem:$0x1F000] =	vst v63  }
0xc0: {  	_ =	swait.ge [sflag:s25], $0x800  }
0xc1: {  	[sflag:s25] =	ssyncset.done $0x0  }
0xc2: {  	[sflag:s25] =	ssyncadd.s32 $0xFFFFF800  }
0xc3: {  	[spmem:s15] =	stream.linear.scatter [tilespmem:s24], [sflag:$0x5], $0x800, $0x38;
	[tilespmem:$0x1F000] =	vst v63  }
0xc4: {  	_ =	swait.ge [sflag:s25], $0x800  }
0xc5: {  	[sflag:s25] =	ssyncset.done $0x0  }
0xc6: {  	[sflag:s25] =	ssyncadd.s32 $0xFFFFF800  }
0xc7: {  	[spmem:s16] =	stream.linear.scatter [tilespmem:s24], [sflag:$0x5], $0x800, $0x38;
	[tilespmem:$0x1F000] =	vst v63  }
0xc8: {  	_ =	swait.ge [sflag:s25], $0x800  }
0xc9: {  	[sflag:s25] =	ssyncset.done $0x0  }
0xca: {  	[sflag:s25] =	ssyncadd.s32 $0xFFFFF800  }
0xcb: {  	[spmem:s17] =	stream.linear.scatter [tilespmem:s24], [sflag:$0x5], $0x800, $0x38;
	[tilespmem:$0x1F000] =	vst v63  }
0xcc: {  	_ =	swait.ge [sflag:s25], $0x800  }
0xcd: {  	[sflag:s25] =	ssyncset.done $0x0  }
0xce: {  	[sflag:s25] =	ssyncadd.s32 $0xFFFFF800  }
0xcf: {  	[spmem:s18] =	stream.linear.scatter [tilespmem:s24], [sflag:$0x5], $0x800, $0x38;
	[tilespmem:$0x1F000] =	vst v63  }
0xd0: {  	_ =	swait.ge [sflag:s25], $0x800  }
0xd1: {  	[sflag:s25] =	ssyncset.done $0x0  }
0xd2: {  	[sflag:s25] =	ssyncadd.s32 $0xFFFFF800  }
0xd3: {  	[spmem:s19] =	stream.linear.scatter [tilespmem:s24], [sflag:$0x5], $0x800, $0x38;
	[tilespmem:$0x1F000] =	vst v63  }
0xd4: {  	_ =	swait.ge [sflag:s25], $0x800  }
0xd5: {  	[sflag:s25] =	ssyncset.done $0x0  }
0xd6: {  	[sflag:s25] =	ssyncadd.s32 $0xFFFFF800  }
0xd7: {  	[spmem:s20] =	stream.linear.scatter [tilespmem:s24], [sflag:$0x5], $0x800, $0x38;
	[tilespmem:$0x1F000] =	vst v63  }
0xd8: {  	_ =	swait.ge [sflag:s25], $0x800  }
0xd9: {  	[sflag:s25] =	ssyncset.done $0x0  }
0xda: {  	[sflag:s25] =	ssyncadd.s32 $0xFFFFF800  }
0xdb: {  	[spmem:s21] =	stream.linear.scatter [tilespmem:s24], [sflag:$0x5], $0x800, $0x38;
	[tilespmem:$0x1F000] =	vst v63  }
0xdc: {  	_ =	swait.ge [sflag:s25], $0x800  }
0xdd: {  	[sflag:s25] =	ssyncset.done $0x0  }
0xde: {  	[sflag:s25] =	ssyncadd.s32 $0xFFFFF800  }
0xdf: {  	[spmem:s22] =	stream.linear.scatter [tilespmem:s24], [sflag:$0x5], $0x800, $0x38;
	[tilespmem:$0x1F000] =	vst v63  }
0xe0: {  	_ =	swait.ge [sflag:s25], $0x800  }
0xe1: {  	[sflag:s25] =	ssyncset.done $0x0  }
0xe2: {  	[sflag:s25] =	ssyncadd.s32 $0xFFFFF800  }
0xe3: {  	[spmem:s23] =	stream.linear.scatter [tilespmem:s24], [sflag:$0x5], $0x800, $0x38;
	[tilespmem:$0x1F000] =	vst v63  }
0xe4: {  	_ =	swait.ge [sflag:s25], $0x800  }
0xe5: {  	[sflag:s25] =	ssyncset.done $0x0  }
0xe6: {  	[sflag:s25] =	ssyncadd.s32 $0xFFFFF800  }
0xe7: {  	[bflag:$0x0] =	sbarrier.arrive $0xFFFF  }
0xe8: {  	s11 =	simm.s32 $0x0;
	s12 =	rddreg [dreg:$0x10]  }
0xe9: {  	[tilespmem:s26], [sflag:$0x5] =	stream.linear.gather [hbm4b:s12+s11], $0x1400, $0x38;
	[tilespmem:$0x1F000] =	vst v63  }
0xea: {  	_ =	swait.ge [sflag:s25], $0x1400  }
0xeb: {  	[sflag:s25] =	ssyncset.done $0x0  }
0xec: {  	s13 =	rddreg [dreg:$0x11];
	[sflag:s25] =	ssyncadd.s32 $0xFFFFEC00  }
0xed: {  	[tilespmem:s28], [sflag:$0x5] =	stream.linear.gather [hbm4b:s13+s11], $0x1400, $0x38;
	[tilespmem:$0x1F000] =	vst v63  }
0xee: {  	_ =	swait.ge [sflag:s25], $0x1400  }
0xef: {  	[sflag:s25] =	ssyncset.done $0x0  }
0xf0: {  	[sflag:s25] =	ssyncadd.s32 $0xFFFFEC00  }
0xf1: {  	[tilespmem:s30], [sflag:$0x1] =	stream.indirect.gather [hbm4b:s4+s29], $0x80, s26, s29, $0xb8;
	[tilespmem:$0x1F000] =	vst v63  }
0xf2: {  	_ = 	snop  }
0xf3: {  	[tilespmem:s0], [sflag:$0x2] =	stream.indirect.gather [hbm4b:s4+s29], $0x80, s31, s29, $0xb8;
	[tilespmem:$0x1F000] =	vst v63  }
0xf4: {  	_ =	swait.ge [sflag:s2], $0x4000  }
0xf5: {  	[sflag:s2] =	ssyncset.done $0x0  }
0xf6: {  	s13 =	simm.s32 $0x15C00;
	[sflag:s2] =	ssyncadd.s32 $0xFFFFC000  }
0xf7: {  	[spmem:s1] =	stream.indirect.scatter.add.f32 [tilespmem:s30], [sflag:$0x3], $0x80, s13, s29, $0xb8;
	[tilespmem:$0x1F000] =	vst v63  }
0xf8: {  	_ =	swait.ge [sflag:s6], $0x4000  }
0xf9: {  	[sflag:s6] =	ssyncset.done $0x0  }
0xfa: {  	s12 =	simm.s32 $0x15C80;
	[sflag:s6] =	ssyncadd.s32 $0xFFFFC000  }
0xfb: {  	[spmem:s1] =	stream.indirect.scatter.add.f32 [tilespmem:s0], [sflag:$0x4], $0x80, s12, s29, $0xb8;
	[tilespmem:$0x1F000] =	vst v63  }
0xfc: {  	_ =	swait.ge [sflag:s7], $0x4000  }
0xfd: {  	[sflag:s7] =	ssyncset.done $0x0  }
0xfe: {  	s13 =	simm.s32 $0x14900;
	[sflag:s7] =	ssyncadd.s32 $0xFFFFC000  }
0xff: {  	[tilespmem:s30], [sflag:$0x1] =	stream.indirect.gather [hbm4b:s4+s29], $0x80, s13, s29, $0xb8;
	[tilespmem:$0x1F000] =	vst v63  }
0x100: {  	_ =	swait.ge [sflag:s8], $0x4000  }
0x101: {  	[sflag:s8] =	ssyncset.done $0x0  }
0x102: {  	s11 =	simm.s32 $0x400;
	s12 =	simm.s32 $0x14980;
	[sflag:s8] =	ssyncadd.s32 $0xFFFFC000  }
.LBB2_4:
0x103: {  	[tilespmem:s0], [sflag:$0x2] =	stream.indirect.gather [hbm4b:s4+s29], $0x80, s12, s29, $0xb8;
	[tilespmem:$0x1F000] =	vst v63  }
0x104: {  	s12 =	smov.u32 s11  }
0x105: {  	p0 =	sne.s32 s11, $0x4800;
	s11 =	sadd.s32 $0x400, s11;
	_ =	swait.ge [sflag:s2], $0x4000  }
0x106: {  	s12 =	sshra.s32 s12, $0x2;
	[sflag:s2] =	ssyncset.done $0x0  }
0x107: {  	s13 =	sadd.s32 $0x15C00, s12;
	[sflag:s2] =	ssyncadd.s32 $0xFFFFC000  }
0x108: {  	[spmem:s1] =	stream.indirect.scatter.add.f32 [tilespmem:s30], [sflag:$0x3], $0x80, s13, s29, $0xb8;
	[tilespmem:$0x1F000] =	vst v63  }
0x109: {  	_ =	swait.ge [sflag:s6], $0x4000  }
0x10a: {  	[sflag:s6] =	ssyncset.done $0x0  }
0x10b: {  	s13 =	sadd.s32 $0x15C80, s12;
	[sflag:s6] =	ssyncadd.s32 $0xFFFFC000  }
0x10c: {  	[spmem:s1] =	stream.indirect.scatter.add.f32 [tilespmem:s0], [sflag:$0x4], $0x80, s13, s29, $0xb8;
	[tilespmem:$0x1F000] =	vst v63  }
0x10d: {  	_ =	swait.ge [sflag:s7], $0x4000  }
0x10e: {  	[sflag:s7] =	ssyncset.done $0x0  }
.Ltmp1:
0x10f: {  	s13 =	sadd.s32 $0x14900, s12;
	[sflag:s7] =	ssyncadd.s32 $0xFFFFC000;
	(pc) =	sbr.rel @p0 .LBB2_4-.Ltmp1, $4  }
0x110: {  	[tilespmem:s30], [sflag:$0x1] =	stream.indirect.gather [hbm4b:s4+s29], $0x80, s13, s29, $0xb8;
	[tilespmem:$0x1F000] =	vst v63  }
0x111: {  	_ =	swait.ge [sflag:s8], $0x4000  }
0x112: {  	[sflag:s8] =	ssyncset.done $0x0  }
0x113: {  	s12 =	sadd.s32 $0x14980, s12;
	[sflag:s8] =	ssyncadd.s32 $0xFFFFC000  }
0x114: {  	[tilespmem:s0], [sflag:$0x2] =	stream.indirect.gather [hbm4b:s4+s29], $0x80, s12, s29, $0xb8;
	[tilespmem:$0x1F000] =	vst v63  }
0x115: {  	_ =	swait.ge [sflag:s2], $0x4000  }
0x116: {  	[sflag:s2] =	ssyncset.done $0x0  }
0x117: {  	[sflag:s2] =	ssyncadd.s32 $0xFFFFC000  }
0x118: {  	[spmem:s1] =	stream.indirect.scatter.add.f32 [tilespmem:s30], [sflag:$0x3], $0x80, s9, s29, $0xb8;
	[tilespmem:$0x1F000] =	vst v63  }
0x119: {  	_ =	swait.ge [sflag:s6], $0x4000  }
0x11a: {  	[sflag:s6] =	ssyncset.done $0x0  }
0x11b: {  	[sflag:s6] =	ssyncadd.s32 $0xFFFFC000  }
0x11c: {  	[spmem:s1] =	stream.indirect.scatter.add.f32 [tilespmem:s0], [sflag:$0x4], $0x80, s10, s29, $0xb8;
	[tilespmem:$0x1F000] =	vst v63  }
0x11d: {  	_ =	swait.ge [sflag:s7], $0x4000  }
0x11e: {  	[sflag:s7] =	ssyncset.done $0x0  }
0x11f: {  	[sflag:s7] =	ssyncadd.s32 $0xFFFFC000  }
0x120: {  	_ =	swait.ge [sflag:s8], $0x4000  }
0x121: {  	[sflag:s8] =	ssyncset.done $0x0  }
0x122: {  	s11 =	simm.s32 $0x0;
	s13 =	rddreg [dreg:$0x12];
	[sflag:s8] =	ssyncadd.s32 $0xFFFFC000  }
0x123: {  	[tilespmem:s26], [sflag:$0x5] =	stream.linear.gather [hbm4b:s13+s11], $0x1400, $0x38;
	[tilespmem:$0x1F000] =	vst v63  }
0x124: {  	_ =	swait.ge [sflag:s25], $0x1400  }
0x125: {  	[sflag:s25] =	ssyncset.done $0x0  }
0x126: {  	s13 =	rddreg [dreg:$0x13];
	[sflag:s25] =	ssyncadd.s32 $0xFFFFEC00  }
0x127: {  	[tilespmem:s28], [sflag:$0x5] =	stream.linear.gather [hbm4b:s13+s11], $0x1400, $0x38;
	[tilespmem:$0x1F000] =	vst v63  }
0x128: {  	_ =	swait.ge [sflag:s25], $0x1400  }
0x129: {  	[sflag:s25] =	ssyncset.done $0x0  }
0x12a: {  	[sflag:s25] =	ssyncadd.s32 $0xFFFFEC00  }
0x12b: {  	[tilespmem:s30], [sflag:$0x1] =	stream.indirect.gather [hbm4b:s4+s29], $0x80, s26, s29, $0xb8;
	[tilespmem:$0x1F000] =	vst v63  }
0x12c: {  	_ = 	snop  }
0x12d: {  	[tilespmem:s0], [sflag:$0x2] =	stream.indirect.gather [hbm4b:s4+s29], $0x80, s31, s29, $0xb8;
	[tilespmem:$0x1F000] =	vst v63  }
0x12e: {  	_ =	swait.ge [sflag:s2], $0x4000  }
0x12f: {  	[sflag:s2] =	ssyncset.done $0x0  }
0x130: {  	s13 =	simm.s32 $0x15C00;
	[sflag:s2] =	ssyncadd.s32 $0xFFFFC000  }
0x131: {  	[spmem:s1] =	stream.indirect.scatter.add.f32 [tilespmem:s30], [sflag:$0x3], $0x80, s13, s29, $0xb8;
	[tilespmem:$0x1F000] =	vst v63  }
0x132: {  	_ =	swait.ge [sflag:s6], $0x4000  }
0x133: {  	[sflag:s6] =	ssyncset.done $0x0  }
0x134: {  	s12 =	simm.s32 $0x15C80;
	[sflag:s6] =	ssyncadd.s32 $0xFFFFC000  }
0x135: {  	[spmem:s1] =	stream.indirect.scatter.add.f32 [tilespmem:s0], [sflag:$0x4], $0x80, s12, s29, $0xb8;
	[tilespmem:$0x1F000] =	vst v63  }
0x136: {  	_ =	swait.ge [sflag:s7], $0x4000  }
0x137: {  	[sflag:s7] =	ssyncset.done $0x0  }
0x138: {  	s13 =	simm.s32 $0x14900;
	[sflag:s7] =	ssyncadd.s32 $0xFFFFC000  }
0x139: {  	[tilespmem:s30], [sflag:$0x1] =	stream.indirect.gather [hbm4b:s4+s29], $0x80, s13, s29, $0xb8;
	[tilespmem:$0x1F000] =	vst v63  }
0x13a: {  	_ =	swait.ge [sflag:s8], $0x4000  }
0x13b: {  	[sflag:s8] =	ssyncset.done $0x0  }
0x13c: {  	s11 =	simm.s32 $0x400;
	s12 =	simm.s32 $0x14980;
	[sflag:s8] =	ssyncadd.s32 $0xFFFFC000  }
.LBB2_6:
0x13d: {  	[tilespmem:s0], [sflag:$0x2] =	stream.indirect.gather [hbm4b:s4+s29], $0x80, s12, s29, $0xb8;
	[tilespmem:$0x1F000] =	vst v63  }
0x13e: {  	s12 =	smov.u32 s11  }
0x13f: {  	p0 =	sne.s32 s11, $0x4800;
	s11 =	sadd.s32 $0x400, s11;
	_ =	swait.ge [sflag:s2], $0x4000  }
0x140: {  	s12 =	sshra.s32 s12, $0x2;
	[sflag:s2] =	ssyncset.done $0x0  }
0x141: {  	s13 =	sadd.s32 $0x15C00, s12;
	[sflag:s2] =	ssyncadd.s32 $0xFFFFC000  }
0x142: {  	[spmem:s1] =	stream.indirect.scatter.add.f32 [tilespmem:s30], [sflag:$0x3], $0x80, s13, s29, $0xb8;
	[tilespmem:$0x1F000] =	vst v63  }
0x143: {  	_ =	swait.ge [sflag:s6], $0x4000  }
0x144: {  	[sflag:s6] =	ssyncset.done $0x0  }
0x145: {  	s13 =	sadd.s32 $0x15C80, s12;
	[sflag:s6] =	ssyncadd.s32 $0xFFFFC000  }
0x146: {  	[spmem:s1] =	stream.indirect.scatter.add.f32 [tilespmem:s0], [sflag:$0x4], $0x80, s13, s29, $0xb8;
	[tilespmem:$0x1F000] =	vst v63  }
0x147: {  	_ =	swait.ge [sflag:s7], $0x4000  }
0x148: {  	[sflag:s7] =	ssyncset.done $0x0  }
.Ltmp2:
0x149: {  	s13 =	sadd.s32 $0x14900, s12;
	[sflag:s7] =	ssyncadd.s32 $0xFFFFC000;
	(pc) =	sbr.rel @p0 .LBB2_6-.Ltmp2, $4  }
0x14a: {  	[tilespmem:s30], [sflag:$0x1] =	stream.indirect.gather [hbm4b:s4+s29], $0x80, s13, s29, $0xb8;
	[tilespmem:$0x1F000] =	vst v63  }
0x14b: {  	_ =	swait.ge [sflag:s8], $0x4000  }
0x14c: {  	[sflag:s8] =	ssyncset.done $0x0  }
0x14d: {  	s12 =	sadd.s32 $0x14980, s12;
	[sflag:s8] =	ssyncadd.s32 $0xFFFFC000  }
0x14e: {  	[tilespmem:s0], [sflag:$0x2] =	stream.indirect.gather [hbm4b:s4+s29], $0x80, s12, s29, $0xb8;
	[tilespmem:$0x1F000] =	vst v63  }
0x14f: {  	_ =	swait.ge [sflag:s2], $0x4000  }
0x150: {  	[sflag:s2] =	ssyncset.done $0x0  }
0x151: {  	[sflag:s2] =	ssyncadd.s32 $0xFFFFC000  }
0x152: {  	[spmem:s1] =	stream.indirect.scatter.add.f32 [tilespmem:s30], [sflag:$0x3], $0x80, s9, s29, $0xb8;
	[tilespmem:$0x1F000] =	vst v63  }
0x153: {  	_ =	swait.ge [sflag:s6], $0x4000  }
0x154: {  	[sflag:s6] =	ssyncset.done $0x0  }
0x155: {  	[sflag:s6] =	ssyncadd.s32 $0xFFFFC000  }
0x156: {  	[spmem:s1] =	stream.indirect.scatter.add.f32 [tilespmem:s0], [sflag:$0x4], $0x80, s10, s29, $0xb8;
	[tilespmem:$0x1F000] =	vst v63  }
0x157: {  	_ =	swait.ge [sflag:s7], $0x4000  }
0x158: {  	[sflag:s7] =	ssyncset.done $0x0  }
0x159: {  	[sflag:s7] =	ssyncadd.s32 $0xFFFFC000  }
0x15a: {  	_ =	swait.ge [sflag:s8], $0x4000  }
0x15b: {  	[sflag:s8] =	ssyncset.done $0x0  }
0x15c: {  	s11 =	stileid.u32;
	[sflag:s8] =	ssyncadd.s32 $0xFFFFC000  }
0x15d: {  	s11 =	sshll.u32 s11, $0x6;
	[bflag:$0x0] =	sbarrier.arrive $0xFFFF  }
0x15e: {  	s12 =	sshrl.u32 s5, $0x3;
	s11 =	sor.u32 $0x1C05, s11;
	s13 =	rddreg [dreg:$0x15]  }
0x15f: {  	[hbm:s13], [sflag:s11] =	dma.local [spmem:s12], $0x2800  }
0x160: {  	_ =	swait.ge [sflag:s25], $0x2800  }
0x161: {  	s3 =	sadd.s32 $0x1, s3;
	s13 =	rddreg [dreg:$0x16]  }
0x162: {  	p0 =	sne.s32 s3, s13  }
.Ltmp3:
0x163: {  	_ = 	snop;
	(pc) =	sbr.rel @p0 .LBB2_1-.Ltmp3, $3  }
0x164: {  	_ =	sdelay $0x1  }
0x165: {  	[sflag:s25] =	ssyncset.done $0x0  }
0x166: {  	[sflag:s25] =	ssyncadd.s32 $0xFFFFD800  }
0x167: {  	_ =	sfence.sel $0x180000  }
0x168: {  	[bflag:$0x0] =	sbarrier.arrive $0xFFFF  }
0x169: {  	_ =	strace $0x9000004A  }
0x16a: {  	s0 =	stileid.u32;
	[bflag:$0x2] =	sbarrier.arrive $0xFFFF  }
0x16b: {  	p0 =	sne.s32 s0, $0x0;
	s0 =	rddreg [dreg:$0x2]  }
0x16c: {  	s0 =	sadd.s32 @!p0 $0x100000, s0  }
0x16d: {  	[sflag:s0] =	ssyncadd.tile.s32 @!p0 $0x1;
	_ =	shalt  }
.Lfunc_end2:
_tile_overlayer_lowered:
.L_overlay_start_2:
0x16e: {  	(tag) =	ssettag $0x2  }
0x16f: {  	s0 =	rddreg [dreg:$0x0];
	s2 =	stileid.u32  }
0x170: {  	s1 =	rddreg [dreg:$0x1];
	p0 =	sne.s32 s2, $0x0  }
0x171: {  	s3 =	rddreg [dreg:$0x2];
	[bflag:$0x3] =	sbarrier.arrive $0xFFFF;
	s2 =	simm.s32 @!p0 $0x1C05  }
0x172: {  	[timem:s3], [sflag:s2] =	dma.local @!p0 [hbm:s0], s1  }
0x173: {  	s0 =	simm.s32 @!p0 $0x5  }
0x174: {  	_ =	swait.ge @!p0 [sflag:s0], s1  }
0x175: {  	s1 =	ssub.s32 @!p0 $0x0, s1;
	[sflag:s0] =	ssyncset.done @!p0 $0x0  }
0x176: {  	[sflag:s0] =	ssyncadd.s32 @!p0 s1  }
0x177: {  	[bflag:$0x3] =	sbarrier.arrive $0xFFFF  }
0x178: {  	_ =	shalt  }

// kernel: kernel.14.cloned.1.call-start
scs
__scs_entry_jumppad:
0x0: {  	(pc) =	sbr.rel $0x88, $3  }
0x1: {  	(tag) =	ssettag $0x0;
	lr =	simm.s32 $0x1  }
0x2: {  	[smem:$0x3F9B] =	sst lr;
	_ =	strace $0xD0000000  }
0x3: {  	_ = 	snop  }
0x4: {  	_ = 	snop  }
0x5: {  	_ = 	snop  }
0x6: {  	_ = 	snop  }
0x7: {  	_ = 	snop  }
__scs_overlays_trampoline_lowered:
0x8: {  	[smem:$0x3FAA] =	sst s0  }
0x9: {  	[smem:$0x3FAB] =	sst s1  }
0xa: {  	[smem:$0x3FAC] =	sst s2  }
0xb: {  	[smem:$0x3FAD] =	sst s3  }
0xc: {  	[smem:$0x3FAE] =	sst s4  }
0xd: {  	[smem:$0x3FAF] =	sst s5  }
0xe: {  	[smem:$0x3FB0] =	sst s6  }
0xf: {  	[smem:$0x3FB1] =	sst s7  }
0x10: {  	[smem:$0x3FB2] =	sst s8  }
0x11: {  	[smem:$0x3FB3] =	sst s9;
	s0 =	simm.s32 @!p0 $0x0  }
0x12: {  	s1 =	sld [smem:$0x3F99];
	s0 =	simm.s32 @p0 $0x1  }
0x13: {  	[smem:$0x3FB4] =	sst s0;
	s0 =	simm.s32 @!p1 $0x0  }
0x14: {  	s2 =	sld [smem:$0x3F98];
	s0 =	simm.s32 @p1 $0x1  }
0x15: {  	[smem:$0x3FB5] =	sst s0;
	s0 =	simm.s32 @!p2 $0x0  }
0x16: {  	s3 =	sld [smem:$0x3FDB];
	s0 =	simm.s32 @p2 $0x1  }
0x17: {  	s4 =	simm.s32 $0x1BF5;
	[smem:$0x3FB7] =	sst s0  }
0x18: {  	s0 =	sld [smem:$0x3F9A];
	_ =	swait.ge [sflag:s4], $0x0  }
0x19: {  	s7 =	sld [smem:$0x3F9B]  }
0x1a: {  	s8 =	sadd.s32 $0xFFFFE003, lr  }
0x1b: {  	s9 =	sadd.s32 $0xFFFFFEF7, lr;
	s5 =	simm.s32 $0xFFFFFFFF;
	p2 =	slt.u32 s8, $0xFFFFF086  }
0x1c: {  	p1 =	slt.u32 s9, $0xF7A;
	s5 =	simm.s32 @!p2 $0x0  }
0x1d: {  	s5 =	simm.s32 @p1 $0x1;
	p0 =	seq.s32 s7, s2  }
0x1e: {  	s7 =	smul.u32 @!p0 $0xF7A, s2;
	p2 =	seq.s32 @!p0 s5, $0x0  }
0x1f: {  	s9 =	smul.u32 $0xF7A, s1;
	s8 =	simm.s32 @!p0 $0x1BF5;
	p2 =	por !p2, p0  }
0x20: {  	[sflag:s8] =	ssyncset.s32 @!p0 $0xFFFFF086;
	s6 =	sadd.s32 @!p0 s3, s7;
	s7 =	simm.s32 @!p0 $0x108  }
0x21: {  	s3 =	sadd.s32 s3, s9;
	s6 =	sadd.s32 @!p0 $0x88, s6;
	s7 =	simm.s32 @p2 $0x1082  }
0x22: {  	[simem:s7], [sflag:s8] =	dma.local @!p0 [hbm:s6], $0xF7A  }
0x23: {  	s9 =	sor.u32 $0xD0000000, s2;
	s6 =	simm.s32 $0x108;
	_ =	swait.ge @!p0 [sflag:s8], $0x0  }
0x24: {  	s3 =	sadd.s32 $0x88, s3;
	s6 =	simm.s32 @!p1 $0x1082;
	[sflag:s4] =	ssyncset.s32 $0xFFFFF086  }
0x25: {  	[simem:s6], [sflag:s4] =	dma.local [hbm:s3], $0xF7A  }
0x26: {  	[smem:$0x3F9B] =	sst s1;
	(tag) =	ssettag s2;
	_ =	strace s9  }
0x27: {  	s1 =	sld [smem:$0x3FAB]  }
0x28: {  	s2 =	sld [smem:$0x3FAC]  }
0x29: {  	s4 =	sld [smem:$0x3FAE]  }
0x2a: {  	p0 =	seq.s32 s5, $0x0;
	s5 =	sld [smem:$0x3FAF]  }
0x2b: {  	s6 =	sld [smem:$0x3FB0]  }
0x2c: {  	s7 =	sld [smem:$0x3FB1]  }
0x2d: {  	s3 =	simm.s32 $0x108;
	s8 =	sld [smem:$0x3FB2]  }
0x2e: {  	s3 =	simm.s32 @!p0 $0x1082;
	s9 =	sld [smem:$0x3FB3]  }
0x2f: {  	lr =	sadd.s32 s0, s3;
	s0 =	sld [smem:$0x3FAA]  }
0x30: {  	s3 =	sld [smem:$0x3FAD]  }
0x31: {  	[smem:$0x3FB6] =	sst s10  }
0x32: {  	s10 =	sld [smem:$0x3FB4];
	_ =	sdelay $0x3  }
0x33: {  	p0 =	seq.s32 s10, $0x1;
	s10 =	sld [smem:$0x3FB6];
	_ =	sdelay $0x3  }
0x34: {  	[smem:$0x3FB6] =	sst s10  }
0x35: {  	s10 =	sld [smem:$0x3FB5];
	_ =	sdelay $0x3  }
0x36: {  	p1 =	seq.s32 s10, $0x1;
	s10 =	sld [smem:$0x3FB6];
	_ =	sdelay $0x3  }
0x37: {  	[smem:$0x3FB6] =	sst s10  }
0x38: {  	s10 =	sld [smem:$0x3FB7]  }
0x39: {  	_ = 	snop;
	(pc) =	sbr.ind lr, $3  }
0x3a: {  	_ = 	snop  }
0x3b: {  	_ = 	snop  }
0x3c: {  	p2 =	seq.s32 s10, $0x1;
	s10 =	sld [smem:$0x3FB6]  }
0x3d: {  	_ =	shalt  }
0x3e: {  	_ =	shalt  }
0x3f: {  	_ =	shalt  }
0x40: {  	_ =	shalt  }
0x41: {  	_ =	shalt  }
0x42: {  	_ =	shalt  }
0x43: {  	_ =	shalt  }
0x44: {  	_ =	shalt  }
0x45: {  	_ =	shalt  }
0x46: {  	_ =	shalt  }
0x47: {  	_ =	shalt  }
0x48: {  	_ =	shalt  }
0x49: {  	_ =	shalt  }
0x4a: {  	_ =	shalt  }
0x4b: {  	_ =	shalt  }
0x4c: {  	_ =	shalt  }
0x4d: {  	_ =	shalt  }
0x4e: {  	_ =	shalt  }
0x4f: {  	_ =	shalt  }
0x50: {  	_ =	shalt  }
0x51: {  	_ =	shalt  }
0x52: {  	_ =	shalt  }
0x53: {  	_ =	shalt  }
0x54: {  	_ =	shalt  }
0x55: {  	_ =	shalt  }
0x56: {  	_ =	shalt  }
0x57: {  	_ =	shalt  }
0x58: {  	_ =	shalt  }
0x59: {  	_ =	shalt  }
0x5a: {  	_ =	shalt  }
0x5b: {  	_ =	shalt  }
0x5c: {  	_ =	shalt  }
0x5d: {  	_ =	shalt  }
0x5e: {  	_ =	shalt  }
0x5f: {  	_ =	shalt  }
0x60: {  	_ =	shalt  }
0x61: {  	_ =	shalt  }
0x62: {  	_ =	shalt  }
0x63: {  	_ =	shalt  }
0x64: {  	_ =	shalt  }
0x65: {  	_ =	shalt  }
0x66: {  	_ =	shalt  }
0x67: {  	_ =	shalt  }
0x68: {  	_ =	shalt  }
0x69: {  	_ =	shalt  }
0x6a: {  	_ =	shalt  }
0x6b: {  	_ =	shalt  }
0x6c: {  	_ =	shalt  }
0x6d: {  	_ =	shalt  }
0x6e: {  	_ =	shalt  }
0x6f: {  	_ =	shalt  }
0x70: {  	_ =	shalt  }
0x71: {  	_ =	shalt  }
0x72: {  	_ =	shalt  }
0x73: {  	_ =	shalt  }
0x74: {  	_ =	shalt  }
0x75: {  	_ =	shalt  }
0x76: {  	_ =	shalt  }
0x77: {  	_ =	shalt  }
0x78: {  	_ =	shalt  }
0x79: {  	_ =	shalt  }
0x7a: {  	_ =	shalt  }
0x7b: {  	_ =	shalt  }
0x7c: {  	_ =	shalt  }
0x7d: {  	_ =	shalt  }
0x7e: {  	_ =	shalt  }
0x7f: {  	_ =	shalt  }
0x80: {  	_ =	shalt  }
0x81: {  	_ =	shalt  }
0x82: {  	_ =	shalt  }
0x83: {  	_ =	shalt  }
0x84: {  	_ =	shalt  }
0x85: {  	_ =	shalt  }
0x86: {  	_ =	shalt  }
0x87: {  	_ =	shalt  }
.Lfunc_end0:
.L_simem_size_0:
called_computation.2_lowered:
.L_overlay_start_0:
0x88: {  	s2 =	sld [smem:$0x3FD9]  }
0x89: {  	s3 =	sld [smem:$0x3FFE];
	_ =	sdelay $0x1  }
0x8a: {  	s1 =	srdreg.scid  }
0x8b: {  	s0 =	sand.u32 $0x1, s1  }
0x8c: {  	s16 =	sshll.u32 s0, $0xA;
	s2 =	sadd.s32 s3, s2  }
0x8d: {  	s2 =	sadd.s32 s2, s16  }
0x8e: {  	[smem:$0x3FC2] =	sst s2  }
0x8f: {  	_ = 	snop  }
0x90: {  	(tm) =	ssettm $0x1  }
0x91: {  	s17 =	sld [smem:$0x3FFB];
	_ =	sdelay $0x3  }
0x92: {  	_ =	strace s17  }
0x93: {  	s2 =	sld [smem:$0x3FFC];
	_ =	sdelay $0x3  }
0x94: {  	_ =	strace s2  }
0x95: {  	s2 =	sld [smem:$0x3FFD];
	_ =	sdelay $0x3  }
0x96: {  	_ =	strace s2  }
0x97: {  	_ =	strace $0x8FFFFFFF  }
0x98: {  	s18 =	sld [smem:$0x3FDB];
	_ =	sdelay $0x1  }
0x99: {  	s19 =	simm.s32 $_scs_section_size  }
0x9a: {  	s4 =	simm.s32 $_size__tile_overlayer_lowered;
	s5 =	simm.s32 $_tile_overlayer_lowered  }
0x9b: {  	s22 =	simm.s32 $0x1BFF;
	s21 =	sshll.u32 s5, $0x1;
	s2 =	sadd.s32 s19, s18  }
0x9c: {  	s6 =	simm.s32 $0x0;
	s20 =	sshll.u32 s4, $0x1;
	s4 =	sadd.s32 s21, s2  }
0x9d: {  	[timem:s6], [sflag:s22] =	dma.local [hbm:s4], s20  }
0x9e: {  	_ =	swait.ge [sflag:s22], s20  }
0x9f: {  	s3 =	ssub.s32 $0x0, s20;
	[sflag:s22] =	ssyncset.done $0x0  }
0xa0: {  	[sflag:s22] =	ssyncadd.s32 s3;
	_ =	sdelay $0x1  }
0xa1: {  	s23 =	simm.s32 $0x1B8B  }
0xa2: {  	_ =	swait.ge [sflag:s23], $0x1  }
0xa3: {  	[sflag:s23] =	ssyncset.done $0x0  }
0xa4: {  	s25 =	simm.s32 $0x1B8E;
	s24 =	sld [smem:$0x3FFE];
	[sflag:s23] =	ssyncadd.s32 $0xFFFFFFFF  }
0xa5: {  	s26 =	simm.s32 $execute0_lowered;
	[smem:$0x3FD2] =	sst s25  }
0xa6: {  	s4 =	sshll.u32 s26, $0x1;
	_ =	strace $0x8000004C;
	[dreg:$0x1] =	wrdreg $0xFFFFFFFF  }
0xa7: {  	s28 =	simm.s32 $_size_execute0_lowered;
	s2 =	sadd.s32 s2, s4;
	[dreg:$0x0] =	wrdreg $0x0  }
0xa8: {  	s4 =	sshll.u32 s28, $0x1;
	[dreg:$0x2] =	wrdreg s2  }
0xa9: {  	[dreg:$0x3] =	wrdreg s4  }
0xaa: {  	[dreg:$0x4] =	wrdreg $0xC0  }
0xab: {  	_ =	task [dreg:s6], $0x5FFFF  }
0xac: {  	[dreg:$0x1] =	wrdreg $0xFFFFFFFF  }
0xad: {  	[dreg:$0x0] =	wrdreg $0x60  }
0xae: {  	[dreg:$0x2] =	wrdreg s24  }
0xaf: {  	[dreg:$0x3] =	wrdreg $0x0  }
0xb0: {  	[dreg:$0x4] =	wrdreg $0x9  }
0xb1: {  	_ =	task.clear_ibuf [dreg:s6], $0x5FFFF;
	_ =	strace $0x9000004C  }
0xb2: {  	s29 =	simm.s32 $0x9;
	_ =	strace $0x8000004E  }
0xb3: {  	_ =	swait.ge [sflag:s29], $0x1  }
0xb4: {  	[sflag:s29] =	ssyncadd.s32 $0xFFFFFFFF  }
0xb5: {  	_ =	strace $0x9000004E  }
0xb6: {  	_ =	sfence  }
0xb7: {  	s30 =	sld [smem:$0x0];
	_ =	sdelay $0x2  }
0xb8: {  	s31 =	sshll.u32 s1, $0xD;
	s1 =	sshrl.u32 s1, $0x2  }
0xb9: {  	s3 =	sand.u32 $0x4000, s31;
	s1 =	sadd.s32 s1, s30  }
0xba: {  	s0 =	sor.u32 s3, s0;
	s1 =	sshll.u32 s1, $0x11  }
0xbb: {  	s0 =	sor.u32 s1, s0  }
0xbc: {  	s0 =	sadd.s32 $0x8F2B, s0  }
0xbd: {  	[sflag:s0] =	ssyncadd.remote.s32 $0x1  }
0xbe: {  	_ =	sfence.sel $0xFFFF  }
0xbf: {  	[dreg:$0x0] =	wrdreg $0xFFFFFFFF;
	(pc) =	sbr.abs _section_cstart, $3  }
0xc0: {  	[dreg:$0x1] =	wrdreg $0xFFFFFFFF  }
0xc1: {  	_ =	task.clear_ibuf [dreg:s6], $0x2FFFF;
	_ =	strace $0x9FFFFFFF  }
0xc2: {  	(tm) =	ssettm $0x7FFFFFFF  }
0xc3: {  	_ =	shalt  }
tec
execute0_lowered:
.L_overlay_start_1:
0x0: {  	(tag) =	ssettag $0x1  }
0x1: {  	s0 =	rddreg [dreg:$0x0]  }
0x2: {  	s1 =	rddreg [dreg:$0x1];
	s2 =	srdreg.scid  }
0x3: {  	s3 =	simm.s32 $0x0;
	s10 =	stileid.u32;
	s2 =	sand.u32 $0x1, s2  }
0x4: {  	[smem:$0x7FF] =	sst s3;
	s6 =	smul.u32 $0x14000, s10;
	s4 =	sadd.s32 $0x16600, s0  }
0x5: {  	s26 =	smul.u32 $0x50000, s10;
	s7 =	sadd.s32 $0x2600, s0;
	s10 =	sshll.u32 s10, $0x1  }
0x6: {  	s5 =	smul.u32 $0x140000, s2;
	s9 =	ssub.s32 $0x2, s2;
	s2 =	sor.u32 s2, s10  }
0x7: {  	s8 =	sadd.s32 $0xC600, s0;
	_ =	strace $0x8000004D;
	s2 =	smul.u32 $0x500, s2  }
0x8: {  	s11 =	sshrl.u32 s9, $0x1;
	s5 =	sadd.s32 s6, s5;
	s6 =	sshrl.u32 s26, $0x2  }
0x9: {  	s5 =	sshrl.u32 s5, $0x3;
	s25 =	sadd.s32 s7, s2;
	s26 =	sadd.s32 $0x280, s2  }
0xa: {  	s2 =	sadd.s32 s8, s2;
	s0 =	sadd.s32 s5, s0;
	[dreg:$0x10] =	wrdreg s25  }
0xb: {  	s5 =	sadd.s32 s6, s1;
	[dreg:$0x11] =	wrdreg s2;
	s7 =	sadd.s32 s7, s26  }
0xc: {  	s6 =	ssub.s32 s9, s11;
	s9 =	sadd.s32 s8, s26;
	[dreg:$0x12] =	wrdreg s7  }
0xd: {  	s12 =	sadd.s32 $0x800, s5;
	[dreg:$0x13] =	wrdreg s9  }
0xe: {  	s13 =	sadd.s32 $0x1000, s5;
	[dreg:$0x3] =	wrdreg s12  }
0xf: {  	s14 =	sadd.s32 $0x1800, s5;
	[dreg:$0x4] =	wrdreg s13  }
0x10: {  	s15 =	sadd.s32 $0x2000, s5;
	[dreg:$0x5] =	wrdreg s14  }
0x11: {  	s16 =	sadd.s32 $0x2800, s5;
	[dreg:$0x6] =	wrdreg s15  }
0x12: {  	s17 =	sadd.s32 $0x3000, s5;
	[dreg:$0x7] =	wrdreg s16  }
0x13: {  	s18 =	sadd.s32 $0x3800, s5;
	[dreg:$0x8] =	wrdreg s17  }
0x14: {  	s19 =	sadd.s32 $0x4000, s5;
	[dreg:$0x9] =	wrdreg s18  }
0x15: {  	s20 =	sadd.s32 $0x4800, s5;
	[dreg:$0xa] =	wrdreg s19  }
0x16: {  	s21 =	sadd.s32 $0x5000, s5;
	[dreg:$0xb] =	wrdreg s20  }
0x17: {  	s22 =	sadd.s32 $0x5800, s5;
	[dreg:$0xc] =	wrdreg s21  }
0x18: {  	s23 =	sadd.s32 $0x6000, s5;
	[dreg:$0xd] =	wrdreg s22  }
0x19: {  	s24 =	sadd.s32 $0x6800, s5;
	[dreg:$0xe] =	wrdreg s23  }
0x1a: {  	s10 =	sadd.s32 $0x7000, s5;
	[dreg:$0xf] =	wrdreg s24  }
0x1b: {  	s0 =	sadd.s32 $0x3E600, s0;
	[dreg:$0x14] =	wrdreg s10  }
0x1c: {  	s11 =	smax.u32 s6, $0x1;
	[dreg:$0x15] =	wrdreg s0  }
0x1d: {  	s25 =	sadd.s32 $0xE000, s5;
	[dreg:$0x16] =	wrdreg s11  }
0x1e: {  	s26 =	sadd.s32 $0xE800, s5;
	[smem:$0x7FC] =	sst s25  }
0x1f: {  	s28 =	simm.s32 $0x15C00;
	s12 =	sadd.s32 $0x7800, s5;
	[smem:$0x7FD] =	sst s26  }
0x20: {  	s29 =	simm.s32 $0x80;
	s13 =	sadd.s32 $0x8000, s5;
	[dreg:$0x17] =	wrdreg s12  }
0x21: {  	s30 =	simm.s32 $0x17000;
	s14 =	sadd.s32 $0x8800, s5;
	[dreg:$0x18] =	wrdreg s13  }
0x22: {  	s31 =	simm.s32 $0x14880;
	s15 =	sadd.s32 $0x9000, s5;
	[dreg:$0x19] =	wrdreg s14  }
0x23: {  	s2 =	simm.s32 $0x1;
	s16 =	sadd.s32 $0x9800, s5;
	[dreg:$0x1a] =	wrdreg s15  }
0x24: {  	s8 =	simm.s32 $0x4;
	s17 =	sadd.s32 $0xA000, s5;
	[dreg:$0x1b] =	wrdreg s16  }
0x25: {  	s6 =	simm.s32 $0x2;
	s18 =	sadd.s32 $0xA800, s5;
	[dreg:$0x1c] =	wrdreg s17  }
0x26: {  	s7 =	simm.s32 $0x3;
	s19 =	sadd.s32 $0xB000, s5;
	[dreg:$0x1d] =	wrdreg s18  }
0x27: {  	s9 =	simm.s32 $0x16F00;
	s20 =	sadd.s32 $0xB800, s5;
	[dreg:$0x1e] =	wrdreg s19  }
0x28: {  	s21 =	sadd.s32 $0xC000, s5;
	s22 =	sadd.s32 $0xC800, s5;
	[dreg:$0x1f] =	wrdreg s20  }
0x29: {  	s23 =	sadd.s32 $0xD000, s5;
	s24 =	sadd.s32 $0xD800, s5;
	[smem:$0x7F8] =	sst s21  }
0x2a: {  	s25 =	simm.s32 $0x5;
	s26 =	simm.s32 $0x14800;
	[smem:$0x7F9] =	sst s22  }
0x2b: {  	s0 =	simm.s32 $0x1B000;
	s10 =	simm.s32 $0x16F80;
	[smem:$0x7FA] =	sst s23  }
0x2c: {  	[smem:$0x7FB] =	sst s24;
	s14 =	sadd.s32 $0xF000, s5;
	s15 =	sadd.s32 $0xF800, s5  }
0x2d: {  	s16 =	sadd.s32 $0x10000, s5;
	s17 =	sadd.s32 $0x10800, s5;
	s18 =	sadd.s32 $0x11000, s5  }
0x2e: {  	s19 =	sadd.s32 $0x11800, s5;
	s20 =	sadd.s32 $0x12000, s5;
	s21 =	sadd.s32 $0x12800, s5  }
0x2f: {  	v0 =	vimm.f32 $0.0e+00;
	s22 =	sadd.s32 $0x13000, s5;
	s23 =	sadd.s32 $0x13800, s5;
	s24 =	simm.s32 $0x14000  }
.LBB2_1:
0x30: {  	s11 =	simm.s32 $0x0;
	s12 =	simm.s32 $0x200  }
.LBB2_2:
0x31: {  	p0 =	sne.s32 s12, $0x1E00;
	[tilespmem:s11+$0x14070] =	vst v0  }
0x32: {  	[tilespmem:s11+$0x14000] =	vst v0  }
0x33: {  	[tilespmem:s11+$0x14010] =	vst v0  }
.Ltmp0:
0x34: {  	[tilespmem:s11+$0x14020] =	vst v0;
	(pc) =	sbr.rel @p0 .LBB2_2-.Ltmp0, $4  }
0x35: {  	[tilespmem:s11+$0x14030] =	vst v0  }
0x36: {  	[tilespmem:s11+$0x14040] =	vst v0  }
0x37: {  	[tilespmem:s11+$0x14050] =	vst v0  }
0x38: {  	[tilespmem:s11+$0x14060] =	vst v0;
	s11 =	sshra.s32 s12, $0x2;
	s12 =	sadd.s32 $0x200, s12  }
0x39: {  	[tilespmem:s11+$0x14070] =	vst v0  }
0x3a: {  	[tilespmem:s11+$0x14000] =	vst v0  }
0x3b: {  	[tilespmem:s11+$0x14010] =	vst v0  }
0x3c: {  	[tilespmem:s11+$0x14020] =	vst v0  }
0x3d: {  	[tilespmem:s11+$0x14030] =	vst v0  }
0x3e: {  	[tilespmem:s11+$0x14040] =	vst v0  }
0x3f: {  	[tilespmem:s11+$0x14050] =	vst v0  }
0x40: {  	[tilespmem:s11+$0x14060] =	vst v0  }
0x41: {  	[spmem:s5] =	stream.linear.scatter [tilespmem:s24], [sflag:$0x5], $0x800, $0x38;
	[tilespmem:$0x1F000] =	vst v63  }
0x42: {  	_ =	swait.ge [sflag:s25], $0x800  }
0x43: {  	[sflag:s25] =	ssyncset.done $0x0  }
0x44: {  	s12 =	rddreg [dreg:$0x3];
	[sflag:s25] =	ssyncadd.s32 $0xFFFFF800  }
0x45: {  	[spmem:s12] =	stream.linear.scatter [tilespmem:s24], [sflag:$0x5], $0x800, $0x38;
	[tilespmem:$0x1F000] =	vst v63  }
0x46: {  	_ =	swait.ge [sflag:s25], $0x800  }
0x47: {  	[sflag:s25] =	ssyncset.done $0x0  }
0x48: {  	s13 =	rddreg [dreg:$0x4];
	[sflag:s25] =	ssyncadd.s32 $0xFFFFF800  }
0x49: {  	[spmem:s13] =	stream.linear.scatter [tilespmem:s24], [sflag:$0x5], $0x800, $0x38;
	[tilespmem:$0x1F000] =	vst v63  }
0x4a: {  	_ =	swait.ge [sflag:s25], $0x800  }
0x4b: {  	[sflag:s25] =	ssyncset.done $0x0  }
0x4c: {  	s12 =	rddreg [dreg:$0x5];
	[sflag:s25] =	ssyncadd.s32 $0xFFFFF800  }
0x4d: {  	[spmem:s12] =	stream.linear.scatter [tilespmem:s24], [sflag:$0x5], $0x800, $0x38;
	[tilespmem:$0x1F000] =	vst v63  }
0x4e: {  	_ =	swait.ge [sflag:s25], $0x800  }
0x4f: {  	[sflag:s25] =	ssyncset.done $0x0  }
0x50: {  	s13 =	rddreg [dreg:$0x6];
	[sflag:s25] =	ssyncadd.s32 $0xFFFFF800  }
0x51: {  	[spmem:s13] =	stream.linear.scatter [tilespmem:s24], [sflag:$0x5], $0x800, $0x38;
	[tilespmem:$0x1F000] =	vst v63  }
0x52: {  	_ =	swait.ge [sflag:s25], $0x800  }
0x53: {  	[sflag:s25] =	ssyncset.done $0x0  }
0x54: {  	s12 =	rddreg [dreg:$0x7];
	[sflag:s25] =	ssyncadd.s32 $0xFFFFF800  }
0x55: {  	[spmem:s12] =	stream.linear.scatter [tilespmem:s24], [sflag:$0x5], $0x800, $0x38;
	[tilespmem:$0x1F000] =	vst v63  }
0x56: {  	_ =	swait.ge [sflag:s25], $0x800  }
0x57: {  	[sflag:s25] =	ssyncset.done $0x0  }
0x58: {  	s13 =	rddreg [dreg:$0x8];
	[sflag:s25] =	ssyncadd.s32 $0xFFFFF800  }
0x59: {  	[spmem:s13] =	stream.linear.scatter [tilespmem:s24], [sflag:$0x5], $0x800, $0x38;
	[tilespmem:$0x1F000] =	vst v63  }
0x5a: {  	_ =	swait.ge [sflag:s25], $0x800  }
0x5b: {  	[sflag:s25] =	ssyncset.done $0x0  }
0x5c: {  	s12 =	rddreg [dreg:$0x9];
	[sflag:s25] =	ssyncadd.s32 $0xFFFFF800  }
0x5d: {  	[spmem:s12] =	stream.linear.scatter [tilespmem:s24], [sflag:$0x5], $0x800, $0x38;
	[tilespmem:$0x1F000] =	vst v63  }
0x5e: {  	_ =	swait.ge [sflag:s25], $0x800  }
0x5f: {  	[sflag:s25] =	ssyncset.done $0x0  }
0x60: {  	s13 =	rddreg [dreg:$0xa];
	[sflag:s25] =	ssyncadd.s32 $0xFFFFF800  }
0x61: {  	[spmem:s13] =	stream.linear.scatter [tilespmem:s24], [sflag:$0x5], $0x800, $0x38;
	[tilespmem:$0x1F000] =	vst v63  }
0x62: {  	_ =	swait.ge [sflag:s25], $0x800  }
0x63: {  	[sflag:s25] =	ssyncset.done $0x0  }
0x64: {  	s12 =	rddreg [dreg:$0xb];
	[sflag:s25] =	ssyncadd.s32 $0xFFFFF800  }
0x65: {  	[spmem:s12] =	stream.linear.scatter [tilespmem:s24], [sflag:$0x5], $0x800, $0x38;
	[tilespmem:$0x1F000] =	vst v63  }
0x66: {  	_ =	swait.ge [sflag:s25], $0x800  }
0x67: {  	[sflag:s25] =	ssyncset.done $0x0  }
0x68: {  	s13 =	rddreg [dreg:$0xc];
	[sflag:s25] =	ssyncadd.s32 $0xFFFFF800  }
0x69: {  	[spmem:s13] =	stream.linear.scatter [tilespmem:s24], [sflag:$0x5], $0x800, $0x38;
	[tilespmem:$0x1F000] =	vst v63  }
0x6a: {  	_ =	swait.ge [sflag:s25], $0x800  }
0x6b: {  	[sflag:s25] =	ssyncset.done $0x0  }
0x6c: {  	s12 =	rddreg [dreg:$0xd];
	[sflag:s25] =	ssyncadd.s32 $0xFFFFF800  }
0x6d: {  	[spmem:s12] =	stream.linear.scatter [tilespmem:s24], [sflag:$0x5], $0x800, $0x38;
	[tilespmem:$0x1F000] =	vst v63  }
0x6e: {  	_ =	swait.ge [sflag:s25], $0x800  }
0x6f: {  	[sflag:s25] =	ssyncset.done $0x0  }
0x70: {  	s13 =	rddreg [dreg:$0xe];
	[sflag:s25] =	ssyncadd.s32 $0xFFFFF800  }
0x71: {  	[spmem:s13] =	stream.linear.scatter [tilespmem:s24], [sflag:$0x5], $0x800, $0x38;
	[tilespmem:$0x1F000] =	vst v63  }
0x72: {  	_ =	swait.ge [sflag:s25], $0x800  }
0x73: {  	[sflag:s25] =	ssyncset.done $0x0  }
0x74: {  	s12 =	rddreg [dreg:$0xf];
	[sflag:s25] =	ssyncadd.s32 $0xFFFFF800  }
0x75: {  	[spmem:s12] =	stream.linear.scatter [tilespmem:s24], [sflag:$0x5], $0x800, $0x38;
	[tilespmem:$0x1F000] =	vst v63  }
0x76: {  	_ =	swait.ge [sflag:s25], $0x800  }
0x77: {  	[sflag:s25] =	ssyncset.done $0x0  }
0x78: {  	s13 =	rddreg [dreg:$0x14];
	[sflag:s25] =	ssyncadd.s32 $0xFFFFF800  }
0x79: {  	[spmem:s13] =	stream.linear.scatter [tilespmem:s24], [sflag:$0x5], $0x800, $0x38;
	[tilespmem:$0x1F000] =	vst v63  }
0x7a: {  	_ =	swait.ge [sflag:s25], $0x800  }
0x7b: {  	[sflag:s25] =	ssyncset.done $0x0  }
0x7c: {  	s12 =	rddreg [dreg:$0x17];
	[sflag:s25] =	ssyncadd.s32 $0xFFFFF800  }
0x7d: {  	[spmem:s12] =	stream.linear.scatter [tilespmem:s24], [sflag:$0x5], $0x800, $0x38;
	[tilespmem:$0x1F000] =	vst v63  }
0x7e: {  	_ =	swait.ge [sflag:s25], $0x800  }
0x7f: {  	[sflag:s25] =	ssyncset.done $0x0  }
0x80: {  	s13 =	rddreg [dreg:$0x18];
	[sflag:s25] =	ssyncadd.s32 $0xFFFFF800  }
0x81: {  	[spmem:s13] =	stream.linear.scatter [tilespmem:s24], [sflag:$0x5], $0x800, $0x38;
	[tilespmem:$0x1F000] =	vst v63  }
0x82: {  	_ =	swait.ge [sflag:s25], $0x800  }
0x83: {  	[sflag:s25] =	ssyncset.done $0x0  }
0x84: {  	s12 =	rddreg [dreg:$0x19];
	[sflag:s25] =	ssyncadd.s32 $0xFFFFF800  }
0x85: {  	[spmem:s12] =	stream.linear.scatter [tilespmem:s24], [sflag:$0x5], $0x800, $0x38;
	[tilespmem:$0x1F000] =	vst v63  }
0x86: {  	_ =	swait.ge [sflag:s25], $0x800  }
0x87: {  	[sflag:s25] =	ssyncset.done $0x0  }
0x88: {  	s13 =	rddreg [dreg:$0x1a];
	[sflag:s25] =	ssyncadd.s32 $0xFFFFF800  }
0x89: {  	[spmem:s13] =	stream.linear.scatter [tilespmem:s24], [sflag:$0x5], $0x800, $0x38;
	[tilespmem:$0x1F000] =	vst v63  }
0x8a: {  	_ =	swait.ge [sflag:s25], $0x800  }
0x8b: {  	[sflag:s25] =	ssyncset.done $0x0  }
0x8c: {  	s12 =	rddreg [dreg:$0x1b];
	[sflag:s25] =	ssyncadd.s32 $0xFFFFF800  }
0x8d: {  	[spmem:s12] =	stream.linear.scatter [tilespmem:s24], [sflag:$0x5], $0x800, $0x38;
	[tilespmem:$0x1F000] =	vst v63  }
0x8e: {  	_ =	swait.ge [sflag:s25], $0x800  }
0x8f: {  	[sflag:s25] =	ssyncset.done $0x0  }
0x90: {  	s13 =	rddreg [dreg:$0x1c];
	[sflag:s25] =	ssyncadd.s32 $0xFFFFF800  }
0x91: {  	[spmem:s13] =	stream.linear.scatter [tilespmem:s24], [sflag:$0x5], $0x800, $0x38;
	[tilespmem:$0x1F000] =	vst v63  }
0x92: {  	_ =	swait.ge [sflag:s25], $0x800  }
0x93: {  	[sflag:s25] =	ssyncset.done $0x0  }
0x94: {  	s12 =	rddreg [dreg:$0x1d];
	[sflag:s25] =	ssyncadd.s32 $0xFFFFF800  }
0x95: {  	[spmem:s12] =	stream.linear.scatter [tilespmem:s24], [sflag:$0x5], $0x800, $0x38;
	[tilespmem:$0x1F000] =	vst v63  }
0x96: {  	_ =	swait.ge [sflag:s25], $0x800  }
0x97: {  	[sflag:s25] =	ssyncset.done $0x0  }
0x98: {  	s13 =	rddreg [dreg:$0x1e];
	[sflag:s25] =	ssyncadd.s32 $0xFFFFF800  }
0x99: {  	[spmem:s13] =	stream.linear.scatter [tilespmem:s24], [sflag:$0x5], $0x800, $0x38;
	[tilespmem:$0x1F000] =	vst v63  }
0x9a: {  	_ =	swait.ge [sflag:s25], $0x800  }
0x9b: {  	[sflag:s25] =	ssyncset.done $0x0  }
0x9c: {  	s12 =	rddreg [dreg:$0x1f];
	[sflag:s25] =	ssyncadd.s32 $0xFFFFF800  }
0x9d: {  	[spmem:s12] =	stream.linear.scatter [tilespmem:s24], [sflag:$0x5], $0x800, $0x38;
	[tilespmem:$0x1F000] =	vst v63  }
0x9e: {  	_ =	swait.ge [sflag:s25], $0x800  }
0x9f: {  	s13 =	sld [smem:$0x7F8]  }
0xa0: {  	[sflag:s25] =	ssyncset.done $0x0  }
0xa1: {  	[sflag:s25] =	ssyncadd.s32 $0xFFFFF800  }
0xa2: {  	[spmem:s13] =	stream.linear.scatter [tilespmem:s24], [sflag:$0x5], $0x800, $0x38;
	[tilespmem:$0x1F000] =	vst v63  }
0xa3: {  	_ =	swait.ge [sflag:s25], $0x800  }
0xa4: {  	s12 =	sld [smem:$0x7F9]  }
0xa5: {  	[sflag:s25] =	ssyncset.done $0x0  }
0xa6: {  	[sflag:s25] =	ssyncadd.s32 $0xFFFFF800  }
0xa7: {  	[spmem:s12] =	stream.linear.scatter [tilespmem:s24], [sflag:$0x5], $0x800, $0x38;
	[tilespmem:$0x1F000] =	vst v63  }
0xa8: {  	_ =	swait.ge [sflag:s25], $0x800  }
0xa9: {  	s13 =	sld [smem:$0x7FA]  }
0xaa: {  	[sflag:s25] =	ssyncset.done $0x0  }
0xab: {  	[sflag:s25] =	ssyncadd.s32 $0xFFFFF800  }
0xac: {  	[spmem:s13] =	stream.linear.scatter [tilespmem:s24], [sflag:$0x5], $0x800, $0x38;
	[tilespmem:$0x1F000] =	vst v63  }
0xad: {  	_ =	swait.ge [sflag:s25], $0x800  }
0xae: {  	s12 =	sld [smem:$0x7FB]  }
0xaf: {  	[sflag:s25] =	ssyncset.done $0x0  }
0xb0: {  	[sflag:s25] =	ssyncadd.s32 $0xFFFFF800  }
0xb1: {  	[spmem:s12] =	stream.linear.scatter [tilespmem:s24], [sflag:$0x5], $0x800, $0x38;
	[tilespmem:$0x1F000] =	vst v63  }
0xb2: {  	_ =	swait.ge [sflag:s25], $0x800  }
0xb3: {  	s13 =	sld [smem:$0x7FC]  }
0xb4: {  	[sflag:s25] =	ssyncset.done $0x0  }
0xb5: {  	[sflag:s25] =	ssyncadd.s32 $0xFFFFF800  }
0xb6: {  	[spmem:s13] =	stream.linear.scatter [tilespmem:s24], [sflag:$0x5], $0x800, $0x38;
	[tilespmem:$0x1F000] =	vst v63  }
0xb7: {  	_ =	swait.ge [sflag:s25], $0x800  }
0xb8: {  	s12 =	sld [smem:$0x7FD]  }
0xb9: {  	[sflag:s25] =	ssyncset.done $0x0  }
0xba: {  	[sflag:s25] =	ssyncadd.s32 $0xFFFFF800  }
0xbb: {  	[spmem:s12] =	stream.linear.scatter [tilespmem:s24], [sflag:$0x5], $0x800, $0x38;
	[tilespmem:$0x1F000] =	vst v63  }
0xbc: {  	_ =	swait.ge [sflag:s25], $0x800  }
0xbd: {  	[sflag:s25] =	ssyncset.done $0x0  }
0xbe: {  	[sflag:s25] =	ssyncadd.s32 $0xFFFFF800  }
0xbf: {  	[spmem:s14] =	stream.linear.scatter [tilespmem:s24], [sflag:$0x5], $0x800, $0x38;
	[tilespmem:$0x1F000] =	vst v63  }
0xc0: {  	_ =	swait.ge [sflag:s25], $0x800  }
0xc1: {  	[sflag:s25] =	ssyncset.done $0x0  }
0xc2: {  	[sflag:s25] =	ssyncadd.s32 $0xFFFFF800  }
0xc3: {  	[spmem:s15] =	stream.linear.scatter [tilespmem:s24], [sflag:$0x5], $0x800, $0x38;
	[tilespmem:$0x1F000] =	vst v63  }
0xc4: {  	_ =	swait.ge [sflag:s25], $0x800  }
0xc5: {  	[sflag:s25] =	ssyncset.done $0x0  }
0xc6: {  	[sflag:s25] =	ssyncadd.s32 $0xFFFFF800  }
0xc7: {  	[spmem:s16] =	stream.linear.scatter [tilespmem:s24], [sflag:$0x5], $0x800, $0x38;
	[tilespmem:$0x1F000] =	vst v63  }
0xc8: {  	_ =	swait.ge [sflag:s25], $0x800  }
0xc9: {  	[sflag:s25] =	ssyncset.done $0x0  }
0xca: {  	[sflag:s25] =	ssyncadd.s32 $0xFFFFF800  }
0xcb: {  	[spmem:s17] =	stream.linear.scatter [tilespmem:s24], [sflag:$0x5], $0x800, $0x38;
	[tilespmem:$0x1F000] =	vst v63  }
0xcc: {  	_ =	swait.ge [sflag:s25], $0x800  }
0xcd: {  	[sflag:s25] =	ssyncset.done $0x0  }
0xce: {  	[sflag:s25] =	ssyncadd.s32 $0xFFFFF800  }
0xcf: {  	[spmem:s18] =	stream.linear.scatter [tilespmem:s24], [sflag:$0x5], $0x800, $0x38;
	[tilespmem:$0x1F000] =	vst v63  }
0xd0: {  	_ =	swait.ge [sflag:s25], $0x800  }
0xd1: {  	[sflag:s25] =	ssyncset.done $0x0  }
0xd2: {  	[sflag:s25] =	ssyncadd.s32 $0xFFFFF800  }
0xd3: {  	[spmem:s19] =	stream.linear.scatter [tilespmem:s24], [sflag:$0x5], $0x800, $0x38;
	[tilespmem:$0x1F000] =	vst v63  }
0xd4: {  	_ =	swait.ge [sflag:s25], $0x800  }
0xd5: {  	[sflag:s25] =	ssyncset.done $0x0  }
0xd6: {  	[sflag:s25] =	ssyncadd.s32 $0xFFFFF800  }
0xd7: {  	[spmem:s20] =	stream.linear.scatter [tilespmem:s24], [sflag:$0x5], $0x800, $0x38;
	[tilespmem:$0x1F000] =	vst v63  }
0xd8: {  	_ =	swait.ge [sflag:s25], $0x800  }
0xd9: {  	[sflag:s25] =	ssyncset.done $0x0  }
0xda: {  	[sflag:s25] =	ssyncadd.s32 $0xFFFFF800  }
0xdb: {  	[spmem:s21] =	stream.linear.scatter [tilespmem:s24], [sflag:$0x5], $0x800, $0x38;
	[tilespmem:$0x1F000] =	vst v63  }
0xdc: {  	_ =	swait.ge [sflag:s25], $0x800  }
0xdd: {  	[sflag:s25] =	ssyncset.done $0x0  }
0xde: {  	[sflag:s25] =	ssyncadd.s32 $0xFFFFF800  }
0xdf: {  	[spmem:s22] =	stream.linear.scatter [tilespmem:s24], [sflag:$0x5], $0x800, $0x38;
	[tilespmem:$0x1F000] =	vst v63  }
0xe0: {  	_ =	swait.ge [sflag:s25], $0x800  }
0xe1: {  	[sflag:s25] =	ssyncset.done $0x0  }
0xe2: {  	[sflag:s25] =	ssyncadd.s32 $0xFFFFF800  }
0xe3: {  	[spmem:s23] =	stream.linear.scatter [tilespmem:s24], [sflag:$0x5], $0x800, $0x38;
	[tilespmem:$0x1F000] =	vst v63  }
0xe4: {  	_ =	swait.ge [sflag:s25], $0x800  }
0xe5: {  	[sflag:s25] =	ssyncset.done $0x0  }
0xe6: {  	[sflag:s25] =	ssyncadd.s32 $0xFFFFF800  }
0xe7: {  	[bflag:$0x0] =	sbarrier.arrive $0xFFFF  }
0xe8: {  	s11 =	simm.s32 $0x0;
	s12 =	rddreg [dreg:$0x10]  }
0xe9: {  	[tilespmem:s26], [sflag:$0x5] =	stream.linear.gather [hbm4b:s12+s11], $0x1400, $0x38;
	[tilespmem:$0x1F000] =	vst v63  }
0xea: {  	_ =	swait.ge [sflag:s25], $0x1400  }
0xeb: {  	[sflag:s25] =	ssyncset.done $0x0  }
0xec: {  	s13 =	rddreg [dreg:$0x11];
	[sflag:s25] =	ssyncadd.s32 $0xFFFFEC00  }
0xed: {  	[tilespmem:s28], [sflag:$0x5] =	stream.linear.gather [hbm4b:s13+s11], $0x1400, $0x38;
	[tilespmem:$0x1F000] =	vst v63  }
0xee: {  	_ =	swait.ge [sflag:s25], $0x1400  }
0xef: {  	[sflag:s25] =	ssyncset.done $0x0  }
0xf0: {  	[sflag:s25] =	ssyncadd.s32 $0xFFFFEC00  }
0xf1: {  	[tilespmem:s30], [sflag:$0x1] =	stream.indirect.gather [hbm4b:s4+s29], $0x80, s26, s29, $0xb8;
	[tilespmem:$0x1F000] =	vst v63  }
0xf2: {  	_ = 	snop  }
0xf3: {  	[tilespmem:s0], [sflag:$0x2] =	stream.indirect.gather [hbm4b:s4+s29], $0x80, s31, s29, $0xb8;
	[tilespmem:$0x1F000] =	vst v63  }
0xf4: {  	_ =	swait.ge [sflag:s2], $0x4000  }
0xf5: {  	[sflag:s2] =	ssyncset.done $0x0  }
0xf6: {  	s13 =	simm.s32 $0x15C00;
	[sflag:s2] =	ssyncadd.s32 $0xFFFFC000  }
0xf7: {  	[spmem:s1] =	stream.indirect.scatter.add.f32 [tilespmem:s30], [sflag:$0x3], $0x80, s13, s29, $0xb8;
	[tilespmem:$0x1F000] =	vst v63  }
0xf8: {  	_ =	swait.ge [sflag:s6], $0x4000  }
0xf9: {  	[sflag:s6] =	ssyncset.done $0x0  }
0xfa: {  	s12 =	simm.s32 $0x15C80;
	[sflag:s6] =	ssyncadd.s32 $0xFFFFC000  }
0xfb: {  	[spmem:s1] =	stream.indirect.scatter.add.f32 [tilespmem:s0], [sflag:$0x4], $0x80, s12, s29, $0xb8;
	[tilespmem:$0x1F000] =	vst v63  }
0xfc: {  	_ =	swait.ge [sflag:s7], $0x4000  }
0xfd: {  	[sflag:s7] =	ssyncset.done $0x0  }
0xfe: {  	s13 =	simm.s32 $0x14900;
	[sflag:s7] =	ssyncadd.s32 $0xFFFFC000  }
0xff: {  	[tilespmem:s30], [sflag:$0x1] =	stream.indirect.gather [hbm4b:s4+s29], $0x80, s13, s29, $0xb8;
	[tilespmem:$0x1F000] =	vst v63  }
0x100: {  	_ =	swait.ge [sflag:s8], $0x4000  }
0x101: {  	[sflag:s8] =	ssyncset.done $0x0  }
0x102: {  	s11 =	simm.s32 $0x400;
	s12 =	simm.s32 $0x14980;
	[sflag:s8] =	ssyncadd.s32 $0xFFFFC000  }
.LBB2_4:
0x103: {  	[tilespmem:s0], [sflag:$0x2] =	stream.indirect.gather [hbm4b:s4+s29], $0x80, s12, s29, $0xb8;
	[tilespmem:$0x1F000] =	vst v63  }
0x104: {  	s12 =	smov.u32 s11  }
0x105: {  	p0 =	sne.s32 s11, $0x4800;
	s11 =	sadd.s32 $0x400, s11;
	_ =	swait.ge [sflag:s2], $0x4000  }
0x106: {  	s12 =	sshra.s32 s12, $0x2;
	[sflag:s2] =	ssyncset.done $0x0  }
0x107: {  	s13 =	sadd.s32 $0x15C00, s12;
	[sflag:s2] =	ssyncadd.s32 $0xFFFFC000  }
0x108: {  	[spmem:s1] =	stream.indirect.scatter.add.f32 [tilespmem:s30], [sflag:$0x3], $0x80, s13, s29, $0xb8;
	[tilespmem:$0x1F000] =	vst v63  }
0x109: {  	_ =	swait.ge [sflag:s6], $0x4000  }
0x10a: {  	[sflag:s6] =	ssyncset.done $0x0  }
0x10b: {  	s13 =	sadd.s32 $0x15C80, s12;
	[sflag:s6] =	ssyncadd.s32 $0xFFFFC000  }
0x10c: {  	[spmem:s1] =	stream.indirect.scatter.add.f32 [tilespmem:s0], [sflag:$0x4], $0x80, s13, s29, $0xb8;
	[tilespmem:$0x1F000] =	vst v63  }
0x10d: {  	_ =	swait.ge [sflag:s7], $0x4000  }
0x10e: {  	[sflag:s7] =	ssyncset.done $0x0  }
.Ltmp1:
0x10f: {  	s13 =	sadd.s32 $0x14900, s12;
	[sflag:s7] =	ssyncadd.s32 $0xFFFFC000;
	(pc) =	sbr.rel @p0 .LBB2_4-.Ltmp1, $4  }
0x110: {  	[tilespmem:s30], [sflag:$0x1] =	stream.indirect.gather [hbm4b:s4+s29], $0x80, s13, s29, $0xb8;
	[tilespmem:$0x1F000] =	vst v63  }
0x111: {  	_ =	swait.ge [sflag:s8], $0x4000  }
0x112: {  	[sflag:s8] =	ssyncset.done $0x0  }
0x113: {  	s12 =	sadd.s32 $0x14980, s12;
	[sflag:s8] =	ssyncadd.s32 $0xFFFFC000  }
0x114: {  	[tilespmem:s0], [sflag:$0x2] =	stream.indirect.gather [hbm4b:s4+s29], $0x80, s12, s29, $0xb8;
	[tilespmem:$0x1F000] =	vst v63  }
0x115: {  	_ =	swait.ge [sflag:s2], $0x4000  }
0x116: {  	[sflag:s2] =	ssyncset.done $0x0  }
0x117: {  	[sflag:s2] =	ssyncadd.s32 $0xFFFFC000  }
0x118: {  	[spmem:s1] =	stream.indirect.scatter.add.f32 [tilespmem:s30], [sflag:$0x3], $0x80, s9, s29, $0xb8;
	[tilespmem:$0x1F000] =	vst v63  }
0x119: {  	_ =	swait.ge [sflag:s6], $0x4000  }
0x11a: {  	[sflag:s6] =	ssyncset.done $0x0  }
0x11b: {  	[sflag:s6] =	ssyncadd.s32 $0xFFFFC000  }
0x11c: {  	[spmem:s1] =	stream.indirect.scatter.add.f32 [tilespmem:s0], [sflag:$0x4], $0x80, s10, s29, $0xb8;
	[tilespmem:$0x1F000] =	vst v63  }
0x11d: {  	_ =	swait.ge [sflag:s7], $0x4000  }
0x11e: {  	[sflag:s7] =	ssyncset.done $0x0  }
0x11f: {  	[sflag:s7] =	ssyncadd.s32 $0xFFFFC000  }
0x120: {  	_ =	swait.ge [sflag:s8], $0x4000  }
0x121: {  	[sflag:s8] =	ssyncset.done $0x0  }
0x122: {  	s11 =	simm.s32 $0x0;
	s13 =	rddreg [dreg:$0x12];
	[sflag:s8] =	ssyncadd.s32 $0xFFFFC000  }
0x123: {  	[tilespmem:s26], [sflag:$0x5] =	stream.linear.gather [hbm4b:s13+s11], $0x1400, $0x38;
	[tilespmem:$0x1F000] =	vst v63  }
0x124: {  	_ =	swait.ge [sflag:s25], $0x1400  }
0x125: {  	[sflag:s25] =	ssyncset.done $0x0  }
0x126: {  	s13 =	rddreg [dreg:$0x13];
	[sflag:s25] =	ssyncadd.s32 $0xFFFFEC00  }
0x127: {  	[tilespmem:s28], [sflag:$0x5] =	stream.linear.gather [hbm4b:s13+s11], $0x1400, $0x38;
	[tilespmem:$0x1F000] =	vst v63  }
0x128: {  	_ =	swait.ge [sflag:s25], $0x1400  }
0x129: {  	[sflag:s25] =	ssyncset.done $0x0  }
0x12a: {  	[sflag:s25] =	ssyncadd.s32 $0xFFFFEC00  }
0x12b: {  	[tilespmem:s30], [sflag:$0x1] =	stream.indirect.gather [hbm4b:s4+s29], $0x80, s26, s29, $0xb8;
	[tilespmem:$0x1F000] =	vst v63  }
0x12c: {  	_ = 	snop  }
0x12d: {  	[tilespmem:s0], [sflag:$0x2] =	stream.indirect.gather [hbm4b:s4+s29], $0x80, s31, s29, $0xb8;
	[tilespmem:$0x1F000] =	vst v63  }
0x12e: {  	_ =	swait.ge [sflag:s2], $0x4000  }
0x12f: {  	[sflag:s2] =	ssyncset.done $0x0  }
0x130: {  	s13 =	simm.s32 $0x15C00;
	[sflag:s2] =	ssyncadd.s32 $0xFFFFC000  }
0x131: {  	[spmem:s1] =	stream.indirect.scatter.add.f32 [tilespmem:s30], [sflag:$0x3], $0x80, s13, s29, $0xb8;
	[tilespmem:$0x1F000] =	vst v63  }
0x132: {  	_ =	swait.ge [sflag:s6], $0x4000  }
0x133: {  	[sflag:s6] =	ssyncset.done $0x0  }
0x134: {  	s12 =	simm.s32 $0x15C80;
	[sflag:s6] =	ssyncadd.s32 $0xFFFFC000  }
0x135: {  	[spmem:s1] =	stream.indirect.scatter.add.f32 [tilespmem:s0], [sflag:$0x4], $0x80, s12, s29, $0xb8;
	[tilespmem:$0x1F000] =	vst v63  }
0x136: {  	_ =	swait.ge [sflag:s7], $0x4000  }
0x137: {  	[sflag:s7] =	ssyncset.done $0x0  }
0x138: {  	s13 =	simm.s32 $0x14900;
	[sflag:s7] =	ssyncadd.s32 $0xFFFFC000  }
0x139: {  	[tilespmem:s30], [sflag:$0x1] =	stream.indirect.gather [hbm4b:s4+s29], $0x80, s13, s29, $0xb8;
	[tilespmem:$0x1F000] =	vst v63  }
0x13a: {  	_ =	swait.ge [sflag:s8], $0x4000  }
0x13b: {  	[sflag:s8] =	ssyncset.done $0x0  }
0x13c: {  	s11 =	simm.s32 $0x400;
	s12 =	simm.s32 $0x14980;
	[sflag:s8] =	ssyncadd.s32 $0xFFFFC000  }
.LBB2_6:
0x13d: {  	[tilespmem:s0], [sflag:$0x2] =	stream.indirect.gather [hbm4b:s4+s29], $0x80, s12, s29, $0xb8;
	[tilespmem:$0x1F000] =	vst v63  }
0x13e: {  	s12 =	smov.u32 s11  }
0x13f: {  	p0 =	sne.s32 s11, $0x4800;
	s11 =	sadd.s32 $0x400, s11;
	_ =	swait.ge [sflag:s2], $0x4000  }
0x140: {  	s12 =	sshra.s32 s12, $0x2;
	[sflag:s2] =	ssyncset.done $0x0  }
0x141: {  	s13 =	sadd.s32 $0x15C00, s12;
	[sflag:s2] =	ssyncadd.s32 $0xFFFFC000  }
0x142: {  	[spmem:s1] =	stream.indirect.scatter.add.f32 [tilespmem:s30], [sflag:$0x3], $0x80, s13, s29, $0xb8;
	[tilespmem:$0x1F000] =	vst v63  }
0x143: {  	_ =	swait.ge [sflag:s6], $0x4000  }
0x144: {  	[sflag:s6] =	ssyncset.done $0x0  }
0x145: {  	s13 =	sadd.s32 $0x15C80, s12;
	[sflag:s6] =	ssyncadd.s32 $0xFFFFC000  }
0x146: {  	[spmem:s1] =	stream.indirect.scatter.add.f32 [tilespmem:s0], [sflag:$0x4], $0x80, s13, s29, $0xb8;
	[tilespmem:$0x1F000] =	vst v63  }
0x147: {  	_ =	swait.ge [sflag:s7], $0x4000  }
0x148: {  	[sflag:s7] =	ssyncset.done $0x0  }
.Ltmp2:
0x149: {  	s13 =	sadd.s32 $0x14900, s12;
	[sflag:s7] =	ssyncadd.s32 $0xFFFFC000;
	(pc) =	sbr.rel @p0 .LBB2_6-.Ltmp2, $4  }
0x14a: {  	[tilespmem:s30], [sflag:$0x1] =	stream.indirect.gather [hbm4b:s4+s29], $0x80, s13, s29, $0xb8;
	[tilespmem:$0x1F000] =	vst v63  }
0x14b: {  	_ =	swait.ge [sflag:s8], $0x4000  }
0x14c: {  	[sflag:s8] =	ssyncset.done $0x0  }
0x14d: {  	s12 =	sadd.s32 $0x14980, s12;
	[sflag:s8] =	ssyncadd.s32 $0xFFFFC000  }
0x14e: {  	[tilespmem:s0], [sflag:$0x2] =	stream.indirect.gather [hbm4b:s4+s29], $0x80, s12, s29, $0xb8;
	[tilespmem:$0x1F000] =	vst v63  }
0x14f: {  	_ =	swait.ge [sflag:s2], $0x4000  }
0x150: {  	[sflag:s2] =	ssyncset.done $0x0  }
0x151: {  	[sflag:s2] =	ssyncadd.s32 $0xFFFFC000  }
0x152: {  	[spmem:s1] =	stream.indirect.scatter.add.f32 [tilespmem:s30], [sflag:$0x3], $0x80, s9, s29, $0xb8;
	[tilespmem:$0x1F000] =	vst v63  }
0x153: {  	_ =	swait.ge [sflag:s6], $0x4000  }
0x154: {  	[sflag:s6] =	ssyncset.done $0x0  }
0x155: {  	[sflag:s6] =	ssyncadd.s32 $0xFFFFC000  }
0x156: {  	[spmem:s1] =	stream.indirect.scatter.add.f32 [tilespmem:s0], [sflag:$0x4], $0x80, s10, s29, $0xb8;
	[tilespmem:$0x1F000] =	vst v63  }
0x157: {  	_ =	swait.ge [sflag:s7], $0x4000  }
0x158: {  	[sflag:s7] =	ssyncset.done $0x0  }
0x159: {  	[sflag:s7] =	ssyncadd.s32 $0xFFFFC000  }
0x15a: {  	_ =	swait.ge [sflag:s8], $0x4000  }
0x15b: {  	[sflag:s8] =	ssyncset.done $0x0  }
0x15c: {  	s11 =	stileid.u32;
	[sflag:s8] =	ssyncadd.s32 $0xFFFFC000  }
0x15d: {  	s11 =	sshll.u32 s11, $0x6;
	[bflag:$0x0] =	sbarrier.arrive $0xFFFF  }
0x15e: {  	s12 =	sshrl.u32 s5, $0x3;
	s11 =	sor.u32 $0x1C05, s11;
	s13 =	rddreg [dreg:$0x15]  }
0x15f: {  	[hbm:s13], [sflag:s11] =	dma.local [spmem:s12], $0x2800  }
0x160: {  	_ =	swait.ge [sflag:s25], $0x2800  }
0x161: {  	s3 =	sadd.s32 $0x1, s3;
	s13 =	rddreg [dreg:$0x16]  }
0x162: {  	p0 =	sne.s32 s3, s13  }
.Ltmp3:
0x163: {  	_ = 	snop;
	(pc) =	sbr.rel @p0 .LBB2_1-.Ltmp3, $3  }
0x164: {  	_ =	sdelay $0x1  }
0x165: {  	[sflag:s25] =	ssyncset.done $0x0  }
0x166: {  	[sflag:s25] =	ssyncadd.s32 $0xFFFFD800  }
0x167: {  	_ =	sfence.sel $0x180000  }
0x168: {  	[bflag:$0x0] =	sbarrier.arrive $0xFFFF  }
0x169: {  	_ =	strace $0x9000004D  }
0x16a: {  	s0 =	stileid.u32;
	[bflag:$0x2] =	sbarrier.arrive $0xFFFF  }
0x16b: {  	p0 =	sne.s32 s0, $0x0;
	s0 =	rddreg [dreg:$0x2]  }
0x16c: {  	s0 =	sadd.s32 @!p0 $0x100000, s0  }
0x16d: {  	[sflag:s0] =	ssyncadd.tile.s32 @!p0 $0x1;
	_ =	shalt  }
.Lfunc_end2:
_tile_overlayer_lowered:
.L_overlay_start_2:
0x16e: {  	(tag) =	ssettag $0x2  }
0x16f: {  	s0 =	rddreg [dreg:$0x0];
	s2 =	stileid.u32  }
0x170: {  	s1 =	rddreg [dreg:$0x1];
	p0 =	sne.s32 s2, $0x0  }
0x171: {  	s3 =	rddreg [dreg:$0x2];
	[bflag:$0x3] =	sbarrier.arrive $0xFFFF;
	s2 =	simm.s32 @!p0 $0x1C05  }
0x172: {  	[timem:s3], [sflag:s2] =	dma.local @!p0 [hbm:s0], s1  }
0x173: {  	s0 =	simm.s32 @!p0 $0x5  }
0x174: {  	_ =	swait.ge @!p0 [sflag:s0], s1  }
0x175: {  	s1 =	ssub.s32 @!p0 $0x0, s1;
	[sflag:s0] =	ssyncset.done @!p0 $0x0  }
0x176: {  	[sflag:s0] =	ssyncadd.s32 @!p0 s1  }
0x177: {  	[bflag:$0x3] =	sbarrier.arrive $0xFFFF  }
0x178: {  	_ =	shalt  }

// kernel: kernel.8.cloned.1.call-start
scs
__scs_entry_jumppad:
0x0: {  	(pc) =	sbr.rel $0x88, $3  }
0x1: {  	(tag) =	ssettag $0x0;
	lr =	simm.s32 $0x1  }
0x2: {  	[smem:$0x3F9B] =	sst lr;
	_ =	strace $0xD0000000  }
0x3: {  	_ = 	snop  }
0x4: {  	_ = 	snop  }
0x5: {  	_ = 	snop  }
0x6: {  	_ = 	snop  }
0x7: {  	_ = 	snop  }
__scs_overlays_trampoline_lowered:
0x8: {  	[smem:$0x3FAA] =	sst s0  }
0x9: {  	[smem:$0x3FAB] =	sst s1  }
0xa: {  	[smem:$0x3FAC] =	sst s2  }
0xb: {  	[smem:$0x3FAD] =	sst s3  }
0xc: {  	[smem:$0x3FAE] =	sst s4  }
0xd: {  	[smem:$0x3FAF] =	sst s5  }
0xe: {  	[smem:$0x3FB0] =	sst s6  }
0xf: {  	[smem:$0x3FB1] =	sst s7  }
0x10: {  	[smem:$0x3FB2] =	sst s8  }
0x11: {  	[smem:$0x3FB3] =	sst s9;
	s0 =	simm.s32 @!p0 $0x0  }
0x12: {  	s1 =	sld [smem:$0x3F99];
	s0 =	simm.s32 @p0 $0x1  }
0x13: {  	[smem:$0x3FB4] =	sst s0;
	s0 =	simm.s32 @!p1 $0x0  }
0x14: {  	s2 =	sld [smem:$0x3F98];
	s0 =	simm.s32 @p1 $0x1  }
0x15: {  	[smem:$0x3FB5] =	sst s0;
	s0 =	simm.s32 @!p2 $0x0  }
0x16: {  	s3 =	sld [smem:$0x3FDB];
	s0 =	simm.s32 @p2 $0x1  }
0x17: {  	s4 =	simm.s32 $0x1BF5;
	[smem:$0x3FB7] =	sst s0  }
0x18: {  	s0 =	sld [smem:$0x3F9A];
	_ =	swait.ge [sflag:s4], $0x0  }
0x19: {  	s7 =	sld [smem:$0x3F9B]  }
0x1a: {  	s8 =	sadd.s32 $0xFFFFE003, lr  }
0x1b: {  	s9 =	sadd.s32 $0xFFFFFEF7, lr;
	s5 =	simm.s32 $0xFFFFFFFF;
	p2 =	slt.u32 s8, $0xFFFFF086  }
0x1c: {  	p1 =	slt.u32 s9, $0xF7A;
	s5 =	simm.s32 @!p2 $0x0  }
0x1d: {  	s5 =	simm.s32 @p1 $0x1;
	p0 =	seq.s32 s7, s2  }
0x1e: {  	s7 =	smul.u32 @!p0 $0xF7A, s2;
	p2 =	seq.s32 @!p0 s5, $0x0  }
0x1f: {  	s9 =	smul.u32 $0xF7A, s1;
	s8 =	simm.s32 @!p0 $0x1BF5;
	p2 =	por !p2, p0  }
0x20: {  	[sflag:s8] =	ssyncset.s32 @!p0 $0xFFFFF086;
	s6 =	sadd.s32 @!p0 s3, s7;
	s7 =	simm.s32 @!p0 $0x108  }
0x21: {  	s3 =	sadd.s32 s3, s9;
	s6 =	sadd.s32 @!p0 $0x88, s6;
	s7 =	simm.s32 @p2 $0x1082  }
0x22: {  	[simem:s7], [sflag:s8] =	dma.local @!p0 [hbm:s6], $0xF7A  }
0x23: {  	s9 =	sor.u32 $0xD0000000, s2;
	s6 =	simm.s32 $0x108;
	_ =	swait.ge @!p0 [sflag:s8], $0x0  }
0x24: {  	s3 =	sadd.s32 $0x88, s3;
	s6 =	simm.s32 @!p1 $0x1082;
	[sflag:s4] =	ssyncset.s32 $0xFFFFF086  }
0x25: {  	[simem:s6], [sflag:s4] =	dma.local [hbm:s3], $0xF7A  }
0x26: {  	[smem:$0x3F9B] =	sst s1;
	(tag) =	ssettag s2;
	_ =	strace s9  }
0x27: {  	s1 =	sld [smem:$0x3FAB]  }
0x28: {  	s2 =	sld [smem:$0x3FAC]  }
0x29: {  	s4 =	sld [smem:$0x3FAE]  }
0x2a: {  	p0 =	seq.s32 s5, $0x0;
	s5 =	sld [smem:$0x3FAF]  }
0x2b: {  	s6 =	sld [smem:$0x3FB0]  }
0x2c: {  	s7 =	sld [smem:$0x3FB1]  }
0x2d: {  	s3 =	simm.s32 $0x108;
	s8 =	sld [smem:$0x3FB2]  }
0x2e: {  	s3 =	simm.s32 @!p0 $0x1082;
	s9 =	sld [smem:$0x3FB3]  }
0x2f: {  	lr =	sadd.s32 s0, s3;
	s0 =	sld [smem:$0x3FAA]  }
0x30: {  	s3 =	sld [smem:$0x3FAD]  }
0x31: {  	[smem:$0x3FB6] =	sst s10  }
0x32: {  	s10 =	sld [smem:$0x3FB4];
	_ =	sdelay $0x3  }
0x33: {  	p0 =	seq.s32 s10, $0x1;
	s10 =	sld [smem:$0x3FB6];
	_ =	sdelay $0x3  }
0x34: {  	[smem:$0x3FB6] =	sst s10  }
0x35: {  	s10 =	sld [smem:$0x3FB5];
	_ =	sdelay $0x3  }
0x36: {  	p1 =	seq.s32 s10, $0x1;
	s10 =	sld [smem:$0x3FB6];
	_ =	sdelay $0x3  }
0x37: {  	[smem:$0x3FB6] =	sst s10  }
0x38: {  	s10 =	sld [smem:$0x3FB7]  }
0x39: {  	_ = 	snop;
	(pc) =	sbr.ind lr, $3  }
0x3a: {  	_ = 	snop  }
0x3b: {  	_ = 	snop  }
0x3c: {  	p2 =	seq.s32 s10, $0x1;
	s10 =	sld [smem:$0x3FB6]  }
0x3d: {  	_ =	shalt  }
0x3e: {  	_ =	shalt  }
0x3f: {  	_ =	shalt  }
0x40: {  	_ =	shalt  }
0x41: {  	_ =	shalt  }
0x42: {  	_ =	shalt  }
0x43: {  	_ =	shalt  }
0x44: {  	_ =	shalt  }
0x45: {  	_ =	shalt  }
0x46: {  	_ =	shalt  }
0x47: {  	_ =	shalt  }
0x48: {  	_ =	shalt  }
0x49: {  	_ =	shalt  }
0x4a: {  	_ =	shalt  }
0x4b: {  	_ =	shalt  }
0x4c: {  	_ =	shalt  }
0x4d: {  	_ =	shalt  }
0x4e: {  	_ =	shalt  }
0x4f: {  	_ =	shalt  }
0x50: {  	_ =	shalt  }
0x51: {  	_ =	shalt  }
0x52: {  	_ =	shalt  }
0x53: {  	_ =	shalt  }
0x54: {  	_ =	shalt  }
0x55: {  	_ =	shalt  }
0x56: {  	_ =	shalt  }
0x57: {  	_ =	shalt  }
0x58: {  	_ =	shalt  }
0x59: {  	_ =	shalt  }
0x5a: {  	_ =	shalt  }
0x5b: {  	_ =	shalt  }
0x5c: {  	_ =	shalt  }
0x5d: {  	_ =	shalt  }
0x5e: {  	_ =	shalt  }
0x5f: {  	_ =	shalt  }
0x60: {  	_ =	shalt  }
0x61: {  	_ =	shalt  }
0x62: {  	_ =	shalt  }
0x63: {  	_ =	shalt  }
0x64: {  	_ =	shalt  }
0x65: {  	_ =	shalt  }
0x66: {  	_ =	shalt  }
0x67: {  	_ =	shalt  }
0x68: {  	_ =	shalt  }
0x69: {  	_ =	shalt  }
0x6a: {  	_ =	shalt  }
0x6b: {  	_ =	shalt  }
0x6c: {  	_ =	shalt  }
0x6d: {  	_ =	shalt  }
0x6e: {  	_ =	shalt  }
0x6f: {  	_ =	shalt  }
0x70: {  	_ =	shalt  }
0x71: {  	_ =	shalt  }
0x72: {  	_ =	shalt  }
0x73: {  	_ =	shalt  }
0x74: {  	_ =	shalt  }
0x75: {  	_ =	shalt  }
0x76: {  	_ =	shalt  }
0x77: {  	_ =	shalt  }
0x78: {  	_ =	shalt  }
0x79: {  	_ =	shalt  }
0x7a: {  	_ =	shalt  }
0x7b: {  	_ =	shalt  }
0x7c: {  	_ =	shalt  }
0x7d: {  	_ =	shalt  }
0x7e: {  	_ =	shalt  }
0x7f: {  	_ =	shalt  }
0x80: {  	_ =	shalt  }
0x81: {  	_ =	shalt  }
0x82: {  	_ =	shalt  }
0x83: {  	_ =	shalt  }
0x84: {  	_ =	shalt  }
0x85: {  	_ =	shalt  }
0x86: {  	_ =	shalt  }
0x87: {  	_ =	shalt  }
.Lfunc_end0:
.L_simem_size_0:
called_computation_lowered:
.L_overlay_start_0:
0x88: {  	s2 =	sld [smem:$0x3FD9]  }
0x89: {  	s3 =	sld [smem:$0x3FFE];
	_ =	sdelay $0x1  }
0x8a: {  	s1 =	srdreg.scid  }
0x8b: {  	s0 =	sand.u32 $0x1, s1  }
0x8c: {  	s17 =	sshll.u32 s0, $0xA;
	s2 =	sadd.s32 s3, s2  }
0x8d: {  	s2 =	sadd.s32 s2, s17  }
0x8e: {  	[smem:$0x3FC2] =	sst s2  }
0x8f: {  	_ = 	snop  }
0x90: {  	s2 =	sld [smem:$0x3FD0];
	(tm) =	ssettm $0x1  }
0x91: {  	s18 =	sld [smem:$0x3FFB];
	_ =	sdelay $0x3  }
0x92: {  	_ =	strace s18  }
0x93: {  	s3 =	sld [smem:$0x3FFC];
	_ =	sdelay $0x3  }
0x94: {  	_ =	strace s3  }
0x95: {  	s3 =	sld [smem:$0x3FFD];
	_ =	sdelay $0x3  }
0x96: {  	_ =	strace s3  }
0x97: {  	_ =	strace $0x8FFFFFFF  }
0x98: {  	s19 =	sld [smem:$0x3FDB];
	_ =	sdelay $0x1  }
0x99: {  	s4 =	simm.s32 $_scs_section_size  }
0x9a: {  	s5 =	simm.s32 $_size__tile_overlayer_lowered;
	s6 =	simm.s32 $_tile_overlayer_lowered  }
0x9b: {  	s22 =	simm.s32 $0x1BFF;
	s21 =	sshll.u32 s6, $0x1;
	s3 =	sadd.s32 s4, s19  }
0x9c: {  	s7 =	simm.s32 $0x0;
	s20 =	sshll.u32 s5, $0x1;
	s5 =	sadd.s32 s21, s3  }
0x9d: {  	[timem:s7], [sflag:s22] =	dma.local [hbm:s5], s20  }
0x9e: {  	_ =	swait.ge [sflag:s22], s20  }
0x9f: {  	s4 =	ssub.s32 $0x0, s20;
	[sflag:s22] =	ssyncset.done $0x0  }
0xa0: {  	[sflag:s22] =	ssyncadd.s32 s4;
	_ =	sdelay $0x1  }
0xa1: {  	s23 =	simm.s32 $0x1B8B  }
0xa2: {  	_ =	swait.ge [sflag:s23], $0x1  }
0xa3: {  	[sflag:s23] =	ssyncset.done $0x0  }
0xa4: {  	s25 =	simm.s32 $0x1B8E;
	s24 =	sld [smem:$0x3FFE];
	[sflag:s23] =	ssyncadd.s32 $0xFFFFFFFF  }
0xa5: {  	s26 =	simm.s32 $execute0_lowered;
	[smem:$0x3FD2] =	sst s25  }
0xa6: {  	s5 =	sshll.u32 s26, $0x1;
	_ =	strace $0x80000046;
	[dreg:$0x1] =	wrdreg $0xFFFFFFFF  }
0xa7: {  	s28 =	simm.s32 $_size_execute0_lowered;
	s3 =	sadd.s32 s3, s5;
	[dreg:$0x0] =	wrdreg $0x0  }
0xa8: {  	s5 =	sshll.u32 s28, $0x1;
	[dreg:$0x2] =	wrdreg s3  }
0xa9: {  	[dreg:$0x3] =	wrdreg s5  }
0xaa: {  	[dreg:$0x4] =	wrdreg $0xC0  }
0xab: {  	_ =	task [dreg:s7], $0x5FFFF  }
0xac: {  	[dreg:$0x1] =	wrdreg $0xFFFFFFFF  }
0xad: {  	[dreg:$0x0] =	wrdreg $0x60  }
0xae: {  	[dreg:$0x2] =	wrdreg s24  }
0xaf: {  	[dreg:$0x3] =	wrdreg s2  }
0xb0: {  	[dreg:$0x4] =	wrdreg $0x0  }
0xb1: {  	[dreg:$0x5] =	wrdreg $0x9  }
0xb2: {  	_ =	task.clear_ibuf [dreg:s7], $0x6FFFF;
	_ =	strace $0x90000046  }
0xb3: {  	s29 =	simm.s32 $0x9;
	_ =	strace $0x80000048  }
0xb4: {  	_ =	swait.ge [sflag:s29], $0x1  }
0xb5: {  	[sflag:s29] =	ssyncadd.s32 $0xFFFFFFFF  }
0xb6: {  	_ =	strace $0x90000048  }
0xb7: {  	_ =	sfence  }
0xb8: {  	s30 =	sld [smem:$0x0];
	_ =	sdelay $0x2  }
0xb9: {  	s31 =	sshll.u32 s1, $0xD;
	s1 =	sshrl.u32 s1, $0x2  }
0xba: {  	s3 =	sand.u32 $0x4000, s31;
	s1 =	sadd.s32 s1, s30  }
0xbb: {  	s0 =	sor.u32 s3, s0;
	s1 =	sshll.u32 s1, $0x11  }
0xbc: {  	s0 =	sor.u32 s1, s0  }
0xbd: {  	s0 =	sadd.s32 $0x8F2B, s0  }
0xbe: {  	[sflag:s0] =	ssyncadd.remote.s32 $0x1  }
0xbf: {  	_ =	sfence.sel $0xFFFF  }
0xc0: {  	[dreg:$0x0] =	wrdreg $0xFFFFFFFF;
	(pc) =	sbr.abs _section_cstart, $3  }
0xc1: {  	[dreg:$0x1] =	wrdreg $0xFFFFFFFF  }
0xc2: {  	_ =	task.clear_ibuf [dreg:s7], $0x2FFFF;
	_ =	strace $0x9FFFFFFF  }
0xc3: {  	(tm) =	ssettm $0x7FFFFFFF  }
tec
execute0_lowered:
.L_overlay_start_1:
0x0: {  	(tag) =	ssettag $0x1  }
0x1: {  	s4 =	rddreg [dreg:$0x0]  }
0x2: {  	s1 =	srdreg.scid;
	s6 =	rddreg [dreg:$0x1]  }
0x3: {  	s0 =	stileid.u32;
	s2 =	rddreg [dreg:$0x2];
	s3 =	simm.s32 $0x0  }
0x4: {  	s11 =	simm.s32 $0x80;
	s12 =	simm.s32 $0x500;
	s13 =	simm.s32 $0x1  }
0x5: {  	s16 =	simm.s32 $0x20;
	s17 =	simm.s32 $0x10;
	s18 =	simm.s32 $0x0  }
0x6: {  	s5 =	sand.u32 $0x1, s1;
	s1 =	rddreg [dreg:$0x3];
	s8 =	smul.u32 $0xA00, s0  }
0x7: {  	s28 =	sshll.u32 s0, $0x1;
	[smem:$0x7FF] =	sst s3;
	s9 =	smul.u32 $0x500, s0  }
0x8: {  	s14 =	sshll.u32 s0, $0x6;
	s7 =	sor.u32 s5, s28;
	_ =	strace $0x80000047  }
0x9: {  	s29 =	ssub.s32 $0x2, s5;
	s5 =	sshll.u32 s5, $0x7;
	s14 =	sor.u32 $0x1C02, s14  }
0xa: {  	s7 =	smul.u32 $0x500, s7;
	s10 =	sshrl.u32 s29, $0x1;
	s8 =	sshrl.u32 s8, $0x2  }
0xb: {  	s5 =	sor.u32 s5, s9;
	s9 =	simm.s32 $0x2;
	s30 =	ssub.s32 s29, s10  }
0xc: {  	s31 =	sshrl.u32 s5, $0x3;
	s10 =	simm.s32 $0x580;
	s7 =	sadd.s32 s7, s4  }
0xd: {  	s4 =	sadd.s32 s8, s2;
	s6 =	sadd.s32 s6, s31;
	s8 =	simm.s32 $0x280  }
0xe: {  	v0 =	vimm.f32 $0.0e+00;
	v1 =	vimm.f32 $1.000000000e+00;
	s5 =	sadd.s32 $0xC600, s7;
	s7 =	smax.u32 s30, $0x1;
	s15 =	sshrl.u32 s4, $0x3  }
.LBB2_1:
0xf: {  	[tilespmem:$0x280] =	vst v0  }
0x10: {  	[tilespmem:$0x290] =	vst v0  }
0x11: {  	[tilespmem:$0x2A0] =	vst v0  }
0x12: {  	[tilespmem:$0x2B0] =	vst v0  }
0x13: {  	[tilespmem:$0x2C0] =	vst v0  }
0x14: {  	[tilespmem:$0x2D0] =	vst v0  }
0x15: {  	[tilespmem:$0x2E0] =	vst v0  }
0x16: {  	[tilespmem:$0x2F0] =	vst v0  }
0x17: {  	[tilespmem:$0x300] =	vst v0  }
0x18: {  	[tilespmem:$0x310] =	vst v0  }
0x19: {  	[tilespmem:$0x320] =	vst v0  }
0x1a: {  	[tilespmem:$0x330] =	vst v0  }
0x1b: {  	[tilespmem:$0x340] =	vst v0  }
0x1c: {  	[tilespmem:$0x350] =	vst v0  }
0x1d: {  	[tilespmem:$0x360] =	vst v0  }
0x1e: {  	[tilespmem:$0x370] =	vst v0  }
0x1f: {  	[tilespmem:$0x380] =	vst v0  }
0x20: {  	[tilespmem:$0x390] =	vst v0  }
0x21: {  	[tilespmem:$0x3A0] =	vst v0  }
0x22: {  	[tilespmem:$0x3B0] =	vst v0  }
0x23: {  	[tilespmem:$0x3C0] =	vst v0  }
0x24: {  	[tilespmem:$0x3D0] =	vst v0  }
0x25: {  	[tilespmem:$0x3E0] =	vst v0  }
0x26: {  	[tilespmem:$0x3F0] =	vst v0  }
0x27: {  	[tilespmem:$0x400] =	vst v0  }
0x28: {  	[tilespmem:$0x410] =	vst v0  }
0x29: {  	[tilespmem:$0x420] =	vst v0  }
0x2a: {  	[tilespmem:$0x430] =	vst v0  }
0x2b: {  	[tilespmem:$0x440] =	vst v0  }
0x2c: {  	[tilespmem:$0x450] =	vst v0  }
0x2d: {  	[tilespmem:$0x460] =	vst v0  }
0x2e: {  	[tilespmem:$0x470] =	vst v0  }
0x2f: {  	[tilespmem:$0x480] =	vst v0  }
0x30: {  	[tilespmem:$0x490] =	vst v0  }
0x31: {  	[tilespmem:$0x4A0] =	vst v0  }
0x32: {  	[tilespmem:$0x4B0] =	vst v0  }
0x33: {  	[tilespmem:$0x4C0] =	vst v0  }
0x34: {  	[tilespmem:$0x4D0] =	vst v0  }
0x35: {  	[tilespmem:$0x4E0] =	vst v0  }
0x36: {  	[tilespmem:$0x4F0] =	vst v0  }
0x37: {  	[tilespmem:$0x500] =	vst v1  }
0x38: {  	[tilespmem:$0x510] =	vst v1  }
0x39: {  	[tilespmem:$0x520] =	vst v1  }
0x3a: {  	[tilespmem:$0x530] =	vst v1  }
0x3b: {  	[tilespmem:$0x540] =	vst v1  }
0x3c: {  	[tilespmem:$0x550] =	vst v1  }
0x3d: {  	[tilespmem:$0x560] =	vst v1  }
0x3e: {  	[tilespmem:$0x570] =	vst v1  }
0x3f: {  	[spmem:s4] =	stream.linear.scatter [tilespmem:s8], [sflag:$0x2], $0x280, $0x38;
	[tilespmem:$0x2D80] =	vst v63  }
0x40: {  	_ =	swait.ge [sflag:s9], $0x280  }
0x41: {  	[sflag:s9] =	ssyncset.done $0x0  }
0x42: {  	[sflag:s9] =	ssyncadd.s32 $0xFFFFFD80  }
0x43: {  	[tilespmem:s10], [sflag:$0x2] =	stream.linear.gather [hbm4b:s5+s3], $0x2800, $0x38;
	[tilespmem:$0x2D80] =	vst v63  }
0x44: {  	_ =	swait.ge [sflag:s9], $0x2800  }
0x45: {  	[sflag:s9] =	ssyncset.done $0x0  }
0x46: {  	[sflag:s9] =	ssyncadd.s32 $0xFFFFD800  }
0x47: {  	s19 =	simm.s32 $0x580;
	[bflag:$0x0] =	sbarrier.arrive $0xFFFF  }
0x48: {  	[spmem:s2] =	stream.indirect.scatter.add.f32 [tilespmem:s12], [sflag:$0x1], $0x1, s19, s11, $0xb8;
	[tilespmem:$0x2D80] =	vst v63  }
0x49: {  	s24 =	simm.s32 $0x600  }
0x4a: {  	[spmem:s2] =	stream.indirect.scatter.add.f32 [tilespmem:s12], [sflag:$0x1], $0x1, s24, s11, $0xb8;
	[tilespmem:$0x2D80] =	vst v63  }
0x4b: {  	s25 =	simm.s32 $0x680  }
0x4c: {  	[spmem:s2] =	stream.indirect.scatter.add.f32 [tilespmem:s12], [sflag:$0x1], $0x1, s25, s11, $0xb8;
	[tilespmem:$0x2D80] =	vst v63  }
0x4d: {  	s26 =	simm.s32 $0x700  }
0x4e: {  	[spmem:s2] =	stream.indirect.scatter.add.f32 [tilespmem:s12], [sflag:$0x1], $0x1, s26, s11, $0xb8;
	[tilespmem:$0x2D80] =	vst v63  }
0x4f: {  	s28 =	simm.s32 $0x780  }
0x50: {  	[spmem:s2] =	stream.indirect.scatter.add.f32 [tilespmem:s12], [sflag:$0x1], $0x1, s28, s11, $0xb8;
	[tilespmem:$0x2D80] =	vst v63  }
0x51: {  	s29 =	simm.s32 $0x800  }
0x52: {  	[spmem:s2] =	stream.indirect.scatter.add.f32 [tilespmem:s12], [sflag:$0x1], $0x1, s29, s11, $0xb8;
	[tilespmem:$0x2D80] =	vst v63  }
0x53: {  	s30 =	simm.s32 $0x880  }
0x54: {  	[spmem:s2] =	stream.indirect.scatter.add.f32 [tilespmem:s12], [sflag:$0x1], $0x1, s30, s11, $0xb8;
	[tilespmem:$0x2D80] =	vst v63  }
0x55: {  	s31 =	simm.s32 $0x900  }
0x56: {  	[spmem:s2] =	stream.indirect.scatter.add.f32 [tilespmem:s12], [sflag:$0x1], $0x1, s31, s11, $0xb8;
	[tilespmem:$0x2D80] =	vst v63  }
0x57: {  	_ =	swait.ge [sflag:s13], $0x80  }
0x58: {  	[sflag:s13] =	ssyncset.done $0x0  }
0x59: {  	[sflag:s13] =	ssyncadd.s32 $0xFFFFFF80  }
0x5a: {  	_ =	swait.ge [sflag:s13], $0x80  }
0x5b: {  	[sflag:s13] =	ssyncset.done $0x0  }
0x5c: {  	[sflag:s13] =	ssyncadd.s32 $0xFFFFFF80  }
0x5d: {  	_ =	swait.ge [sflag:s13], $0x80  }
0x5e: {  	[sflag:s13] =	ssyncset.done $0x0  }
0x5f: {  	[sflag:s13] =	ssyncadd.s32 $0xFFFFFF80  }
0x60: {  	_ =	swait.ge [sflag:s13], $0x80  }
0x61: {  	[sflag:s13] =	ssyncset.done $0x0  }
0x62: {  	[sflag:s13] =	ssyncadd.s32 $0xFFFFFF80  }
0x63: {  	_ =	swait.ge [sflag:s13], $0x80  }
0x64: {  	[sflag:s13] =	ssyncset.done $0x0  }
0x65: {  	[sflag:s13] =	ssyncadd.s32 $0xFFFFFF80  }
0x66: {  	_ =	swait.ge [sflag:s13], $0x80  }
0x67: {  	[sflag:s13] =	ssyncset.done $0x0  }
0x68: {  	[sflag:s13] =	ssyncadd.s32 $0xFFFFFF80  }
0x69: {  	_ =	swait.ge [sflag:s13], $0x80  }
0x6a: {  	[sflag:s13] =	ssyncset.done $0x0  }
0x6b: {  	[sflag:s13] =	ssyncadd.s32 $0xFFFFFF80  }
0x6c: {  	_ =	swait.ge [sflag:s13], $0x80  }
0x6d: {  	s22 =	simm.s32 $0x2000;
	s21 =	simm.s32 $0x400;
	[sflag:s13] =	ssyncset.done $0x0  }
.LBB2_2:
0x6e: {  	s23 =	sadd.s32 $0x580, s21  }
0x6f: {  	[sflag:s13] =	ssyncadd.s32 $0xFFFFFF80;
	s20 =	smov.u32 s22;
	s19 =	sadd.s32 $0x1000, s22  }
0x70: {  	[spmem:s2] =	stream.indirect.scatter.add.f32 [tilespmem:s12], [sflag:$0x1], $0x1, s23, s11, $0xb8;
	[tilespmem:$0x2D80] =	vst v63  }
0x71: {  	p0 =	sne.s32 s22, $0x9000;
	s22 =	sadd.s32 $0x600, s21  }
0x72: {  	[spmem:s2] =	stream.indirect.scatter.add.f32 [tilespmem:s12], [sflag:$0x1], $0x1, s22, s11, $0xb8;
	[tilespmem:$0x2D80] =	vst v63  }
0x73: {  	s22 =	sadd.s32 $0x680, s21  }
0x74: {  	[spmem:s2] =	stream.indirect.scatter.add.f32 [tilespmem:s12], [sflag:$0x1], $0x1, s22, s11, $0xb8;
	[tilespmem:$0x2D80] =	vst v63  }
0x75: {  	s22 =	sadd.s32 $0x700, s21  }
0x76: {  	[spmem:s2] =	stream.indirect.scatter.add.f32 [tilespmem:s12], [sflag:$0x1], $0x1, s22, s11, $0xb8;
	[tilespmem:$0x2D80] =	vst v63  }
0x77: {  	s22 =	sadd.s32 $0x780, s21  }
0x78: {  	[spmem:s2] =	stream.indirect.scatter.add.f32 [tilespmem:s12], [sflag:$0x1], $0x1, s22, s11, $0xb8;
	[tilespmem:$0x2D80] =	vst v63  }
0x79: {  	s22 =	sadd.s32 $0x800, s21  }
0x7a: {  	[spmem:s2] =	stream.indirect.scatter.add.f32 [tilespmem:s12], [sflag:$0x1], $0x1, s22, s11, $0xb8;
	[tilespmem:$0x2D80] =	vst v63  }
0x7b: {  	s22 =	sadd.s32 $0x880, s21  }
0x7c: {  	[spmem:s2] =	stream.indirect.scatter.add.f32 [tilespmem:s12], [sflag:$0x1], $0x1, s22, s11, $0xb8;
	[tilespmem:$0x2D80] =	vst v63  }
0x7d: {  	s21 =	sadd.s32 $0x900, s21  }
0x7e: {  	[spmem:s2] =	stream.indirect.scatter.add.f32 [tilespmem:s12], [sflag:$0x1], $0x1, s21, s11, $0xb8;
	[tilespmem:$0x2D80] =	vst v63  }
0x7f: {  	_ =	swait.ge [sflag:s13], $0x80  }
0x80: {  	[sflag:s13] =	ssyncset.done $0x0  }
0x81: {  	[sflag:s13] =	ssyncadd.s32 $0xFFFFFF80  }
0x82: {  	_ =	swait.ge [sflag:s13], $0x80  }
0x83: {  	[sflag:s13] =	ssyncset.done $0x0  }
0x84: {  	[sflag:s13] =	ssyncadd.s32 $0xFFFFFF80  }
0x85: {  	_ =	swait.ge [sflag:s13], $0x80  }
0x86: {  	[sflag:s13] =	ssyncset.done $0x0  }
0x87: {  	[sflag:s13] =	ssyncadd.s32 $0xFFFFFF80  }
0x88: {  	_ =	swait.ge [sflag:s13], $0x80  }
0x89: {  	[sflag:s13] =	ssyncset.done $0x0  }
0x8a: {  	[sflag:s13] =	ssyncadd.s32 $0xFFFFFF80  }
0x8b: {  	_ =	swait.ge [sflag:s13], $0x80  }
0x8c: {  	[sflag:s13] =	ssyncset.done $0x0  }
0x8d: {  	[sflag:s13] =	ssyncadd.s32 $0xFFFFFF80  }
0x8e: {  	_ =	swait.ge [sflag:s13], $0x80  }
0x8f: {  	[sflag:s13] =	ssyncset.done $0x0  }
0x90: {  	[sflag:s13] =	ssyncadd.s32 $0xFFFFFF80  }
.Ltmp0:
0x91: {  	_ =	swait.ge [sflag:s13], $0x80;
	(pc) =	sbr.rel @p0 .LBB2_2-.Ltmp0, $4  }
0x92: {  	[sflag:s13] =	ssyncset.done $0x0  }
0x93: {  	[sflag:s13] =	ssyncadd.s32 $0xFFFFFF80  }
0x94: {  	_ =	swait.ge [sflag:s13], $0x80  }
0x95: {  	s22 =	smov.u32 s19;
	s21 =	sshra.s32 s20, $0x2;
	[sflag:s13] =	ssyncset.done $0x0  }
0x96: {  	s19 =	sadd.s32 $0x580, s21;
	[sflag:s13] =	ssyncadd.s32 $0xFFFFFF80  }
0x97: {  	[spmem:s2] =	stream.indirect.scatter.add.f32 [tilespmem:s12], [sflag:$0x1], $0x1, s19, s11, $0xb8;
	[tilespmem:$0x2D80] =	vst v63  }
0x98: {  	s24 =	sadd.s32 $0x600, s21  }
0x99: {  	[spmem:s2] =	stream.indirect.scatter.add.f32 [tilespmem:s12], [sflag:$0x1], $0x1, s24, s11, $0xb8;
	[tilespmem:$0x2D80] =	vst v63  }
0x9a: {  	s25 =	sadd.s32 $0x680, s21  }
0x9b: {  	[spmem:s2] =	stream.indirect.scatter.add.f32 [tilespmem:s12], [sflag:$0x1], $0x1, s25, s11, $0xb8;
	[tilespmem:$0x2D80] =	vst v63  }
0x9c: {  	s26 =	sadd.s32 $0x700, s21  }
0x9d: {  	[spmem:s2] =	stream.indirect.scatter.add.f32 [tilespmem:s12], [sflag:$0x1], $0x1, s26, s11, $0xb8;
	[tilespmem:$0x2D80] =	vst v63  }
0x9e: {  	s28 =	sadd.s32 $0x780, s21  }
0x9f: {  	[spmem:s2] =	stream.indirect.scatter.add.f32 [tilespmem:s12], [sflag:$0x1], $0x1, s28, s11, $0xb8;
	[tilespmem:$0x2D80] =	vst v63  }
0xa0: {  	s29 =	sadd.s32 $0x800, s21  }
0xa1: {  	[spmem:s2] =	stream.indirect.scatter.add.f32 [tilespmem:s12], [sflag:$0x1], $0x1, s29, s11, $0xb8;
	[tilespmem:$0x2D80] =	vst v63  }
0xa2: {  	s30 =	sadd.s32 $0x880, s21  }
0xa3: {  	[spmem:s2] =	stream.indirect.scatter.add.f32 [tilespmem:s12], [sflag:$0x1], $0x1, s30, s11, $0xb8;
	[tilespmem:$0x2D80] =	vst v63  }
0xa4: {  	s31 =	sadd.s32 $0x900, s21  }
0xa5: {  	[spmem:s2] =	stream.indirect.scatter.add.f32 [tilespmem:s12], [sflag:$0x1], $0x1, s31, s11, $0xb8;
	[tilespmem:$0x2D80] =	vst v63  }
0xa6: {  	_ =	swait.ge [sflag:s13], $0x80  }
0xa7: {  	[sflag:s13] =	ssyncset.done $0x0  }
0xa8: {  	[sflag:s13] =	ssyncadd.s32 $0xFFFFFF80  }
0xa9: {  	_ =	swait.ge [sflag:s13], $0x80  }
0xaa: {  	[sflag:s13] =	ssyncset.done $0x0  }
0xab: {  	[sflag:s13] =	ssyncadd.s32 $0xFFFFFF80  }
0xac: {  	_ =	swait.ge [sflag:s13], $0x80  }
0xad: {  	[sflag:s13] =	ssyncset.done $0x0  }
0xae: {  	[sflag:s13] =	ssyncadd.s32 $0xFFFFFF80  }
0xaf: {  	_ =	swait.ge [sflag:s13], $0x80  }
0xb0: {  	[sflag:s13] =	ssyncset.done $0x0  }
0xb1: {  	[sflag:s13] =	ssyncadd.s32 $0xFFFFFF80  }
0xb2: {  	_ =	swait.ge [sflag:s13], $0x80  }
0xb3: {  	[sflag:s13] =	ssyncset.done $0x0  }
0xb4: {  	[sflag:s13] =	ssyncadd.s32 $0xFFFFFF80  }
0xb5: {  	_ =	swait.ge [sflag:s13], $0x80  }
0xb6: {  	[sflag:s13] =	ssyncset.done $0x0  }
0xb7: {  	[sflag:s13] =	ssyncadd.s32 $0xFFFFFF80  }
0xb8: {  	_ =	swait.ge [sflag:s13], $0x80  }
0xb9: {  	[sflag:s13] =	ssyncset.done $0x0  }
0xba: {  	[sflag:s13] =	ssyncadd.s32 $0xFFFFFF80  }
0xbb: {  	_ =	swait.ge [sflag:s13], $0x80  }
0xbc: {  	s18 =	sadd.s32 $0x1, s18;
	[sflag:s13] =	ssyncset.done $0x0  }
0xbd: {  	p0 =	sne.s32 s18, s7;
	[sflag:s13] =	ssyncadd.s32 $0xFFFFFF80  }
.Ltmp1:
0xbe: {  	[bflag:$0x0] =	sbarrier.arrive $0xFFFF;
	(pc) =	sbr.rel @p0 .LBB2_1-.Ltmp1, $4  }
0xbf: {  	[hbm:s6@s16], [sflag:s14] =	dma.strided [spmem:s15@s17], $0x50, s13, $0x10   }
0xc0: {  	_ =	swait.ge [sflag:s9], $0x50  }
0xc1: {  	[sflag:s9] =	ssyncset.done $0x0  }
0xc2: {  	[sflag:s9] =	ssyncadd.s32 $0xFFFFFFB0  }
0xc3: {  	_ =	sfence.sel $0x180000  }
0xc4: {  	[bflag:$0x0] =	sbarrier.arrive $0xFFFF  }
0xc5: {  	p0 =	sne.s32 s0, $0x0;
	_ =	strace $0x90000047  }
0xc6: {  	s0 =	sadd.s32 @!p0 $0x100000, s1;
	[bflag:$0x2] =	sbarrier.arrive $0xFFFF  }
0xc7: {  	[sflag:s0] =	ssyncadd.tile.s32 @!p0 $0x1;
	_ =	shalt  }
.Lfunc_end2:
_tile_overlayer_lowered:
.L_overlay_start_2:
0xc8: {  	(tag) =	ssettag $0x2  }
0xc9: {  	s0 =	rddreg [dreg:$0x0];
	s2 =	stileid.u32  }
0xca: {  	s1 =	rddreg [dreg:$0x1];
	p0 =	sne.s32 s2, $0x0  }
0xcb: {  	s3 =	rddreg [dreg:$0x2];
	[bflag:$0x3] =	sbarrier.arrive $0xFFFF;
	s2 =	simm.s32 @!p0 $0x1C02  }
0xcc: {  	[timem:s3], [sflag:s2] =	dma.local @!p0 [hbm:s0], s1  }
0xcd: {  	s0 =	simm.s32 @!p0 $0x2  }
0xce: {  	_ =	swait.ge @!p0 [sflag:s0], s1  }
0xcf: {  	s1 =	ssub.s32 @!p0 $0x0, s1;
	[sflag:s0] =	ssyncset.done @!p0 $0x0  }
0xd0: {  	[sflag:s0] =	ssyncadd.s32 @!p0 s1  }
0xd1: {  	[bflag:$0x3] =	sbarrier.arrive $0xFFFF  }
0xd2: {  	_ =	shalt  }

</sc_bundles>
